<compile_context>
chip_gen: v7x
topology: tpu7x:2x2x1
jax: 0.10.2.dev20260603
libtpu: 0.0.44.dev20260713+nightly
codegen_flags: <defaults>
</compile_context>

<pallas_src>
import functools

import jax
import jax.numpy as jnp
from jax import lax
from jax.experimental import pallas as pl
from jax.experimental.pallas import tpu as pltpu
from jax.experimental.pallas import tpu_sc as plsc

N_NODES = 10000
N_EDGES = 320000
F_IN = 1433
HID = 128
N_CLS = 7

NC = 2
NS = 16
CHUNK = 128
BLOCKS_PER_CORE = N_EDGES // CHUNK // NC
BASE_BLOCKS = BLOCKS_PER_CORE // NS
EXTRA_TILES = BLOCKS_PER_CORE - BASE_BLOCKS * NS
PH0_BLOCKS = 40
PH1_BLOCKS = BASE_BLOCKS - PH0_BLOCKS
IDX_BLKS = PH0_BLOCKS
INIT_ROWS = 632
INIT_LAST = N_NODES - 15 * INIT_ROWS

K_BLK = 128
K_BLOCKS = 12
K_TAIL = F_IN - (K_BLOCKS - 1) * K_BLK


def _sc_mesh():
    return plsc.VectorSubcoreMesh(core_axis_name="c", subcore_axis_name="s")



def _init_acc(zeros_hbm, acc_sh, s):
    @pl.when(s < 15)
    def _():
        pltpu.sync_copy(zeros_hbm,
                        acc_sh.at[pl.ds(s * INIT_ROWS, INIT_ROWS)])

    @pl.when(s == 15)
    def _():
        pltpu.sync_copy(zeros_hbm.at[pl.ds(0, INIT_LAST)],
                        acc_sh.at[pl.ds(15 * INIT_ROWS, INIT_LAST)])


def _writeback(acc_sh, out_core, s):
    @pl.when(s < 15)
    def _():
        sl = pl.ds(s * INIT_ROWS, INIT_ROWS)
        pltpu.sync_copy(acc_sh.at[sl], out_core.at[sl])

    @pl.when(s == 15)
    def _():
        sl = pl.ds(15 * INIT_ROWS, INIT_LAST)
        pltpu.sync_copy(acc_sh.at[sl], out_core.at[sl])


def _deg_kernel(ei_hbm, ones_hbm, zeros_hbm, out_hbm, col_v, ones_v, sem,
                acc_sh):
    c = lax.axis_index("c")
    s = lax.axis_index("s")
    _init_acc(zeros_hbm, acc_sh, s)
    pltpu.sync_copy(ones_hbm, ones_v)
    tb = (c * BLOCKS_PER_CORE + s * BASE_BLOCKS
          + jnp.minimum(s, EXTRA_TILES)) * CHUNK
    pltpu.sync_copy(ei_hbm.at[1].at[pl.ds(tb, BASE_BLOCKS * CHUNK)],
                    col_v.at[pl.ds(0, BASE_BLOCKS * CHUNK)])

    @pl.when(s < EXTRA_TILES)
    def _():
        pltpu.sync_copy(
            ei_hbm.at[1].at[pl.ds(tb + BASE_BLOCKS * CHUNK, CHUNK)],
            col_v.at[pl.ds(BASE_BLOCKS * CHUNK, CHUNK)])

    plsc.subcore_barrier()

    def _scat(g):
        return pltpu.make_async_copy(
            ones_v, acc_sh.at[col_v.at[pl.ds(g * CHUNK, CHUNK)]], sem)

    @pl.loop(0, BASE_BLOCKS)
    def _(g):
        _scat(g).start(add=True)

    @pl.when(s < EXTRA_TILES)
    def _():
        _scat(BASE_BLOCKS).start(add=True)

    @pl.loop(0, BASE_BLOCKS)
    def _(g):
        _scat(g).wait()

    @pl.when(s < EXTRA_TILES)
    def _():
        _scat(BASE_BLOCKS).wait()

    plsc.subcore_barrier()
    _writeback(acc_sh, out_hbm.at[c], s)


def _degrees(edge_index, ones16, zeros16):
    kfn = pl.kernel(
        _deg_kernel,
        out_type=jax.ShapeDtypeStruct((NC, N_NODES, 16), jnp.float32),
        mesh=_sc_mesh(),
        scratch_types=[
            pltpu.VMEM(((BASE_BLOCKS + 1) * CHUNK,), jnp.int32),
            pltpu.VMEM((CHUNK, 16), jnp.float32),
            pltpu.SemaphoreType.DMA,
            pltpu.VMEM_SHARED((N_NODES, 16), jnp.float32),
        ],
    )
    return kfn(edge_index, ones16, zeros16)


def _agg_kernel(hs_hbm, ei_hbm, zeros_hbm, out_hbm,
                row_v, col_v, rows_a, rows_b, sem_a, sem_b, acc_sh):
    c = lax.axis_index("c")
    s = lax.axis_index("s")
    _init_acc(zeros_hbm, acc_sh, s)
    tb = (c * BLOCKS_PER_CORE + s * BASE_BLOCKS
          + jnp.minimum(s, EXTRA_TILES)) * CHUNK

    def _stage(nblk, off):
        for plane, dst in ((0, row_v), (1, col_v)):
            pltpu.sync_copy(
                ei_hbm.at[plane].at[pl.ds(tb + off * CHUNK, nblk * CHUNK)],
                dst.at[pl.ds(0, nblk * CHUNK)])

    bufs = (rows_a, rows_b)
    sems = (sem_a, sem_b)

    def _gather(g, b):
        return pltpu.make_async_copy(
            hs_hbm.at[row_v.at[pl.ds(g * CHUNK, CHUNK)]], bufs[b], sems[b])

    def _scatter(g, b):
        pltpu.sync_copy(bufs[b],
                        acc_sh.at[col_v.at[pl.ds(g * CHUNK, CHUNK)]],
                        add=True)

    def _ring(nblk):
        for b in range(2):
            _gather(b, b).start()

        @pl.loop(0, nblk // 2)
        def _(gg):
            for b in range(2):
                g = gg * 2 + b
                _gather(g, b).wait()
                _scatter(g, b)

                @pl.when(g + 2 < nblk)
                def _():
                    _gather(g + 2, b).start()

    _stage(PH0_BLOCKS, 0)
    plsc.subcore_barrier()
    _ring(PH0_BLOCKS)

    _stage(PH1_BLOCKS, PH0_BLOCKS)

    @pl.when(s < EXTRA_TILES)
    def _():
        for plane, dst in ((0, row_v), (1, col_v)):
            pltpu.sync_copy(
                ei_hbm.at[plane].at[
                    pl.ds(tb + BASE_BLOCKS * CHUNK, CHUNK)],
                dst.at[pl.ds(PH1_BLOCKS * CHUNK, CHUNK)])

    _ring(PH1_BLOCKS)

    @pl.when(s < EXTRA_TILES)
    def _():
        _gather(PH1_BLOCKS, 0).start()
        _gather(PH1_BLOCKS, 0).wait()
        _scatter(PH1_BLOCKS, 0)

    plsc.subcore_barrier()
    _writeback(acc_sh, out_hbm.at[c], s)


def _aggregate(hs, edge_index, zeros, width):
    kfn = pl.kernel(
        _agg_kernel,
        out_type=jax.ShapeDtypeStruct((NC, N_NODES, width), jnp.float32),
        mesh=_sc_mesh(),
        scratch_types=[
            pltpu.VMEM((IDX_BLKS * CHUNK,), jnp.int32),
            pltpu.VMEM((IDX_BLKS * CHUNK,), jnp.int32),
            pltpu.VMEM((CHUNK, width), jnp.float32),
            pltpu.VMEM((CHUNK, width), jnp.float32),
            pltpu.SemaphoreType.DMA,
            pltpu.SemaphoreType.DMA,
            pltpu.VMEM_SHARED((N_NODES, width), jnp.float32),
        ],
    )
    return kfn(hs, edge_index, zeros)



_BM = 1000


def _mm1_body(x_ref, w_ref, o_ref):
    k = pl.program_id(1)
    xb = x_ref[...]
    wb = w_ref[...]
    tail = k == K_BLOCKS - 1
    lane = lax.broadcasted_iota(jnp.int32, xb.shape, 1)
    xb = jnp.where(tail & (lane >= K_TAIL), 0.0, xb)
    rows = lax.broadcasted_iota(jnp.int32, wb.shape, 0)
    wb = jnp.where(tail & (rows >= K_TAIL), 0.0, wb)

    @pl.when(k == 0)
    def _():
        o_ref[...] = jnp.zeros_like(o_ref)

    o_ref[...] += jnp.dot(xb, wb, preferred_element_type=jnp.float32,
                          precision=lax.Precision.HIGHEST)


def _mm1(x, w1):
    return pl.pallas_call(
        _mm1_body,
        grid=(N_NODES // _BM, K_BLOCKS),
        in_specs=[pl.BlockSpec((_BM, K_BLK), lambda i, k: (i, k)),
                  pl.BlockSpec((K_BLK, HID), lambda i, k: (k, 0))],
        out_specs=pl.BlockSpec((_BM, HID), lambda i, k: (i, 0)),
        out_shape=jax.ShapeDtypeStruct((N_NODES, HID), jnp.float32),
    )(x, w1)


def _scale1_body(deg_ref, h_ref, dis_ref, hs_ref):
    deg = deg_ref[0] + deg_ref[1] + 1.0
    dis = lax.rsqrt(deg)
    dis_ref[...] = dis
    hs_ref[...] = h_ref[...] * dis[:, :1]


def _scale1(deg, h1):
    return pl.pallas_call(
        _scale1_body,
        grid=(N_NODES // _BM,),
        in_specs=[pl.BlockSpec((NC, _BM, 16), lambda i: (0, i, 0)),
                  pl.BlockSpec((_BM, HID), lambda i: (i, 0))],
        out_specs=[pl.BlockSpec((_BM, 16), lambda i: (i, 0)),
                   pl.BlockSpec((_BM, HID), lambda i: (i, 0))],
        out_shape=[jax.ShapeDtypeStruct((N_NODES, 16), jnp.float32),
                   jax.ShapeDtypeStruct((N_NODES, HID), jnp.float32)],
    )(deg, h1)


def _layer_body(p_ref, hs_ref, dis_ref, b_ref, w_ref, o_ref):
    dis = dis_ref[:, :1]
    agg = p_ref[0] + p_ref[1] + hs_ref[...]
    z = jnp.maximum(agg * dis + b_ref[...], 0.0)
    h = jnp.dot(z, w_ref[...], preferred_element_type=jnp.float32,
                precision=lax.Precision.HIGHEST)
    o_ref[...] = h * dis


def _layer(partials, hs_prev, dis16, b_prev, w_next):
    return pl.pallas_call(
        _layer_body,
        grid=(N_NODES // _BM,),
        in_specs=[pl.BlockSpec((NC, _BM, HID), lambda i: (0, i, 0)),
                  pl.BlockSpec((_BM, HID), lambda i: (i, 0)),
                  pl.BlockSpec((_BM, 16), lambda i: (i, 0)),
                  pl.BlockSpec((1, HID), lambda i: (0, 0)),
                  pl.BlockSpec((HID, HID), lambda i: (0, 0))],
        out_specs=pl.BlockSpec((_BM, HID), lambda i: (i, 0)),
        out_shape=jax.ShapeDtypeStruct((N_NODES, HID), jnp.float32),
    )(partials, hs_prev, dis16, b_prev, w_next)


def _prescale3_body(p_ref, hs_ref, dis_ref, b_ref, o_ref):
    dis = dis_ref[:, :1]
    agg = p_ref[0] + p_ref[1] + hs_ref[...]
    o_ref[...] = jnp.maximum(agg * dis + b_ref[...], 0.0) * dis


def _prescale3(partials, hs_prev, dis16, b_prev):
    return pl.pallas_call(
        _prescale3_body,
        grid=(N_NODES // _BM,),
        in_specs=[pl.BlockSpec((NC, _BM, HID), lambda i: (0, i, 0)),
                  pl.BlockSpec((_BM, HID), lambda i: (i, 0)),
                  pl.BlockSpec((_BM, 16), lambda i: (i, 0)),
                  pl.BlockSpec((1, HID), lambda i: (0, 0))],
        out_specs=pl.BlockSpec((_BM, HID), lambda i: (i, 0)),
        out_shape=jax.ShapeDtypeStruct((N_NODES, HID), jnp.float32),
    )(partials, hs_prev, dis16, b_prev)


def _final_body(p_ref, q_ref, dis_ref, w_ref, b_ref, o_ref):
    t = (p_ref[0] + p_ref[1] + q_ref[...]) * dis_ref[:, :1]
    h = jnp.dot(t, w_ref[...], preferred_element_type=jnp.float32,
                precision=lax.Precision.HIGHEST) + b_ref[...]
    o_ref[...] = h[:, :N_CLS]


def _final(partials, q2, dis16, w3_pad, b3_pad):
    return pl.pallas_call(
        _final_body,
        grid=(N_NODES // _BM,),
        in_specs=[pl.BlockSpec((NC, _BM, HID), lambda i: (0, i, 0)),
                  pl.BlockSpec((_BM, HID), lambda i: (i, 0)),
                  pl.BlockSpec((_BM, 16), lambda i: (i, 0)),
                  pl.BlockSpec((HID, 16), lambda i: (0, 0)),
                  pl.BlockSpec((1, 16), lambda i: (0, 0))],
        out_specs=pl.BlockSpec((_BM, N_CLS), lambda i: (i, 0)),
        out_shape=jax.ShapeDtypeStruct((N_NODES, N_CLS), jnp.float32),
    )(partials, q2, dis16, w3_pad, b3_pad)



def kernel(x, edge_index, W1, b1, W2, b2, W3, b3):
    f32 = jnp.float32
    ei = edge_index.astype(jnp.int32)

    ones16 = jnp.ones((CHUNK, 16), f32)
    zeros16 = jnp.zeros((INIT_ROWS, 16), f32)
    zeros128 = jnp.zeros((INIT_ROWS, HID), f32)

    w3_pad = jnp.pad(W3, ((0, 0), (0, 16 - N_CLS)))
    b3_pad = jnp.pad(b3, (0, 16 - N_CLS)).reshape(1, 16)

    deg = _degrees(ei, ones16, zeros16)
    h1 = _mm1(x, W1)
    dis16, hs1 = _scale1(deg, h1)

    p1 = _aggregate(hs1, ei, zeros128, HID)
    hs2 = _layer(p1, hs1, dis16, b1.reshape(1, HID), W2)

    p2 = _aggregate(hs2, ei, zeros128, HID)
    q2 = _prescale3(p2, hs2, dis16, b2.reshape(1, HID))

    p3 = _aggregate(q2, ei, zeros128, HID)
    return _final(p3, q2, dis16, w3_pad, b3_pad)

# --- scband reference (transcript-rebuilt; emitter-appended) ---
"""Pipeline reference for scband-gcn-29686813950829 (READ-ONLY COPY).

The authoritative reference and input builder live on the scoring server;
editing this copy changes nothing except your own understanding.
"""

import jax, jax.numpy as jnp
import numpy as np

N = 10000
E = 320000
F_IN = 1433
H = 128
C = 7


def setup_inputs(seed: int = 0) -> dict:
    key = jax.random.key(seed)
    ks = jax.random.split(key, 8)
    x = jax.random.normal(ks[0], (N, F_IN), dtype=jnp.float32)
    edge_index = jax.random.randint(ks[1], (2, E), 0, N, dtype=jnp.int32)

    def glorot(k, shape):
        limit = float(np.sqrt(6.0 / (shape[0] + shape[1])))
        return jax.random.uniform(k, shape, minval=-limit, maxval=limit, dtype=jnp.float32)

    W1 = glorot(ks[2], (F_IN, H))
    b1 = jnp.zeros((H,), dtype=jnp.float32)
    W2 = glorot(ks[3], (H, H))
    b2 = jnp.zeros((H,), dtype=jnp.float32)
    W3 = glorot(ks[4], (H, C))
    b3 = jnp.zeros((C,), dtype=jnp.float32)
    return {"x": x, "edge_index": edge_index, "W1": W1, "b1": b1, "W2": W2, "b2": b2, "W3": W3, "b3": b3}


def _gcn_norm(edge_index, num_nodes, dtype):
    # add self-loops (improved=False -> fill value 1.0), symmetric normalization
    row = edge_index[0]
    col = edge_index[1]
    loop = jnp.arange(num_nodes, dtype=row.dtype)
    row = jnp.concatenate([row, loop])
    col = jnp.concatenate([col, loop])
    w = jnp.ones(row.shape[0], dtype=dtype)
    deg = jax.ops.segment_sum(w, col, num_segments=num_nodes)
    deg_inv_sqrt = jnp.where(deg > 0, jax.lax.rsqrt(jnp.maximum(deg, 1e-12)), 0.0)
    norm = deg_inv_sqrt[row] * w * deg_inv_sqrt[col]
    return row, col, norm


def _gcn_conv(x, W, b, row, col, norm, num_nodes):
    h = x @ W  # linear (glorot, bias=False inside lin)
    msg = norm[:, None] * jnp.take(h, row, axis=0)  # message: edge_weight * x_j
    out = jax.ops.segment_sum(msg, col, num_segments=num_nodes)  # aggr='add'
    return out + b  # bias added after propagate


def reference(x, edge_index, W1, b1, W2, b2, W3, b3):
    row, col, norm = _gcn_norm(edge_index, N, x.dtype)
    h = _gcn_conv(x, W1, b1, row, col, norm, N)
    h = jax.nn.relu(h)  # dropout_rate=0.0 -> MC dropout is identity
    h = _gcn_conv(h, W2, b2, row, col, norm, N)
    h = jax.nn.relu(h)
    out = _gcn_conv(h, W3, b3, row, col, norm, N)
    return out

if __name__ == "__main__":
    import jax
    _d = setup_inputs()
    print(jax.jit(kernel)(*tuple(_d.values())))

</pallas_src>

<mosaic_0001>
#map = affine_map<(d0, d1) -> (0, 0)>
#map1 = affine_map<(d0, d1) -> (0, 0, 0)>
module attributes {stable_mosaic.version = 14 : i64} {
  func.func @_agg_kernel(%arg0: i32, %arg1: i32, %arg2: memref<10000x128xf32, #tpu.memory_space<hbm>>, %arg3: memref<2x320000xi32, #tpu.memory_space<hbm>>, %arg4: memref<632x128xf32, #tpu.memory_space<hbm>>, %arg5: memref<2x10000x128xf32, #tpu.memory_space<hbm>>, %arg6: memref<5120xi32, #tpu.memory_space<vmem>>, %arg7: memref<5120xi32, #tpu.memory_space<vmem>>, %arg8: memref<128x128xf32, #tpu.memory_space<vmem>>, %arg9: memref<128x128xf32, #tpu.memory_space<vmem>>, %arg10: memref<!tpu.dma_semaphore, #tpu.memory_space<semaphore_mem>>, %arg11: memref<!tpu.dma_semaphore, #tpu.memory_space<semaphore_mem>>, %arg12: memref<10000x128xf32, #tpu.memory_space<vmem_shared>>) attributes {dimension_semantics = [#tpu.dimension_semantics<core_parallel>, #tpu.dimension_semantics<subcore_parallel>], iteration_bounds = array<i64: 2, 16>, scalar_prefetch = 0 : i64, scratch_operands = 7 : i64, tpu.core_type = #tpu.core_type<sc_vector_subcore>, window_params = [{transform_indices = #map}, {transform_indices = #map}, {transform_indices = #map}, {transform_indices = #map1}]} {
    %lt3A = arith.constant 15 : i32
    %lt3A_0 = arith.cmpi slt, %arg1, %lt3A : i32
    %convert_element_type3A = arith.extui %lt3A_0 : i1 to i32
    %cond3A = arith.constant 0 : i32
    %cond3A_1 = arith.cmpi ne, %convert_element_type3A, %cond3A : i32
    scf.if %cond3A_1 {
      %mul3A_73 = arith.constant 632 : i32
      %mul3A_74 = arith.muli %arg1, %mul3A_73 : i32
      "tpu.region"() ({
        %run_scoped3A_75 = tpu.sem_alloc : memref<!tpu.dma_semaphore, #tpu.memory_space<semaphore_mem>>
        %dma_start3A_76 = arith.constant 0 : i32
        %dma_start3A_77 = tpu.memref_slice %arg12[%mul3A_74, %dma_start3A_76] : memref<10000x128xf32, #tpu.memory_space<vmem_shared>> -> memref<632x128xf32, #tpu.memory_space<vmem_shared>>
        tpu.enqueue_dma source(%arg4 : memref<632x128xf32, #tpu.memory_space<hbm>>) target(%dma_start3A_77 : memref<632x128xf32, #tpu.memory_space<vmem_shared>>) target_semaphore(%run_scoped3A_75 : memref<!tpu.dma_semaphore, #tpu.memory_space<semaphore_mem>>)
        %dma_wait3A = arith.constant 0 : i32
        %dma_wait3A_78 = tpu.memref_slice %arg12[%mul3A_74, %dma_wait3A] : memref<10000x128xf32, #tpu.memory_space<vmem_shared>> -> memref<632x128xf32, #tpu.memory_space<vmem_shared>>
        tpu.wait_dma2 semaphore(%run_scoped3A_75 : memref<!tpu.dma_semaphore, #tpu.memory_space<semaphore_mem>>) src(%arg4 : memref<632x128xf32, #tpu.memory_space<hbm>>) dst(%dma_wait3A_78 : memref<632x128xf32, #tpu.memory_space<vmem_shared>>)
        tpu.yield
      }) : () -> ()
    } else {
    }
    %eq3A = arith.constant 15 : i32
    %eq3A_2 = arith.cmpi eq, %arg1, %eq3A : i32
    %convert_element_type3A_3 = arith.extui %eq3A_2 : i1 to i32
    %cond3A_4 = arith.constant 0 : i32
    %cond3A_5 = arith.cmpi ne, %convert_element_type3A_3, %cond3A_4 : i32
    scf.if %cond3A_5 {
      "tpu.region"() ({
        %run_scoped3A_73 = tpu.sem_alloc : memref<!tpu.dma_semaphore, #tpu.memory_space<semaphore_mem>>
        %dma_start3A_74 = arith.constant 9480 : i32
        %dma_start3A_75 = arith.constant 0 : i32
        %dma_start3A_76 = tpu.memref_slice %arg12[%dma_start3A_74, %dma_start3A_75] : memref<10000x128xf32, #tpu.memory_space<vmem_shared>> -> memref<520x128xf32, #tpu.memory_space<vmem_shared>>
        %dma_start3A_77 = arith.constant 0 : i32
        %dma_start3A_78 = arith.constant 0 : i32
        %dma_start3A_79 = tpu.memref_slice %arg4[%dma_start3A_77, %dma_start3A_78] : memref<632x128xf32, #tpu.memory_space<hbm>> -> memref<520x128xf32, #tpu.memory_space<hbm>>
        tpu.enqueue_dma source(%dma_start3A_79 : memref<520x128xf32, #tpu.memory_space<hbm>>) target(%dma_start3A_76 : memref<520x128xf32, #tpu.memory_space<vmem_shared>>) target_semaphore(%run_scoped3A_73 : memref<!tpu.dma_semaphore, #tpu.memory_space<semaphore_mem>>)
        %dma_wait3A = arith.constant 9480 : i32
        %dma_wait3A_80 = arith.constant 0 : i32
        %dma_wait3A_81 = tpu.memref_slice %arg12[%dma_wait3A, %dma_wait3A_80] : memref<10000x128xf32, #tpu.memory_space<vmem_shared>> -> memref<520x128xf32, #tpu.memory_space<vmem_shared>>
        %dma_wait3A_82 = arith.constant 0 : i32
        %dma_wait3A_83 = arith.constant 0 : i32
        %dma_wait3A_84 = tpu.memref_slice %arg4[%dma_wait3A_82, %dma_wait3A_83] : memref<632x128xf32, #tpu.memory_space<hbm>> -> memref<520x128xf32, #tpu.memory_space<hbm>>
        tpu.wait_dma2 semaphore(%run_scoped3A_73 : memref<!tpu.dma_semaphore, #tpu.memory_space<semaphore_mem>>) src(%dma_wait3A_84 : memref<520x128xf32, #tpu.memory_space<hbm>>) dst(%dma_wait3A_81 : memref<520x128xf32, #tpu.memory_space<vmem_shared>>)
        tpu.yield
      }) : () -> ()
    } else {
    }
    %mul3A = arith.constant 1250 : i32
    %mul3A_6 = arith.muli %arg0, %mul3A : i32
    %mul3A_7 = arith.constant 78 : i32
    %mul3A_8 = arith.muli %arg1, %mul3A_7 : i32
    %add3A = arith.addi %mul3A_6, %mul3A_8 : i32
    %min3A = arith.constant 2 : i32
    %min3A_9 = arith.minsi %arg1, %min3A : i32
    %add3A_10 = arith.addi %add3A, %min3A_9 : i32
    %mul3A_11 = arith.constant 128 : i32
    %mul3A_12 = arith.muli %add3A_10, %mul3A_11 : i32
    %add3A_13 = arith.constant 0 : i32
    %add3A_14 = arith.addi %mul3A_12, %add3A_13 : i32
    %run_scoped3A = arith.constant 0 : i32
    "tpu.region"() ({
      %run_scoped3A_73 = tpu.sem_alloc : memref<!tpu.dma_semaphore, #tpu.memory_space<semaphore_mem>>
      %dma_start3A_74 = arith.constant 0 : i32
      %dma_start3A_75 = tpu.memref_slice %arg6[%dma_start3A_74] : memref<5120xi32, #tpu.memory_space<vmem>> -> memref<5120xi32, #tpu.memory_space<vmem>>
      %dma_start3A_76 = arith.constant 0 : i32
      %dma_start3A_77 = tpu.memref_slice %arg3[%run_scoped3A, %dma_start3A_76] : memref<2x320000xi32, #tpu.memory_space<hbm>> -> memref<1x320000xi32, #tpu.memory_space<hbm>>
      %dma_start3A_78 = tpu.memref_squeeze %dma_start3A_77 : memref<1x320000xi32, #tpu.memory_space<hbm>> -> memref<320000xi32, #tpu.memory_space<hbm>>
      %dma_start3A_79 = tpu.memref_slice %dma_start3A_78[%add3A_14] : memref<320000xi32, #tpu.memory_space<hbm>> -> memref<5120xi32, #tpu.memory_space<hbm>>
      %dma_start3A_80 = arith.constant 0 : i32
      %dma_start3A_81 = tpu.memref_slice %arg6[%dma_start3A_80] : memref<5120xi32, #tpu.memory_space<vmem>> -> memref<5120xi32, #tpu.memory_space<vmem>>
      %dma_start3A_82 = arith.constant 0 : i32
      %dma_start3A_83 = tpu.memref_slice %arg3[%run_scoped3A, %dma_start3A_82] : memref<2x320000xi32, #tpu.memory_space<hbm>> -> memref<1x320000xi32, #tpu.memory_space<hbm>>
      %dma_start3A_84 = tpu.memref_squeeze %dma_start3A_83 : memref<1x320000xi32, #tpu.memory_space<hbm>> -> memref<320000xi32, #tpu.memory_space<hbm>>
      %dma_start3A_85 = tpu.memref_slice %dma_start3A_84[%add3A_14] : memref<320000xi32, #tpu.memory_space<hbm>> -> memref<5120xi32, #tpu.memory_space<hbm>>
      tpu.enqueue_dma source(%dma_start3A_85 : memref<5120xi32, #tpu.memory_space<hbm>>) target(%dma_start3A_81 : memref<5120xi32, #tpu.memory_space<vmem>>) target_semaphore(%run_scoped3A_73 : memref<!tpu.dma_semaphore, #tpu.memory_space<semaphore_mem>>)
      %dma_wait3A = arith.constant 0 : i32
      %dma_wait3A_86 = tpu.memref_slice %arg6[%dma_wait3A] : memref<5120xi32, #tpu.memory_space<vmem>> -> memref<5120xi32, #tpu.memory_space<vmem>>
      %dma_wait3A_87 = arith.constant 0 : i32
      %dma_wait3A_88 = tpu.memref_slice %arg3[%run_scoped3A, %dma_wait3A_87] : memref<2x320000xi32, #tpu.memory_space<hbm>> -> memref<1x320000xi32, #tpu.memory_space<hbm>>
      %dma_wait3A_89 = tpu.memref_squeeze %dma_wait3A_88 : memref<1x320000xi32, #tpu.memory_space<hbm>> -> memref<320000xi32, #tpu.memory_space<hbm>>
      %dma_wait3A_90 = tpu.memref_slice %dma_wait3A_89[%add3A_14] : memref<320000xi32, #tpu.memory_space<hbm>> -> memref<5120xi32, #tpu.memory_space<hbm>>
      %dma_wait3A_91 = arith.constant 0 : i32
      %dma_wait3A_92 = tpu.memref_slice %arg6[%dma_wait3A_91] : memref<5120xi32, #tpu.memory_space<vmem>> -> memref<5120xi32, #tpu.memory_space<vmem>>
      %dma_wait3A_93 = arith.constant 0 : i32
      %dma_wait3A_94 = tpu.memref_slice %arg3[%run_scoped3A, %dma_wait3A_93] : memref<2x320000xi32, #tpu.memory_space<hbm>> -> memref<1x320000xi32, #tpu.memory_space<hbm>>
      %dma_wait3A_95 = tpu.memref_squeeze %dma_wait3A_94 : memref<1x320000xi32, #tpu.memory_space<hbm>> -> memref<320000xi32, #tpu.memory_space<hbm>>
      %dma_wait3A_96 = tpu.memref_slice %dma_wait3A_95[%add3A_14] : memref<320000xi32, #tpu.memory_space<hbm>> -> memref<5120xi32, #tpu.memory_space<hbm>>
      tpu.wait_dma2 semaphore(%run_scoped3A_73 : memref<!tpu.dma_semaphore, #tpu.memory_space<semaphore_mem>>) src(%dma_wait3A_96 : memref<5120xi32, #tpu.memory_space<hbm>>) dst(%dma_wait3A_92 : memref<5120xi32, #tpu.memory_space<vmem>>)
      tpu.yield
    }) : () -> ()
    %add3A_15 = arith.constant 0 : i32
    %add3A_16 = arith.addi %mul3A_12, %add3A_15 : i32
    %run_scoped3A_17 = arith.constant 1 : i32
    "tpu.region"() ({
      %run_scoped3A_73 = tpu.sem_alloc : memref<!tpu.dma_semaphore, #tpu.memory_space<semaphore_mem>>
      %dma_start3A_74 = arith.constant 0 : i32
      %dma_start3A_75 = tpu.memref_slice %arg7[%dma_start3A_74] : memref<5120xi32, #tpu.memory_space<vmem>> -> memref<5120xi32, #tpu.memory_space<vmem>>
      %dma_start3A_76 = arith.constant 0 : i32
      %dma_start3A_77 = tpu.memref_slice %arg3[%run_scoped3A_17, %dma_start3A_76] : memref<2x320000xi32, #tpu.memory_space<hbm>> -> memref<1x320000xi32, #tpu.memory_space<hbm>>
      %dma_start3A_78 = tpu.memref_squeeze %dma_start3A_77 : memref<1x320000xi32, #tpu.memory_space<hbm>> -> memref<320000xi32, #tpu.memory_space<hbm>>
      %dma_start3A_79 = tpu.memref_slice %dma_start3A_78[%add3A_16] : memref<320000xi32, #tpu.memory_space<hbm>> -> memref<5120xi32, #tpu.memory_space<hbm>>
      %dma_start3A_80 = arith.constant 0 : i32
      %dma_start3A_81 = tpu.memref_slice %arg7[%dma_start3A_80] : memref<5120xi32, #tpu.memory_space<vmem>> -> memref<5120xi32, #tpu.memory_space<vmem>>
      %dma_start3A_82 = arith.constant 0 : i32
      %dma_start3A_83 = tpu.memref_slice %arg3[%run_scoped3A_17, %dma_start3A_82] : memref<2x320000xi32, #tpu.memory_space<hbm>> -> memref<1x320000xi32, #tpu.memory_space<hbm>>
      %dma_start3A_84 = tpu.memref_squeeze %dma_start3A_83 : memref<1x320000xi32, #tpu.memory_space<hbm>> -> memref<320000xi32, #tpu.memory_space<hbm>>
      %dma_start3A_85 = tpu.memref_slice %dma_start3A_84[%add3A_16] : memref<320000xi32, #tpu.memory_space<hbm>> -> memref<5120xi32, #tpu.memory_space<hbm>>
      tpu.enqueue_dma source(%dma_start3A_85 : memref<5120xi32, #tpu.memory_space<hbm>>) target(%dma_start3A_81 : memref<5120xi32, #tpu.memory_space<vmem>>) target_semaphore(%run_scoped3A_73 : memref<!tpu.dma_semaphore, #tpu.memory_space<semaphore_mem>>)
      %dma_wait3A = arith.constant 0 : i32
      %dma_wait3A_86 = tpu.memref_slice %arg7[%dma_wait3A] : memref<5120xi32, #tpu.memory_space<vmem>> -> memref<5120xi32, #tpu.memory_space<vmem>>
      %dma_wait3A_87 = arith.constant 0 : i32
      %dma_wait3A_88 = tpu.memref_slice %arg3[%run_scoped3A_17, %dma_wait3A_87] : memref<2x320000xi32, #tpu.memory_space<hbm>> -> memref<1x320000xi32, #tpu.memory_space<hbm>>
      %dma_wait3A_89 = tpu.memref_squeeze %dma_wait3A_88 : memref<1x320000xi32, #tpu.memory_space<hbm>> -> memref<320000xi32, #tpu.memory_space<hbm>>
      %dma_wait3A_90 = tpu.memref_slice %dma_wait3A_89[%add3A_16] : memref<320000xi32, #tpu.memory_space<hbm>> -> memref<5120xi32, #tpu.memory_space<hbm>>
      %dma_wait3A_91 = arith.constant 0 : i32
      %dma_wait3A_92 = tpu.memref_slice %arg7[%dma_wait3A_91] : memref<5120xi32, #tpu.memory_space<vmem>> -> memref<5120xi32, #tpu.memory_space<vmem>>
      %dma_wait3A_93 = arith.constant 0 : i32
      %dma_wait3A_94 = tpu.memref_slice %arg3[%run_scoped3A_17, %dma_wait3A_93] : memref<2x320000xi32, #tpu.memory_space<hbm>> -> memref<1x320000xi32, #tpu.memory_space<hbm>>
      %dma_wait3A_95 = tpu.memref_squeeze %dma_wait3A_94 : memref<1x320000xi32, #tpu.memory_space<hbm>> -> memref<320000xi32, #tpu.memory_space<hbm>>
      %dma_wait3A_96 = tpu.memref_slice %dma_wait3A_95[%add3A_16] : memref<320000xi32, #tpu.memory_space<hbm>> -> memref<5120xi32, #tpu.memory_space<hbm>>
      tpu.wait_dma2 semaphore(%run_scoped3A_73 : memref<!tpu.dma_semaphore, #tpu.memory_space<semaphore_mem>>) src(%dma_wait3A_96 : memref<5120xi32, #tpu.memory_space<hbm>>) dst(%dma_wait3A_92 : memref<5120xi32, #tpu.memory_space<vmem>>)
      tpu.yield
    }) : () -> ()
    %barrier3A = arith.constant 0 : index
    tpu.barrier barrier_id(%barrier3A)
    %dma_start3A = arith.constant 0 : i32
    %dma_start3A_18 = tpu.memref_slice %arg6[%dma_start3A] : memref<5120xi32, #tpu.memory_space<vmem>> -> memref<128xi32, #tpu.memory_space<vmem>>
    %dma_start3A_19 = arith.constant 0 : i32
    %dma_start3A_20 = arith.constant 0 : i32
    %dma_start3A_21 = tpu.memref_slice %arg2[%dma_start3A_19, %dma_start3A_20] : memref<10000x128xf32, #tpu.memory_space<hbm>> -> memref<10000x128xf32, #tpu.memory_space<hbm>>
    tpu.enqueue_indirect_dma source(%dma_start3A_21 : memref<10000x128xf32, #tpu.memory_space<hbm>>) target(%arg8 : memref<128x128xf32, #tpu.memory_space<vmem>>) offsets(%dma_start3A_18 : memref<128xi32, #tpu.memory_space<vmem>>) semaphore(%arg10 : memref<!tpu.dma_semaphore, #tpu.memory_space<semaphore_mem>>)
    %dma_start3A_22 = arith.constant 128 : i32
    %dma_start3A_23 = tpu.memref_slice %arg6[%dma_start3A_22] : memref<5120xi32, #tpu.memory_space<vmem>> -> memref<128xi32, #tpu.memory_space<vmem>>
    %dma_start3A_24 = arith.constant 0 : i32
    %dma_start3A_25 = arith.constant 0 : i32
    %dma_start3A_26 = tpu.memref_slice %arg2[%dma_start3A_24, %dma_start3A_25] : memref<10000x128xf32, #tpu.memory_space<hbm>> -> memref<10000x128xf32, #tpu.memory_space<hbm>>
    tpu.enqueue_indirect_dma source(%dma_start3A_26 : memref<10000x128xf32, #tpu.memory_space<hbm>>) target(%arg9 : memref<128x128xf32, #tpu.memory_space<vmem>>) offsets(%dma_start3A_23 : memref<128xi32, #tpu.memory_space<vmem>>) semaphore(%arg11 : memref<!tpu.dma_semaphore, #tpu.memory_space<semaphore_mem>>)
    %scan3A = arith.constant 0 : i32
    %scan3A_27 = arith.constant 20 : i32
    %scan3A_28 = arith.addi %scan3A, %scan3A_27 : i32
    %scan3A_29 = arith.constant 1 : i32
    scf.for %scan3A_73 = %scan3A to %scan3A_28 step %scan3A_29  : i32 {
      %mul3A_74 = arith.constant 1 : i32
      %mul3A_75 = arith.muli %scan3A_73, %mul3A_74 : i32
      %add3A_76 = arith.constant 0 : i32
      %add3A_77 = arith.addi %add3A_76, %mul3A_75 : i32
      %mul3A_78 = arith.constant 2 : i32
      %mul3A_79 = arith.muli %add3A_77, %mul3A_78 : i32
      %add3A_80 = arith.constant 0 : i32
      %add3A_81 = arith.addi %mul3A_79, %add3A_80 : i32
      %mul3A_82 = arith.constant 128 : i32
      %mul3A_83 = arith.muli %add3A_81, %mul3A_82 : i32
      %dma_wait3A = tpu.memref_slice %arg6[%mul3A_83] : memref<5120xi32, #tpu.memory_space<vmem>> -> memref<128xi32, #tpu.memory_space<vmem>>
      %dma_wait3A_84 = arith.constant 0 : i32
      %dma_wait3A_85 = arith.constant 0 : i32
      %dma_wait3A_86 = tpu.memref_slice %arg2[%dma_wait3A_84, %dma_wait3A_85] : memref<10000x128xf32, #tpu.memory_space<hbm>> -> memref<10000x128xf32, #tpu.memory_space<hbm>>
      tpu.wait_indirect_dma semaphore(%arg10 : memref<!tpu.dma_semaphore, #tpu.memory_space<semaphore_mem>>) src(%dma_wait3A_86 : memref<10000x128xf32, #tpu.memory_space<hbm>>) dst(%arg8 : memref<128x128xf32, #tpu.memory_space<vmem>>)
      %mul3A_87 = arith.constant 128 : i32
      %mul3A_88 = arith.muli %add3A_81, %mul3A_87 : i32
      "tpu.region"() ({
        %run_scoped3A_115 = tpu.sem_alloc : memref<!tpu.dma_semaphore, #tpu.memory_space<semaphore_mem>>
        %dma_start3A_116 = tpu.memref_slice %arg7[%mul3A_88] : memref<5120xi32, #tpu.memory_space<vmem>> -> memref<128xi32, #tpu.memory_space<vmem>>
        %dma_start3A_117 = arith.constant 0 : i32
        %dma_start3A_118 = arith.constant 0 : i32
        %dma_start3A_119 = tpu.memref_slice %arg12[%dma_start3A_117, %dma_start3A_118] : memref<10000x128xf32, #tpu.memory_space<vmem_shared>> -> memref<10000x128xf32, #tpu.memory_space<vmem_shared>>
        tpu.enqueue_indirect_dma source(%arg8 : memref<128x128xf32, #tpu.memory_space<vmem>>) target(%dma_start3A_119 : memref<10000x128xf32, #tpu.memory_space<vmem_shared>>) offsets(%dma_start3A_116 : memref<128xi32, #tpu.memory_space<vmem>>) semaphore(%run_scoped3A_115 : memref<!tpu.dma_semaphore, #tpu.memory_space<semaphore_mem>>) {add = true}
        %dma_wait3A_120 = tpu.memref_slice %arg7[%mul3A_88] : memref<5120xi32, #tpu.memory_space<vmem>> -> memref<128xi32, #tpu.memory_space<vmem>>
        %dma_wait3A_121 = arith.constant 0 : i32
        %dma_wait3A_122 = arith.constant 0 : i32
        %dma_wait3A_123 = tpu.memref_slice %arg12[%dma_wait3A_121, %dma_wait3A_122] : memref<10000x128xf32, #tpu.memory_space<vmem_shared>> -> memref<10000x128xf32, #tpu.memory_space<vmem_shared>>
        tpu.wait_indirect_dma semaphore(%run_scoped3A_115 : memref<!tpu.dma_semaphore, #tpu.memory_space<semaphore_mem>>) src(%arg8 : memref<128x128xf32, #tpu.memory_space<vmem>>) dst(%dma_wait3A_123 : memref<10000x128xf32, #tpu.memory_space<vmem_shared>>)
        tpu.yield
      }) : () -> ()
      %add3A_89 = arith.constant 2 : i32
      %add3A_90 = arith.addi %add3A_81, %add3A_89 : i32
      %lt3A_91 = arith.constant 40 : i32
      %lt3A_92 = arith.cmpi slt, %add3A_90, %lt3A_91 : i32
      %convert_element_type3A_93 = arith.extui %lt3A_92 : i1 to i32
      %cond3A_94 = arith.constant 0 : i32
      %cond3A_95 = arith.cmpi ne, %convert_element_type3A_93, %cond3A_94 : i32
      scf.if %cond3A_95 {
        %add3A_115 = arith.constant 2 : i32
        %add3A_116 = arith.addi %add3A_81, %add3A_115 : i32
        %mul3A_117 = arith.constant 128 : i32
        %mul3A_118 = arith.muli %add3A_116, %mul3A_117 : i32
        %dma_start3A_119 = tpu.memref_slice %arg6[%mul3A_118] : memref<5120xi32, #tpu.memory_space<vmem>> -> memref<128xi32, #tpu.memory_space<vmem>>
        %dma_start3A_120 = arith.constant 0 : i32
        %dma_start3A_121 = arith.constant 0 : i32
        %dma_start3A_122 = tpu.memref_slice %arg2[%dma_start3A_120, %dma_start3A_121] : memref<10000x128xf32, #tpu.memory_space<hbm>> -> memref<10000x128xf32, #tpu.memory_space<hbm>>
        tpu.enqueue_indirect_dma source(%dma_start3A_122 : memref<10000x128xf32, #tpu.memory_space<hbm>>) target(%arg8 : memref<128x128xf32, #tpu.memory_space<vmem>>) offsets(%dma_start3A_119 : memref<128xi32, #tpu.memory_space<vmem>>) semaphore(%arg10 : memref<!tpu.dma_semaphore, #tpu.memory_space<semaphore_mem>>)
      } else {
      }
      %mul3A_96 = arith.constant 2 : i32
      %mul3A_97 = arith.muli %add3A_77, %mul3A_96 : i32
      %add3A_98 = arith.constant 1 : i32
      %add3A_99 = arith.addi %mul3A_97, %add3A_98 : i32
      %mul3A_100 = arith.constant 128 : i32
      %mul3A_101 = arith.muli %add3A_99, %mul3A_100 : i32
      %dma_wait3A_102 = tpu.memref_slice %arg6[%mul3A_101] : memref<5120xi32, #tpu.memory_space<vmem>> -> memref<128xi32, #tpu.memory_space<vmem>>
      %dma_wait3A_103 = arith.constant 0 : i32
      %dma_wait3A_104 = arith.constant 0 : i32
      %dma_wait3A_105 = tpu.memref_slice %arg2[%dma_wait3A_103, %dma_wait3A_104] : memref<10000x128xf32, #tpu.memory_space<hbm>> -> memref<10000x128xf32, #tpu.memory_space<hbm>>
      tpu.wait_indirect_dma semaphore(%arg11 : memref<!tpu.dma_semaphore, #tpu.memory_space<semaphore_mem>>) src(%dma_wait3A_105 : memref<10000x128xf32, #tpu.memory_space<hbm>>) dst(%arg9 : memref<128x128xf32, #tpu.memory_space<vmem>>)
      %mul3A_106 = arith.constant 128 : i32
      %mul3A_107 = arith.muli %add3A_99, %mul3A_106 : i32
      "tpu.region"() ({
        %run_scoped3A_115 = tpu.sem_alloc : memref<!tpu.dma_semaphore, #tpu.memory_space<semaphore_mem>>
        %dma_start3A_116 = tpu.memref_slice %arg7[%mul3A_107] : memref<5120xi32, #tpu.memory_space<vmem>> -> memref<128xi32, #tpu.memory_space<vmem>>
        %dma_start3A_117 = arith.constant 0 : i32
        %dma_start3A_118 = arith.constant 0 : i32
        %dma_start3A_119 = tpu.memref_slice %arg12[%dma_start3A_117, %dma_start3A_118] : memref<10000x128xf32, #tpu.memory_space<vmem_shared>> -> memref<10000x128xf32, #tpu.memory_space<vmem_shared>>
        tpu.enqueue_indirect_dma source(%arg9 : memref<128x128xf32, #tpu.memory_space<vmem>>) target(%dma_start3A_119 : memref<10000x128xf32, #tpu.memory_space<vmem_shared>>) offsets(%dma_start3A_116 : memref<128xi32, #tpu.memory_space<vmem>>) semaphore(%run_scoped3A_115 : memref<!tpu.dma_semaphore, #tpu.memory_space<semaphore_mem>>) {add = true}
        %dma_wait3A_120 = tpu.memref_slice %arg7[%mul3A_107] : memref<5120xi32, #tpu.memory_space<vmem>> -> memref<128xi32, #tpu.memory_space<vmem>>
        %dma_wait3A_121 = arith.constant 0 : i32
        %dma_wait3A_122 = arith.constant 0 : i32
        %dma_wait3A_123 = tpu.memref_slice %arg12[%dma_wait3A_121, %dma_wait3A_122] : memref<10000x128xf32, #tpu.memory_space<vmem_shared>> -> memref<10000x128xf32, #tpu.memory_space<vmem_shared>>
        tpu.wait_indirect_dma semaphore(%run_scoped3A_115 : memref<!tpu.dma_semaphore, #tpu.memory_space<semaphore_mem>>) src(%arg9 : memref<128x128xf32, #tpu.memory_space<vmem>>) dst(%dma_wait3A_123 : memref<10000x128xf32, #tpu.memory_space<vmem_shared>>)
        tpu.yield
      }) : () -> ()
      %add3A_108 = arith.constant 2 : i32
      %add3A_109 = arith.addi %add3A_99, %add3A_108 : i32
      %lt3A_110 = arith.constant 40 : i32
      %lt3A_111 = arith.cmpi slt, %add3A_109, %lt3A_110 : i32
      %convert_element_type3A_112 = arith.extui %lt3A_111 : i1 to i32
      %cond3A_113 = arith.constant 0 : i32
      %cond3A_114 = arith.cmpi ne, %convert_element_type3A_112, %cond3A_113 : i32
      scf.if %cond3A_114 {
        %add3A_115 = arith.constant 2 : i32
        %add3A_116 = arith.addi %add3A_99, %add3A_115 : i32
        %mul3A_117 = arith.constant 128 : i32
        %mul3A_118 = arith.muli %add3A_116, %mul3A_117 : i32
        %dma_start3A_119 = tpu.memref_slice %arg6[%mul3A_118] : memref<5120xi32, #tpu.memory_space<vmem>> -> memref<128xi32, #tpu.memory_space<vmem>>
        %dma_start3A_120 = arith.constant 0 : i32
        %dma_start3A_121 = arith.constant 0 : i32
        %dma_start3A_122 = tpu.memref_slice %arg2[%dma_start3A_120, %dma_start3A_121] : memref<10000x128xf32, #tpu.memory_space<hbm>> -> memref<10000x128xf32, #tpu.memory_space<hbm>>
        tpu.enqueue_indirect_dma source(%dma_start3A_122 : memref<10000x128xf32, #tpu.memory_space<hbm>>) target(%arg9 : memref<128x128xf32, #tpu.memory_space<vmem>>) offsets(%dma_start3A_119 : memref<128xi32, #tpu.memory_space<vmem>>) semaphore(%arg11 : memref<!tpu.dma_semaphore, #tpu.memory_space<semaphore_mem>>)
      } else {
      }
    }
    %scan3A_30 = arith.constant 20 : i32
    %add3A_31 = arith.constant 5120 : i32
    %add3A_32 = arith.addi %mul3A_12, %add3A_31 : i32
    %run_scoped3A_33 = arith.constant 0 : i32
    "tpu.region"() ({
      %run_scoped3A_73 = tpu.sem_alloc : memref<!tpu.dma_semaphore, #tpu.memory_space<semaphore_mem>>
      %dma_start3A_74 = arith.constant 0 : i32
      %dma_start3A_75 = tpu.memref_slice %arg6[%dma_start3A_74] : memref<5120xi32, #tpu.memory_space<vmem>> -> memref<4864xi32, #tpu.memory_space<vmem>>
      %dma_start3A_76 = arith.constant 0 : i32
      %dma_start3A_77 = tpu.memref_slice %arg3[%run_scoped3A_33, %dma_start3A_76] : memref<2x320000xi32, #tpu.memory_space<hbm>> -> memref<1x320000xi32, #tpu.memory_space<hbm>>
      %dma_start3A_78 = tpu.memref_squeeze %dma_start3A_77 : memref<1x320000xi32, #tpu.memory_space<hbm>> -> memref<320000xi32, #tpu.memory_space<hbm>>
      %dma_start3A_79 = tpu.memref_slice %dma_start3A_78[%add3A_32] : memref<320000xi32, #tpu.memory_space<hbm>> -> memref<4864xi32, #tpu.memory_space<hbm>>
      %dma_start3A_80 = arith.constant 0 : i32
      %dma_start3A_81 = tpu.memref_slice %arg6[%dma_start3A_80] : memref<5120xi32, #tpu.memory_space<vmem>> -> memref<4864xi32, #tpu.memory_space<vmem>>
      %dma_start3A_82 = arith.constant 0 : i32
      %dma_start3A_83 = tpu.memref_slice %arg3[%run_scoped3A_33, %dma_start3A_82] : memref<2x320000xi32, #tpu.memory_space<hbm>> -> memref<1x320000xi32, #tpu.memory_space<hbm>>
      %dma_start3A_84 = tpu.memref_squeeze %dma_start3A_83 : memref<1x320000xi32, #tpu.memory_space<hbm>> -> memref<320000xi32, #tpu.memory_space<hbm>>
      %dma_start3A_85 = tpu.memref_slice %dma_start3A_84[%add3A_32] : memref<320000xi32, #tpu.memory_space<hbm>> -> memref<4864xi32, #tpu.memory_space<hbm>>
      tpu.enqueue_dma source(%dma_start3A_85 : memref<4864xi32, #tpu.memory_space<hbm>>) target(%dma_start3A_81 : memref<4864xi32, #tpu.memory_space<vmem>>) target_semaphore(%run_scoped3A_73 : memref<!tpu.dma_semaphore, #tpu.memory_space<semaphore_mem>>)
      %dma_wait3A = arith.constant 0 : i32
      %dma_wait3A_86 = tpu.memref_slice %arg6[%dma_wait3A] : memref<5120xi32, #tpu.memory_space<vmem>> -> memref<4864xi32, #tpu.memory_space<vmem>>
      %dma_wait3A_87 = arith.constant 0 : i32
      %dma_wait3A_88 = tpu.memref_slice %arg3[%run_scoped3A_33, %dma_wait3A_87] : memref<2x320000xi32, #tpu.memory_space<hbm>> -> memref<1x320000xi32, #tpu.memory_space<hbm>>
      %dma_wait3A_89 = tpu.memref_squeeze %dma_wait3A_88 : memref<1x320000xi32, #tpu.memory_space<hbm>> -> memref<320000xi32, #tpu.memory_space<hbm>>
      %dma_wait3A_90 = tpu.memref_slice %dma_wait3A_89[%add3A_32] : memref<320000xi32, #tpu.memory_space<hbm>> -> memref<4864xi32, #tpu.memory_space<hbm>>
      %dma_wait3A_91 = arith.constant 0 : i32
      %dma_wait3A_92 = tpu.memref_slice %arg6[%dma_wait3A_91] : memref<5120xi32, #tpu.memory_space<vmem>> -> memref<4864xi32, #tpu.memory_space<vmem>>
      %dma_wait3A_93 = arith.constant 0 : i32
      %dma_wait3A_94 = tpu.memref_slice %arg3[%run_scoped3A_33, %dma_wait3A_93] : memref<2x320000xi32, #tpu.memory_space<hbm>> -> memref<1x320000xi32, #tpu.memory_space<hbm>>
      %dma_wait3A_95 = tpu.memref_squeeze %dma_wait3A_94 : memref<1x320000xi32, #tpu.memory_space<hbm>> -> memref<320000xi32, #tpu.memory_space<hbm>>
      %dma_wait3A_96 = tpu.memref_slice %dma_wait3A_95[%add3A_32] : memref<320000xi32, #tpu.memory_space<hbm>> -> memref<4864xi32, #tpu.memory_space<hbm>>
      tpu.wait_dma2 semaphore(%run_scoped3A_73 : memref<!tpu.dma_semaphore, #tpu.memory_space<semaphore_mem>>) src(%dma_wait3A_96 : memref<4864xi32, #tpu.memory_space<hbm>>) dst(%dma_wait3A_92 : memref<4864xi32, #tpu.memory_space<vmem>>)
      tpu.yield
    }) : () -> ()
    %add3A_34 = arith.constant 5120 : i32
    %add3A_35 = arith.addi %mul3A_12, %add3A_34 : i32
    %run_scoped3A_36 = arith.constant 1 : i32
    "tpu.region"() ({
      %run_scoped3A_73 = tpu.sem_alloc : memref<!tpu.dma_semaphore, #tpu.memory_space<semaphore_mem>>
      %dma_start3A_74 = arith.constant 0 : i32
      %dma_start3A_75 = tpu.memref_slice %arg7[%dma_start3A_74] : memref<5120xi32, #tpu.memory_space<vmem>> -> memref<4864xi32, #tpu.memory_space<vmem>>
      %dma_start3A_76 = arith.constant 0 : i32
      %dma_start3A_77 = tpu.memref_slice %arg3[%run_scoped3A_36, %dma_start3A_76] : memref<2x320000xi32, #tpu.memory_space<hbm>> -> memref<1x320000xi32, #tpu.memory_space<hbm>>
      %dma_start3A_78 = tpu.memref_squeeze %dma_start3A_77 : memref<1x320000xi32, #tpu.memory_space<hbm>> -> memref<320000xi32, #tpu.memory_space<hbm>>
      %dma_start3A_79 = tpu.memref_slice %dma_start3A_78[%add3A_35] : memref<320000xi32, #tpu.memory_space<hbm>> -> memref<4864xi32, #tpu.memory_space<hbm>>
      %dma_start3A_80 = arith.constant 0 : i32
      %dma_start3A_81 = tpu.memref_slice %arg7[%dma_start3A_80] : memref<5120xi32, #tpu.memory_space<vmem>> -> memref<4864xi32, #tpu.memory_space<vmem>>
      %dma_start3A_82 = arith.constant 0 : i32
      %dma_start3A_83 = tpu.memref_slice %arg3[%run_scoped3A_36, %dma_start3A_82] : memref<2x320000xi32, #tpu.memory_space<hbm>> -> memref<1x320000xi32, #tpu.memory_space<hbm>>
      %dma_start3A_84 = tpu.memref_squeeze %dma_start3A_83 : memref<1x320000xi32, #tpu.memory_space<hbm>> -> memref<320000xi32, #tpu.memory_space<hbm>>
      %dma_start3A_85 = tpu.memref_slice %dma_start3A_84[%add3A_35] : memref<320000xi32, #tpu.memory_space<hbm>> -> memref<4864xi32, #tpu.memory_space<hbm>>
      tpu.enqueue_dma source(%dma_start3A_85 : memref<4864xi32, #tpu.memory_space<hbm>>) target(%dma_start3A_81 : memref<4864xi32, #tpu.memory_space<vmem>>) target_semaphore(%run_scoped3A_73 : memref<!tpu.dma_semaphore, #tpu.memory_space<semaphore_mem>>)
      %dma_wait3A = arith.constant 0 : i32
      %dma_wait3A_86 = tpu.memref_slice %arg7[%dma_wait3A] : memref<5120xi32, #tpu.memory_space<vmem>> -> memref<4864xi32, #tpu.memory_space<vmem>>
      %dma_wait3A_87 = arith.constant 0 : i32
      %dma_wait3A_88 = tpu.memref_slice %arg3[%run_scoped3A_36, %dma_wait3A_87] : memref<2x320000xi32, #tpu.memory_space<hbm>> -> memref<1x320000xi32, #tpu.memory_space<hbm>>
      %dma_wait3A_89 = tpu.memref_squeeze %dma_wait3A_88 : memref<1x320000xi32, #tpu.memory_space<hbm>> -> memref<320000xi32, #tpu.memory_space<hbm>>
      %dma_wait3A_90 = tpu.memref_slice %dma_wait3A_89[%add3A_35] : memref<320000xi32, #tpu.memory_space<hbm>> -> memref<4864xi32, #tpu.memory_space<hbm>>
      %dma_wait3A_91 = arith.constant 0 : i32
      %dma_wait3A_92 = tpu.memref_slice %arg7[%dma_wait3A_91] : memref<5120xi32, #tpu.memory_space<vmem>> -> memref<4864xi32, #tpu.memory_space<vmem>>
      %dma_wait3A_93 = arith.constant 0 : i32
      %dma_wait3A_94 = tpu.memref_slice %arg3[%run_scoped3A_36, %dma_wait3A_93] : memref<2x320000xi32, #tpu.memory_space<hbm>> -> memref<1x320000xi32, #tpu.memory_space<hbm>>
      %dma_wait3A_95 = tpu.memref_squeeze %dma_wait3A_94 : memref<1x320000xi32, #tpu.memory_space<hbm>> -> memref<320000xi32, #tpu.memory_space<hbm>>
      %dma_wait3A_96 = tpu.memref_slice %dma_wait3A_95[%add3A_35] : memref<320000xi32, #tpu.memory_space<hbm>> -> memref<4864xi32, #tpu.memory_space<hbm>>
      tpu.wait_dma2 semaphore(%run_scoped3A_73 : memref<!tpu.dma_semaphore, #tpu.memory_space<semaphore_mem>>) src(%dma_wait3A_96 : memref<4864xi32, #tpu.memory_space<hbm>>) dst(%dma_wait3A_92 : memref<4864xi32, #tpu.memory_space<vmem>>)
      tpu.yield
    }) : () -> ()
    %lt3A_37 = arith.constant 2 : i32
    %lt3A_38 = arith.cmpi slt, %arg1, %lt3A_37 : i32
    %convert_element_type3A_39 = arith.extui %lt3A_38 : i1 to i32
    %cond3A_40 = arith.constant 0 : i32
    %cond3A_41 = arith.cmpi ne, %convert_element_type3A_39, %cond3A_40 : i32
    scf.if %cond3A_41 {
      %add3A_73 = arith.constant 9984 : i32
      %add3A_74 = arith.addi %mul3A_12, %add3A_73 : i32
      %run_scoped3A_75 = arith.constant 0 : i32
      "tpu.region"() ({
        %run_scoped3A_79 = tpu.sem_alloc : memref<!tpu.dma_semaphore, #tpu.memory_space<semaphore_mem>>
        %dma_start3A_80 = arith.constant 4864 : i32
        %dma_start3A_81 = tpu.memref_slice %arg6[%dma_start3A_80] : memref<5120xi32, #tpu.memory_space<vmem>> -> memref<128xi32, #tpu.memory_space<vmem>>
        %dma_start3A_82 = arith.constant 0 : i32
        %dma_start3A_83 = tpu.memref_slice %arg3[%run_scoped3A_75, %dma_start3A_82] : memref<2x320000xi32, #tpu.memory_space<hbm>> -> memref<1x320000xi32, #tpu.memory_space<hbm>>
        %dma_start3A_84 = tpu.memref_squeeze %dma_start3A_83 : memref<1x320000xi32, #tpu.memory_space<hbm>> -> memref<320000xi32, #tpu.memory_space<hbm>>
        %dma_start3A_85 = tpu.memref_slice %dma_start3A_84[%add3A_74] : memref<320000xi32, #tpu.memory_space<hbm>> -> memref<128xi32, #tpu.memory_space<hbm>>
        %dma_start3A_86 = arith.constant 4864 : i32
        %dma_start3A_87 = tpu.memref_slice %arg6[%dma_start3A_86] : memref<5120xi32, #tpu.memory_space<vmem>> -> memref<128xi32, #tpu.memory_space<vmem>>
        %dma_start3A_88 = arith.constant 0 : i32
        %dma_start3A_89 = tpu.memref_slice %arg3[%run_scoped3A_75, %dma_start3A_88] : memref<2x320000xi32, #tpu.memory_space<hbm>> -> memref<1x320000xi32, #tpu.memory_space<hbm>>
        %dma_start3A_90 = tpu.memref_squeeze %dma_start3A_89 : memref<1x320000xi32, #tpu.memory_space<hbm>> -> memref<320000xi32, #tpu.memory_space<hbm>>
        %dma_start3A_91 = tpu.memref_slice %dma_start3A_90[%add3A_74] : memref<320000xi32, #tpu.memory_space<hbm>> -> memref<128xi32, #tpu.memory_space<hbm>>
        tpu.enqueue_dma source(%dma_start3A_91 : memref<128xi32, #tpu.memory_space<hbm>>) target(%dma_start3A_87 : memref<128xi32, #tpu.memory_space<vmem>>) target_semaphore(%run_scoped3A_79 : memref<!tpu.dma_semaphore, #tpu.memory_space<semaphore_mem>>)
        %dma_wait3A = arith.constant 4864 : i32
        %dma_wait3A_92 = tpu.memref_slice %arg6[%dma_wait3A] : memref<5120xi32, #tpu.memory_space<vmem>> -> memref<128xi32, #tpu.memory_space<vmem>>
        %dma_wait3A_93 = arith.constant 0 : i32
        %dma_wait3A_94 = tpu.memref_slice %arg3[%run_scoped3A_75, %dma_wait3A_93] : memref<2x320000xi32, #tpu.memory_space<hbm>> -> memref<1x320000xi32, #tpu.memory_space<hbm>>
        %dma_wait3A_95 = tpu.memref_squeeze %dma_wait3A_94 : memref<1x320000xi32, #tpu.memory_space<hbm>> -> memref<320000xi32, #tpu.memory_space<hbm>>
        %dma_wait3A_96 = tpu.memref_slice %dma_wait3A_95[%add3A_74] : memref<320000xi32, #tpu.memory_space<hbm>> -> memref<128xi32, #tpu.memory_space<hbm>>
        %dma_wait3A_97 = arith.constant 4864 : i32
        %dma_wait3A_98 = tpu.memref_slice %arg6[%dma_wait3A_97] : memref<5120xi32, #tpu.memory_space<vmem>> -> memref<128xi32, #tpu.memory_space<vmem>>
        %dma_wait3A_99 = arith.constant 0 : i32
        %dma_wait3A_100 = tpu.memref_slice %arg3[%run_scoped3A_75, %dma_wait3A_99] : memref<2x320000xi32, #tpu.memory_space<hbm>> -> memref<1x320000xi32, #tpu.memory_space<hbm>>
        %dma_wait3A_101 = tpu.memref_squeeze %dma_wait3A_100 : memref<1x320000xi32, #tpu.memory_space<hbm>> -> memref<320000xi32, #tpu.memory_space<hbm>>
        %dma_wait3A_102 = tpu.memref_slice %dma_wait3A_101[%add3A_74] : memref<320000xi32, #tpu.memory_space<hbm>> -> memref<128xi32, #tpu.memory_space<hbm>>
        tpu.wait_dma2 semaphore(%run_scoped3A_79 : memref<!tpu.dma_semaphore, #tpu.memory_space<semaphore_mem>>) src(%dma_wait3A_102 : memref<128xi32, #tpu.memory_space<hbm>>) dst(%dma_wait3A_98 : memref<128xi32, #tpu.memory_space<vmem>>)
        tpu.yield
      }) : () -> ()
      %add3A_76 = arith.constant 9984 : i32
      %add3A_77 = arith.addi %mul3A_12, %add3A_76 : i32
      %run_scoped3A_78 = arith.constant 1 : i32
      "tpu.region"() ({
        %run_scoped3A_79 = tpu.sem_alloc : memref<!tpu.dma_semaphore, #tpu.memory_space<semaphore_mem>>
        %dma_start3A_80 = arith.constant 4864 : i32
        %dma_start3A_81 = tpu.memref_slice %arg7[%dma_start3A_80] : memref<5120xi32, #tpu.memory_space<vmem>> -> memref<128xi32, #tpu.memory_space<vmem>>
        %dma_start3A_82 = arith.constant 0 : i32
        %dma_start3A_83 = tpu.memref_slice %arg3[%run_scoped3A_78, %dma_start3A_82] : memref<2x320000xi32, #tpu.memory_space<hbm>> -> memref<1x320000xi32, #tpu.memory_space<hbm>>
        %dma_start3A_84 = tpu.memref_squeeze %dma_start3A_83 : memref<1x320000xi32, #tpu.memory_space<hbm>> -> memref<320000xi32, #tpu.memory_space<hbm>>
        %dma_start3A_85 = tpu.memref_slice %dma_start3A_84[%add3A_77] : memref<320000xi32, #tpu.memory_space<hbm>> -> memref<128xi32, #tpu.memory_space<hbm>>
        %dma_start3A_86 = arith.constant 4864 : i32
        %dma_start3A_87 = tpu.memref_slice %arg7[%dma_start3A_86] : memref<5120xi32, #tpu.memory_space<vmem>> -> memref<128xi32, #tpu.memory_space<vmem>>
        %dma_start3A_88 = arith.constant 0 : i32
        %dma_start3A_89 = tpu.memref_slice %arg3[%run_scoped3A_78, %dma_start3A_88] : memref<2x320000xi32, #tpu.memory_space<hbm>> -> memref<1x320000xi32, #tpu.memory_space<hbm>>
        %dma_start3A_90 = tpu.memref_squeeze %dma_start3A_89 : memref<1x320000xi32, #tpu.memory_space<hbm>> -> memref<320000xi32, #tpu.memory_space<hbm>>
        %dma_start3A_91 = tpu.memref_slice %dma_start3A_90[%add3A_77] : memref<320000xi32, #tpu.memory_space<hbm>> -> memref<128xi32, #tpu.memory_space<hbm>>
        tpu.enqueue_dma source(%dma_start3A_91 : memref<128xi32, #tpu.memory_space<hbm>>) target(%dma_start3A_87 : memref<128xi32, #tpu.memory_space<vmem>>) target_semaphore(%run_scoped3A_79 : memref<!tpu.dma_semaphore, #tpu.memory_space<semaphore_mem>>)
        %dma_wait3A = arith.constant 4864 : i32
        %dma_wait3A_92 = tpu.memref_slice %arg7[%dma_wait3A] : memref<5120xi32, #tpu.memory_space<vmem>> -> memref<128xi32, #tpu.memory_space<vmem>>
        %dma_wait3A_93 = arith.constant 0 : i32
        %dma_wait3A_94 = tpu.memref_slice %arg3[%run_scoped3A_78, %dma_wait3A_93] : memref<2x320000xi32, #tpu.memory_space<hbm>> -> memref<1x320000xi32, #tpu.memory_space<hbm>>
        %dma_wait3A_95 = tpu.memref_squeeze %dma_wait3A_94 : memref<1x320000xi32, #tpu.memory_space<hbm>> -> memref<320000xi32, #tpu.memory_space<hbm>>
        %dma_wait3A_96 = tpu.memref_slice %dma_wait3A_95[%add3A_77] : memref<320000xi32, #tpu.memory_space<hbm>> -> memref<128xi32, #tpu.memory_space<hbm>>
        %dma_wait3A_97 = arith.constant 4864 : i32
        %dma_wait3A_98 = tpu.memref_slice %arg7[%dma_wait3A_97] : memref<5120xi32, #tpu.memory_space<vmem>> -> memref<128xi32, #tpu.memory_space<vmem>>
        %dma_wait3A_99 = arith.constant 0 : i32
        %dma_wait3A_100 = tpu.memref_slice %arg3[%run_scoped3A_78, %dma_wait3A_99] : memref<2x320000xi32, #tpu.memory_space<hbm>> -> memref<1x320000xi32, #tpu.memory_space<hbm>>
        %dma_wait3A_101 = tpu.memref_squeeze %dma_wait3A_100 : memref<1x320000xi32, #tpu.memory_space<hbm>> -> memref<320000xi32, #tpu.memory_space<hbm>>
        %dma_wait3A_102 = tpu.memref_slice %dma_wait3A_101[%add3A_77] : memref<320000xi32, #tpu.memory_space<hbm>> -> memref<128xi32, #tpu.memory_space<hbm>>
        tpu.wait_dma2 semaphore(%run_scoped3A_79 : memref<!tpu.dma_semaphore, #tpu.memory_space<semaphore_mem>>) src(%dma_wait3A_102 : memref<128xi32, #tpu.memory_space<hbm>>) dst(%dma_wait3A_98 : memref<128xi32, #tpu.memory_space<vmem>>)
        tpu.yield
      }) : () -> ()
    } else {
    }
    %dma_start3A_42 = arith.constant 0 : i32
    %dma_start3A_43 = tpu.memref_slice %arg6[%dma_start3A_42] : memref<5120xi32, #tpu.memory_space<vmem>> -> memref<128xi32, #tpu.memory_space<vmem>>
    %dma_start3A_44 = arith.constant 0 : i32
    %dma_start3A_45 = arith.constant 0 : i32
    %dma_start3A_46 = tpu.memref_slice %arg2[%dma_start3A_44, %dma_start3A_45] : memref<10000x128xf32, #tpu.memory_space<hbm>> -> memref<10000x128xf32, #tpu.memory_space<hbm>>
    tpu.enqueue_indirect_dma source(%dma_start3A_46 : memref<10000x128xf32, #tpu.memory_space<hbm>>) target(%arg8 : memref<128x128xf32, #tpu.memory_space<vmem>>) offsets(%dma_start3A_43 : memref<128xi32, #tpu.memory_space<vmem>>) semaphore(%arg10 : memref<!tpu.dma_semaphore, #tpu.memory_space<semaphore_mem>>)
    %dma_start3A_47 = arith.constant 128 : i32
    %dma_start3A_48 = tpu.memref_slice %arg6[%dma_start3A_47] : memref<5120xi32, #tpu.memory_space<vmem>> -> memref<128xi32, #tpu.memory_space<vmem>>
    %dma_start3A_49 = arith.constant 0 : i32
    %dma_start3A_50 = arith.constant 0 : i32
    %dma_start3A_51 = tpu.memref_slice %arg2[%dma_start3A_49, %dma_start3A_50] : memref<10000x128xf32, #tpu.memory_space<hbm>> -> memref<10000x128xf32, #tpu.memory_space<hbm>>
    tpu.enqueue_indirect_dma source(%dma_start3A_51 : memref<10000x128xf32, #tpu.memory_space<hbm>>) target(%arg9 : memref<128x128xf32, #tpu.memory_space<vmem>>) offsets(%dma_start3A_48 : memref<128xi32, #tpu.memory_space<vmem>>) semaphore(%arg11 : memref<!tpu.dma_semaphore, #tpu.memory_space<semaphore_mem>>)
    %scan3A_52 = arith.constant 0 : i32
    %scan3A_53 = arith.constant 19 : i32
    %scan3A_54 = arith.addi %scan3A_52, %scan3A_53 : i32
    %scan3A_55 = arith.constant 1 : i32
    scf.for %scan3A_73 = %scan3A_52 to %scan3A_54 step %scan3A_55  : i32 {
      %mul3A_74 = arith.constant 1 : i32
      %mul3A_75 = arith.muli %scan3A_73, %mul3A_74 : i32
      %add3A_76 = arith.constant 0 : i32
      %add3A_77 = arith.addi %add3A_76, %mul3A_75 : i32
      %mul3A_78 = arith.constant 2 : i32
      %mul3A_79 = arith.muli %add3A_77, %mul3A_78 : i32
      %add3A_80 = arith.constant 0 : i32
      %add3A_81 = arith.addi %mul3A_79, %add3A_80 : i32
      %mul3A_82 = arith.constant 128 : i32
      %mul3A_83 = arith.muli %add3A_81, %mul3A_82 : i32
      %dma_wait3A = tpu.memref_slice %arg6[%mul3A_83] : memref<5120xi32, #tpu.memory_space<vmem>> -> memref<128xi32, #tpu.memory_space<vmem>>
      %dma_wait3A_84 = arith.constant 0 : i32
      %dma_wait3A_85 = arith.constant 0 : i32
      %dma_wait3A_86 = tpu.memref_slice %arg2[%dma_wait3A_84, %dma_wait3A_85] : memref<10000x128xf32, #tpu.memory_space<hbm>> -> memref<10000x128xf32, #tpu.memory_space<hbm>>
      tpu.wait_indirect_dma semaphore(%arg10 : memref<!tpu.dma_semaphore, #tpu.memory_space<semaphore_mem>>) src(%dma_wait3A_86 : memref<10000x128xf32, #tpu.memory_space<hbm>>) dst(%arg8 : memref<128x128xf32, #tpu.memory_space<vmem>>)
      %mul3A_87 = arith.constant 128 : i32
      %mul3A_88 = arith.muli %add3A_81, %mul3A_87 : i32
      "tpu.region"() ({
        %run_scoped3A_115 = tpu.sem_alloc : memref<!tpu.dma_semaphore, #tpu.memory_space<semaphore_mem>>
        %dma_start3A_116 = tpu.memref_slice %arg7[%mul3A_88] : memref<5120xi32, #tpu.memory_space<vmem>> -> memref<128xi32, #tpu.memory_space<vmem>>
        %dma_start3A_117 = arith.constant 0 : i32
        %dma_start3A_118 = arith.constant 0 : i32
        %dma_start3A_119 = tpu.memref_slice %arg12[%dma_start3A_117, %dma_start3A_118] : memref<10000x128xf32, #tpu.memory_space<vmem_shared>> -> memref<10000x128xf32, #tpu.memory_space<vmem_shared>>
        tpu.enqueue_indirect_dma source(%arg8 : memref<128x128xf32, #tpu.memory_space<vmem>>) target(%dma_start3A_119 : memref<10000x128xf32, #tpu.memory_space<vmem_shared>>) offsets(%dma_start3A_116 : memref<128xi32, #tpu.memory_space<vmem>>) semaphore(%run_scoped3A_115 : memref<!tpu.dma_semaphore, #tpu.memory_space<semaphore_mem>>) {add = true}
        %dma_wait3A_120 = tpu.memref_slice %arg7[%mul3A_88] : memref<5120xi32, #tpu.memory_space<vmem>> -> memref<128xi32, #tpu.memory_space<vmem>>
        %dma_wait3A_121 = arith.constant 0 : i32
        %dma_wait3A_122 = arith.constant 0 : i32
        %dma_wait3A_123 = tpu.memref_slice %arg12[%dma_wait3A_121, %dma_wait3A_122] : memref<10000x128xf32, #tpu.memory_space<vmem_shared>> -> memref<10000x128xf32, #tpu.memory_space<vmem_shared>>
        tpu.wait_indirect_dma semaphore(%run_scoped3A_115 : memref<!tpu.dma_semaphore, #tpu.memory_space<semaphore_mem>>) src(%arg8 : memref<128x128xf32, #tpu.memory_space<vmem>>) dst(%dma_wait3A_123 : memref<10000x128xf32, #tpu.memory_space<vmem_shared>>)
        tpu.yield
      }) : () -> ()
      %add3A_89 = arith.constant 2 : i32
      %add3A_90 = arith.addi %add3A_81, %add3A_89 : i32
      %lt3A_91 = arith.constant 38 : i32
      %lt3A_92 = arith.cmpi slt, %add3A_90, %lt3A_91 : i32
      %convert_element_type3A_93 = arith.extui %lt3A_92 : i1 to i32
      %cond3A_94 = arith.constant 0 : i32
      %cond3A_95 = arith.cmpi ne, %convert_element_type3A_93, %cond3A_94 : i32
      scf.if %cond3A_95 {
        %add3A_115 = arith.constant 2 : i32
        %add3A_116 = arith.addi %add3A_81, %add3A_115 : i32
        %mul3A_117 = arith.constant 128 : i32
        %mul3A_118 = arith.muli %add3A_116, %mul3A_117 : i32
        %dma_start3A_119 = tpu.memref_slice %arg6[%mul3A_118] : memref<5120xi32, #tpu.memory_space<vmem>> -> memref<128xi32, #tpu.memory_space<vmem>>
        %dma_start3A_120 = arith.constant 0 : i32
        %dma_start3A_121 = arith.constant 0 : i32
        %dma_start3A_122 = tpu.memref_slice %arg2[%dma_start3A_120, %dma_start3A_121] : memref<10000x128xf32, #tpu.memory_space<hbm>> -> memref<10000x128xf32, #tpu.memory_space<hbm>>
        tpu.enqueue_indirect_dma source(%dma_start3A_122 : memref<10000x128xf32, #tpu.memory_space<hbm>>) target(%arg8 : memref<128x128xf32, #tpu.memory_space<vmem>>) offsets(%dma_start3A_119 : memref<128xi32, #tpu.memory_space<vmem>>) semaphore(%arg10 : memref<!tpu.dma_semaphore, #tpu.memory_space<semaphore_mem>>)
      } else {
      }
      %mul3A_96 = arith.constant 2 : i32
      %mul3A_97 = arith.muli %add3A_77, %mul3A_96 : i32
      %add3A_98 = arith.constant 1 : i32
      %add3A_99 = arith.addi %mul3A_97, %add3A_98 : i32
      %mul3A_100 = arith.constant 128 : i32
      %mul3A_101 = arith.muli %add3A_99, %mul3A_100 : i32
      %dma_wait3A_102 = tpu.memref_slice %arg6[%mul3A_101] : memref<5120xi32, #tpu.memory_space<vmem>> -> memref<128xi32, #tpu.memory_space<vmem>>
      %dma_wait3A_103 = arith.constant 0 : i32
      %dma_wait3A_104 = arith.constant 0 : i32
      %dma_wait3A_105 = tpu.memref_slice %arg2[%dma_wait3A_103, %dma_wait3A_104] : memref<10000x128xf32, #tpu.memory_space<hbm>> -> memref<10000x128xf32, #tpu.memory_space<hbm>>
      tpu.wait_indirect_dma semaphore(%arg11 : memref<!tpu.dma_semaphore, #tpu.memory_space<semaphore_mem>>) src(%dma_wait3A_105 : memref<10000x128xf32, #tpu.memory_space<hbm>>) dst(%arg9 : memref<128x128xf32, #tpu.memory_space<vmem>>)
      %mul3A_106 = arith.constant 128 : i32
      %mul3A_107 = arith.muli %add3A_99, %mul3A_106 : i32
      "tpu.region"() ({
        %run_scoped3A_115 = tpu.sem_alloc : memref<!tpu.dma_semaphore, #tpu.memory_space<semaphore_mem>>
        %dma_start3A_116 = tpu.memref_slice %arg7[%mul3A_107] : memref<5120xi32, #tpu.memory_space<vmem>> -> memref<128xi32, #tpu.memory_space<vmem>>
        %dma_start3A_117 = arith.constant 0 : i32
        %dma_start3A_118 = arith.constant 0 : i32
        %dma_start3A_119 = tpu.memref_slice %arg12[%dma_start3A_117, %dma_start3A_118] : memref<10000x128xf32, #tpu.memory_space<vmem_shared>> -> memref<10000x128xf32, #tpu.memory_space<vmem_shared>>
        tpu.enqueue_indirect_dma source(%arg9 : memref<128x128xf32, #tpu.memory_space<vmem>>) target(%dma_start3A_119 : memref<10000x128xf32, #tpu.memory_space<vmem_shared>>) offsets(%dma_start3A_116 : memref<128xi32, #tpu.memory_space<vmem>>) semaphore(%run_scoped3A_115 : memref<!tpu.dma_semaphore, #tpu.memory_space<semaphore_mem>>) {add = true}
        %dma_wait3A_120 = tpu.memref_slice %arg7[%mul3A_107] : memref<5120xi32, #tpu.memory_space<vmem>> -> memref<128xi32, #tpu.memory_space<vmem>>
        %dma_wait3A_121 = arith.constant 0 : i32
        %dma_wait3A_122 = arith.constant 0 : i32
        %dma_wait3A_123 = tpu.memref_slice %arg12[%dma_wait3A_121, %dma_wait3A_122] : memref<10000x128xf32, #tpu.memory_space<vmem_shared>> -> memref<10000x128xf32, #tpu.memory_space<vmem_shared>>
        tpu.wait_indirect_dma semaphore(%run_scoped3A_115 : memref<!tpu.dma_semaphore, #tpu.memory_space<semaphore_mem>>) src(%arg9 : memref<128x128xf32, #tpu.memory_space<vmem>>) dst(%dma_wait3A_123 : memref<10000x128xf32, #tpu.memory_space<vmem_shared>>)
        tpu.yield
      }) : () -> ()
      %add3A_108 = arith.constant 2 : i32
      %add3A_109 = arith.addi %add3A_99, %add3A_108 : i32
      %lt3A_110 = arith.constant 38 : i32
      %lt3A_111 = arith.cmpi slt, %add3A_109, %lt3A_110 : i32
      %convert_element_type3A_112 = arith.extui %lt3A_111 : i1 to i32
      %cond3A_113 = arith.constant 0 : i32
      %cond3A_114 = arith.cmpi ne, %convert_element_type3A_112, %cond3A_113 : i32
      scf.if %cond3A_114 {
        %add3A_115 = arith.constant 2 : i32
        %add3A_116 = arith.addi %add3A_99, %add3A_115 : i32
        %mul3A_117 = arith.constant 128 : i32
        %mul3A_118 = arith.muli %add3A_116, %mul3A_117 : i32
        %dma_start3A_119 = tpu.memref_slice %arg6[%mul3A_118] : memref<5120xi32, #tpu.memory_space<vmem>> -> memref<128xi32, #tpu.memory_space<vmem>>
        %dma_start3A_120 = arith.constant 0 : i32
        %dma_start3A_121 = arith.constant 0 : i32
        %dma_start3A_122 = tpu.memref_slice %arg2[%dma_start3A_120, %dma_start3A_121] : memref<10000x128xf32, #tpu.memory_space<hbm>> -> memref<10000x128xf32, #tpu.memory_space<hbm>>
        tpu.enqueue_indirect_dma source(%dma_start3A_122 : memref<10000x128xf32, #tpu.memory_space<hbm>>) target(%arg9 : memref<128x128xf32, #tpu.memory_space<vmem>>) offsets(%dma_start3A_119 : memref<128xi32, #tpu.memory_space<vmem>>) semaphore(%arg11 : memref<!tpu.dma_semaphore, #tpu.memory_space<semaphore_mem>>)
      } else {
      }
    }
    %scan3A_56 = arith.constant 19 : i32
    %lt3A_57 = arith.constant 2 : i32
    %lt3A_58 = arith.cmpi slt, %arg1, %lt3A_57 : i32
    %convert_element_type3A_59 = arith.extui %lt3A_58 : i1 to i32
    %cond3A_60 = arith.constant 0 : i32
    %cond3A_61 = arith.cmpi ne, %convert_element_type3A_59, %cond3A_60 : i32
    scf.if %cond3A_61 {
      %dma_start3A_73 = arith.constant 4864 : i32
      %dma_start3A_74 = tpu.memref_slice %arg6[%dma_start3A_73] : memref<5120xi32, #tpu.memory_space<vmem>> -> memref<128xi32, #tpu.memory_space<vmem>>
      %dma_start3A_75 = arith.constant 0 : i32
      %dma_start3A_76 = arith.constant 0 : i32
      %dma_start3A_77 = tpu.memref_slice %arg2[%dma_start3A_75, %dma_start3A_76] : memref<10000x128xf32, #tpu.memory_space<hbm>> -> memref<10000x128xf32, #tpu.memory_space<hbm>>
      tpu.enqueue_indirect_dma source(%dma_start3A_77 : memref<10000x128xf32, #tpu.memory_space<hbm>>) target(%arg8 : memref<128x128xf32, #tpu.memory_space<vmem>>) offsets(%dma_start3A_74 : memref<128xi32, #tpu.memory_space<vmem>>) semaphore(%arg10 : memref<!tpu.dma_semaphore, #tpu.memory_space<semaphore_mem>>)
      %dma_wait3A = arith.constant 4864 : i32
      %dma_wait3A_78 = tpu.memref_slice %arg6[%dma_wait3A] : memref<5120xi32, #tpu.memory_space<vmem>> -> memref<128xi32, #tpu.memory_space<vmem>>
      %dma_wait3A_79 = arith.constant 0 : i32
      %dma_wait3A_80 = arith.constant 0 : i32
      %dma_wait3A_81 = tpu.memref_slice %arg2[%dma_wait3A_79, %dma_wait3A_80] : memref<10000x128xf32, #tpu.memory_space<hbm>> -> memref<10000x128xf32, #tpu.memory_space<hbm>>
      tpu.wait_indirect_dma semaphore(%arg10 : memref<!tpu.dma_semaphore, #tpu.memory_space<semaphore_mem>>) src(%dma_wait3A_81 : memref<10000x128xf32, #tpu.memory_space<hbm>>) dst(%arg8 : memref<128x128xf32, #tpu.memory_space<vmem>>)
      "tpu.region"() ({
        %run_scoped3A_82 = tpu.sem_alloc : memref<!tpu.dma_semaphore, #tpu.memory_space<semaphore_mem>>
        %dma_start3A_83 = arith.constant 4864 : i32
        %dma_start3A_84 = tpu.memref_slice %arg7[%dma_start3A_83] : memref<5120xi32, #tpu.memory_space<vmem>> -> memref<128xi32, #tpu.memory_space<vmem>>
        %dma_start3A_85 = arith.constant 0 : i32
        %dma_start3A_86 = arith.constant 0 : i32
        %dma_start3A_87 = tpu.memref_slice %arg12[%dma_start3A_85, %dma_start3A_86] : memref<10000x128xf32, #tpu.memory_space<vmem_shared>> -> memref<10000x128xf32, #tpu.memory_space<vmem_shared>>
        tpu.enqueue_indirect_dma source(%arg8 : memref<128x128xf32, #tpu.memory_space<vmem>>) target(%dma_start3A_87 : memref<10000x128xf32, #tpu.memory_space<vmem_shared>>) offsets(%dma_start3A_84 : memref<128xi32, #tpu.memory_space<vmem>>) semaphore(%run_scoped3A_82 : memref<!tpu.dma_semaphore, #tpu.memory_space<semaphore_mem>>) {add = true}
        %dma_wait3A_88 = arith.constant 4864 : i32
        %dma_wait3A_89 = tpu.memref_slice %arg7[%dma_wait3A_88] : memref<5120xi32, #tpu.memory_space<vmem>> -> memref<128xi32, #tpu.memory_space<vmem>>
        %dma_wait3A_90 = arith.constant 0 : i32
        %dma_wait3A_91 = arith.constant 0 : i32
        %dma_wait3A_92 = tpu.memref_slice %arg12[%dma_wait3A_90, %dma_wait3A_91] : memref<10000x128xf32, #tpu.memory_space<vmem_shared>> -> memref<10000x128xf32, #tpu.memory_space<vmem_shared>>
        tpu.wait_indirect_dma semaphore(%run_scoped3A_82 : memref<!tpu.dma_semaphore, #tpu.memory_space<semaphore_mem>>) src(%arg8 : memref<128x128xf32, #tpu.memory_space<vmem>>) dst(%dma_wait3A_92 : memref<10000x128xf32, #tpu.memory_space<vmem_shared>>)
        tpu.yield
      }) : () -> ()
    } else {
    }
    %barrier3A_62 = arith.constant 0 : index
    tpu.barrier barrier_id(%barrier3A_62)
    %lt3A_63 = arith.constant 15 : i32
    %lt3A_64 = arith.cmpi slt, %arg1, %lt3A_63 : i32
    %convert_element_type3A_65 = arith.extui %lt3A_64 : i1 to i32
    %cond3A_66 = arith.constant 0 : i32
    %cond3A_67 = arith.cmpi ne, %convert_element_type3A_65, %cond3A_66 : i32
    scf.if %cond3A_67 {
      %mul3A_73 = arith.constant 632 : i32
      %mul3A_74 = arith.muli %arg1, %mul3A_73 : i32
      "tpu.region"() ({
        %run_scoped3A_75 = tpu.sem_alloc : memref<!tpu.dma_semaphore, #tpu.memory_space<semaphore_mem>>
        %dma_start3A_76 = arith.constant 0 : i32
        %dma_start3A_77 = arith.constant 0 : i32
        %dma_start3A_78 = tpu.memref_slice %arg5[%arg0, %dma_start3A_76, %dma_start3A_77] : memref<2x10000x128xf32, #tpu.memory_space<hbm>> -> memref<1x10000x128xf32, #tpu.memory_space<hbm>>
        %dma_start3A_79 = tpu.memref_squeeze %dma_start3A_78 : memref<1x10000x128xf32, #tpu.memory_space<hbm>> -> memref<10000x128xf32, #tpu.memory_space<hbm>>
        %dma_start3A_80 = arith.constant 0 : i32
        %dma_start3A_81 = tpu.memref_slice %dma_start3A_79[%mul3A_74, %dma_start3A_80] : memref<10000x128xf32, #tpu.memory_space<hbm>> -> memref<632x128xf32, #tpu.memory_space<hbm>>
        %dma_start3A_82 = arith.constant 0 : i32
        %dma_start3A_83 = tpu.memref_slice %arg12[%mul3A_74, %dma_start3A_82] : memref<10000x128xf32, #tpu.memory_space<vmem_shared>> -> memref<632x128xf32, #tpu.memory_space<vmem_shared>>
        tpu.enqueue_dma source(%dma_start3A_83 : memref<632x128xf32, #tpu.memory_space<vmem_shared>>) target(%dma_start3A_81 : memref<632x128xf32, #tpu.memory_space<hbm>>) target_semaphore(%run_scoped3A_75 : memref<!tpu.dma_semaphore, #tpu.memory_space<semaphore_mem>>)
        %dma_wait3A = arith.constant 0 : i32
        %dma_wait3A_84 = arith.constant 0 : i32
        %dma_wait3A_85 = tpu.memref_slice %arg5[%arg0, %dma_wait3A, %dma_wait3A_84] : memref<2x10000x128xf32, #tpu.memory_space<hbm>> -> memref<1x10000x128xf32, #tpu.memory_space<hbm>>
        %dma_wait3A_86 = tpu.memref_squeeze %dma_wait3A_85 : memref<1x10000x128xf32, #tpu.memory_space<hbm>> -> memref<10000x128xf32, #tpu.memory_space<hbm>>
        %dma_wait3A_87 = arith.constant 0 : i32
        %dma_wait3A_88 = tpu.memref_slice %dma_wait3A_86[%mul3A_74, %dma_wait3A_87] : memref<10000x128xf32, #tpu.memory_space<hbm>> -> memref<632x128xf32, #tpu.memory_space<hbm>>
        %dma_wait3A_89 = arith.constant 0 : i32
        %dma_wait3A_90 = tpu.memref_slice %arg12[%mul3A_74, %dma_wait3A_89] : memref<10000x128xf32, #tpu.memory_space<vmem_shared>> -> memref<632x128xf32, #tpu.memory_space<vmem_shared>>
        tpu.wait_dma2 semaphore(%run_scoped3A_75 : memref<!tpu.dma_semaphore, #tpu.memory_space<semaphore_mem>>) src(%dma_wait3A_90 : memref<632x128xf32, #tpu.memory_space<vmem_shared>>) dst(%dma_wait3A_88 : memref<632x128xf32, #tpu.memory_space<hbm>>)
        tpu.yield
      }) : () -> ()
    } else {
    }
    %eq3A_68 = arith.constant 15 : i32
    %eq3A_69 = arith.cmpi eq, %arg1, %eq3A_68 : i32
    %convert_element_type3A_70 = arith.extui %eq3A_69 : i1 to i32
    %cond3A_71 = arith.constant 0 : i32
    %cond3A_72 = arith.cmpi ne, %convert_element_type3A_70, %cond3A_71 : i32
    scf.if %cond3A_72 {
      "tpu.region"() ({
        %run_scoped3A_73 = tpu.sem_alloc : memref<!tpu.dma_semaphore, #tpu.memory_space<semaphore_mem>>
        %dma_start3A_74 = arith.constant 0 : i32
        %dma_start3A_75 = arith.constant 0 : i32
        %dma_start3A_76 = tpu.memref_slice %arg5[%arg0, %dma_start3A_74, %dma_start3A_75] : memref<2x10000x128xf32, #tpu.memory_space<hbm>> -> memref<1x10000x128xf32, #tpu.memory_space<hbm>>
        %dma_start3A_77 = tpu.memref_squeeze %dma_start3A_76 : memref<1x10000x128xf32, #tpu.memory_space<hbm>> -> memref<10000x128xf32, #tpu.memory_space<hbm>>
        %dma_start3A_78 = arith.constant 9480 : i32
        %dma_start3A_79 = arith.constant 0 : i32
        %dma_start3A_80 = tpu.memref_slice %dma_start3A_77[%dma_start3A_78, %dma_start3A_79] : memref<10000x128xf32, #tpu.memory_space<hbm>> -> memref<520x128xf32, #tpu.memory_space<hbm>>
        %dma_start3A_81 = arith.constant 9480 : i32
        %dma_start3A_82 = arith.constant 0 : i32
        %dma_start3A_83 = tpu.memref_slice %arg12[%dma_start3A_81, %dma_start3A_82] : memref<10000x128xf32, #tpu.memory_space<vmem_shared>> -> memref<520x128xf32, #tpu.memory_space<vmem_shared>>
        tpu.enqueue_dma source(%dma_start3A_83 : memref<520x128xf32, #tpu.memory_space<vmem_shared>>) target(%dma_start3A_80 : memref<520x128xf32, #tpu.memory_space<hbm>>) target_semaphore(%run_scoped3A_73 : memref<!tpu.dma_semaphore, #tpu.memory_space<semaphore_mem>>)
        %dma_wait3A = arith.constant 0 : i32
        %dma_wait3A_84 = arith.constant 0 : i32
        %dma_wait3A_85 = tpu.memref_slice %arg5[%arg0, %dma_wait3A, %dma_wait3A_84] : memref<2x10000x128xf32, #tpu.memory_space<hbm>> -> memref<1x10000x128xf32, #tpu.memory_space<hbm>>
        %dma_wait3A_86 = tpu.memref_squeeze %dma_wait3A_85 : memref<1x10000x128xf32, #tpu.memory_space<hbm>> -> memref<10000x128xf32, #tpu.memory_space<hbm>>
        %dma_wait3A_87 = arith.constant 9480 : i32
        %dma_wait3A_88 = arith.constant 0 : i32
        %dma_wait3A_89 = tpu.memref_slice %dma_wait3A_86[%dma_wait3A_87, %dma_wait3A_88] : memref<10000x128xf32, #tpu.memory_space<hbm>> -> memref<520x128xf32, #tpu.memory_space<hbm>>
        %dma_wait3A_90 = arith.constant 9480 : i32
        %dma_wait3A_91 = arith.constant 0 : i32
        %dma_wait3A_92 = tpu.memref_slice %arg12[%dma_wait3A_90, %dma_wait3A_91] : memref<10000x128xf32, #tpu.memory_space<vmem_shared>> -> memref<520x128xf32, #tpu.memory_space<vmem_shared>>
        tpu.wait_dma2 semaphore(%run_scoped3A_73 : memref<!tpu.dma_semaphore, #tpu.memory_space<semaphore_mem>>) src(%dma_wait3A_92 : memref<520x128xf32, #tpu.memory_space<vmem_shared>>) dst(%dma_wait3A_89 : memref<520x128xf32, #tpu.memory_space<hbm>>)
        tpu.yield
      }) : () -> ()
    } else {
    }
    return
  }
}

#map = affine_map<(d0, d1) -> (0, 0)>
#map1 = affine_map<(d0, d1) -> (0, 0, 0)>
module attributes {stable_mosaic.version = 14 : i64} {
  func.func @_agg_kernel(%arg0: i32, %arg1: i32, %arg2: memref<10000x128xf32, #tpu.memory_space<hbm>>, %arg3: memref<2x320000xi32, #tpu.memory_space<hbm>>, %arg4: memref<632x128xf32, #tpu.memory_space<hbm>>, %arg5: memref<2x10000x128xf32, #tpu.memory_space<hbm>>, %arg6: memref<5120xi32, #tpu.memory_space<vmem>>, %arg7: memref<5120xi32, #tpu.memory_space<vmem>>, %arg8: memref<128x128xf32, #tpu.memory_space<vmem>>, %arg9: memref<128x128xf32, #tpu.memory_space<vmem>>, %arg10: memref<!tpu.dma_semaphore, #tpu.memory_space<semaphore_mem>>, %arg11: memref<!tpu.dma_semaphore, #tpu.memory_space<semaphore_mem>>, %arg12: memref<10000x128xf32, #tpu.memory_space<vmem_shared>>) attributes {dimension_semantics = [#tpu.dimension_semantics<core_parallel>, #tpu.dimension_semantics<subcore_parallel>], iteration_bounds = array<i64: 2, 16>, scalar_prefetch = 0 : i64, scratch_operands = 7 : i64, tpu.core_type = #tpu.core_type<sc_vector_subcore>, window_params = [{transform_indices = #map}, {transform_indices = #map}, {transform_indices = #map}, {transform_indices = #map1}]} {
    %lt3A = arith.constant 15 : i32
    %lt3A_0 = arith.cmpi slt, %arg1, %lt3A : i32
    %convert_element_type3A = arith.extui %lt3A_0 : i1 to i32
    %cond3A = arith.constant 0 : i32
    %cond3A_1 = arith.cmpi ne, %convert_element_type3A, %cond3A : i32
    scf.if %cond3A_1 {
      %mul3A_73 = arith.constant 632 : i32
      %mul3A_74 = arith.muli %arg1, %mul3A_73 : i32
      "tpu.region"() ({
        %run_scoped3A_75 = tpu.sem_alloc : memref<!tpu.dma_semaphore, #tpu.memory_space<semaphore_mem>>
        %dma_start3A_76 = arith.constant 0 : i32
        %dma_start3A_77 = tpu.memref_slice %arg12[%mul3A_74, %dma_start3A_76] : memref<10000x128xf32, #tpu.memory_space<vmem_shared>> -> memref<632x128xf32, #tpu.memory_space<vmem_shared>>
        tpu.enqueue_dma source(%arg4 : memref<632x128xf32, #tpu.memory_space<hbm>>) target(%dma_start3A_77 : memref<632x128xf32, #tpu.memory_space<vmem_shared>>) target_semaphore(%run_scoped3A_75 : memref<!tpu.dma_semaphore, #tpu.memory_space<semaphore_mem>>)
        %dma_wait3A = arith.constant 0 : i32
        %dma_wait3A_78 = tpu.memref_slice %arg12[%mul3A_74, %dma_wait3A] : memref<10000x128xf32, #tpu.memory_space<vmem_shared>> -> memref<632x128xf32, #tpu.memory_space<vmem_shared>>
        tpu.wait_dma2 semaphore(%run_scoped3A_75 : memref<!tpu.dma_semaphore, #tpu.memory_space<semaphore_mem>>) src(%arg4 : memref<632x128xf32, #tpu.memory_space<hbm>>) dst(%dma_wait3A_78 : memref<632x128xf32, #tpu.memory_space<vmem_shared>>)
        tpu.yield
      }) : () -> ()
    } else {
    }
    %eq3A = arith.constant 15 : i32
    %eq3A_2 = arith.cmpi eq, %arg1, %eq3A : i32
    %convert_element_type3A_3 = arith.extui %eq3A_2 : i1 to i32
    %cond3A_4 = arith.constant 0 : i32
    %cond3A_5 = arith.cmpi ne, %convert_element_type3A_3, %cond3A_4 : i32
    scf.if %cond3A_5 {
      "tpu.region"() ({
        %run_scoped3A_73 = tpu.sem_alloc : memref<!tpu.dma_semaphore, #tpu.memory_space<semaphore_mem>>
        %dma_start3A_74 = arith.constant 9480 : i32
        %dma_start3A_75 = arith.constant 0 : i32
        %dma_start3A_76 = tpu.memref_slice %arg12[%dma_start3A_74, %dma_start3A_75] : memref<10000x128xf32, #tpu.memory_space<vmem_shared>> -> memref<520x128xf32, #tpu.memory_space<vmem_shared>>
        %dma_start3A_77 = arith.constant 0 : i32
        %dma_start3A_78 = arith.constant 0 : i32
        %dma_start3A_79 = tpu.memref_slice %arg4[%dma_start3A_77, %dma_start3A_78] : memref<632x128xf32, #tpu.memory_space<hbm>> -> memref<520x128xf32, #tpu.memory_space<hbm>>
        tpu.enqueue_dma source(%dma_start3A_79 : memref<520x128xf32, #tpu.memory_space<hbm>>) target(%dma_start3A_76 : memref<520x128xf32, #tpu.memory_space<vmem_shared>>) target_semaphore(%run_scoped3A_73 : memref<!tpu.dma_semaphore, #tpu.memory_space<semaphore_mem>>)
        %dma_wait3A = arith.constant 9480 : i32
        %dma_wait3A_80 = arith.constant 0 : i32
        %dma_wait3A_81 = tpu.memref_slice %arg12[%dma_wait3A, %dma_wait3A_80] : memref<10000x128xf32, #tpu.memory_space<vmem_shared>> -> memref<520x128xf32, #tpu.memory_space<vmem_shared>>
        %dma_wait3A_82 = arith.constant 0 : i32
        %dma_wait3A_83 = arith.constant 0 : i32
        %dma_wait3A_84 = tpu.memref_slice %arg4[%dma_wait3A_82, %dma_wait3A_83] : memref<632x128xf32, #tpu.memory_space<hbm>> -> memref<520x128xf32, #tpu.memory_space<hbm>>
        tpu.wait_dma2 semaphore(%run_scoped3A_73 : memref<!tpu.dma_semaphore, #tpu.memory_space<semaphore_mem>>) src(%dma_wait3A_84 : memref<520x128xf32, #tpu.memory_space<hbm>>) dst(%dma_wait3A_81 : memref<520x128xf32, #tpu.memory_space<vmem_shared>>)
        tpu.yield
      }) : () -> ()
    } else {
    }
    %mul3A = arith.constant 1250 : i32
    %mul3A_6 = arith.muli %arg0, %mul3A : i32
    %mul3A_7 = arith.constant 78 : i32
    %mul3A_8 = arith.muli %arg1, %mul3A_7 : i32
    %add3A = arith.addi %mul3A_6, %mul3A_8 : i32
    %min3A = arith.constant 2 : i32
    %min3A_9 = arith.minsi %arg1, %min3A : i32
    %add3A_10 = arith.addi %add3A, %min3A_9 : i32
    %mul3A_11 = arith.constant 128 : i32
    %mul3A_12 = arith.muli %add3A_10, %mul3A_11 : i32
    %add3A_13 = arith.constant 0 : i32
    %add3A_14 = arith.addi %mul3A_12, %add3A_13 : i32
    %run_scoped3A = arith.constant 0 : i32
    "tpu.region"() ({
      %run_scoped3A_73 = tpu.sem_alloc : memref<!tpu.dma_semaphore, #tpu.memory_space<semaphore_mem>>
      %dma_start3A_74 = arith.constant 0 : i32
      %dma_start3A_75 = tpu.memref_slice %arg6[%dma_start3A_74] : memref<5120xi32, #tpu.memory_space<vmem>> -> memref<5120xi32, #tpu.memory_space<vmem>>
      %dma_start3A_76 = arith.constant 0 : i32
      %dma_start3A_77 = tpu.memref_slice %arg3[%run_scoped3A, %dma_start3A_76] : memref<2x320000xi32, #tpu.memory_space<hbm>> -> memref<1x320000xi32, #tpu.memory_space<hbm>>
      %dma_start3A_78 = tpu.memref_squeeze %dma_start3A_77 : memref<1x320000xi32, #tpu.memory_space<hbm>> -> memref<320000xi32, #tpu.memory_space<hbm>>
      %dma_start3A_79 = tpu.memref_slice %dma_start3A_78[%add3A_14] : memref<320000xi32, #tpu.memory_space<hbm>> -> memref<5120xi32, #tpu.memory_space<hbm>>
      %dma_start3A_80 = arith.constant 0 : i32
      %dma_start3A_81 = tpu.memref_slice %arg6[%dma_start3A_80] : memref<5120xi32, #tpu.memory_space<vmem>> -> memref<5120xi32, #tpu.memory_space<vmem>>
      %dma_start3A_82 = arith.constant 0 : i32
      %dma_start3A_83 = tpu.memref_slice %arg3[%run_scoped3A, %dma_start3A_82] : memref<2x320000xi32, #tpu.memory_space<hbm>> -> memref<1x320000xi32, #tpu.memory_space<hbm>>
      %dma_start3A_84 = tpu.memref_squeeze %dma_start3A_83 : memref<1x320000xi32, #tpu.memory_space<hbm>> -> memref<320000xi32, #tpu.memory_space<hbm>>
      %dma_start3A_85 = tpu.memref_slice %dma_start3A_84[%add3A_14] : memref<320000xi32, #tpu.memory_space<hbm>> -> memref<5120xi32, #tpu.memory_space<hbm>>
      tpu.enqueue_dma source(%dma_start3A_85 : memref<5120xi32, #tpu.memory_space<hbm>>) target(%dma_start3A_81 : memref<5120xi32, #tpu.memory_space<vmem>>) target_semaphore(%run_scoped3A_73 : memref<!tpu.dma_semaphore, #tpu.memory_space<semaphore_mem>>)
      %dma_wait3A = arith.constant 0 : i32
      %dma_wait3A_86 = tpu.memref_slice %arg6[%dma_wait3A] : memref<5120xi32, #tpu.memory_space<vmem>> -> memref<5120xi32, #tpu.memory_space<vmem>>
      %dma_wait3A_87 = arith.constant 0 : i32
      %dma_wait3A_88 = tpu.memref_slice %arg3[%run_scoped3A, %dma_wait3A_87] : memref<2x320000xi32, #tpu.memory_space<hbm>> -> memref<1x320000xi32, #tpu.memory_space<hbm>>
      %dma_wait3A_89 = tpu.memref_squeeze %dma_wait3A_88 : memref<1x320000xi32, #tpu.memory_space<hbm>> -> memref<320000xi32, #tpu.memory_space<hbm>>
      %dma_wait3A_90 = tpu.memref_slice %dma_wait3A_89[%add3A_14] : memref<320000xi32, #tpu.memory_space<hbm>> -> memref<5120xi32, #tpu.memory_space<hbm>>
      %dma_wait3A_91 = arith.constant 0 : i32
      %dma_wait3A_92 = tpu.memref_slice %arg6[%dma_wait3A_91] : memref<5120xi32, #tpu.memory_space<vmem>> -> memref<5120xi32, #tpu.memory_space<vmem>>
      %dma_wait3A_93 = arith.constant 0 : i32
      %dma_wait3A_94 = tpu.memref_slice %arg3[%run_scoped3A, %dma_wait3A_93] : memref<2x320000xi32, #tpu.memory_space<hbm>> -> memref<1x320000xi32, #tpu.memory_space<hbm>>
      %dma_wait3A_95 = tpu.memref_squeeze %dma_wait3A_94 : memref<1x320000xi32, #tpu.memory_space<hbm>> -> memref<320000xi32, #tpu.memory_space<hbm>>
      %dma_wait3A_96 = tpu.memref_slice %dma_wait3A_95[%add3A_14] : memref<320000xi32, #tpu.memory_space<hbm>> -> memref<5120xi32, #tpu.memory_space<hbm>>
      tpu.wait_dma2 semaphore(%run_scoped3A_73 : memref<!tpu.dma_semaphore, #tpu.memory_space<semaphore_mem>>) src(%dma_wait3A_96 : memref<5120xi32, #tpu.memory_space<hbm>>) dst(%dma_wait3A_92 : memref<5120xi32, #tpu.memory_space<vmem>>)
      tpu.yield
    }) : () -> ()
    %add3A_15 = arith.constant 0 : i32
    %add3A_16 = arith.addi %mul3A_12, %add3A_15 : i32
    %run_scoped3A_17 = arith.constant 1 : i32
    "tpu.region"() ({
      %run_scoped3A_73 = tpu.sem_alloc : memref<!tpu.dma_semaphore, #tpu.memory_space<semaphore_mem>>
      %dma_start3A_74 = arith.constant 0 : i32
      %dma_start3A_75 = tpu.memref_slice %arg7[%dma_start3A_74] : memref<5120xi32, #tpu.memory_space<vmem>> -> memref<5120xi32, #tpu.memory_space<vmem>>
      %dma_start3A_76 = arith.constant 0 : i32
      %dma_start3A_77 = tpu.memref_slice %arg3[%run_scoped3A_17, %dma_start3A_76] : memref<2x320000xi32, #tpu.memory_space<hbm>> -> memref<1x320000xi32, #tpu.memory_space<hbm>>
      %dma_start3A_78 = tpu.memref_squeeze %dma_start3A_77 : memref<1x320000xi32, #tpu.memory_space<hbm>> -> memref<320000xi32, #tpu.memory_space<hbm>>
      %dma_start3A_79 = tpu.memref_slice %dma_start3A_78[%add3A_16] : memref<320000xi32, #tpu.memory_space<hbm>> -> memref<5120xi32, #tpu.memory_space<hbm>>
      %dma_start3A_80 = arith.constant 0 : i32
      %dma_start3A_81 = tpu.memref_slice %arg7[%dma_start3A_80] : memref<5120xi32, #tpu.memory_space<vmem>> -> memref<5120xi32, #tpu.memory_space<vmem>>
      %dma_start3A_82 = arith.constant 0 : i32
      %dma_start3A_83 = tpu.memref_slice %arg3[%run_scoped3A_17, %dma_start3A_82] : memref<2x320000xi32, #tpu.memory_space<hbm>> -> memref<1x320000xi32, #tpu.memory_space<hbm>>
      %dma_start3A_84 = tpu.memref_squeeze %dma_start3A_83 : memref<1x320000xi32, #tpu.memory_space<hbm>> -> memref<320000xi32, #tpu.memory_space<hbm>>
      %dma_start3A_85 = tpu.memref_slice %dma_start3A_84[%add3A_16] : memref<320000xi32, #tpu.memory_space<hbm>> -> memref<5120xi32, #tpu.memory_space<hbm>>
      tpu.enqueue_dma source(%dma_start3A_85 : memref<5120xi32, #tpu.memory_space<hbm>>) target(%dma_start3A_81 : memref<5120xi32, #tpu.memory_space<vmem>>) target_semaphore(%run_scoped3A_73 : memref<!tpu.dma_semaphore, #tpu.memory_space<semaphore_mem>>)
      %dma_wait3A = arith.constant 0 : i32
      %dma_wait3A_86 = tpu.memref_slice %arg7[%dma_wait3A] : memref<5120xi32, #tpu.memory_space<vmem>> -> memref<5120xi32, #tpu.memory_space<vmem>>
      %dma_wait3A_87 = arith.constant 0 : i32
      %dma_wait3A_88 = tpu.memref_slice %arg3[%run_scoped3A_17, %dma_wait3A_87] : memref<2x320000xi32, #tpu.memory_space<hbm>> -> memref<1x320000xi32, #tpu.memory_space<hbm>>
      %dma_wait3A_89 = tpu.memref_squeeze %dma_wait3A_88 : memref<1x320000xi32, #tpu.memory_space<hbm>> -> memref<320000xi32, #tpu.memory_space<hbm>>
      %dma_wait3A_90 = tpu.memref_slice %dma_wait3A_89[%add3A_16] : memref<320000xi32, #tpu.memory_space<hbm>> -> memref<5120xi32, #tpu.memory_space<hbm>>
      %dma_wait3A_91 = arith.constant 0 : i32
      %dma_wait3A_92 = tpu.memref_slice %arg7[%dma_wait3A_91] : memref<5120xi32, #tpu.memory_space<vmem>> -> memref<5120xi32, #tpu.memory_space<vmem>>
      %dma_wait3A_93 = arith.constant 0 : i32
      %dma_wait3A_94 = tpu.memref_slice %arg3[%run_scoped3A_17, %dma_wait3A_93] : memref<2x320000xi32, #tpu.memory_space<hbm>> -> memref<1x320000xi32, #tpu.memory_space<hbm>>
      %dma_wait3A_95 = tpu.memref_squeeze %dma_wait3A_94 : memref<1x320000xi32, #tpu.memory_space<hbm>> -> memref<320000xi32, #tpu.memory_space<hbm>>
      %dma_wait3A_96 = tpu.memref_slice %dma_wait3A_95[%add3A_16] : memref<320000xi32, #tpu.memory_space<hbm>> -> memref<5120xi32, #tpu.memory_space<hbm>>
      tpu.wait_dma2 semaphore(%run_scoped3A_73 : memref<!tpu.dma_semaphore, #tpu.memory_space<semaphore_mem>>) src(%dma_wait3A_96 : memref<5120xi32, #tpu.memory_space<hbm>>) dst(%dma_wait3A_92 : memref<5120xi32, #tpu.memory_space<vmem>>)
      tpu.yield
    }) : () -> ()
    %barrier3A = arith.constant 0 : index
    tpu.barrier barrier_id(%barrier3A)
    %dma_start3A = arith.constant 0 : i32
    %dma_start3A_18 = tpu.memref_slice %arg6[%dma_start3A] : memref<5120xi32, #tpu.memory_space<vmem>> -> memref<128xi32, #tpu.memory_space<vmem>>
    %dma_start3A_19 = arith.constant 0 : i32
    %dma_start3A_20 = arith.constant 0 : i32
    %dma_start3A_21 = tpu.memref_slice %arg2[%dma_start3A_19, %dma_start3A_20] : memref<10000x128xf32, #tpu.memory_space<hbm>> -> memref<10000x128xf32, #tpu.memory_space<hbm>>
    tpu.enqueue_indirect_dma source(%dma_start3A_21 : memref<10000x128xf32, #tpu.memory_space<hbm>>) target(%arg8 : memref<128x128xf32, #tpu.memory_space<vmem>>) offsets(%dma_start3A_18 : memref<128xi32, #tpu.memory_space<vmem>>) semaphore(%arg10 : memref<!tpu.dma_semaphore, #tpu.memory_space<semaphore_mem>>)
    %dma_start3A_22 = arith.constant 128 : i32
    %dma_start3A_23 = tpu.memref_slice %arg6[%dma_start3A_22] : memref<5120xi32, #tpu.memory_space<vmem>> -> memref<128xi32, #tpu.memory_space<vmem>>
    %dma_start3A_24 = arith.constant 0 : i32
    %dma_start3A_25 = arith.constant 0 : i32
    %dma_start3A_26 = tpu.memref_slice %arg2[%dma_start3A_24, %dma_start3A_25] : memref<10000x128xf32, #tpu.memory_space<hbm>> -> memref<10000x128xf32, #tpu.memory_space<hbm>>
    tpu.enqueue_indirect_dma source(%dma_start3A_26 : memref<10000x128xf32, #tpu.memory_space<hbm>>) target(%arg9 : memref<128x128xf32, #tpu.memory_space<vmem>>) offsets(%dma_start3A_23 : memref<128xi32, #tpu.memory_space<vmem>>) semaphore(%arg11 : memref<!tpu.dma_semaphore, #tpu.memory_space<semaphore_mem>>)
    %scan3A = arith.constant 0 : i32
    %scan3A_27 = arith.constant 20 : i32
    %scan3A_28 = arith.addi %scan3A, %scan3A_27 : i32
    %scan3A_29 = arith.constant 1 : i32
    scf.for %scan3A_73 = %scan3A to %scan3A_28 step %scan3A_29  : i32 {
      %mul3A_74 = arith.constant 1 : i32
      %mul3A_75 = arith.muli %scan3A_73, %mul3A_74 : i32
      %add3A_76 = arith.constant 0 : i32
      %add3A_77 = arith.addi %add3A_76, %mul3A_75 : i32
      %mul3A_78 = arith.constant 2 : i32
      %mul3A_79 = arith.muli %add3A_77, %mul3A_78 : i32
      %add3A_80 = arith.constant 0 : i32
      %add3A_81 = arith.addi %mul3A_79, %add3A_80 : i32
      %mul3A_82 = arith.constant 128 : i32
      %mul3A_83 = arith.muli %add3A_81, %mul3A_82 : i32
      %dma_wait3A = tpu.memref_slice %arg6[%mul3A_83] : memref<5120xi32, #tpu.memory_space<vmem>> -> memref<128xi32, #tpu.memory_space<vmem>>
      %dma_wait3A_84 = arith.constant 0 : i32
      %dma_wait3A_85 = arith.constant 0 : i32
      %dma_wait3A_86 = tpu.memref_slice %arg2[%dma_wait3A_84, %dma_wait3A_85] : memref<10000x128xf32, #tpu.memory_space<hbm>> -> memref<10000x128xf32, #tpu.memory_space<hbm>>
      tpu.wait_indirect_dma semaphore(%arg10 : memref<!tpu.dma_semaphore, #tpu.memory_space<semaphore_mem>>) src(%dma_wait3A_86 : memref<10000x128xf32, #tpu.memory_space<hbm>>) dst(%arg8 : memref<128x128xf32, #tpu.memory_space<vmem>>)
      %mul3A_87 = arith.constant 128 : i32
      %mul3A_88 = arith.muli %add3A_81, %mul3A_87 : i32
      "tpu.region"() ({
        %run_scoped3A_115 = tpu.sem_alloc : memref<!tpu.dma_semaphore, #tpu.memory_space<semaphore_mem>>
        %dma_start3A_116 = tpu.memref_slice %arg7[%mul3A_88] : memref<5120xi32, #tpu.memory_space<vmem>> -> memref<128xi32, #tpu.memory_space<vmem>>
        %dma_start3A_117 = arith.constant 0 : i32
        %dma_start3A_118 = arith.constant 0 : i32
        %dma_start3A_119 = tpu.memref_slice %arg12[%dma_start3A_117, %dma_start3A_118] : memref<10000x128xf32, #tpu.memory_space<vmem_shared>> -> memref<10000x128xf32, #tpu.memory_space<vmem_shared>>
        tpu.enqueue_indirect_dma source(%arg8 : memref<128x128xf32, #tpu.memory_space<vmem>>) target(%dma_start3A_119 : memref<10000x128xf32, #tpu.memory_space<vmem_shared>>) offsets(%dma_start3A_116 : memref<128xi32, #tpu.memory_space<vmem>>) semaphore(%run_scoped3A_115 : memref<!tpu.dma_semaphore, #tpu.memory_space<semaphore_mem>>) {add = true}
        %dma_wait3A_120 = tpu.memref_slice %arg7[%mul3A_88] : memref<5120xi32, #tpu.memory_space<vmem>> -> memref<128xi32, #tpu.memory_space<vmem>>
        %dma_wait3A_121 = arith.constant 0 : i32
        %dma_wait3A_122 = arith.constant 0 : i32
        %dma_wait3A_123 = tpu.memref_slice %arg12[%dma_wait3A_121, %dma_wait3A_122] : memref<10000x128xf32, #tpu.memory_space<vmem_shared>> -> memref<10000x128xf32, #tpu.memory_space<vmem_shared>>
        tpu.wait_indirect_dma semaphore(%run_scoped3A_115 : memref<!tpu.dma_semaphore, #tpu.memory_space<semaphore_mem>>) src(%arg8 : memref<128x128xf32, #tpu.memory_space<vmem>>) dst(%dma_wait3A_123 : memref<10000x128xf32, #tpu.memory_space<vmem_shared>>)
        tpu.yield
      }) : () -> ()
      %add3A_89 = arith.constant 2 : i32
      %add3A_90 = arith.addi %add3A_81, %add3A_89 : i32
      %lt3A_91 = arith.constant 40 : i32
      %lt3A_92 = arith.cmpi slt, %add3A_90, %lt3A_91 : i32
      %convert_element_type3A_93 = arith.extui %lt3A_92 : i1 to i32
      %cond3A_94 = arith.constant 0 : i32
      %cond3A_95 = arith.cmpi ne, %convert_element_type3A_93, %cond3A_94 : i32
      scf.if %cond3A_95 {
        %add3A_115 = arith.constant 2 : i32
        %add3A_116 = arith.addi %add3A_81, %add3A_115 : i32
        %mul3A_117 = arith.constant 128 : i32
        %mul3A_118 = arith.muli %add3A_116, %mul3A_117 : i32
        %dma_start3A_119 = tpu.memref_slice %arg6[%mul3A_118] : memref<5120xi32, #tpu.memory_space<vmem>> -> memref<128xi32, #tpu.memory_space<vmem>>
        %dma_start3A_120 = arith.constant 0 : i32
        %dma_start3A_121 = arith.constant 0 : i32
        %dma_start3A_122 = tpu.memref_slice %arg2[%dma_start3A_120, %dma_start3A_121] : memref<10000x128xf32, #tpu.memory_space<hbm>> -> memref<10000x128xf32, #tpu.memory_space<hbm>>
        tpu.enqueue_indirect_dma source(%dma_start3A_122 : memref<10000x128xf32, #tpu.memory_space<hbm>>) target(%arg8 : memref<128x128xf32, #tpu.memory_space<vmem>>) offsets(%dma_start3A_119 : memref<128xi32, #tpu.memory_space<vmem>>) semaphore(%arg10 : memref<!tpu.dma_semaphore, #tpu.memory_space<semaphore_mem>>)
      } else {
      }
      %mul3A_96 = arith.constant 2 : i32
      %mul3A_97 = arith.muli %add3A_77, %mul3A_96 : i32
      %add3A_98 = arith.constant 1 : i32
      %add3A_99 = arith.addi %mul3A_97, %add3A_98 : i32
      %mul3A_100 = arith.constant 128 : i32
      %mul3A_101 = arith.muli %add3A_99, %mul3A_100 : i32
      %dma_wait3A_102 = tpu.memref_slice %arg6[%mul3A_101] : memref<5120xi32, #tpu.memory_space<vmem>> -> memref<128xi32, #tpu.memory_space<vmem>>
      %dma_wait3A_103 = arith.constant 0 : i32
      %dma_wait3A_104 = arith.constant 0 : i32
      %dma_wait3A_105 = tpu.memref_slice %arg2[%dma_wait3A_103, %dma_wait3A_104] : memref<10000x128xf32, #tpu.memory_space<hbm>> -> memref<10000x128xf32, #tpu.memory_space<hbm>>
      tpu.wait_indirect_dma semaphore(%arg11 : memref<!tpu.dma_semaphore, #tpu.memory_space<semaphore_mem>>) src(%dma_wait3A_105 : memref<10000x128xf32, #tpu.memory_space<hbm>>) dst(%arg9 : memref<128x128xf32, #tpu.memory_space<vmem>>)
      %mul3A_106 = arith.constant 128 : i32
      %mul3A_107 = arith.muli %add3A_99, %mul3A_106 : i32
      "tpu.region"() ({
        %run_scoped3A_115 = tpu.sem_alloc : memref<!tpu.dma_semaphore, #tpu.memory_space<semaphore_mem>>
        %dma_start3A_116 = tpu.memref_slice %arg7[%mul3A_107] : memref<5120xi32, #tpu.memory_space<vmem>> -> memref<128xi32, #tpu.memory_space<vmem>>
        %dma_start3A_117 = arith.constant 0 : i32
        %dma_start3A_118 = arith.constant 0 : i32
        %dma_start3A_119 = tpu.memref_slice %arg12[%dma_start3A_117, %dma_start3A_118] : memref<10000x128xf32, #tpu.memory_space<vmem_shared>> -> memref<10000x128xf32, #tpu.memory_space<vmem_shared>>
        tpu.enqueue_indirect_dma source(%arg9 : memref<128x128xf32, #tpu.memory_space<vmem>>) target(%dma_start3A_119 : memref<10000x128xf32, #tpu.memory_space<vmem_shared>>) offsets(%dma_start3A_116 : memref<128xi32, #tpu.memory_space<vmem>>) semaphore(%run_scoped3A_115 : memref<!tpu.dma_semaphore, #tpu.memory_space<semaphore_mem>>) {add = true}
        %dma_wait3A_120 = tpu.memref_slice %arg7[%mul3A_107] : memref<5120xi32, #tpu.memory_space<vmem>> -> memref<128xi32, #tpu.memory_space<vmem>>
        %dma_wait3A_121 = arith.constant 0 : i32
        %dma_wait3A_122 = arith.constant 0 : i32
        %dma_wait3A_123 = tpu.memref_slice %arg12[%dma_wait3A_121, %dma_wait3A_122] : memref<10000x128xf32, #tpu.memory_space<vmem_shared>> -> memref<10000x128xf32, #tpu.memory_space<vmem_shared>>
        tpu.wait_indirect_dma semaphore(%run_scoped3A_115 : memref<!tpu.dma_semaphore, #tpu.memory_space<semaphore_mem>>) src(%arg9 : memref<128x128xf32, #tpu.memory_space<vmem>>) dst(%dma_wait3A_123 : memref<10000x128xf32, #tpu.memory_space<vmem_shared>>)
        tpu.yield
      }) : () -> ()
      %add3A_108 = arith.constant 2 : i32
      %add3A_109 = arith.addi %add3A_99, %add3A_108 : i32
      %lt3A_110 = arith.constant 40 : i32
      %lt3A_111 = arith.cmpi slt, %add3A_109, %lt3A_110 : i32
      %convert_element_type3A_112 = arith.extui %lt3A_111 : i1 to i32
      %cond3A_113 = arith.constant 0 : i32
      %cond3A_114 = arith.cmpi ne, %convert_element_type3A_112, %cond3A_113 : i32
      scf.if %cond3A_114 {
        %add3A_115 = arith.constant 2 : i32
        %add3A_116 = arith.addi %add3A_99, %add3A_115 : i32
        %mul3A_117 = arith.constant 128 : i32
        %mul3A_118 = arith.muli %add3A_116, %mul3A_117 : i32
        %dma_start3A_119 = tpu.memref_slice %arg6[%mul3A_118] : memref<5120xi32, #tpu.memory_space<vmem>> -> memref<128xi32, #tpu.memory_space<vmem>>
        %dma_start3A_120 = arith.constant 0 : i32
        %dma_start3A_121 = arith.constant 0 : i32
        %dma_start3A_122 = tpu.memref_slice %arg2[%dma_start3A_120, %dma_start3A_121] : memref<10000x128xf32, #tpu.memory_space<hbm>> -> memref<10000x128xf32, #tpu.memory_space<hbm>>
        tpu.enqueue_indirect_dma source(%dma_start3A_122 : memref<10000x128xf32, #tpu.memory_space<hbm>>) target(%arg9 : memref<128x128xf32, #tpu.memory_space<vmem>>) offsets(%dma_start3A_119 : memref<128xi32, #tpu.memory_space<vmem>>) semaphore(%arg11 : memref<!tpu.dma_semaphore, #tpu.memory_space<semaphore_mem>>)
      } else {
      }
    }
    %scan3A_30 = arith.constant 20 : i32
    %add3A_31 = arith.constant 5120 : i32
    %add3A_32 = arith.addi %mul3A_12, %add3A_31 : i32
    %run_scoped3A_33 = arith.constant 0 : i32
    "tpu.region"() ({
      %run_scoped3A_73 = tpu.sem_alloc : memref<!tpu.dma_semaphore, #tpu.memory_space<semaphore_mem>>
      %dma_start3A_74 = arith.constant 0 : i32
      %dma_start3A_75 = tpu.memref_slice %arg6[%dma_start3A_74] : memref<5120xi32, #tpu.memory_space<vmem>> -> memref<4864xi32, #tpu.memory_space<vmem>>
      %dma_start3A_76 = arith.constant 0 : i32
      %dma_start3A_77 = tpu.memref_slice %arg3[%run_scoped3A_33, %dma_start3A_76] : memref<2x320000xi32, #tpu.memory_space<hbm>> -> memref<1x320000xi32, #tpu.memory_space<hbm>>
      %dma_start3A_78 = tpu.memref_squeeze %dma_start3A_77 : memref<1x320000xi32, #tpu.memory_space<hbm>> -> memref<320000xi32, #tpu.memory_space<hbm>>
      %dma_start3A_79 = tpu.memref_slice %dma_start3A_78[%add3A_32] : memref<320000xi32, #tpu.memory_space<hbm>> -> memref<4864xi32, #tpu.memory_space<hbm>>
      %dma_start3A_80 = arith.constant 0 : i32
      %dma_start3A_81 = tpu.memref_slice %arg6[%dma_start3A_80] : memref<5120xi32, #tpu.memory_space<vmem>> -> memref<4864xi32, #tpu.memory_space<vmem>>
      %dma_start3A_82 = arith.constant 0 : i32
      %dma_start3A_83 = tpu.memref_slice %arg3[%run_scoped3A_33, %dma_start3A_82] : memref<2x320000xi32, #tpu.memory_space<hbm>> -> memref<1x320000xi32, #tpu.memory_space<hbm>>
      %dma_start3A_84 = tpu.memref_squeeze %dma_start3A_83 : memref<1x320000xi32, #tpu.memory_space<hbm>> -> memref<320000xi32, #tpu.memory_space<hbm>>
      %dma_start3A_85 = tpu.memref_slice %dma_start3A_84[%add3A_32] : memref<320000xi32, #tpu.memory_space<hbm>> -> memref<4864xi32, #tpu.memory_space<hbm>>
      tpu.enqueue_dma source(%dma_start3A_85 : memref<4864xi32, #tpu.memory_space<hbm>>) target(%dma_start3A_81 : memref<4864xi32, #tpu.memory_space<vmem>>) target_semaphore(%run_scoped3A_73 : memref<!tpu.dma_semaphore, #tpu.memory_space<semaphore_mem>>)
      %dma_wait3A = arith.constant 0 : i32
      %dma_wait3A_86 = tpu.memref_slice %arg6[%dma_wait3A] : memref<5120xi32, #tpu.memory_space<vmem>> -> memref<4864xi32, #tpu.memory_space<vmem>>
      %dma_wait3A_87 = arith.constant 0 : i32
      %dma_wait3A_88 = tpu.memref_slice %arg3[%run_scoped3A_33, %dma_wait3A_87] : memref<2x320000xi32, #tpu.memory_space<hbm>> -> memref<1x320000xi32, #tpu.memory_space<hbm>>
      %dma_wait3A_89 = tpu.memref_squeeze %dma_wait3A_88 : memref<1x320000xi32, #tpu.memory_space<hbm>> -> memref<320000xi32, #tpu.memory_space<hbm>>
      %dma_wait3A_90 = tpu.memref_slice %dma_wait3A_89[%add3A_32] : memref<320000xi32, #tpu.memory_space<hbm>> -> memref<4864xi32, #tpu.memory_space<hbm>>
      %dma_wait3A_91 = arith.constant 0 : i32
      %dma_wait3A_92 = tpu.memref_slice %arg6[%dma_wait3A_91] : memref<5120xi32, #tpu.memory_space<vmem>> -> memref<4864xi32, #tpu.memory_space<vmem>>
      %dma_wait3A_93 = arith.constant 0 : i32
      %dma_wait3A_94 = tpu.memref_slice %arg3[%run_scoped3A_33, %dma_wait3A_93] : memref<2x320000xi32, #tpu.memory_space<hbm>> -> memref<1x320000xi32, #tpu.memory_space<hbm>>
      %dma_wait3A_95 = tpu.memref_squeeze %dma_wait3A_94 : memref<1x320000xi32, #tpu.memory_space<hbm>> -> memref<320000xi32, #tpu.memory_space<hbm>>
      %dma_wait3A_96 = tpu.memref_slice %dma_wait3A_95[%add3A_32] : memref<320000xi32, #tpu.memory_space<hbm>> -> memref<4864xi32, #tpu.memory_space<hbm>>
      tpu.wait_dma2 semaphore(%run_scoped3A_73 : memref<!tpu.dma_semaphore, #tpu.memory_space<semaphore_mem>>) src(%dma_wait3A_96 : memref<4864xi32, #tpu.memory_space<hbm>>) dst(%dma_wait3A_92 : memref<4864xi32, #tpu.memory_space<vmem>>)
      tpu.yield
    }) : () -> ()
    %add3A_34 = arith.constant 5120 : i32
    %add3A_35 = arith.addi %mul3A_12, %add3A_34 : i32
    %run_scoped3A_36 = arith.constant 1 : i32
    "tpu.region"() ({
      %run_scoped3A_73 = tpu.sem_alloc : memref<!tpu.dma_semaphore, #tpu.memory_space<semaphore_mem>>
      %dma_start3A_74 = arith.constant 0 : i32
      %dma_start3A_75 = tpu.memref_slice %arg7[%dma_start3A_74] : memref<5120xi32, #tpu.memory_space<vmem>> -> memref<4864xi32, #tpu.memory_space<vmem>>
      %dma_start3A_76 = arith.constant 0 : i32
      %dma_start3A_77 = tpu.memref_slice %arg3[%run_scoped3A_36, %dma_start3A_76] : memref<2x320000xi32, #tpu.memory_space<hbm>> -> memref<1x320000xi32, #tpu.memory_space<hbm>>
      %dma_start3A_78 = tpu.memref_squeeze %dma_start3A_77 : memref<1x320000xi32, #tpu.memory_space<hbm>> -> memref<320000xi32, #tpu.memory_space<hbm>>
      %dma_start3A_79 = tpu.memref_slice %dma_start3A_78[%add3A_35] : memref<320000xi32, #tpu.memory_space<hbm>> -> memref<4864xi32, #tpu.memory_space<hbm>>
      %dma_start3A_80 = arith.constant 0 : i32
      %dma_start3A_81 = tpu.memref_slice %arg7[%dma_start3A_80] : memref<5120xi32, #tpu.memory_space<vmem>> -> memref<4864xi32, #tpu.memory_space<vmem>>
      %dma_start3A_82 = arith.constant 0 : i32
      %dma_start3A_83 = tpu.memref_slice %arg3[%run_scoped3A_36, %dma_start3A_82] : memref<2x320000xi32, #tpu.memory_space<hbm>> -> memref<1x320000xi32, #tpu.memory_space<hbm>>
      %dma_start3A_84 = tpu.memref_squeeze %dma_start3A_83 : memref<1x320000xi32, #tpu.memory_space<hbm>> -> memref<320000xi32, #tpu.memory_space<hbm>>
      %dma_start3A_85 = tpu.memref_slice %dma_start3A_84[%add3A_35] : memref<320000xi32, #tpu.memory_space<hbm>> -> memref<4864xi32, #tpu.memory_space<hbm>>
      tpu.enqueue_dma source(%dma_start3A_85 : memref<4864xi32, #tpu.memory_space<hbm>>) target(%dma_start3A_81 : memref<4864xi32, #tpu.memory_space<vmem>>) target_semaphore(%run_scoped3A_73 : memref<!tpu.dma_semaphore, #tpu.memory_space<semaphore_mem>>)
      %dma_wait3A = arith.constant 0 : i32
      %dma_wait3A_86 = tpu.memref_slice %arg7[%dma_wait3A] : memref<5120xi32, #tpu.memory_space<vmem>> -> memref<4864xi32, #tpu.memory_space<vmem>>
      %dma_wait3A_87 = arith.constant 0 : i32
      %dma_wait3A_88 = tpu.memref_slice %arg3[%run_scoped3A_36, %dma_wait3A_87] : memref<2x320000xi32, #tpu.memory_space<hbm>> -> memref<1x320000xi32, #tpu.memory_space<hbm>>
      %dma_wait3A_89 = tpu.memref_squeeze %dma_wait3A_88 : memref<1x320000xi32, #tpu.memory_space<hbm>> -> memref<320000xi32, #tpu.memory_space<hbm>>
      %dma_wait3A_90 = tpu.memref_slice %dma_wait3A_89[%add3A_35] : memref<320000xi32, #tpu.memory_space<hbm>> -> memref<4864xi32, #tpu.memory_space<hbm>>
      %dma_wait3A_91 = arith.constant 0 : i32
      %dma_wait3A_92 = tpu.memref_slice %arg7[%dma_wait3A_91] : memref<5120xi32, #tpu.memory_space<vmem>> -> memref<4864xi32, #tpu.memory_space<vmem>>
      %dma_wait3A_93 = arith.constant 0 : i32
      %dma_wait3A_94 = tpu.memref_slice %arg3[%run_scoped3A_36, %dma_wait3A_93] : memref<2x320000xi32, #tpu.memory_space<hbm>> -> memref<1x320000xi32, #tpu.memory_space<hbm>>
      %dma_wait3A_95 = tpu.memref_squeeze %dma_wait3A_94 : memref<1x320000xi32, #tpu.memory_space<hbm>> -> memref<320000xi32, #tpu.memory_space<hbm>>
      %dma_wait3A_96 = tpu.memref_slice %dma_wait3A_95[%add3A_35] : memref<320000xi32, #tpu.memory_space<hbm>> -> memref<4864xi32, #tpu.memory_space<hbm>>
      tpu.wait_dma2 semaphore(%run_scoped3A_73 : memref<!tpu.dma_semaphore, #tpu.memory_space<semaphore_mem>>) src(%dma_wait3A_96 : memref<4864xi32, #tpu.memory_space<hbm>>) dst(%dma_wait3A_92 : memref<4864xi32, #tpu.memory_space<vmem>>)
      tpu.yield
    }) : () -> ()
    %lt3A_37 = arith.constant 2 : i32
    %lt3A_38 = arith.cmpi slt, %arg1, %lt3A_37 : i32
    %convert_element_type3A_39 = arith.extui %lt3A_38 : i1 to i32
    %cond3A_40 = arith.constant 0 : i32
    %cond3A_41 = arith.cmpi ne, %convert_element_type3A_39, %cond3A_40 : i32
    scf.if %cond3A_41 {
      %add3A_73 = arith.constant 9984 : i32
      %add3A_74 = arith.addi %mul3A_12, %add3A_73 : i32
      %run_scoped3A_75 = arith.constant 0 : i32
      "tpu.region"() ({
        %run_scoped3A_79 = tpu.sem_alloc : memref<!tpu.dma_semaphore, #tpu.memory_space<semaphore_mem>>
        %dma_start3A_80 = arith.constant 4864 : i32
        %dma_start3A_81 = tpu.memref_slice %arg6[%dma_start3A_80] : memref<5120xi32, #tpu.memory_space<vmem>> -> memref<128xi32, #tpu.memory_space<vmem>>
        %dma_start3A_82 = arith.constant 0 : i32
        %dma_start3A_83 = tpu.memref_slice %arg3[%run_scoped3A_75, %dma_start3A_82] : memref<2x320000xi32, #tpu.memory_space<hbm>> -> memref<1x320000xi32, #tpu.memory_space<hbm>>
        %dma_start3A_84 = tpu.memref_squeeze %dma_start3A_83 : memref<1x320000xi32, #tpu.memory_space<hbm>> -> memref<320000xi32, #tpu.memory_space<hbm>>
        %dma_start3A_85 = tpu.memref_slice %dma_start3A_84[%add3A_74] : memref<320000xi32, #tpu.memory_space<hbm>> -> memref<128xi32, #tpu.memory_space<hbm>>
        %dma_start3A_86 = arith.constant 4864 : i32
        %dma_start3A_87 = tpu.memref_slice %arg6[%dma_start3A_86] : memref<5120xi32, #tpu.memory_space<vmem>> -> memref<128xi32, #tpu.memory_space<vmem>>
        %dma_start3A_88 = arith.constant 0 : i32
        %dma_start3A_89 = tpu.memref_slice %arg3[%run_scoped3A_75, %dma_start3A_88] : memref<2x320000xi32, #tpu.memory_space<hbm>> -> memref<1x320000xi32, #tpu.memory_space<hbm>>
        %dma_start3A_90 = tpu.memref_squeeze %dma_start3A_89 : memref<1x320000xi32, #tpu.memory_space<hbm>> -> memref<320000xi32, #tpu.memory_space<hbm>>
        %dma_start3A_91 = tpu.memref_slice %dma_start3A_90[%add3A_74] : memref<320000xi32, #tpu.memory_space<hbm>> -> memref<128xi32, #tpu.memory_space<hbm>>
        tpu.enqueue_dma source(%dma_start3A_91 : memref<128xi32, #tpu.memory_space<hbm>>) target(%dma_start3A_87 : memref<128xi32, #tpu.memory_space<vmem>>) target_semaphore(%run_scoped3A_79 : memref<!tpu.dma_semaphore, #tpu.memory_space<semaphore_mem>>)
        %dma_wait3A = arith.constant 4864 : i32
        %dma_wait3A_92 = tpu.memref_slice %arg6[%dma_wait3A] : memref<5120xi32, #tpu.memory_space<vmem>> -> memref<128xi32, #tpu.memory_space<vmem>>
        %dma_wait3A_93 = arith.constant 0 : i32
        %dma_wait3A_94 = tpu.memref_slice %arg3[%run_scoped3A_75, %dma_wait3A_93] : memref<2x320000xi32, #tpu.memory_space<hbm>> -> memref<1x320000xi32, #tpu.memory_space<hbm>>
        %dma_wait3A_95 = tpu.memref_squeeze %dma_wait3A_94 : memref<1x320000xi32, #tpu.memory_space<hbm>> -> memref<320000xi32, #tpu.memory_space<hbm>>
        %dma_wait3A_96 = tpu.memref_slice %dma_wait3A_95[%add3A_74] : memref<320000xi32, #tpu.memory_space<hbm>> -> memref<128xi32, #tpu.memory_space<hbm>>
        %dma_wait3A_97 = arith.constant 4864 : i32
        %dma_wait3A_98 = tpu.memref_slice %arg6[%dma_wait3A_97] : memref<5120xi32, #tpu.memory_space<vmem>> -> memref<128xi32, #tpu.memory_space<vmem>>
        %dma_wait3A_99 = arith.constant 0 : i32
        %dma_wait3A_100 = tpu.memref_slice %arg3[%run_scoped3A_75, %dma_wait3A_99] : memref<2x320000xi32, #tpu.memory_space<hbm>> -> memref<1x320000xi32, #tpu.memory_space<hbm>>
        %dma_wait3A_101 = tpu.memref_squeeze %dma_wait3A_100 : memref<1x320000xi32, #tpu.memory_space<hbm>> -> memref<320000xi32, #tpu.memory_space<hbm>>
        %dma_wait3A_102 = tpu.memref_slice %dma_wait3A_101[%add3A_74] : memref<320000xi32, #tpu.memory_space<hbm>> -> memref<128xi32, #tpu.memory_space<hbm>>
        tpu.wait_dma2 semaphore(%run_scoped3A_79 : memref<!tpu.dma_semaphore, #tpu.memory_space<semaphore_mem>>) src(%dma_wait3A_102 : memref<128xi32, #tpu.memory_space<hbm>>) dst(%dma_wait3A_98 : memref<128xi32, #tpu.memory_space<vmem>>)
        tpu.yield
      }) : () -> ()
      %add3A_76 = arith.constant 9984 : i32
      %add3A_77 = arith.addi %mul3A_12, %add3A_76 : i32
      %run_scoped3A_78 = arith.constant 1 : i32
      "tpu.region"() ({
        %run_scoped3A_79 = tpu.sem_alloc : memref<!tpu.dma_semaphore, #tpu.memory_space<semaphore_mem>>
        %dma_start3A_80 = arith.constant 4864 : i32
        %dma_start3A_81 = tpu.memref_slice %arg7[%dma_start3A_80] : memref<5120xi32, #tpu.memory_space<vmem>> -> memref<128xi32, #tpu.memory_space<vmem>>
        %dma_start3A_82 = arith.constant 0 : i32
        %dma_start3A_83 = tpu.memref_slice %arg3[%run_scoped3A_78, %dma_start3A_82] : memref<2x320000xi32, #tpu.memory_space<hbm>> -> memref<1x320000xi32, #tpu.memory_space<hbm>>
        %dma_start3A_84 = tpu.memref_squeeze %dma_start3A_83 : memref<1x320000xi32, #tpu.memory_space<hbm>> -> memref<320000xi32, #tpu.memory_space<hbm>>
        %dma_start3A_85 = tpu.memref_slice %dma_start3A_84[%add3A_77] : memref<320000xi32, #tpu.memory_space<hbm>> -> memref<128xi32, #tpu.memory_space<hbm>>
        %dma_start3A_86 = arith.constant 4864 : i32
        %dma_start3A_87 = tpu.memref_slice %arg7[%dma_start3A_86] : memref<5120xi32, #tpu.memory_space<vmem>> -> memref<128xi32, #tpu.memory_space<vmem>>
        %dma_start3A_88 = arith.constant 0 : i32
        %dma_start3A_89 = tpu.memref_slice %arg3[%run_scoped3A_78, %dma_start3A_88] : memref<2x320000xi32, #tpu.memory_space<hbm>> -> memref<1x320000xi32, #tpu.memory_space<hbm>>
        %dma_start3A_90 = tpu.memref_squeeze %dma_start3A_89 : memref<1x320000xi32, #tpu.memory_space<hbm>> -> memref<320000xi32, #tpu.memory_space<hbm>>
        %dma_start3A_91 = tpu.memref_slice %dma_start3A_90[%add3A_77] : memref<320000xi32, #tpu.memory_space<hbm>> -> memref<128xi32, #tpu.memory_space<hbm>>
        tpu.enqueue_dma source(%dma_start3A_91 : memref<128xi32, #tpu.memory_space<hbm>>) target(%dma_start3A_87 : memref<128xi32, #tpu.memory_space<vmem>>) target_semaphore(%run_scoped3A_79 : memref<!tpu.dma_semaphore, #tpu.memory_space<semaphore_mem>>)
        %dma_wait3A = arith.constant 4864 : i32
        %dma_wait3A_92 = tpu.memref_slice %arg7[%dma_wait3A] : memref<5120xi32, #tpu.memory_space<vmem>> -> memref<128xi32, #tpu.memory_space<vmem>>
        %dma_wait3A_93 = arith.constant 0 : i32
        %dma_wait3A_94 = tpu.memref_slice %arg3[%run_scoped3A_78, %dma_wait3A_93] : memref<2x320000xi32, #tpu.memory_space<hbm>> -> memref<1x320000xi32, #tpu.memory_space<hbm>>
        %dma_wait3A_95 = tpu.memref_squeeze %dma_wait3A_94 : memref<1x320000xi32, #tpu.memory_space<hbm>> -> memref<320000xi32, #tpu.memory_space<hbm>>
        %dma_wait3A_96 = tpu.memref_slice %dma_wait3A_95[%add3A_77] : memref<320000xi32, #tpu.memory_space<hbm>> -> memref<128xi32, #tpu.memory_space<hbm>>
        %dma_wait3A_97 = arith.constant 4864 : i32
        %dma_wait3A_98 = tpu.memref_slice %arg7[%dma_wait3A_97] : memref<5120xi32, #tpu.memory_space<vmem>> -> memref<128xi32, #tpu.memory_space<vmem>>
        %dma_wait3A_99 = arith.constant 0 : i32
        %dma_wait3A_100 = tpu.memref_slice %arg3[%run_scoped3A_78, %dma_wait3A_99] : memref<2x320000xi32, #tpu.memory_space<hbm>> -> memref<1x320000xi32, #tpu.memory_space<hbm>>
        %dma_wait3A_101 = tpu.memref_squeeze %dma_wait3A_100 : memref<1x320000xi32, #tpu.memory_space<hbm>> -> memref<320000xi32, #tpu.memory_space<hbm>>
        %dma_wait3A_102 = tpu.memref_slice %dma_wait3A_101[%add3A_77] : memref<320000xi32, #tpu.memory_space<hbm>> -> memref<128xi32, #tpu.memory_space<hbm>>
        tpu.wait_dma2 semaphore(%run_scoped3A_79 : memref<!tpu.dma_semaphore, #tpu.memory_space<semaphore_mem>>) src(%dma_wait3A_102 : memref<128xi32, #tpu.memory_space<hbm>>) dst(%dma_wait3A_98 : memref<128xi32, #tpu.memory_space<vmem>>)
        tpu.yield
      }) : () -> ()
    } else {
    }
    %dma_start3A_42 = arith.constant 0 : i32
    %dma_start3A_43 = tpu.memref_slice %arg6[%dma_start3A_42] : memref<5120xi32, #tpu.memory_space<vmem>> -> memref<128xi32, #tpu.memory_space<vmem>>
    %dma_start3A_44 = arith.constant 0 : i32
    %dma_start3A_45 = arith.constant 0 : i32
    %dma_start3A_46 = tpu.memref_slice %arg2[%dma_start3A_44, %dma_start3A_45] : memref<10000x128xf32, #tpu.memory_space<hbm>> -> memref<10000x128xf32, #tpu.memory_space<hbm>>
    tpu.enqueue_indirect_dma source(%dma_start3A_46 : memref<10000x128xf32, #tpu.memory_space<hbm>>) target(%arg8 : memref<128x128xf32, #tpu.memory_space<vmem>>) offsets(%dma_start3A_43 : memref<128xi32, #tpu.memory_space<vmem>>) semaphore(%arg10 : memref<!tpu.dma_semaphore, #tpu.memory_space<semaphore_mem>>)
    %dma_start3A_47 = arith.constant 128 : i32
    %dma_start3A_48 = tpu.memref_slice %arg6[%dma_start3A_47] : memref<5120xi32, #tpu.memory_space<vmem>> -> memref<128xi32, #tpu.memory_space<vmem>>
    %dma_start3A_49 = arith.constant 0 : i32
    %dma_start3A_50 = arith.constant 0 : i32
    %dma_start3A_51 = tpu.memref_slice %arg2[%dma_start3A_49, %dma_start3A_50] : memref<10000x128xf32, #tpu.memory_space<hbm>> -> memref<10000x128xf32, #tpu.memory_space<hbm>>
    tpu.enqueue_indirect_dma source(%dma_start3A_51 : memref<10000x128xf32, #tpu.memory_space<hbm>>) target(%arg9 : memref<128x128xf32, #tpu.memory_space<vmem>>) offsets(%dma_start3A_48 : memref<128xi32, #tpu.memory_space<vmem>>) semaphore(%arg11 : memref<!tpu.dma_semaphore, #tpu.memory_space<semaphore_mem>>)
    %scan3A_52 = arith.constant 0 : i32
    %scan3A_53 = arith.constant 19 : i32
    %scan3A_54 = arith.addi %scan3A_52, %scan3A_53 : i32
    %scan3A_55 = arith.constant 1 : i32
    scf.for %scan3A_73 = %scan3A_52 to %scan3A_54 step %scan3A_55  : i32 {
      %mul3A_74 = arith.constant 1 : i32
      %mul3A_75 = arith.muli %scan3A_73, %mul3A_74 : i32
      %add3A_76 = arith.constant 0 : i32
      %add3A_77 = arith.addi %add3A_76, %mul3A_75 : i32
      %mul3A_78 = arith.constant 2 : i32
      %mul3A_79 = arith.muli %add3A_77, %mul3A_78 : i32
      %add3A_80 = arith.constant 0 : i32
      %add3A_81 = arith.addi %mul3A_79, %add3A_80 : i32
      %mul3A_82 = arith.constant 128 : i32
      %mul3A_83 = arith.muli %add3A_81, %mul3A_82 : i32
      %dma_wait3A = tpu.memref_slice %arg6[%mul3A_83] : memref<5120xi32, #tpu.memory_space<vmem>> -> memref<128xi32, #tpu.memory_space<vmem>>
      %dma_wait3A_84 = arith.constant 0 : i32
      %dma_wait3A_85 = arith.constant 0 : i32
      %dma_wait3A_86 = tpu.memref_slice %arg2[%dma_wait3A_84, %dma_wait3A_85] : memref<10000x128xf32, #tpu.memory_space<hbm>> -> memref<10000x128xf32, #tpu.memory_space<hbm>>
      tpu.wait_indirect_dma semaphore(%arg10 : memref<!tpu.dma_semaphore, #tpu.memory_space<semaphore_mem>>) src(%dma_wait3A_86 : memref<10000x128xf32, #tpu.memory_space<hbm>>) dst(%arg8 : memref<128x128xf32, #tpu.memory_space<vmem>>)
      %mul3A_87 = arith.constant 128 : i32
      %mul3A_88 = arith.muli %add3A_81, %mul3A_87 : i32
      "tpu.region"() ({
        %run_scoped3A_115 = tpu.sem_alloc : memref<!tpu.dma_semaphore, #tpu.memory_space<semaphore_mem>>
        %dma_start3A_116 = tpu.memref_slice %arg7[%mul3A_88] : memref<5120xi32, #tpu.memory_space<vmem>> -> memref<128xi32, #tpu.memory_space<vmem>>
        %dma_start3A_117 = arith.constant 0 : i32
        %dma_start3A_118 = arith.constant 0 : i32
        %dma_start3A_119 = tpu.memref_slice %arg12[%dma_start3A_117, %dma_start3A_118] : memref<10000x128xf32, #tpu.memory_space<vmem_shared>> -> memref<10000x128xf32, #tpu.memory_space<vmem_shared>>
        tpu.enqueue_indirect_dma source(%arg8 : memref<128x128xf32, #tpu.memory_space<vmem>>) target(%dma_start3A_119 : memref<10000x128xf32, #tpu.memory_space<vmem_shared>>) offsets(%dma_start3A_116 : memref<128xi32, #tpu.memory_space<vmem>>) semaphore(%run_scoped3A_115 : memref<!tpu.dma_semaphore, #tpu.memory_space<semaphore_mem>>) {add = true}
        %dma_wait3A_120 = tpu.memref_slice %arg7[%mul3A_88] : memref<5120xi32, #tpu.memory_space<vmem>> -> memref<128xi32, #tpu.memory_space<vmem>>
        %dma_wait3A_121 = arith.constant 0 : i32
        %dma_wait3A_122 = arith.constant 0 : i32
        %dma_wait3A_123 = tpu.memref_slice %arg12[%dma_wait3A_121, %dma_wait3A_122] : memref<10000x128xf32, #tpu.memory_space<vmem_shared>> -> memref<10000x128xf32, #tpu.memory_space<vmem_shared>>
        tpu.wait_indirect_dma semaphore(%run_scoped3A_115 : memref<!tpu.dma_semaphore, #tpu.memory_space<semaphore_mem>>) src(%arg8 : memref<128x128xf32, #tpu.memory_space<vmem>>) dst(%dma_wait3A_123 : memref<10000x128xf32, #tpu.memory_space<vmem_shared>>)
        tpu.yield
      }) : () -> ()
      %add3A_89 = arith.constant 2 : i32
      %add3A_90 = arith.addi %add3A_81, %add3A_89 : i32
      %lt3A_91 = arith.constant 38 : i32
      %lt3A_92 = arith.cmpi slt, %add3A_90, %lt3A_91 : i32
      %convert_element_type3A_93 = arith.extui %lt3A_92 : i1 to i32
      %cond3A_94 = arith.constant 0 : i32
      %cond3A_95 = arith.cmpi ne, %convert_element_type3A_93, %cond3A_94 : i32
      scf.if %cond3A_95 {
        %add3A_115 = arith.constant 2 : i32
        %add3A_116 = arith.addi %add3A_81, %add3A_115 : i32
        %mul3A_117 = arith.constant 128 : i32
        %mul3A_118 = arith.muli %add3A_116, %mul3A_117 : i32
        %dma_start3A_119 = tpu.memref_slice %arg6[%mul3A_118] : memref<5120xi32, #tpu.memory_space<vmem>> -> memref<128xi32, #tpu.memory_space<vmem>>
        %dma_start3A_120 = arith.constant 0 : i32
        %dma_start3A_121 = arith.constant 0 : i32
        %dma_start3A_122 = tpu.memref_slice %arg2[%dma_start3A_120, %dma_start3A_121] : memref<10000x128xf32, #tpu.memory_space<hbm>> -> memref<10000x128xf32, #tpu.memory_space<hbm>>
        tpu.enqueue_indirect_dma source(%dma_start3A_122 : memref<10000x128xf32, #tpu.memory_space<hbm>>) target(%arg8 : memref<128x128xf32, #tpu.memory_space<vmem>>) offsets(%dma_start3A_119 : memref<128xi32, #tpu.memory_space<vmem>>) semaphore(%arg10 : memref<!tpu.dma_semaphore, #tpu.memory_space<semaphore_mem>>)
      } else {
      }
      %mul3A_96 = arith.constant 2 : i32
      %mul3A_97 = arith.muli %add3A_77, %mul3A_96 : i32
      %add3A_98 = arith.constant 1 : i32
      %add3A_99 = arith.addi %mul3A_97, %add3A_98 : i32
      %mul3A_100 = arith.constant 128 : i32
      %mul3A_101 = arith.muli %add3A_99, %mul3A_100 : i32
      %dma_wait3A_102 = tpu.memref_slice %arg6[%mul3A_101] : memref<5120xi32, #tpu.memory_space<vmem>> -> memref<128xi32, #tpu.memory_space<vmem>>
      %dma_wait3A_103 = arith.constant 0 : i32
      %dma_wait3A_104 = arith.constant 0 : i32
      %dma_wait3A_105 = tpu.memref_slice %arg2[%dma_wait3A_103, %dma_wait3A_104] : memref<10000x128xf32, #tpu.memory_space<hbm>> -> memref<10000x128xf32, #tpu.memory_space<hbm>>
      tpu.wait_indirect_dma semaphore(%arg11 : memref<!tpu.dma_semaphore, #tpu.memory_space<semaphore_mem>>) src(%dma_wait3A_105 : memref<10000x128xf32, #tpu.memory_space<hbm>>) dst(%arg9 : memref<128x128xf32, #tpu.memory_space<vmem>>)
      %mul3A_106 = arith.constant 128 : i32
      %mul3A_107 = arith.muli %add3A_99, %mul3A_106 : i32
      "tpu.region"() ({
        %run_scoped3A_115 = tpu.sem_alloc : memref<!tpu.dma_semaphore, #tpu.memory_space<semaphore_mem>>
        %dma_start3A_116 = tpu.memref_slice %arg7[%mul3A_107] : memref<5120xi32, #tpu.memory_space<vmem>> -> memref<128xi32, #tpu.memory_space<vmem>>
        %dma_start3A_117 = arith.constant 0 : i32
        %dma_start3A_118 = arith.constant 0 : i32
        %dma_start3A_119 = tpu.memref_slice %arg12[%dma_start3A_117, %dma_start3A_118] : memref<10000x128xf32, #tpu.memory_space<vmem_shared>> -> memref<10000x128xf32, #tpu.memory_space<vmem_shared>>
        tpu.enqueue_indirect_dma source(%arg9 : memref<128x128xf32, #tpu.memory_space<vmem>>) target(%dma_start3A_119 : memref<10000x128xf32, #tpu.memory_space<vmem_shared>>) offsets(%dma_start3A_116 : memref<128xi32, #tpu.memory_space<vmem>>) semaphore(%run_scoped3A_115 : memref<!tpu.dma_semaphore, #tpu.memory_space<semaphore_mem>>) {add = true}
        %dma_wait3A_120 = tpu.memref_slice %arg7[%mul3A_107] : memref<5120xi32, #tpu.memory_space<vmem>> -> memref<128xi32, #tpu.memory_space<vmem>>
        %dma_wait3A_121 = arith.constant 0 : i32
        %dma_wait3A_122 = arith.constant 0 : i32
        %dma_wait3A_123 = tpu.memref_slice %arg12[%dma_wait3A_121, %dma_wait3A_122] : memref<10000x128xf32, #tpu.memory_space<vmem_shared>> -> memref<10000x128xf32, #tpu.memory_space<vmem_shared>>
        tpu.wait_indirect_dma semaphore(%run_scoped3A_115 : memref<!tpu.dma_semaphore, #tpu.memory_space<semaphore_mem>>) src(%arg9 : memref<128x128xf32, #tpu.memory_space<vmem>>) dst(%dma_wait3A_123 : memref<10000x128xf32, #tpu.memory_space<vmem_shared>>)
        tpu.yield
      }) : () -> ()
      %add3A_108 = arith.constant 2 : i32
      %add3A_109 = arith.addi %add3A_99, %add3A_108 : i32
      %lt3A_110 = arith.constant 38 : i32
      %lt3A_111 = arith.cmpi slt, %add3A_109, %lt3A_110 : i32
      %convert_element_type3A_112 = arith.extui %lt3A_111 : i1 to i32
      %cond3A_113 = arith.constant 0 : i32
      %cond3A_114 = arith.cmpi ne, %convert_element_type3A_112, %cond3A_113 : i32
      scf.if %cond3A_114 {
        %add3A_115 = arith.constant 2 : i32
        %add3A_116 = arith.addi %add3A_99, %add3A_115 : i32
        %mul3A_117 = arith.constant 128 : i32
        %mul3A_118 = arith.muli %add3A_116, %mul3A_117 : i32
        %dma_start3A_119 = tpu.memref_slice %arg6[%mul3A_118] : memref<5120xi32, #tpu.memory_space<vmem>> -> memref<128xi32, #tpu.memory_space<vmem>>
        %dma_start3A_120 = arith.constant 0 : i32
        %dma_start3A_121 = arith.constant 0 : i32
        %dma_start3A_122 = tpu.memref_slice %arg2[%dma_start3A_120, %dma_start3A_121] : memref<10000x128xf32, #tpu.memory_space<hbm>> -> memref<10000x128xf32, #tpu.memory_space<hbm>>
        tpu.enqueue_indirect_dma source(%dma_start3A_122 : memref<10000x128xf32, #tpu.memory_space<hbm>>) target(%arg9 : memref<128x128xf32, #tpu.memory_space<vmem>>) offsets(%dma_start3A_119 : memref<128xi32, #tpu.memory_space<vmem>>) semaphore(%arg11 : memref<!tpu.dma_semaphore, #tpu.memory_space<semaphore_mem>>)
      } else {
      }
    }
    %scan3A_56 = arith.constant 19 : i32
    %lt3A_57 = arith.constant 2 : i32
    %lt3A_58 = arith.cmpi slt, %arg1, %lt3A_57 : i32
    %convert_element_type3A_59 = arith.extui %lt3A_58 : i1 to i32
    %cond3A_60 = arith.constant 0 : i32
    %cond3A_61 = arith.cmpi ne, %convert_element_type3A_59, %cond3A_60 : i32
    scf.if %cond3A_61 {
      %dma_start3A_73 = arith.constant 4864 : i32
      %dma_start3A_74 = tpu.memref_slice %arg6[%dma_start3A_73] : memref<5120xi32, #tpu.memory_space<vmem>> -> memref<128xi32, #tpu.memory_space<vmem>>
      %dma_start3A_75 = arith.constant 0 : i32
      %dma_start3A_76 = arith.constant 0 : i32
      %dma_start3A_77 = tpu.memref_slice %arg2[%dma_start3A_75, %dma_start3A_76] : memref<10000x128xf32, #tpu.memory_space<hbm>> -> memref<10000x128xf32, #tpu.memory_space<hbm>>
      tpu.enqueue_indirect_dma source(%dma_start3A_77 : memref<10000x128xf32, #tpu.memory_space<hbm>>) target(%arg8 : memref<128x128xf32, #tpu.memory_space<vmem>>) offsets(%dma_start3A_74 : memref<128xi32, #tpu.memory_space<vmem>>) semaphore(%arg10 : memref<!tpu.dma_semaphore, #tpu.memory_space<semaphore_mem>>)
      %dma_wait3A = arith.constant 4864 : i32
      %dma_wait3A_78 = tpu.memref_slice %arg6[%dma_wait3A] : memref<5120xi32, #tpu.memory_space<vmem>> -> memref<128xi32, #tpu.memory_space<vmem>>
      %dma_wait3A_79 = arith.constant 0 : i32
      %dma_wait3A_80 = arith.constant 0 : i32
      %dma_wait3A_81 = tpu.memref_slice %arg2[%dma_wait3A_79, %dma_wait3A_80] : memref<10000x128xf32, #tpu.memory_space<hbm>> -> memref<10000x128xf32, #tpu.memory_space<hbm>>
      tpu.wait_indirect_dma semaphore(%arg10 : memref<!tpu.dma_semaphore, #tpu.memory_space<semaphore_mem>>) src(%dma_wait3A_81 : memref<10000x128xf32, #tpu.memory_space<hbm>>) dst(%arg8 : memref<128x128xf32, #tpu.memory_space<vmem>>)
      "tpu.region"() ({
        %run_scoped3A_82 = tpu.sem_alloc : memref<!tpu.dma_semaphore, #tpu.memory_space<semaphore_mem>>
        %dma_start3A_83 = arith.constant 4864 : i32
        %dma_start3A_84 = tpu.memref_slice %arg7[%dma_start3A_83] : memref<5120xi32, #tpu.memory_space<vmem>> -> memref<128xi32, #tpu.memory_space<vmem>>
        %dma_start3A_85 = arith.constant 0 : i32
        %dma_start3A_86 = arith.constant 0 : i32
        %dma_start3A_87 = tpu.memref_slice %arg12[%dma_start3A_85, %dma_start3A_86] : memref<10000x128xf32, #tpu.memory_space<vmem_shared>> -> memref<10000x128xf32, #tpu.memory_space<vmem_shared>>
        tpu.enqueue_indirect_dma source(%arg8 : memref<128x128xf32, #tpu.memory_space<vmem>>) target(%dma_start3A_87 : memref<10000x128xf32, #tpu.memory_space<vmem_shared>>) offsets(%dma_start3A_84 : memref<128xi32, #tpu.memory_space<vmem>>) semaphore(%run_scoped3A_82 : memref<!tpu.dma_semaphore, #tpu.memory_space<semaphore_mem>>) {add = true}
        %dma_wait3A_88 = arith.constant 4864 : i32
        %dma_wait3A_89 = tpu.memref_slice %arg7[%dma_wait3A_88] : memref<5120xi32, #tpu.memory_space<vmem>> -> memref<128xi32, #tpu.memory_space<vmem>>
        %dma_wait3A_90 = arith.constant 0 : i32
        %dma_wait3A_91 = arith.constant 0 : i32
        %dma_wait3A_92 = tpu.memref_slice %arg12[%dma_wait3A_90, %dma_wait3A_91] : memref<10000x128xf32, #tpu.memory_space<vmem_shared>> -> memref<10000x128xf32, #tpu.memory_space<vmem_shared>>
        tpu.wait_indirect_dma semaphore(%run_scoped3A_82 : memref<!tpu.dma_semaphore, #tpu.memory_space<semaphore_mem>>) src(%arg8 : memref<128x128xf32, #tpu.memory_space<vmem>>) dst(%dma_wait3A_92 : memref<10000x128xf32, #tpu.memory_space<vmem_shared>>)
        tpu.yield
      }) : () -> ()
    } else {
    }
    %barrier3A_62 = arith.constant 0 : index
    tpu.barrier barrier_id(%barrier3A_62)
    %lt3A_63 = arith.constant 15 : i32
    %lt3A_64 = arith.cmpi slt, %arg1, %lt3A_63 : i32
    %convert_element_type3A_65 = arith.extui %lt3A_64 : i1 to i32
    %cond3A_66 = arith.constant 0 : i32
    %cond3A_67 = arith.cmpi ne, %convert_element_type3A_65, %cond3A_66 : i32
    scf.if %cond3A_67 {
      %mul3A_73 = arith.constant 632 : i32
      %mul3A_74 = arith.muli %arg1, %mul3A_73 : i32
      "tpu.region"() ({
        %run_scoped3A_75 = tpu.sem_alloc : memref<!tpu.dma_semaphore, #tpu.memory_space<semaphore_mem>>
        %dma_start3A_76 = arith.constant 0 : i32
        %dma_start3A_77 = arith.constant 0 : i32
        %dma_start3A_78 = tpu.memref_slice %arg5[%arg0, %dma_start3A_76, %dma_start3A_77] : memref<2x10000x128xf32, #tpu.memory_space<hbm>> -> memref<1x10000x128xf32, #tpu.memory_space<hbm>>
        %dma_start3A_79 = tpu.memref_squeeze %dma_start3A_78 : memref<1x10000x128xf32, #tpu.memory_space<hbm>> -> memref<10000x128xf32, #tpu.memory_space<hbm>>
        %dma_start3A_80 = arith.constant 0 : i32
        %dma_start3A_81 = tpu.memref_slice %dma_start3A_79[%mul3A_74, %dma_start3A_80] : memref<10000x128xf32, #tpu.memory_space<hbm>> -> memref<632x128xf32, #tpu.memory_space<hbm>>
        %dma_start3A_82 = arith.constant 0 : i32
        %dma_start3A_83 = tpu.memref_slice %arg12[%mul3A_74, %dma_start3A_82] : memref<10000x128xf32, #tpu.memory_space<vmem_shared>> -> memref<632x128xf32, #tpu.memory_space<vmem_shared>>
        tpu.enqueue_dma source(%dma_start3A_83 : memref<632x128xf32, #tpu.memory_space<vmem_shared>>) target(%dma_start3A_81 : memref<632x128xf32, #tpu.memory_space<hbm>>) target_semaphore(%run_scoped3A_75 : memref<!tpu.dma_semaphore, #tpu.memory_space<semaphore_mem>>)
        %dma_wait3A = arith.constant 0 : i32
        %dma_wait3A_84 = arith.constant 0 : i32
        %dma_wait3A_85 = tpu.memref_slice %arg5[%arg0, %dma_wait3A, %dma_wait3A_84] : memref<2x10000x128xf32, #tpu.memory_space<hbm>> -> memref<1x10000x128xf32, #tpu.memory_space<hbm>>
        %dma_wait3A_86 = tpu.memref_squeeze %dma_wait3A_85 : memref<1x10000x128xf32, #tpu.memory_space<hbm>> -> memref<10000x128xf32, #tpu.memory_space<hbm>>
        %dma_wait3A_87 = arith.constant 0 : i32
        %dma_wait3A_88 = tpu.memref_slice %dma_wait3A_86[%mul3A_74, %dma_wait3A_87] : memref<10000x128xf32, #tpu.memory_space<hbm>> -> memref<632x128xf32, #tpu.memory_space<hbm>>
        %dma_wait3A_89 = arith.constant 0 : i32
        %dma_wait3A_90 = tpu.memref_slice %arg12[%mul3A_74, %dma_wait3A_89] : memref<10000x128xf32, #tpu.memory_space<vmem_shared>> -> memref<632x128xf32, #tpu.memory_space<vmem_shared>>
        tpu.wait_dma2 semaphore(%run_scoped3A_75 : memref<!tpu.dma_semaphore, #tpu.memory_space<semaphore_mem>>) src(%dma_wait3A_90 : memref<632x128xf32, #tpu.memory_space<vmem_shared>>) dst(%dma_wait3A_88 : memref<632x128xf32, #tpu.memory_space<hbm>>)
        tpu.yield
      }) : () -> ()
    } else {
    }
    %eq3A_68 = arith.constant 15 : i32
    %eq3A_69 = arith.cmpi eq, %arg1, %eq3A_68 : i32
    %convert_element_type3A_70 = arith.extui %eq3A_69 : i1 to i32
    %cond3A_71 = arith.constant 0 : i32
    %cond3A_72 = arith.cmpi ne, %convert_element_type3A_70, %cond3A_71 : i32
    scf.if %cond3A_72 {
      "tpu.region"() ({
        %run_scoped3A_73 = tpu.sem_alloc : memref<!tpu.dma_semaphore, #tpu.memory_space<semaphore_mem>>
        %dma_start3A_74 = arith.constant 0 : i32
        %dma_start3A_75 = arith.constant 0 : i32
        %dma_start3A_76 = tpu.memref_slice %arg5[%arg0, %dma_start3A_74, %dma_start3A_75] : memref<2x10000x128xf32, #tpu.memory_space<hbm>> -> memref<1x10000x128xf32, #tpu.memory_space<hbm>>
        %dma_start3A_77 = tpu.memref_squeeze %dma_start3A_76 : memref<1x10000x128xf32, #tpu.memory_space<hbm>> -> memref<10000x128xf32, #tpu.memory_space<hbm>>
        %dma_start3A_78 = arith.constant 9480 : i32
        %dma_start3A_79 = arith.constant 0 : i32
        %dma_start3A_80 = tpu.memref_slice %dma_start3A_77[%dma_start3A_78, %dma_start3A_79] : memref<10000x128xf32, #tpu.memory_space<hbm>> -> memref<520x128xf32, #tpu.memory_space<hbm>>
        %dma_start3A_81 = arith.constant 9480 : i32
        %dma_start3A_82 = arith.constant 0 : i32
        %dma_start3A_83 = tpu.memref_slice %arg12[%dma_start3A_81, %dma_start3A_82] : memref<10000x128xf32, #tpu.memory_space<vmem_shared>> -> memref<520x128xf32, #tpu.memory_space<vmem_shared>>
        tpu.enqueue_dma source(%dma_start3A_83 : memref<520x128xf32, #tpu.memory_space<vmem_shared>>) target(%dma_start3A_80 : memref<520x128xf32, #tpu.memory_space<hbm>>) target_semaphore(%run_scoped3A_73 : memref<!tpu.dma_semaphore, #tpu.memory_space<semaphore_mem>>)
        %dma_wait3A = arith.constant 0 : i32
        %dma_wait3A_84 = arith.constant 0 : i32
        %dma_wait3A_85 = tpu.memref_slice %arg5[%arg0, %dma_wait3A, %dma_wait3A_84] : memref<2x10000x128xf32, #tpu.memory_space<hbm>> -> memref<1x10000x128xf32, #tpu.memory_space<hbm>>
        %dma_wait3A_86 = tpu.memref_squeeze %dma_wait3A_85 : memref<1x10000x128xf32, #tpu.memory_space<hbm>> -> memref<10000x128xf32, #tpu.memory_space<hbm>>
        %dma_wait3A_87 = arith.constant 9480 : i32
        %dma_wait3A_88 = arith.constant 0 : i32
        %dma_wait3A_89 = tpu.memref_slice %dma_wait3A_86[%dma_wait3A_87, %dma_wait3A_88] : memref<10000x128xf32, #tpu.memory_space<hbm>> -> memref<520x128xf32, #tpu.memory_space<hbm>>
        %dma_wait3A_90 = arith.constant 9480 : i32
        %dma_wait3A_91 = arith.constant 0 : i32
        %dma_wait3A_92 = tpu.memref_slice %arg12[%dma_wait3A_90, %dma_wait3A_91] : memref<10000x128xf32, #tpu.memory_space<vmem_shared>> -> memref<520x128xf32, #tpu.memory_space<vmem_shared>>
        tpu.wait_dma2 semaphore(%run_scoped3A_73 : memref<!tpu.dma_semaphore, #tpu.memory_space<semaphore_mem>>) src(%dma_wait3A_92 : memref<520x128xf32, #tpu.memory_space<vmem_shared>>) dst(%dma_wait3A_89 : memref<520x128xf32, #tpu.memory_space<hbm>>)
        tpu.yield
      }) : () -> ()
    } else {
    }
    return
  }
}

#map = affine_map<(d0, d1) -> (0, 0)>
#map1 = affine_map<(d0, d1) -> (0, 0, 0)>
module attributes {stable_mosaic.version = 14 : i64} {
  func.func @_agg_kernel(%arg0: i32, %arg1: i32, %arg2: memref<10000x128xf32, #tpu.memory_space<hbm>>, %arg3: memref<2x320000xi32, #tpu.memory_space<hbm>>, %arg4: memref<632x128xf32, #tpu.memory_space<hbm>>, %arg5: memref<2x10000x128xf32, #tpu.memory_space<hbm>>, %arg6: memref<5120xi32, #tpu.memory_space<vmem>>, %arg7: memref<5120xi32, #tpu.memory_space<vmem>>, %arg8: memref<128x128xf32, #tpu.memory_space<vmem>>, %arg9: memref<128x128xf32, #tpu.memory_space<vmem>>, %arg10: memref<!tpu.dma_semaphore, #tpu.memory_space<semaphore_mem>>, %arg11: memref<!tpu.dma_semaphore, #tpu.memory_space<semaphore_mem>>, %arg12: memref<10000x128xf32, #tpu.memory_space<vmem_shared>>) attributes {dimension_semantics = [#tpu.dimension_semantics<core_parallel>, #tpu.dimension_semantics<subcore_parallel>], iteration_bounds = array<i64: 2, 16>, scalar_prefetch = 0 : i64, scratch_operands = 7 : i64, tpu.core_type = #tpu.core_type<sc_vector_subcore>, window_params = [{transform_indices = #map}, {transform_indices = #map}, {transform_indices = #map}, {transform_indices = #map1}]} {
    %lt3A = arith.constant 15 : i32
    %lt3A_0 = arith.cmpi slt, %arg1, %lt3A : i32
    %convert_element_type3A = arith.extui %lt3A_0 : i1 to i32
    %cond3A = arith.constant 0 : i32
    %cond3A_1 = arith.cmpi ne, %convert_element_type3A, %cond3A : i32
    scf.if %cond3A_1 {
      %mul3A_73 = arith.constant 632 : i32
      %mul3A_74 = arith.muli %arg1, %mul3A_73 : i32
      "tpu.region"() ({
        %run_scoped3A_75 = tpu.sem_alloc : memref<!tpu.dma_semaphore, #tpu.memory_space<semaphore_mem>>
        %dma_start3A_76 = arith.constant 0 : i32
        %dma_start3A_77 = tpu.memref_slice %arg12[%mul3A_74, %dma_start3A_76] : memref<10000x128xf32, #tpu.memory_space<vmem_shared>> -> memref<632x128xf32, #tpu.memory_space<vmem_shared>>
        tpu.enqueue_dma source(%arg4 : memref<632x128xf32, #tpu.memory_space<hbm>>) target(%dma_start3A_77 : memref<632x128xf32, #tpu.memory_space<vmem_shared>>) target_semaphore(%run_scoped3A_75 : memref<!tpu.dma_semaphore, #tpu.memory_space<semaphore_mem>>)
        %dma_wait3A = arith.constant 0 : i32
        %dma_wait3A_78 = tpu.memref_slice %arg12[%mul3A_74, %dma_wait3A] : memref<10000x128xf32, #tpu.memory_space<vmem_shared>> -> memref<632x128xf32, #tpu.memory_space<vmem_shared>>
        tpu.wait_dma2 semaphore(%run_scoped3A_75 : memref<!tpu.dma_semaphore, #tpu.memory_space<semaphore_mem>>) src(%arg4 : memref<632x128xf32, #tpu.memory_space<hbm>>) dst(%dma_wait3A_78 : memref<632x128xf32, #tpu.memory_space<vmem_shared>>)
        tpu.yield
      }) : () -> ()
    } else {
    }
    %eq3A = arith.constant 15 : i32
    %eq3A_2 = arith.cmpi eq, %arg1, %eq3A : i32
    %convert_element_type3A_3 = arith.extui %eq3A_2 : i1 to i32
    %cond3A_4 = arith.constant 0 : i32
    %cond3A_5 = arith.cmpi ne, %convert_element_type3A_3, %cond3A_4 : i32
    scf.if %cond3A_5 {
      "tpu.region"() ({
        %run_scoped3A_73 = tpu.sem_alloc : memref<!tpu.dma_semaphore, #tpu.memory_space<semaphore_mem>>
        %dma_start3A_74 = arith.constant 9480 : i32
        %dma_start3A_75 = arith.constant 0 : i32
        %dma_start3A_76 = tpu.memref_slice %arg12[%dma_start3A_74, %dma_start3A_75] : memref<10000x128xf32, #tpu.memory_space<vmem_shared>> -> memref<520x128xf32, #tpu.memory_space<vmem_shared>>
        %dma_start3A_77 = arith.constant 0 : i32
        %dma_start3A_78 = arith.constant 0 : i32
        %dma_start3A_79 = tpu.memref_slice %arg4[%dma_start3A_77, %dma_start3A_78] : memref<632x128xf32, #tpu.memory_space<hbm>> -> memref<520x128xf32, #tpu.memory_space<hbm>>
        tpu.enqueue_dma source(%dma_start3A_79 : memref<520x128xf32, #tpu.memory_space<hbm>>) target(%dma_start3A_76 : memref<520x128xf32, #tpu.memory_space<vmem_shared>>) target_semaphore(%run_scoped3A_73 : memref<!tpu.dma_semaphore, #tpu.memory_space<semaphore_mem>>)
        %dma_wait3A = arith.constant 9480 : i32
        %dma_wait3A_80 = arith.constant 0 : i32
        %dma_wait3A_81 = tpu.memref_slice %arg12[%dma_wait3A, %dma_wait3A_80] : memref<10000x128xf32, #tpu.memory_space<vmem_shared>> -> memref<520x128xf32, #tpu.memory_space<vmem_shared>>
        %dma_wait3A_82 = arith.constant 0 : i32
        %dma_wait3A_83 = arith.constant 0 : i32
        %dma_wait3A_84 = tpu.memref_slice %arg4[%dma_wait3A_82, %dma_wait3A_83] : memref<632x128xf32, #tpu.memory_space<hbm>> -> memref<520x128xf32, #tpu.memory_space<hbm>>
        tpu.wait_dma2 semaphore(%run_scoped3A_73 : memref<!tpu.dma_semaphore, #tpu.memory_space<semaphore_mem>>) src(%dma_wait3A_84 : memref<520x128xf32, #tpu.memory_space<hbm>>) dst(%dma_wait3A_81 : memref<520x128xf32, #tpu.memory_space<vmem_shared>>)
        tpu.yield
      }) : () -> ()
    } else {
    }
    %mul3A = arith.constant 1250 : i32
    %mul3A_6 = arith.muli %arg0, %mul3A : i32
    %mul3A_7 = arith.constant 78 : i32
    %mul3A_8 = arith.muli %arg1, %mul3A_7 : i32
    %add3A = arith.addi %mul3A_6, %mul3A_8 : i32
    %min3A = arith.constant 2 : i32
    %min3A_9 = arith.minsi %arg1, %min3A : i32
    %add3A_10 = arith.addi %add3A, %min3A_9 : i32
    %mul3A_11 = arith.constant 128 : i32
    %mul3A_12 = arith.muli %add3A_10, %mul3A_11 : i32
    %add3A_13 = arith.constant 0 : i32
    %add3A_14 = arith.addi %mul3A_12, %add3A_13 : i32
    %run_scoped3A = arith.constant 0 : i32
    "tpu.region"() ({
      %run_scoped3A_73 = tpu.sem_alloc : memref<!tpu.dma_semaphore, #tpu.memory_space<semaphore_mem>>
      %dma_start3A_74 = arith.constant 0 : i32
      %dma_start3A_75 = tpu.memref_slice %arg6[%dma_start3A_74] : memref<5120xi32, #tpu.memory_space<vmem>> -> memref<5120xi32, #tpu.memory_space<vmem>>
      %dma_start3A_76 = arith.constant 0 : i32
      %dma_start3A_77 = tpu.memref_slice %arg3[%run_scoped3A, %dma_start3A_76] : memref<2x320000xi32, #tpu.memory_space<hbm>> -> memref<1x320000xi32, #tpu.memory_space<hbm>>
      %dma_start3A_78 = tpu.memref_squeeze %dma_start3A_77 : memref<1x320000xi32, #tpu.memory_space<hbm>> -> memref<320000xi32, #tpu.memory_space<hbm>>
      %dma_start3A_79 = tpu.memref_slice %dma_start3A_78[%add3A_14] : memref<320000xi32, #tpu.memory_space<hbm>> -> memref<5120xi32, #tpu.memory_space<hbm>>
      %dma_start3A_80 = arith.constant 0 : i32
      %dma_start3A_81 = tpu.memref_slice %arg6[%dma_start3A_80] : memref<5120xi32, #tpu.memory_space<vmem>> -> memref<5120xi32, #tpu.memory_space<vmem>>
      %dma_start3A_82 = arith.constant 0 : i32
      %dma_start3A_83 = tpu.memref_slice %arg3[%run_scoped3A, %dma_start3A_82] : memref<2x320000xi32, #tpu.memory_space<hbm>> -> memref<1x320000xi32, #tpu.memory_space<hbm>>
      %dma_start3A_84 = tpu.memref_squeeze %dma_start3A_83 : memref<1x320000xi32, #tpu.memory_space<hbm>> -> memref<320000xi32, #tpu.memory_space<hbm>>
      %dma_start3A_85 = tpu.memref_slice %dma_start3A_84[%add3A_14] : memref<320000xi32, #tpu.memory_space<hbm>> -> memref<5120xi32, #tpu.memory_space<hbm>>
      tpu.enqueue_dma source(%dma_start3A_85 : memref<5120xi32, #tpu.memory_space<hbm>>) target(%dma_start3A_81 : memref<5120xi32, #tpu.memory_space<vmem>>) target_semaphore(%run_scoped3A_73 : memref<!tpu.dma_semaphore, #tpu.memory_space<semaphore_mem>>)
      %dma_wait3A = arith.constant 0 : i32
      %dma_wait3A_86 = tpu.memref_slice %arg6[%dma_wait3A] : memref<5120xi32, #tpu.memory_space<vmem>> -> memref<5120xi32, #tpu.memory_space<vmem>>
      %dma_wait3A_87 = arith.constant 0 : i32
      %dma_wait3A_88 = tpu.memref_slice %arg3[%run_scoped3A, %dma_wait3A_87] : memref<2x320000xi32, #tpu.memory_space<hbm>> -> memref<1x320000xi32, #tpu.memory_space<hbm>>
      %dma_wait3A_89 = tpu.memref_squeeze %dma_wait3A_88 : memref<1x320000xi32, #tpu.memory_space<hbm>> -> memref<320000xi32, #tpu.memory_space<hbm>>
      %dma_wait3A_90 = tpu.memref_slice %dma_wait3A_89[%add3A_14] : memref<320000xi32, #tpu.memory_space<hbm>> -> memref<5120xi32, #tpu.memory_space<hbm>>
      %dma_wait3A_91 = arith.constant 0 : i32
      %dma_wait3A_92 = tpu.memref_slice %arg6[%dma_wait3A_91] : memref<5120xi32, #tpu.memory_space<vmem>> -> memref<5120xi32, #tpu.memory_space<vmem>>
      %dma_wait3A_93 = arith.constant 0 : i32
      %dma_wait3A_94 = tpu.memref_slice %arg3[%run_scoped3A, %dma_wait3A_93] : memref<2x320000xi32, #tpu.memory_space<hbm>> -> memref<1x320000xi32, #tpu.memory_space<hbm>>
      %dma_wait3A_95 = tpu.memref_squeeze %dma_wait3A_94 : memref<1x320000xi32, #tpu.memory_space<hbm>> -> memref<320000xi32, #tpu.memory_space<hbm>>
      %dma_wait3A_96 = tpu.memref_slice %dma_wait3A_95[%add3A_14] : memref<320000xi32, #tpu.memory_space<hbm>> -> memref<5120xi32, #tpu.memory_space<hbm>>
      tpu.wait_dma2 semaphore(%run_scoped3A_73 : memref<!tpu.dma_semaphore, #tpu.memory_space<semaphore_mem>>) src(%dma_wait3A_96 : memref<5120xi32, #tpu.memory_space<hbm>>) dst(%dma_wait3A_92 : memref<5120xi32, #tpu.memory_space<vmem>>)
      tpu.yield
    }) : () -> ()
    %add3A_15 = arith.constant 0 : i32
    %add3A_16 = arith.addi %mul3A_12, %add3A_15 : i32
    %run_scoped3A_17 = arith.constant 1 : i32
    "tpu.region"() ({
      %run_scoped3A_73 = tpu.sem_alloc : memref<!tpu.dma_semaphore, #tpu.memory_space<semaphore_mem>>
      %dma_start3A_74 = arith.constant 0 : i32
      %dma_start3A_75 = tpu.memref_slice %arg7[%dma_start3A_74] : memref<5120xi32, #tpu.memory_space<vmem>> -> memref<5120xi32, #tpu.memory_space<vmem>>
      %dma_start3A_76 = arith.constant 0 : i32
      %dma_start3A_77 = tpu.memref_slice %arg3[%run_scoped3A_17, %dma_start3A_76] : memref<2x320000xi32, #tpu.memory_space<hbm>> -> memref<1x320000xi32, #tpu.memory_space<hbm>>
      %dma_start3A_78 = tpu.memref_squeeze %dma_start3A_77 : memref<1x320000xi32, #tpu.memory_space<hbm>> -> memref<320000xi32, #tpu.memory_space<hbm>>
      %dma_start3A_79 = tpu.memref_slice %dma_start3A_78[%add3A_16] : memref<320000xi32, #tpu.memory_space<hbm>> -> memref<5120xi32, #tpu.memory_space<hbm>>
      %dma_start3A_80 = arith.constant 0 : i32
      %dma_start3A_81 = tpu.memref_slice %arg7[%dma_start3A_80] : memref<5120xi32, #tpu.memory_space<vmem>> -> memref<5120xi32, #tpu.memory_space<vmem>>
      %dma_start3A_82 = arith.constant 0 : i32
      %dma_start3A_83 = tpu.memref_slice %arg3[%run_scoped3A_17, %dma_start3A_82] : memref<2x320000xi32, #tpu.memory_space<hbm>> -> memref<1x320000xi32, #tpu.memory_space<hbm>>
      %dma_start3A_84 = tpu.memref_squeeze %dma_start3A_83 : memref<1x320000xi32, #tpu.memory_space<hbm>> -> memref<320000xi32, #tpu.memory_space<hbm>>
      %dma_start3A_85 = tpu.memref_slice %dma_start3A_84[%add3A_16] : memref<320000xi32, #tpu.memory_space<hbm>> -> memref<5120xi32, #tpu.memory_space<hbm>>
      tpu.enqueue_dma source(%dma_start3A_85 : memref<5120xi32, #tpu.memory_space<hbm>>) target(%dma_start3A_81 : memref<5120xi32, #tpu.memory_space<vmem>>) target_semaphore(%run_scoped3A_73 : memref<!tpu.dma_semaphore, #tpu.memory_space<semaphore_mem>>)
      %dma_wait3A = arith.constant 0 : i32
      %dma_wait3A_86 = tpu.memref_slice %arg7[%dma_wait3A] : memref<5120xi32, #tpu.memory_space<vmem>> -> memref<5120xi32, #tpu.memory_space<vmem>>
      %dma_wait3A_87 = arith.constant 0 : i32
      %dma_wait3A_88 = tpu.memref_slice %arg3[%run_scoped3A_17, %dma_wait3A_87] : memref<2x320000xi32, #tpu.memory_space<hbm>> -> memref<1x320000xi32, #tpu.memory_space<hbm>>
      %dma_wait3A_89 = tpu.memref_squeeze %dma_wait3A_88 : memref<1x320000xi32, #tpu.memory_space<hbm>> -> memref<320000xi32, #tpu.memory_space<hbm>>
      %dma_wait3A_90 = tpu.memref_slice %dma_wait3A_89[%add3A_16] : memref<320000xi32, #tpu.memory_space<hbm>> -> memref<5120xi32, #tpu.memory_space<hbm>>
      %dma_wait3A_91 = arith.constant 0 : i32
      %dma_wait3A_92 = tpu.memref_slice %arg7[%dma_wait3A_91] : memref<5120xi32, #tpu.memory_space<vmem>> -> memref<5120xi32, #tpu.memory_space<vmem>>
      %dma_wait3A_93 = arith.constant 0 : i32
      %dma_wait3A_94 = tpu.memref_slice %arg3[%run_scoped3A_17, %dma_wait3A_93] : memref<2x320000xi32, #tpu.memory_space<hbm>> -> memref<1x320000xi32, #tpu.memory_space<hbm>>
      %dma_wait3A_95 = tpu.memref_squeeze %dma_wait3A_94 : memref<1x320000xi32, #tpu.memory_space<hbm>> -> memref<320000xi32, #tpu.memory_space<hbm>>
      %dma_wait3A_96 = tpu.memref_slice %dma_wait3A_95[%add3A_16] : memref<320000xi32, #tpu.memory_space<hbm>> -> memref<5120xi32, #tpu.memory_space<hbm>>
      tpu.wait_dma2 semaphore(%run_scoped3A_73 : memref<!tpu.dma_semaphore, #tpu.memory_space<semaphore_mem>>) src(%dma_wait3A_96 : memref<5120xi32, #tpu.memory_space<hbm>>) dst(%dma_wait3A_92 : memref<5120xi32, #tpu.memory_space<vmem>>)
      tpu.yield
    }) : () -> ()
    %barrier3A = arith.constant 0 : index
    tpu.barrier barrier_id(%barrier3A)
    %dma_start3A = arith.constant 0 : i32
    %dma_start3A_18 = tpu.memref_slice %arg6[%dma_start3A] : memref<5120xi32, #tpu.memory_space<vmem>> -> memref<128xi32, #tpu.memory_space<vmem>>
    %dma_start3A_19 = arith.constant 0 : i32
    %dma_start3A_20 = arith.constant 0 : i32
    %dma_start3A_21 = tpu.memref_slice %arg2[%dma_start3A_19, %dma_start3A_20] : memref<10000x128xf32, #tpu.memory_space<hbm>> -> memref<10000x128xf32, #tpu.memory_space<hbm>>
    tpu.enqueue_indirect_dma source(%dma_start3A_21 : memref<10000x128xf32, #tpu.memory_space<hbm>>) target(%arg8 : memref<128x128xf32, #tpu.memory_space<vmem>>) offsets(%dma_start3A_18 : memref<128xi32, #tpu.memory_space<vmem>>) semaphore(%arg10 : memref<!tpu.dma_semaphore, #tpu.memory_space<semaphore_mem>>)
    %dma_start3A_22 = arith.constant 128 : i32
    %dma_start3A_23 = tpu.memref_slice %arg6[%dma_start3A_22] : memref<5120xi32, #tpu.memory_space<vmem>> -> memref<128xi32, #tpu.memory_space<vmem>>
    %dma_start3A_24 = arith.constant 0 : i32
    %dma_start3A_25 = arith.constant 0 : i32
    %dma_start3A_26 = tpu.memref_slice %arg2[%dma_start3A_24, %dma_start3A_25] : memref<10000x128xf32, #tpu.memory_space<hbm>> -> memref<10000x128xf32, #tpu.memory_space<hbm>>
    tpu.enqueue_indirect_dma source(%dma_start3A_26 : memref<10000x128xf32, #tpu.memory_space<hbm>>) target(%arg9 : memref<128x128xf32, #tpu.memory_space<vmem>>) offsets(%dma_start3A_23 : memref<128xi32, #tpu.memory_space<vmem>>) semaphore(%arg11 : memref<!tpu.dma_semaphore, #tpu.memory_space<semaphore_mem>>)
    %scan3A = arith.constant 0 : i32
    %scan3A_27 = arith.constant 20 : i32
    %scan3A_28 = arith.addi %scan3A, %scan3A_27 : i32
    %scan3A_29 = arith.constant 1 : i32
    scf.for %scan3A_73 = %scan3A to %scan3A_28 step %scan3A_29  : i32 {
      %mul3A_74 = arith.constant 1 : i32
      %mul3A_75 = arith.muli %scan3A_73, %mul3A_74 : i32
      %add3A_76 = arith.constant 0 : i32
      %add3A_77 = arith.addi %add3A_76, %mul3A_75 : i32
      %mul3A_78 = arith.constant 2 : i32
      %mul3A_79 = arith.muli %add3A_77, %mul3A_78 : i32
      %add3A_80 = arith.constant 0 : i32
      %add3A_81 = arith.addi %mul3A_79, %add3A_80 : i32
      %mul3A_82 = arith.constant 128 : i32
      %mul3A_83 = arith.muli %add3A_81, %mul3A_82 : i32
      %dma_wait3A = tpu.memref_slice %arg6[%mul3A_83] : memref<5120xi32, #tpu.memory_space<vmem>> -> memref<128xi32, #tpu.memory_space<vmem>>
      %dma_wait3A_84 = arith.constant 0 : i32
      %dma_wait3A_85 = arith.constant 0 : i32
      %dma_wait3A_86 = tpu.memref_slice %arg2[%dma_wait3A_84, %dma_wait3A_85] : memref<10000x128xf32, #tpu.memory_space<hbm>> -> memref<10000x128xf32, #tpu.memory_space<hbm>>
      tpu.wait_indirect_dma semaphore(%arg10 : memref<!tpu.dma_semaphore, #tpu.memory_space<semaphore_mem>>) src(%dma_wait3A_86 : memref<10000x128xf32, #tpu.memory_space<hbm>>) dst(%arg8 : memref<128x128xf32, #tpu.memory_space<vmem>>)
      %mul3A_87 = arith.constant 128 : i32
      %mul3A_88 = arith.muli %add3A_81, %mul3A_87 : i32
      "tpu.region"() ({
        %run_scoped3A_115 = tpu.sem_alloc : memref<!tpu.dma_semaphore, #tpu.memory_space<semaphore_mem>>
        %dma_start3A_116 = tpu.memref_slice %arg7[%mul3A_88] : memref<5120xi32, #tpu.memory_space<vmem>> -> memref<128xi32, #tpu.memory_space<vmem>>
        %dma_start3A_117 = arith.constant 0 : i32
        %dma_start3A_118 = arith.constant 0 : i32
        %dma_start3A_119 = tpu.memref_slice %arg12[%dma_start3A_117, %dma_start3A_118] : memref<10000x128xf32, #tpu.memory_space<vmem_shared>> -> memref<10000x128xf32, #tpu.memory_space<vmem_shared>>
        tpu.enqueue_indirect_dma source(%arg8 : memref<128x128xf32, #tpu.memory_space<vmem>>) target(%dma_start3A_119 : memref<10000x128xf32, #tpu.memory_space<vmem_shared>>) offsets(%dma_start3A_116 : memref<128xi32, #tpu.memory_space<vmem>>) semaphore(%run_scoped3A_115 : memref<!tpu.dma_semaphore, #tpu.memory_space<semaphore_mem>>) {add = true}
        %dma_wait3A_120 = tpu.memref_slice %arg7[%mul3A_88] : memref<5120xi32, #tpu.memory_space<vmem>> -> memref<128xi32, #tpu.memory_space<vmem>>
        %dma_wait3A_121 = arith.constant 0 : i32
        %dma_wait3A_122 = arith.constant 0 : i32
        %dma_wait3A_123 = tpu.memref_slice %arg12[%dma_wait3A_121, %dma_wait3A_122] : memref<10000x128xf32, #tpu.memory_space<vmem_shared>> -> memref<10000x128xf32, #tpu.memory_space<vmem_shared>>
        tpu.wait_indirect_dma semaphore(%run_scoped3A_115 : memref<!tpu.dma_semaphore, #tpu.memory_space<semaphore_mem>>) src(%arg8 : memref<128x128xf32, #tpu.memory_space<vmem>>) dst(%dma_wait3A_123 : memref<10000x128xf32, #tpu.memory_space<vmem_shared>>)
        tpu.yield
      }) : () -> ()
      %add3A_89 = arith.constant 2 : i32
      %add3A_90 = arith.addi %add3A_81, %add3A_89 : i32
      %lt3A_91 = arith.constant 40 : i32
      %lt3A_92 = arith.cmpi slt, %add3A_90, %lt3A_91 : i32
      %convert_element_type3A_93 = arith.extui %lt3A_92 : i1 to i32
      %cond3A_94 = arith.constant 0 : i32
      %cond3A_95 = arith.cmpi ne, %convert_element_type3A_93, %cond3A_94 : i32
      scf.if %cond3A_95 {
        %add3A_115 = arith.constant 2 : i32
        %add3A_116 = arith.addi %add3A_81, %add3A_115 : i32
        %mul3A_117 = arith.constant 128 : i32
        %mul3A_118 = arith.muli %add3A_116, %mul3A_117 : i32
        %dma_start3A_119 = tpu.memref_slice %arg6[%mul3A_118] : memref<5120xi32, #tpu.memory_space<vmem>> -> memref<128xi32, #tpu.memory_space<vmem>>
        %dma_start3A_120 = arith.constant 0 : i32
        %dma_start3A_121 = arith.constant 0 : i32
        %dma_start3A_122 = tpu.memref_slice %arg2[%dma_start3A_120, %dma_start3A_121] : memref<10000x128xf32, #tpu.memory_space<hbm>> -> memref<10000x128xf32, #tpu.memory_space<hbm>>
        tpu.enqueue_indirect_dma source(%dma_start3A_122 : memref<10000x128xf32, #tpu.memory_space<hbm>>) target(%arg8 : memref<128x128xf32, #tpu.memory_space<vmem>>) offsets(%dma_start3A_119 : memref<128xi32, #tpu.memory_space<vmem>>) semaphore(%arg10 : memref<!tpu.dma_semaphore, #tpu.memory_space<semaphore_mem>>)
      } else {
      }
      %mul3A_96 = arith.constant 2 : i32
      %mul3A_97 = arith.muli %add3A_77, %mul3A_96 : i32
      %add3A_98 = arith.constant 1 : i32
      %add3A_99 = arith.addi %mul3A_97, %add3A_98 : i32
      %mul3A_100 = arith.constant 128 : i32
      %mul3A_101 = arith.muli %add3A_99, %mul3A_100 : i32
      %dma_wait3A_102 = tpu.memref_slice %arg6[%mul3A_101] : memref<5120xi32, #tpu.memory_space<vmem>> -> memref<128xi32, #tpu.memory_space<vmem>>
      %dma_wait3A_103 = arith.constant 0 : i32
      %dma_wait3A_104 = arith.constant 0 : i32
      %dma_wait3A_105 = tpu.memref_slice %arg2[%dma_wait3A_103, %dma_wait3A_104] : memref<10000x128xf32, #tpu.memory_space<hbm>> -> memref<10000x128xf32, #tpu.memory_space<hbm>>
      tpu.wait_indirect_dma semaphore(%arg11 : memref<!tpu.dma_semaphore, #tpu.memory_space<semaphore_mem>>) src(%dma_wait3A_105 : memref<10000x128xf32, #tpu.memory_space<hbm>>) dst(%arg9 : memref<128x128xf32, #tpu.memory_space<vmem>>)
      %mul3A_106 = arith.constant 128 : i32
      %mul3A_107 = arith.muli %add3A_99, %mul3A_106 : i32
      "tpu.region"() ({
        %run_scoped3A_115 = tpu.sem_alloc : memref<!tpu.dma_semaphore, #tpu.memory_space<semaphore_mem>>
        %dma_start3A_116 = tpu.memref_slice %arg7[%mul3A_107] : memref<5120xi32, #tpu.memory_space<vmem>> -> memref<128xi32, #tpu.memory_space<vmem>>
        %dma_start3A_117 = arith.constant 0 : i32
        %dma_start3A_118 = arith.constant 0 : i32
        %dma_start3A_119 = tpu.memref_slice %arg12[%dma_start3A_117, %dma_start3A_118] : memref<10000x128xf32, #tpu.memory_space<vmem_shared>> -> memref<10000x128xf32, #tpu.memory_space<vmem_shared>>
        tpu.enqueue_indirect_dma source(%arg9 : memref<128x128xf32, #tpu.memory_space<vmem>>) target(%dma_start3A_119 : memref<10000x128xf32, #tpu.memory_space<vmem_shared>>) offsets(%dma_start3A_116 : memref<128xi32, #tpu.memory_space<vmem>>) semaphore(%run_scoped3A_115 : memref<!tpu.dma_semaphore, #tpu.memory_space<semaphore_mem>>) {add = true}
        %dma_wait3A_120 = tpu.memref_slice %arg7[%mul3A_107] : memref<5120xi32, #tpu.memory_space<vmem>> -> memref<128xi32, #tpu.memory_space<vmem>>
        %dma_wait3A_121 = arith.constant 0 : i32
        %dma_wait3A_122 = arith.constant 0 : i32
        %dma_wait3A_123 = tpu.memref_slice %arg12[%dma_wait3A_121, %dma_wait3A_122] : memref<10000x128xf32, #tpu.memory_space<vmem_shared>> -> memref<10000x128xf32, #tpu.memory_space<vmem_shared>>
        tpu.wait_indirect_dma semaphore(%run_scoped3A_115 : memref<!tpu.dma_semaphore, #tpu.memory_space<semaphore_mem>>) src(%arg9 : memref<128x128xf32, #tpu.memory_space<vmem>>) dst(%dma_wait3A_123 : memref<10000x128xf32, #tpu.memory_space<vmem_shared>>)
        tpu.yield
      }) : () -> ()
      %add3A_108 = arith.constant 2 : i32
      %add3A_109 = arith.addi %add3A_99, %add3A_108 : i32
      %lt3A_110 = arith.constant 40 : i32
      %lt3A_111 = arith.cmpi slt, %add3A_109, %lt3A_110 : i32
      %convert_element_type3A_112 = arith.extui %lt3A_111 : i1 to i32
      %cond3A_113 = arith.constant 0 : i32
      %cond3A_114 = arith.cmpi ne, %convert_element_type3A_112, %cond3A_113 : i32
      scf.if %cond3A_114 {
        %add3A_115 = arith.constant 2 : i32
        %add3A_116 = arith.addi %add3A_99, %add3A_115 : i32
        %mul3A_117 = arith.constant 128 : i32
        %mul3A_118 = arith.muli %add3A_116, %mul3A_117 : i32
        %dma_start3A_119 = tpu.memref_slice %arg6[%mul3A_118] : memref<5120xi32, #tpu.memory_space<vmem>> -> memref<128xi32, #tpu.memory_space<vmem>>
        %dma_start3A_120 = arith.constant 0 : i32
        %dma_start3A_121 = arith.constant 0 : i32
        %dma_start3A_122 = tpu.memref_slice %arg2[%dma_start3A_120, %dma_start3A_121] : memref<10000x128xf32, #tpu.memory_space<hbm>> -> memref<10000x128xf32, #tpu.memory_space<hbm>>
        tpu.enqueue_indirect_dma source(%dma_start3A_122 : memref<10000x128xf32, #tpu.memory_space<hbm>>) target(%arg9 : memref<128x128xf32, #tpu.memory_space<vmem>>) offsets(%dma_start3A_119 : memref<128xi32, #tpu.memory_space<vmem>>) semaphore(%arg11 : memref<!tpu.dma_semaphore, #tpu.memory_space<semaphore_mem>>)
      } else {
      }
    }
    %scan3A_30 = arith.constant 20 : i32
    %add3A_31 = arith.constant 5120 : i32
    %add3A_32 = arith.addi %mul3A_12, %add3A_31 : i32
    %run_scoped3A_33 = arith.constant 0 : i32
    "tpu.region"() ({
      %run_scoped3A_73 = tpu.sem_alloc : memref<!tpu.dma_semaphore, #tpu.memory_space<semaphore_mem>>
      %dma_start3A_74 = arith.constant 0 : i32
      %dma_start3A_75 = tpu.memref_slice %arg6[%dma_start3A_74] : memref<5120xi32, #tpu.memory_space<vmem>> -> memref<4864xi32, #tpu.memory_space<vmem>>
      %dma_start3A_76 = arith.constant 0 : i32
      %dma_start3A_77 = tpu.memref_slice %arg3[%run_scoped3A_33, %dma_start3A_76] : memref<2x320000xi32, #tpu.memory_space<hbm>> -> memref<1x320000xi32, #tpu.memory_space<hbm>>
      %dma_start3A_78 = tpu.memref_squeeze %dma_start3A_77 : memref<1x320000xi32, #tpu.memory_space<hbm>> -> memref<320000xi32, #tpu.memory_space<hbm>>
      %dma_start3A_79 = tpu.memref_slice %dma_start3A_78[%add3A_32] : memref<320000xi32, #tpu.memory_space<hbm>> -> memref<4864xi32, #tpu.memory_space<hbm>>
      %dma_start3A_80 = arith.constant 0 : i32
      %dma_start3A_81 = tpu.memref_slice %arg6[%dma_start3A_80] : memref<5120xi32, #tpu.memory_space<vmem>> -> memref<4864xi32, #tpu.memory_space<vmem>>
      %dma_start3A_82 = arith.constant 0 : i32
      %dma_start3A_83 = tpu.memref_slice %arg3[%run_scoped3A_33, %dma_start3A_82] : memref<2x320000xi32, #tpu.memory_space<hbm>> -> memref<1x320000xi32, #tpu.memory_space<hbm>>
      %dma_start3A_84 = tpu.memref_squeeze %dma_start3A_83 : memref<1x320000xi32, #tpu.memory_space<hbm>> -> memref<320000xi32, #tpu.memory_space<hbm>>
      %dma_start3A_85 = tpu.memref_slice %dma_start3A_84[%add3A_32] : memref<320000xi32, #tpu.memory_space<hbm>> -> memref<4864xi32, #tpu.memory_space<hbm>>
      tpu.enqueue_dma source(%dma_start3A_85 : memref<4864xi32, #tpu.memory_space<hbm>>) target(%dma_start3A_81 : memref<4864xi32, #tpu.memory_space<vmem>>) target_semaphore(%run_scoped3A_73 : memref<!tpu.dma_semaphore, #tpu.memory_space<semaphore_mem>>)
      %dma_wait3A = arith.constant 0 : i32
      %dma_wait3A_86 = tpu.memref_slice %arg6[%dma_wait3A] : memref<5120xi32, #tpu.memory_space<vmem>> -> memref<4864xi32, #tpu.memory_space<vmem>>
      %dma_wait3A_87 = arith.constant 0 : i32
      %dma_wait3A_88 = tpu.memref_slice %arg3[%run_scoped3A_33, %dma_wait3A_87] : memref<2x320000xi32, #tpu.memory_space<hbm>> -> memref<1x320000xi32, #tpu.memory_space<hbm>>
      %dma_wait3A_89 = tpu.memref_squeeze %dma_wait3A_88 : memref<1x320000xi32, #tpu.memory_space<hbm>> -> memref<320000xi32, #tpu.memory_space<hbm>>
      %dma_wait3A_90 = tpu.memref_slice %dma_wait3A_89[%add3A_32] : memref<320000xi32, #tpu.memory_space<hbm>> -> memref<4864xi32, #tpu.memory_space<hbm>>
      %dma_wait3A_91 = arith.constant 0 : i32
      %dma_wait3A_92 = tpu.memref_slice %arg6[%dma_wait3A_91] : memref<5120xi32, #tpu.memory_space<vmem>> -> memref<4864xi32, #tpu.memory_space<vmem>>
      %dma_wait3A_93 = arith.constant 0 : i32
      %dma_wait3A_94 = tpu.memref_slice %arg3[%run_scoped3A_33, %dma_wait3A_93] : memref<2x320000xi32, #tpu.memory_space<hbm>> -> memref<1x320000xi32, #tpu.memory_space<hbm>>
      %dma_wait3A_95 = tpu.memref_squeeze %dma_wait3A_94 : memref<1x320000xi32, #tpu.memory_space<hbm>> -> memref<320000xi32, #tpu.memory_space<hbm>>
      %dma_wait3A_96 = tpu.memref_slice %dma_wait3A_95[%add3A_32] : memref<320000xi32, #tpu.memory_space<hbm>> -> memref<4864xi32, #tpu.memory_space<hbm>>
      tpu.wait_dma2 semaphore(%run_scoped3A_73 : memref<!tpu.dma_semaphore, #tpu.memory_space<semaphore_mem>>) src(%dma_wait3A_96 : memref<4864xi32, #tpu.memory_space<hbm>>) dst(%dma_wait3A_92 : memref<4864xi32, #tpu.memory_space<vmem>>)
      tpu.yield
    }) : () -> ()
    %add3A_34 = arith.constant 5120 : i32
    %add3A_35 = arith.addi %mul3A_12, %add3A_34 : i32
    %run_scoped3A_36 = arith.constant 1 : i32
    "tpu.region"() ({
      %run_scoped3A_73 = tpu.sem_alloc : memref<!tpu.dma_semaphore, #tpu.memory_space<semaphore_mem>>
      %dma_start3A_74 = arith.constant 0 : i32
      %dma_start3A_75 = tpu.memref_slice %arg7[%dma_start3A_74] : memref<5120xi32, #tpu.memory_space<vmem>> -> memref<4864xi32, #tpu.memory_space<vmem>>
      %dma_start3A_76 = arith.constant 0 : i32
      %dma_start3A_77 = tpu.memref_slice %arg3[%run_scoped3A_36, %dma_start3A_76] : memref<2x320000xi32, #tpu.memory_space<hbm>> -> memref<1x320000xi32, #tpu.memory_space<hbm>>
      %dma_start3A_78 = tpu.memref_squeeze %dma_start3A_77 : memref<1x320000xi32, #tpu.memory_space<hbm>> -> memref<320000xi32, #tpu.memory_space<hbm>>
      %dma_start3A_79 = tpu.memref_slice %dma_start3A_78[%add3A_35] : memref<320000xi32, #tpu.memory_space<hbm>> -> memref<4864xi32, #tpu.memory_space<hbm>>
      %dma_start3A_80 = arith.constant 0 : i32
      %dma_start3A_81 = tpu.memref_slice %arg7[%dma_start3A_80] : memref<5120xi32, #tpu.memory_space<vmem>> -> memref<4864xi32, #tpu.memory_space<vmem>>
      %dma_start3A_82 = arith.constant 0 : i32
      %dma_start3A_83 = tpu.memref_slice %arg3[%run_scoped3A_36, %dma_start3A_82] : memref<2x320000xi32, #tpu.memory_space<hbm>> -> memref<1x320000xi32, #tpu.memory_space<hbm>>
      %dma_start3A_84 = tpu.memref_squeeze %dma_start3A_83 : memref<1x320000xi32, #tpu.memory_space<hbm>> -> memref<320000xi32, #tpu.memory_space<hbm>>
      %dma_start3A_85 = tpu.memref_slice %dma_start3A_84[%add3A_35] : memref<320000xi32, #tpu.memory_space<hbm>> -> memref<4864xi32, #tpu.memory_space<hbm>>
      tpu.enqueue_dma source(%dma_start3A_85 : memref<4864xi32, #tpu.memory_space<hbm>>) target(%dma_start3A_81 : memref<4864xi32, #tpu.memory_space<vmem>>) target_semaphore(%run_scoped3A_73 : memref<!tpu.dma_semaphore, #tpu.memory_space<semaphore_mem>>)
      %dma_wait3A = arith.constant 0 : i32
      %dma_wait3A_86 = tpu.memref_slice %arg7[%dma_wait3A] : memref<5120xi32, #tpu.memory_space<vmem>> -> memref<4864xi32, #tpu.memory_space<vmem>>
      %dma_wait3A_87 = arith.constant 0 : i32
      %dma_wait3A_88 = tpu.memref_slice %arg3[%run_scoped3A_36, %dma_wait3A_87] : memref<2x320000xi32, #tpu.memory_space<hbm>> -> memref<1x320000xi32, #tpu.memory_space<hbm>>
      %dma_wait3A_89 = tpu.memref_squeeze %dma_wait3A_88 : memref<1x320000xi32, #tpu.memory_space<hbm>> -> memref<320000xi32, #tpu.memory_space<hbm>>
      %dma_wait3A_90 = tpu.memref_slice %dma_wait3A_89[%add3A_35] : memref<320000xi32, #tpu.memory_space<hbm>> -> memref<4864xi32, #tpu.memory_space<hbm>>
      %dma_wait3A_91 = arith.constant 0 : i32
      %dma_wait3A_92 = tpu.memref_slice %arg7[%dma_wait3A_91] : memref<5120xi32, #tpu.memory_space<vmem>> -> memref<4864xi32, #tpu.memory_space<vmem>>
      %dma_wait3A_93 = arith.constant 0 : i32
      %dma_wait3A_94 = tpu.memref_slice %arg3[%run_scoped3A_36, %dma_wait3A_93] : memref<2x320000xi32, #tpu.memory_space<hbm>> -> memref<1x320000xi32, #tpu.memory_space<hbm>>
      %dma_wait3A_95 = tpu.memref_squeeze %dma_wait3A_94 : memref<1x320000xi32, #tpu.memory_space<hbm>> -> memref<320000xi32, #tpu.memory_space<hbm>>
      %dma_wait3A_96 = tpu.memref_slice %dma_wait3A_95[%add3A_35] : memref<320000xi32, #tpu.memory_space<hbm>> -> memref<4864xi32, #tpu.memory_space<hbm>>
      tpu.wait_dma2 semaphore(%run_scoped3A_73 : memref<!tpu.dma_semaphore, #tpu.memory_space<semaphore_mem>>) src(%dma_wait3A_96 : memref<4864xi32, #tpu.memory_space<hbm>>) dst(%dma_wait3A_92 : memref<4864xi32, #tpu.memory_space<vmem>>)
      tpu.yield
    }) : () -> ()
    %lt3A_37 = arith.constant 2 : i32
    %lt3A_38 = arith.cmpi slt, %arg1, %lt3A_37 : i32
    %convert_element_type3A_39 = arith.extui %lt3A_38 : i1 to i32
    %cond3A_40 = arith.constant 0 : i32
    %cond3A_41 = arith.cmpi ne, %convert_element_type3A_39, %cond3A_40 : i32
    scf.if %cond3A_41 {
      %add3A_73 = arith.constant 9984 : i32
      %add3A_74 = arith.addi %mul3A_12, %add3A_73 : i32
      %run_scoped3A_75 = arith.constant 0 : i32
      "tpu.region"() ({
        %run_scoped3A_79 = tpu.sem_alloc : memref<!tpu.dma_semaphore, #tpu.memory_space<semaphore_mem>>
        %dma_start3A_80 = arith.constant 4864 : i32
        %dma_start3A_81 = tpu.memref_slice %arg6[%dma_start3A_80] : memref<5120xi32, #tpu.memory_space<vmem>> -> memref<128xi32, #tpu.memory_space<vmem>>
        %dma_start3A_82 = arith.constant 0 : i32
        %dma_start3A_83 = tpu.memref_slice %arg3[%run_scoped3A_75, %dma_start3A_82] : memref<2x320000xi32, #tpu.memory_space<hbm>> -> memref<1x320000xi32, #tpu.memory_space<hbm>>
        %dma_start3A_84 = tpu.memref_squeeze %dma_start3A_83 : memref<1x320000xi32, #tpu.memory_space<hbm>> -> memref<320000xi32, #tpu.memory_space<hbm>>
        %dma_start3A_85 = tpu.memref_slice %dma_start3A_84[%add3A_74] : memref<320000xi32, #tpu.memory_space<hbm>> -> memref<128xi32, #tpu.memory_space<hbm>>
        %dma_start3A_86 = arith.constant 4864 : i32
        %dma_start3A_87 = tpu.memref_slice %arg6[%dma_start3A_86] : memref<5120xi32, #tpu.memory_space<vmem>> -> memref<128xi32, #tpu.memory_space<vmem>>
        %dma_start3A_88 = arith.constant 0 : i32
        %dma_start3A_89 = tpu.memref_slice %arg3[%run_scoped3A_75, %dma_start3A_88] : memref<2x320000xi32, #tpu.memory_space<hbm>> -> memref<1x320000xi32, #tpu.memory_space<hbm>>
        %dma_start3A_90 = tpu.memref_squeeze %dma_start3A_89 : memref<1x320000xi32, #tpu.memory_space<hbm>> -> memref<320000xi32, #tpu.memory_space<hbm>>
        %dma_start3A_91 = tpu.memref_slice %dma_start3A_90[%add3A_74] : memref<320000xi32, #tpu.memory_space<hbm>> -> memref<128xi32, #tpu.memory_space<hbm>>
        tpu.enqueue_dma source(%dma_start3A_91 : memref<128xi32, #tpu.memory_space<hbm>>) target(%dma_start3A_87 : memref<128xi32, #tpu.memory_space<vmem>>) target_semaphore(%run_scoped3A_79 : memref<!tpu.dma_semaphore, #tpu.memory_space<semaphore_mem>>)
        %dma_wait3A = arith.constant 4864 : i32
        %dma_wait3A_92 = tpu.memref_slice %arg6[%dma_wait3A] : memref<5120xi32, #tpu.memory_space<vmem>> -> memref<128xi32, #tpu.memory_space<vmem>>
        %dma_wait3A_93 = arith.constant 0 : i32
        %dma_wait3A_94 = tpu.memref_slice %arg3[%run_scoped3A_75, %dma_wait3A_93] : memref<2x320000xi32, #tpu.memory_space<hbm>> -> memref<1x320000xi32, #tpu.memory_space<hbm>>
        %dma_wait3A_95 = tpu.memref_squeeze %dma_wait3A_94 : memref<1x320000xi32, #tpu.memory_space<hbm>> -> memref<320000xi32, #tpu.memory_space<hbm>>
        %dma_wait3A_96 = tpu.memref_slice %dma_wait3A_95[%add3A_74] : memref<320000xi32, #tpu.memory_space<hbm>> -> memref<128xi32, #tpu.memory_space<hbm>>
        %dma_wait3A_97 = arith.constant 4864 : i32
        %dma_wait3A_98 = tpu.memref_slice %arg6[%dma_wait3A_97] : memref<5120xi32, #tpu.memory_space<vmem>> -> memref<128xi32, #tpu.memory_space<vmem>>
        %dma_wait3A_99 = arith.constant 0 : i32
        %dma_wait3A_100 = tpu.memref_slice %arg3[%run_scoped3A_75, %dma_wait3A_99] : memref<2x320000xi32, #tpu.memory_space<hbm>> -> memref<1x320000xi32, #tpu.memory_space<hbm>>
        %dma_wait3A_101 = tpu.memref_squeeze %dma_wait3A_100 : memref<1x320000xi32, #tpu.memory_space<hbm>> -> memref<320000xi32, #tpu.memory_space<hbm>>
        %dma_wait3A_102 = tpu.memref_slice %dma_wait3A_101[%add3A_74] : memref<320000xi32, #tpu.memory_space<hbm>> -> memref<128xi32, #tpu.memory_space<hbm>>
        tpu.wait_dma2 semaphore(%run_scoped3A_79 : memref<!tpu.dma_semaphore, #tpu.memory_space<semaphore_mem>>) src(%dma_wait3A_102 : memref<128xi32, #tpu.memory_space<hbm>>) dst(%dma_wait3A_98 : memref<128xi32, #tpu.memory_space<vmem>>)
        tpu.yield
      }) : () -> ()
      %add3A_76 = arith.constant 9984 : i32
      %add3A_77 = arith.addi %mul3A_12, %add3A_76 : i32
      %run_scoped3A_78 = arith.constant 1 : i32
      "tpu.region"() ({
        %run_scoped3A_79 = tpu.sem_alloc : memref<!tpu.dma_semaphore, #tpu.memory_space<semaphore_mem>>
        %dma_start3A_80 = arith.constant 4864 : i32
        %dma_start3A_81 = tpu.memref_slice %arg7[%dma_start3A_80] : memref<5120xi32, #tpu.memory_space<vmem>> -> memref<128xi32, #tpu.memory_space<vmem>>
        %dma_start3A_82 = arith.constant 0 : i32
        %dma_start3A_83 = tpu.memref_slice %arg3[%run_scoped3A_78, %dma_start3A_82] : memref<2x320000xi32, #tpu.memory_space<hbm>> -> memref<1x320000xi32, #tpu.memory_space<hbm>>
        %dma_start3A_84 = tpu.memref_squeeze %dma_start3A_83 : memref<1x320000xi32, #tpu.memory_space<hbm>> -> memref<320000xi32, #tpu.memory_space<hbm>>
        %dma_start3A_85 = tpu.memref_slice %dma_start3A_84[%add3A_77] : memref<320000xi32, #tpu.memory_space<hbm>> -> memref<128xi32, #tpu.memory_space<hbm>>
        %dma_start3A_86 = arith.constant 4864 : i32
        %dma_start3A_87 = tpu.memref_slice %arg7[%dma_start3A_86] : memref<5120xi32, #tpu.memory_space<vmem>> -> memref<128xi32, #tpu.memory_space<vmem>>
        %dma_start3A_88 = arith.constant 0 : i32
        %dma_start3A_89 = tpu.memref_slice %arg3[%run_scoped3A_78, %dma_start3A_88] : memref<2x320000xi32, #tpu.memory_space<hbm>> -> memref<1x320000xi32, #tpu.memory_space<hbm>>
        %dma_start3A_90 = tpu.memref_squeeze %dma_start3A_89 : memref<1x320000xi32, #tpu.memory_space<hbm>> -> memref<320000xi32, #tpu.memory_space<hbm>>
        %dma_start3A_91 = tpu.memref_slice %dma_start3A_90[%add3A_77] : memref<320000xi32, #tpu.memory_space<hbm>> -> memref<128xi32, #tpu.memory_space<hbm>>
        tpu.enqueue_dma source(%dma_start3A_91 : memref<128xi32, #tpu.memory_space<hbm>>) target(%dma_start3A_87 : memref<128xi32, #tpu.memory_space<vmem>>) target_semaphore(%run_scoped3A_79 : memref<!tpu.dma_semaphore, #tpu.memory_space<semaphore_mem>>)
        %dma_wait3A = arith.constant 4864 : i32
        %dma_wait3A_92 = tpu.memref_slice %arg7[%dma_wait3A] : memref<5120xi32, #tpu.memory_space<vmem>> -> memref<128xi32, #tpu.memory_space<vmem>>
        %dma_wait3A_93 = arith.constant 0 : i32
        %dma_wait3A_94 = tpu.memref_slice %arg3[%run_scoped3A_78, %dma_wait3A_93] : memref<2x320000xi32, #tpu.memory_space<hbm>> -> memref<1x320000xi32, #tpu.memory_space<hbm>>
        %dma_wait3A_95 = tpu.memref_squeeze %dma_wait3A_94 : memref<1x320000xi32, #tpu.memory_space<hbm>> -> memref<320000xi32, #tpu.memory_space<hbm>>
        %dma_wait3A_96 = tpu.memref_slice %dma_wait3A_95[%add3A_77] : memref<320000xi32, #tpu.memory_space<hbm>> -> memref<128xi32, #tpu.memory_space<hbm>>
        %dma_wait3A_97 = arith.constant 4864 : i32
        %dma_wait3A_98 = tpu.memref_slice %arg7[%dma_wait3A_97] : memref<5120xi32, #tpu.memory_space<vmem>> -> memref<128xi32, #tpu.memory_space<vmem>>
        %dma_wait3A_99 = arith.constant 0 : i32
        %dma_wait3A_100 = tpu.memref_slice %arg3[%run_scoped3A_78, %dma_wait3A_99] : memref<2x320000xi32, #tpu.memory_space<hbm>> -> memref<1x320000xi32, #tpu.memory_space<hbm>>
        %dma_wait3A_101 = tpu.memref_squeeze %dma_wait3A_100 : memref<1x320000xi32, #tpu.memory_space<hbm>> -> memref<320000xi32, #tpu.memory_space<hbm>>
        %dma_wait3A_102 = tpu.memref_slice %dma_wait3A_101[%add3A_77] : memref<320000xi32, #tpu.memory_space<hbm>> -> memref<128xi32, #tpu.memory_space<hbm>>
        tpu.wait_dma2 semaphore(%run_scoped3A_79 : memref<!tpu.dma_semaphore, #tpu.memory_space<semaphore_mem>>) src(%dma_wait3A_102 : memref<128xi32, #tpu.memory_space<hbm>>) dst(%dma_wait3A_98 : memref<128xi32, #tpu.memory_space<vmem>>)
        tpu.yield
      }) : () -> ()
    } else {
    }
    %dma_start3A_42 = arith.constant 0 : i32
    %dma_start3A_43 = tpu.memref_slice %arg6[%dma_start3A_42] : memref<5120xi32, #tpu.memory_space<vmem>> -> memref<128xi32, #tpu.memory_space<vmem>>
    %dma_start3A_44 = arith.constant 0 : i32
    %dma_start3A_45 = arith.constant 0 : i32
    %dma_start3A_46 = tpu.memref_slice %arg2[%dma_start3A_44, %dma_start3A_45] : memref<10000x128xf32, #tpu.memory_space<hbm>> -> memref<10000x128xf32, #tpu.memory_space<hbm>>
    tpu.enqueue_indirect_dma source(%dma_start3A_46 : memref<10000x128xf32, #tpu.memory_space<hbm>>) target(%arg8 : memref<128x128xf32, #tpu.memory_space<vmem>>) offsets(%dma_start3A_43 : memref<128xi32, #tpu.memory_space<vmem>>) semaphore(%arg10 : memref<!tpu.dma_semaphore, #tpu.memory_space<semaphore_mem>>)
    %dma_start3A_47 = arith.constant 128 : i32
    %dma_start3A_48 = tpu.memref_slice %arg6[%dma_start3A_47] : memref<5120xi32, #tpu.memory_space<vmem>> -> memref<128xi32, #tpu.memory_space<vmem>>
    %dma_start3A_49 = arith.constant 0 : i32
    %dma_start3A_50 = arith.constant 0 : i32
    %dma_start3A_51 = tpu.memref_slice %arg2[%dma_start3A_49, %dma_start3A_50] : memref<10000x128xf32, #tpu.memory_space<hbm>> -> memref<10000x128xf32, #tpu.memory_space<hbm>>
    tpu.enqueue_indirect_dma source(%dma_start3A_51 : memref<10000x128xf32, #tpu.memory_space<hbm>>) target(%arg9 : memref<128x128xf32, #tpu.memory_space<vmem>>) offsets(%dma_start3A_48 : memref<128xi32, #tpu.memory_space<vmem>>) semaphore(%arg11 : memref<!tpu.dma_semaphore, #tpu.memory_space<semaphore_mem>>)
    %scan3A_52 = arith.constant 0 : i32
    %scan3A_53 = arith.constant 19 : i32
    %scan3A_54 = arith.addi %scan3A_52, %scan3A_53 : i32
    %scan3A_55 = arith.constant 1 : i32
    scf.for %scan3A_73 = %scan3A_52 to %scan3A_54 step %scan3A_55  : i32 {
      %mul3A_74 = arith.constant 1 : i32
      %mul3A_75 = arith.muli %scan3A_73, %mul3A_74 : i32
      %add3A_76 = arith.constant 0 : i32
      %add3A_77 = arith.addi %add3A_76, %mul3A_75 : i32
      %mul3A_78 = arith.constant 2 : i32
      %mul3A_79 = arith.muli %add3A_77, %mul3A_78 : i32
      %add3A_80 = arith.constant 0 : i32
      %add3A_81 = arith.addi %mul3A_79, %add3A_80 : i32
      %mul3A_82 = arith.constant 128 : i32
      %mul3A_83 = arith.muli %add3A_81, %mul3A_82 : i32
      %dma_wait3A = tpu.memref_slice %arg6[%mul3A_83] : memref<5120xi32, #tpu.memory_space<vmem>> -> memref<128xi32, #tpu.memory_space<vmem>>
      %dma_wait3A_84 = arith.constant 0 : i32
      %dma_wait3A_85 = arith.constant 0 : i32
      %dma_wait3A_86 = tpu.memref_slice %arg2[%dma_wait3A_84, %dma_wait3A_85] : memref<10000x128xf32, #tpu.memory_space<hbm>> -> memref<10000x128xf32, #tpu.memory_space<hbm>>
      tpu.wait_indirect_dma semaphore(%arg10 : memref<!tpu.dma_semaphore, #tpu.memory_space<semaphore_mem>>) src(%dma_wait3A_86 : memref<10000x128xf32, #tpu.memory_space<hbm>>) dst(%arg8 : memref<128x128xf32, #tpu.memory_space<vmem>>)
      %mul3A_87 = arith.constant 128 : i32
      %mul3A_88 = arith.muli %add3A_81, %mul3A_87 : i32
      "tpu.region"() ({
        %run_scoped3A_115 = tpu.sem_alloc : memref<!tpu.dma_semaphore, #tpu.memory_space<semaphore_mem>>
        %dma_start3A_116 = tpu.memref_slice %arg7[%mul3A_88] : memref<5120xi32, #tpu.memory_space<vmem>> -> memref<128xi32, #tpu.memory_space<vmem>>
        %dma_start3A_117 = arith.constant 0 : i32
        %dma_start3A_118 = arith.constant 0 : i32
        %dma_start3A_119 = tpu.memref_slice %arg12[%dma_start3A_117, %dma_start3A_118] : memref<10000x128xf32, #tpu.memory_space<vmem_shared>> -> memref<10000x128xf32, #tpu.memory_space<vmem_shared>>
        tpu.enqueue_indirect_dma source(%arg8 : memref<128x128xf32, #tpu.memory_space<vmem>>) target(%dma_start3A_119 : memref<10000x128xf32, #tpu.memory_space<vmem_shared>>) offsets(%dma_start3A_116 : memref<128xi32, #tpu.memory_space<vmem>>) semaphore(%run_scoped3A_115 : memref<!tpu.dma_semaphore, #tpu.memory_space<semaphore_mem>>) {add = true}
        %dma_wait3A_120 = tpu.memref_slice %arg7[%mul3A_88] : memref<5120xi32, #tpu.memory_space<vmem>> -> memref<128xi32, #tpu.memory_space<vmem>>
        %dma_wait3A_121 = arith.constant 0 : i32
        %dma_wait3A_122 = arith.constant 0 : i32
        %dma_wait3A_123 = tpu.memref_slice %arg12[%dma_wait3A_121, %dma_wait3A_122] : memref<10000x128xf32, #tpu.memory_space<vmem_shared>> -> memref<10000x128xf32, #tpu.memory_space<vmem_shared>>
        tpu.wait_indirect_dma semaphore(%run_scoped3A_115 : memref<!tpu.dma_semaphore, #tpu.memory_space<semaphore_mem>>) src(%arg8 : memref<128x128xf32, #tpu.memory_space<vmem>>) dst(%dma_wait3A_123 : memref<10000x128xf32, #tpu.memory_space<vmem_shared>>)
        tpu.yield
      }) : () -> ()
      %add3A_89 = arith.constant 2 : i32
      %add3A_90 = arith.addi %add3A_81, %add3A_89 : i32
      %lt3A_91 = arith.constant 38 : i32
      %lt3A_92 = arith.cmpi slt, %add3A_90, %lt3A_91 : i32
      %convert_element_type3A_93 = arith.extui %lt3A_92 : i1 to i32
      %cond3A_94 = arith.constant 0 : i32
      %cond3A_95 = arith.cmpi ne, %convert_element_type3A_93, %cond3A_94 : i32
      scf.if %cond3A_95 {
        %add3A_115 = arith.constant 2 : i32
        %add3A_116 = arith.addi %add3A_81, %add3A_115 : i32
        %mul3A_117 = arith.constant 128 : i32
        %mul3A_118 = arith.muli %add3A_116, %mul3A_117 : i32
        %dma_start3A_119 = tpu.memref_slice %arg6[%mul3A_118] : memref<5120xi32, #tpu.memory_space<vmem>> -> memref<128xi32, #tpu.memory_space<vmem>>
        %dma_start3A_120 = arith.constant 0 : i32
        %dma_start3A_121 = arith.constant 0 : i32
        %dma_start3A_122 = tpu.memref_slice %arg2[%dma_start3A_120, %dma_start3A_121] : memref<10000x128xf32, #tpu.memory_space<hbm>> -> memref<10000x128xf32, #tpu.memory_space<hbm>>
        tpu.enqueue_indirect_dma source(%dma_start3A_122 : memref<10000x128xf32, #tpu.memory_space<hbm>>) target(%arg8 : memref<128x128xf32, #tpu.memory_space<vmem>>) offsets(%dma_start3A_119 : memref<128xi32, #tpu.memory_space<vmem>>) semaphore(%arg10 : memref<!tpu.dma_semaphore, #tpu.memory_space<semaphore_mem>>)
      } else {
      }
      %mul3A_96 = arith.constant 2 : i32
      %mul3A_97 = arith.muli %add3A_77, %mul3A_96 : i32
      %add3A_98 = arith.constant 1 : i32
      %add3A_99 = arith.addi %mul3A_97, %add3A_98 : i32
      %mul3A_100 = arith.constant 128 : i32
      %mul3A_101 = arith.muli %add3A_99, %mul3A_100 : i32
      %dma_wait3A_102 = tpu.memref_slice %arg6[%mul3A_101] : memref<5120xi32, #tpu.memory_space<vmem>> -> memref<128xi32, #tpu.memory_space<vmem>>
      %dma_wait3A_103 = arith.constant 0 : i32
      %dma_wait3A_104 = arith.constant 0 : i32
      %dma_wait3A_105 = tpu.memref_slice %arg2[%dma_wait3A_103, %dma_wait3A_104] : memref<10000x128xf32, #tpu.memory_space<hbm>> -> memref<10000x128xf32, #tpu.memory_space<hbm>>
      tpu.wait_indirect_dma semaphore(%arg11 : memref<!tpu.dma_semaphore, #tpu.memory_space<semaphore_mem>>) src(%dma_wait3A_105 : memref<10000x128xf32, #tpu.memory_space<hbm>>) dst(%arg9 : memref<128x128xf32, #tpu.memory_space<vmem>>)
      %mul3A_106 = arith.constant 128 : i32
      %mul3A_107 = arith.muli %add3A_99, %mul3A_106 : i32
      "tpu.region"() ({
        %run_scoped3A_115 = tpu.sem_alloc : memref<!tpu.dma_semaphore, #tpu.memory_space<semaphore_mem>>
        %dma_start3A_116 = tpu.memref_slice %arg7[%mul3A_107] : memref<5120xi32, #tpu.memory_space<vmem>> -> memref<128xi32, #tpu.memory_space<vmem>>
        %dma_start3A_117 = arith.constant 0 : i32
        %dma_start3A_118 = arith.constant 0 : i32
        %dma_start3A_119 = tpu.memref_slice %arg12[%dma_start3A_117, %dma_start3A_118] : memref<10000x128xf32, #tpu.memory_space<vmem_shared>> -> memref<10000x128xf32, #tpu.memory_space<vmem_shared>>
        tpu.enqueue_indirect_dma source(%arg9 : memref<128x128xf32, #tpu.memory_space<vmem>>) target(%dma_start3A_119 : memref<10000x128xf32, #tpu.memory_space<vmem_shared>>) offsets(%dma_start3A_116 : memref<128xi32, #tpu.memory_space<vmem>>) semaphore(%run_scoped3A_115 : memref<!tpu.dma_semaphore, #tpu.memory_space<semaphore_mem>>) {add = true}
        %dma_wait3A_120 = tpu.memref_slice %arg7[%mul3A_107] : memref<5120xi32, #tpu.memory_space<vmem>> -> memref<128xi32, #tpu.memory_space<vmem>>
        %dma_wait3A_121 = arith.constant 0 : i32
        %dma_wait3A_122 = arith.constant 0 : i32
        %dma_wait3A_123 = tpu.memref_slice %arg12[%dma_wait3A_121, %dma_wait3A_122] : memref<10000x128xf32, #tpu.memory_space<vmem_shared>> -> memref<10000x128xf32, #tpu.memory_space<vmem_shared>>
        tpu.wait_indirect_dma semaphore(%run_scoped3A_115 : memref<!tpu.dma_semaphore, #tpu.memory_space<semaphore_mem>>) src(%arg9 : memref<128x128xf32, #tpu.memory_space<vmem>>) dst(%dma_wait3A_123 : memref<10000x128xf32, #tpu.memory_space<vmem_shared>>)
        tpu.yield
      }) : () -> ()
      %add3A_108 = arith.constant 2 : i32
      %add3A_109 = arith.addi %add3A_99, %add3A_108 : i32
      %lt3A_110 = arith.constant 38 : i32
      %lt3A_111 = arith.cmpi slt, %add3A_109, %lt3A_110 : i32
      %convert_element_type3A_112 = arith.extui %lt3A_111 : i1 to i32
      %cond3A_113 = arith.constant 0 : i32
      %cond3A_114 = arith.cmpi ne, %convert_element_type3A_112, %cond3A_113 : i32
      scf.if %cond3A_114 {
        %add3A_115 = arith.constant 2 : i32
        %add3A_116 = arith.addi %add3A_99, %add3A_115 : i32
        %mul3A_117 = arith.constant 128 : i32
        %mul3A_118 = arith.muli %add3A_116, %mul3A_117 : i32
        %dma_start3A_119 = tpu.memref_slice %arg6[%mul3A_118] : memref<5120xi32, #tpu.memory_space<vmem>> -> memref<128xi32, #tpu.memory_space<vmem>>
        %dma_start3A_120 = arith.constant 0 : i32
        %dma_start3A_121 = arith.constant 0 : i32
        %dma_start3A_122 = tpu.memref_slice %arg2[%dma_start3A_120, %dma_start3A_121] : memref<10000x128xf32, #tpu.memory_space<hbm>> -> memref<10000x128xf32, #tpu.memory_space<hbm>>
        tpu.enqueue_indirect_dma source(%dma_start3A_122 : memref<10000x128xf32, #tpu.memory_space<hbm>>) target(%arg9 : memref<128x128xf32, #tpu.memory_space<vmem>>) offsets(%dma_start3A_119 : memref<128xi32, #tpu.memory_space<vmem>>) semaphore(%arg11 : memref<!tpu.dma_semaphore, #tpu.memory_space<semaphore_mem>>)
      } else {
      }
    }
    %scan3A_56 = arith.constant 19 : i32
    %lt3A_57 = arith.constant 2 : i32
    %lt3A_58 = arith.cmpi slt, %arg1, %lt3A_57 : i32
    %convert_element_type3A_59 = arith.extui %lt3A_58 : i1 to i32
    %cond3A_60 = arith.constant 0 : i32
    %cond3A_61 = arith.cmpi ne, %convert_element_type3A_59, %cond3A_60 : i32
    scf.if %cond3A_61 {
      %dma_start3A_73 = arith.constant 4864 : i32
      %dma_start3A_74 = tpu.memref_slice %arg6[%dma_start3A_73] : memref<5120xi32, #tpu.memory_space<vmem>> -> memref<128xi32, #tpu.memory_space<vmem>>
      %dma_start3A_75 = arith.constant 0 : i32
      %dma_start3A_76 = arith.constant 0 : i32
      %dma_start3A_77 = tpu.memref_slice %arg2[%dma_start3A_75, %dma_start3A_76] : memref<10000x128xf32, #tpu.memory_space<hbm>> -> memref<10000x128xf32, #tpu.memory_space<hbm>>
      tpu.enqueue_indirect_dma source(%dma_start3A_77 : memref<10000x128xf32, #tpu.memory_space<hbm>>) target(%arg8 : memref<128x128xf32, #tpu.memory_space<vmem>>) offsets(%dma_start3A_74 : memref<128xi32, #tpu.memory_space<vmem>>) semaphore(%arg10 : memref<!tpu.dma_semaphore, #tpu.memory_space<semaphore_mem>>)
      %dma_wait3A = arith.constant 4864 : i32
      %dma_wait3A_78 = tpu.memref_slice %arg6[%dma_wait3A] : memref<5120xi32, #tpu.memory_space<vmem>> -> memref<128xi32, #tpu.memory_space<vmem>>
      %dma_wait3A_79 = arith.constant 0 : i32
      %dma_wait3A_80 = arith.constant 0 : i32
      %dma_wait3A_81 = tpu.memref_slice %arg2[%dma_wait3A_79, %dma_wait3A_80] : memref<10000x128xf32, #tpu.memory_space<hbm>> -> memref<10000x128xf32, #tpu.memory_space<hbm>>
      tpu.wait_indirect_dma semaphore(%arg10 : memref<!tpu.dma_semaphore, #tpu.memory_space<semaphore_mem>>) src(%dma_wait3A_81 : memref<10000x128xf32, #tpu.memory_space<hbm>>) dst(%arg8 : memref<128x128xf32, #tpu.memory_space<vmem>>)
      "tpu.region"() ({
        %run_scoped3A_82 = tpu.sem_alloc : memref<!tpu.dma_semaphore, #tpu.memory_space<semaphore_mem>>
        %dma_start3A_83 = arith.constant 4864 : i32
        %dma_start3A_84 = tpu.memref_slice %arg7[%dma_start3A_83] : memref<5120xi32, #tpu.memory_space<vmem>> -> memref<128xi32, #tpu.memory_space<vmem>>
        %dma_start3A_85 = arith.constant 0 : i32
        %dma_start3A_86 = arith.constant 0 : i32
        %dma_start3A_87 = tpu.memref_slice %arg12[%dma_start3A_85, %dma_start3A_86] : memref<10000x128xf32, #tpu.memory_space<vmem_shared>> -> memref<10000x128xf32, #tpu.memory_space<vmem_shared>>
        tpu.enqueue_indirect_dma source(%arg8 : memref<128x128xf32, #tpu.memory_space<vmem>>) target(%dma_start3A_87 : memref<10000x128xf32, #tpu.memory_space<vmem_shared>>) offsets(%dma_start3A_84 : memref<128xi32, #tpu.memory_space<vmem>>) semaphore(%run_scoped3A_82 : memref<!tpu.dma_semaphore, #tpu.memory_space<semaphore_mem>>) {add = true}
        %dma_wait3A_88 = arith.constant 4864 : i32
        %dma_wait3A_89 = tpu.memref_slice %arg7[%dma_wait3A_88] : memref<5120xi32, #tpu.memory_space<vmem>> -> memref<128xi32, #tpu.memory_space<vmem>>
        %dma_wait3A_90 = arith.constant 0 : i32
        %dma_wait3A_91 = arith.constant 0 : i32
        %dma_wait3A_92 = tpu.memref_slice %arg12[%dma_wait3A_90, %dma_wait3A_91] : memref<10000x128xf32, #tpu.memory_space<vmem_shared>> -> memref<10000x128xf32, #tpu.memory_space<vmem_shared>>
        tpu.wait_indirect_dma semaphore(%run_scoped3A_82 : memref<!tpu.dma_semaphore, #tpu.memory_space<semaphore_mem>>) src(%arg8 : memref<128x128xf32, #tpu.memory_space<vmem>>) dst(%dma_wait3A_92 : memref<10000x128xf32, #tpu.memory_space<vmem_shared>>)
        tpu.yield
      }) : () -> ()
    } else {
    }
    %barrier3A_62 = arith.constant 0 : index
    tpu.barrier barrier_id(%barrier3A_62)
    %lt3A_63 = arith.constant 15 : i32
    %lt3A_64 = arith.cmpi slt, %arg1, %lt3A_63 : i32
    %convert_element_type3A_65 = arith.extui %lt3A_64 : i1 to i32
    %cond3A_66 = arith.constant 0 : i32
    %cond3A_67 = arith.cmpi ne, %convert_element_type3A_65, %cond3A_66 : i32
    scf.if %cond3A_67 {
      %mul3A_73 = arith.constant 632 : i32
      %mul3A_74 = arith.muli %arg1, %mul3A_73 : i32
      "tpu.region"() ({
        %run_scoped3A_75 = tpu.sem_alloc : memref<!tpu.dma_semaphore, #tpu.memory_space<semaphore_mem>>
        %dma_start3A_76 = arith.constant 0 : i32
        %dma_start3A_77 = arith.constant 0 : i32
        %dma_start3A_78 = tpu.memref_slice %arg5[%arg0, %dma_start3A_76, %dma_start3A_77] : memref<2x10000x128xf32, #tpu.memory_space<hbm>> -> memref<1x10000x128xf32, #tpu.memory_space<hbm>>
        %dma_start3A_79 = tpu.memref_squeeze %dma_start3A_78 : memref<1x10000x128xf32, #tpu.memory_space<hbm>> -> memref<10000x128xf32, #tpu.memory_space<hbm>>
        %dma_start3A_80 = arith.constant 0 : i32
        %dma_start3A_81 = tpu.memref_slice %dma_start3A_79[%mul3A_74, %dma_start3A_80] : memref<10000x128xf32, #tpu.memory_space<hbm>> -> memref<632x128xf32, #tpu.memory_space<hbm>>
        %dma_start3A_82 = arith.constant 0 : i32
        %dma_start3A_83 = tpu.memref_slice %arg12[%mul3A_74, %dma_start3A_82] : memref<10000x128xf32, #tpu.memory_space<vmem_shared>> -> memref<632x128xf32, #tpu.memory_space<vmem_shared>>
        tpu.enqueue_dma source(%dma_start3A_83 : memref<632x128xf32, #tpu.memory_space<vmem_shared>>) target(%dma_start3A_81 : memref<632x128xf32, #tpu.memory_space<hbm>>) target_semaphore(%run_scoped3A_75 : memref<!tpu.dma_semaphore, #tpu.memory_space<semaphore_mem>>)
        %dma_wait3A = arith.constant 0 : i32
        %dma_wait3A_84 = arith.constant 0 : i32
        %dma_wait3A_85 = tpu.memref_slice %arg5[%arg0, %dma_wait3A, %dma_wait3A_84] : memref<2x10000x128xf32, #tpu.memory_space<hbm>> -> memref<1x10000x128xf32, #tpu.memory_space<hbm>>
        %dma_wait3A_86 = tpu.memref_squeeze %dma_wait3A_85 : memref<1x10000x128xf32, #tpu.memory_space<hbm>> -> memref<10000x128xf32, #tpu.memory_space<hbm>>
        %dma_wait3A_87 = arith.constant 0 : i32
        %dma_wait3A_88 = tpu.memref_slice %dma_wait3A_86[%mul3A_74, %dma_wait3A_87] : memref<10000x128xf32, #tpu.memory_space<hbm>> -> memref<632x128xf32, #tpu.memory_space<hbm>>
        %dma_wait3A_89 = arith.constant 0 : i32
        %dma_wait3A_90 = tpu.memref_slice %arg12[%mul3A_74, %dma_wait3A_89] : memref<10000x128xf32, #tpu.memory_space<vmem_shared>> -> memref<632x128xf32, #tpu.memory_space<vmem_shared>>
        tpu.wait_dma2 semaphore(%run_scoped3A_75 : memref<!tpu.dma_semaphore, #tpu.memory_space<semaphore_mem>>) src(%dma_wait3A_90 : memref<632x128xf32, #tpu.memory_space<vmem_shared>>) dst(%dma_wait3A_88 : memref<632x128xf32, #tpu.memory_space<hbm>>)
        tpu.yield
      }) : () -> ()
    } else {
    }
    %eq3A_68 = arith.constant 15 : i32
    %eq3A_69 = arith.cmpi eq, %arg1, %eq3A_68 : i32
    %convert_element_type3A_70 = arith.extui %eq3A_69 : i1 to i32
    %cond3A_71 = arith.constant 0 : i32
    %cond3A_72 = arith.cmpi ne, %convert_element_type3A_70, %cond3A_71 : i32
    scf.if %cond3A_72 {
      "tpu.region"() ({
        %run_scoped3A_73 = tpu.sem_alloc : memref<!tpu.dma_semaphore, #tpu.memory_space<semaphore_mem>>
        %dma_start3A_74 = arith.constant 0 : i32
        %dma_start3A_75 = arith.constant 0 : i32
        %dma_start3A_76 = tpu.memref_slice %arg5[%arg0, %dma_start3A_74, %dma_start3A_75] : memref<2x10000x128xf32, #tpu.memory_space<hbm>> -> memref<1x10000x128xf32, #tpu.memory_space<hbm>>
        %dma_start3A_77 = tpu.memref_squeeze %dma_start3A_76 : memref<1x10000x128xf32, #tpu.memory_space<hbm>> -> memref<10000x128xf32, #tpu.memory_space<hbm>>
        %dma_start3A_78 = arith.constant 9480 : i32
        %dma_start3A_79 = arith.constant 0 : i32
        %dma_start3A_80 = tpu.memref_slice %dma_start3A_77[%dma_start3A_78, %dma_start3A_79] : memref<10000x128xf32, #tpu.memory_space<hbm>> -> memref<520x128xf32, #tpu.memory_space<hbm>>
        %dma_start3A_81 = arith.constant 9480 : i32
        %dma_start3A_82 = arith.constant 0 : i32
        %dma_start3A_83 = tpu.memref_slice %arg12[%dma_start3A_81, %dma_start3A_82] : memref<10000x128xf32, #tpu.memory_space<vmem_shared>> -> memref<520x128xf32, #tpu.memory_space<vmem_shared>>
        tpu.enqueue_dma source(%dma_start3A_83 : memref<520x128xf32, #tpu.memory_space<vmem_shared>>) target(%dma_start3A_80 : memref<520x128xf32, #tpu.memory_space<hbm>>) target_semaphore(%run_scoped3A_73 : memref<!tpu.dma_semaphore, #tpu.memory_space<semaphore_mem>>)
        %dma_wait3A = arith.constant 0 : i32
        %dma_wait3A_84 = arith.constant 0 : i32
        %dma_wait3A_85 = tpu.memref_slice %arg5[%arg0, %dma_wait3A, %dma_wait3A_84] : memref<2x10000x128xf32, #tpu.memory_space<hbm>> -> memref<1x10000x128xf32, #tpu.memory_space<hbm>>
        %dma_wait3A_86 = tpu.memref_squeeze %dma_wait3A_85 : memref<1x10000x128xf32, #tpu.memory_space<hbm>> -> memref<10000x128xf32, #tpu.memory_space<hbm>>
        %dma_wait3A_87 = arith.constant 9480 : i32
        %dma_wait3A_88 = arith.constant 0 : i32
        %dma_wait3A_89 = tpu.memref_slice %dma_wait3A_86[%dma_wait3A_87, %dma_wait3A_88] : memref<10000x128xf32, #tpu.memory_space<hbm>> -> memref<520x128xf32, #tpu.memory_space<hbm>>
        %dma_wait3A_90 = arith.constant 9480 : i32
        %dma_wait3A_91 = arith.constant 0 : i32
        %dma_wait3A_92 = tpu.memref_slice %arg12[%dma_wait3A_90, %dma_wait3A_91] : memref<10000x128xf32, #tpu.memory_space<vmem_shared>> -> memref<520x128xf32, #tpu.memory_space<vmem_shared>>
        tpu.wait_dma2 semaphore(%run_scoped3A_73 : memref<!tpu.dma_semaphore, #tpu.memory_space<semaphore_mem>>) src(%dma_wait3A_92 : memref<520x128xf32, #tpu.memory_space<vmem_shared>>) dst(%dma_wait3A_89 : memref<520x128xf32, #tpu.memory_space<hbm>>)
        tpu.yield
      }) : () -> ()
    } else {
    }
    return
  }
}

#map = affine_map<(d0, d1) -> (0, 0)>
#map1 = affine_map<(d0, d1) -> (0, 0, 0)>
module attributes {stable_mosaic.version = 14 : i64} {
  func.func @_deg_kernel(%arg0: i32, %arg1: i32, %arg2: memref<2x320000xi32, #tpu.memory_space<hbm>>, %arg3: memref<128x16xf32, #tpu.memory_space<hbm>>, %arg4: memref<632x16xf32, #tpu.memory_space<hbm>>, %arg5: memref<2x10000x16xf32, #tpu.memory_space<hbm>>, %arg6: memref<10112xi32, #tpu.memory_space<vmem>>, %arg7: memref<128x16xf32, #tpu.memory_space<vmem>>, %arg8: memref<!tpu.dma_semaphore, #tpu.memory_space<semaphore_mem>>, %arg9: memref<10000x16xf32, #tpu.memory_space<vmem_shared>>) attributes {dimension_semantics = [#tpu.dimension_semantics<core_parallel>, #tpu.dimension_semantics<subcore_parallel>], iteration_bounds = array<i64: 2, 16>, scalar_prefetch = 0 : i64, scratch_operands = 4 : i64, tpu.core_type = #tpu.core_type<sc_vector_subcore>, window_params = [{transform_indices = #map}, {transform_indices = #map}, {transform_indices = #map}, {transform_indices = #map1}]} {
    %lt3A = arith.constant 15 : i32
    %lt3A_0 = arith.cmpi slt, %arg1, %lt3A : i32
    %convert_element_type3A = arith.extui %lt3A_0 : i1 to i32
    %cond3A = arith.constant 0 : i32
    %cond3A_1 = arith.cmpi ne, %convert_element_type3A, %cond3A : i32
    scf.if %cond3A_1 {
      %mul3A_48 = arith.constant 632 : i32
      %mul3A_49 = arith.muli %arg1, %mul3A_48 : i32
      "tpu.region"() ({
        %run_scoped3A_50 = tpu.sem_alloc : memref<!tpu.dma_semaphore, #tpu.memory_space<semaphore_mem>>
        %dma_start3A = arith.constant 0 : i32
        %dma_start3A_51 = tpu.memref_slice %arg9[%mul3A_49, %dma_start3A] : memref<10000x16xf32, #tpu.memory_space<vmem_shared>> -> memref<632x16xf32, #tpu.memory_space<vmem_shared>>
        tpu.enqueue_dma source(%arg4 : memref<632x16xf32, #tpu.memory_space<hbm>>) target(%dma_start3A_51 : memref<632x16xf32, #tpu.memory_space<vmem_shared>>) target_semaphore(%run_scoped3A_50 : memref<!tpu.dma_semaphore, #tpu.memory_space<semaphore_mem>>)
        %dma_wait3A = arith.constant 0 : i32
        %dma_wait3A_52 = tpu.memref_slice %arg9[%mul3A_49, %dma_wait3A] : memref<10000x16xf32, #tpu.memory_space<vmem_shared>> -> memref<632x16xf32, #tpu.memory_space<vmem_shared>>
        tpu.wait_dma2 semaphore(%run_scoped3A_50 : memref<!tpu.dma_semaphore, #tpu.memory_space<semaphore_mem>>) src(%arg4 : memref<632x16xf32, #tpu.memory_space<hbm>>) dst(%dma_wait3A_52 : memref<632x16xf32, #tpu.memory_space<vmem_shared>>)
        tpu.yield
      }) : () -> ()
    } else {
    }
    %eq3A = arith.constant 15 : i32
    %eq3A_2 = arith.cmpi eq, %arg1, %eq3A : i32
    %convert_element_type3A_3 = arith.extui %eq3A_2 : i1 to i32
    %cond3A_4 = arith.constant 0 : i32
    %cond3A_5 = arith.cmpi ne, %convert_element_type3A_3, %cond3A_4 : i32
    scf.if %cond3A_5 {
      "tpu.region"() ({
        %run_scoped3A_48 = tpu.sem_alloc : memref<!tpu.dma_semaphore, #tpu.memory_space<semaphore_mem>>
        %dma_start3A = arith.constant 9480 : i32
        %dma_start3A_49 = arith.constant 0 : i32
        %dma_start3A_50 = tpu.memref_slice %arg9[%dma_start3A, %dma_start3A_49] : memref<10000x16xf32, #tpu.memory_space<vmem_shared>> -> memref<520x16xf32, #tpu.memory_space<vmem_shared>>
        %dma_start3A_51 = arith.constant 0 : i32
        %dma_start3A_52 = arith.constant 0 : i32
        %dma_start3A_53 = tpu.memref_slice %arg4[%dma_start3A_51, %dma_start3A_52] : memref<632x16xf32, #tpu.memory_space<hbm>> -> memref<520x16xf32, #tpu.memory_space<hbm>>
        tpu.enqueue_dma source(%dma_start3A_53 : memref<520x16xf32, #tpu.memory_space<hbm>>) target(%dma_start3A_50 : memref<520x16xf32, #tpu.memory_space<vmem_shared>>) target_semaphore(%run_scoped3A_48 : memref<!tpu.dma_semaphore, #tpu.memory_space<semaphore_mem>>)
        %dma_wait3A = arith.constant 9480 : i32
        %dma_wait3A_54 = arith.constant 0 : i32
        %dma_wait3A_55 = tpu.memref_slice %arg9[%dma_wait3A, %dma_wait3A_54] : memref<10000x16xf32, #tpu.memory_space<vmem_shared>> -> memref<520x16xf32, #tpu.memory_space<vmem_shared>>
        %dma_wait3A_56 = arith.constant 0 : i32
        %dma_wait3A_57 = arith.constant 0 : i32
        %dma_wait3A_58 = tpu.memref_slice %arg4[%dma_wait3A_56, %dma_wait3A_57] : memref<632x16xf32, #tpu.memory_space<hbm>> -> memref<520x16xf32, #tpu.memory_space<hbm>>
        tpu.wait_dma2 semaphore(%run_scoped3A_48 : memref<!tpu.dma_semaphore, #tpu.memory_space<semaphore_mem>>) src(%dma_wait3A_58 : memref<520x16xf32, #tpu.memory_space<hbm>>) dst(%dma_wait3A_55 : memref<520x16xf32, #tpu.memory_space<vmem_shared>>)
        tpu.yield
      }) : () -> ()
    } else {
    }
    "tpu.region"() ({
      %run_scoped3A_48 = tpu.sem_alloc : memref<!tpu.dma_semaphore, #tpu.memory_space<semaphore_mem>>
      tpu.enqueue_dma source(%arg3 : memref<128x16xf32, #tpu.memory_space<hbm>>) target(%arg7 : memref<128x16xf32, #tpu.memory_space<vmem>>) target_semaphore(%run_scoped3A_48 : memref<!tpu.dma_semaphore, #tpu.memory_space<semaphore_mem>>)
      tpu.wait_dma2 semaphore(%run_scoped3A_48 : memref<!tpu.dma_semaphore, #tpu.memory_space<semaphore_mem>>) src(%arg3 : memref<128x16xf32, #tpu.memory_space<hbm>>) dst(%arg7 : memref<128x16xf32, #tpu.memory_space<vmem>>)
      tpu.yield
    }) : () -> ()
    %mul3A = arith.constant 1250 : i32
    %mul3A_6 = arith.muli %arg0, %mul3A : i32
    %mul3A_7 = arith.constant 78 : i32
    %mul3A_8 = arith.muli %arg1, %mul3A_7 : i32
    %add3A = arith.addi %mul3A_6, %mul3A_8 : i32
    %min3A = arith.constant 2 : i32
    %min3A_9 = arith.minsi %arg1, %min3A : i32
    %add3A_10 = arith.addi %add3A, %min3A_9 : i32
    %mul3A_11 = arith.constant 128 : i32
    %mul3A_12 = arith.muli %add3A_10, %mul3A_11 : i32
    %run_scoped3A = arith.constant 1 : i32
    "tpu.region"() ({
      %run_scoped3A_48 = tpu.sem_alloc : memref<!tpu.dma_semaphore, #tpu.memory_space<semaphore_mem>>
      %dma_start3A = arith.constant 0 : i32
      %dma_start3A_49 = tpu.memref_slice %arg6[%dma_start3A] : memref<10112xi32, #tpu.memory_space<vmem>> -> memref<9984xi32, #tpu.memory_space<vmem>>
      %dma_start3A_50 = arith.constant 0 : i32
      %dma_start3A_51 = tpu.memref_slice %arg2[%run_scoped3A, %dma_start3A_50] : memref<2x320000xi32, #tpu.memory_space<hbm>> -> memref<1x320000xi32, #tpu.memory_space<hbm>>
      %dma_start3A_52 = tpu.memref_squeeze %dma_start3A_51 : memref<1x320000xi32, #tpu.memory_space<hbm>> -> memref<320000xi32, #tpu.memory_space<hbm>>
      %dma_start3A_53 = tpu.memref_slice %dma_start3A_52[%mul3A_12] : memref<320000xi32, #tpu.memory_space<hbm>> -> memref<9984xi32, #tpu.memory_space<hbm>>
      %dma_start3A_54 = arith.constant 0 : i32
      %dma_start3A_55 = tpu.memref_slice %arg6[%dma_start3A_54] : memref<10112xi32, #tpu.memory_space<vmem>> -> memref<9984xi32, #tpu.memory_space<vmem>>
      %dma_start3A_56 = arith.constant 0 : i32
      %dma_start3A_57 = tpu.memref_slice %arg2[%run_scoped3A, %dma_start3A_56] : memref<2x320000xi32, #tpu.memory_space<hbm>> -> memref<1x320000xi32, #tpu.memory_space<hbm>>
      %dma_start3A_58 = tpu.memref_squeeze %dma_start3A_57 : memref<1x320000xi32, #tpu.memory_space<hbm>> -> memref<320000xi32, #tpu.memory_space<hbm>>
      %dma_start3A_59 = tpu.memref_slice %dma_start3A_58[%mul3A_12] : memref<320000xi32, #tpu.memory_space<hbm>> -> memref<9984xi32, #tpu.memory_space<hbm>>
      tpu.enqueue_dma source(%dma_start3A_59 : memref<9984xi32, #tpu.memory_space<hbm>>) target(%dma_start3A_55 : memref<9984xi32, #tpu.memory_space<vmem>>) target_semaphore(%run_scoped3A_48 : memref<!tpu.dma_semaphore, #tpu.memory_space<semaphore_mem>>)
      %dma_wait3A = arith.constant 0 : i32
      %dma_wait3A_60 = tpu.memref_slice %arg6[%dma_wait3A] : memref<10112xi32, #tpu.memory_space<vmem>> -> memref<9984xi32, #tpu.memory_space<vmem>>
      %dma_wait3A_61 = arith.constant 0 : i32
      %dma_wait3A_62 = tpu.memref_slice %arg2[%run_scoped3A, %dma_wait3A_61] : memref<2x320000xi32, #tpu.memory_space<hbm>> -> memref<1x320000xi32, #tpu.memory_space<hbm>>
      %dma_wait3A_63 = tpu.memref_squeeze %dma_wait3A_62 : memref<1x320000xi32, #tpu.memory_space<hbm>> -> memref<320000xi32, #tpu.memory_space<hbm>>
      %dma_wait3A_64 = tpu.memref_slice %dma_wait3A_63[%mul3A_12] : memref<320000xi32, #tpu.memory_space<hbm>> -> memref<9984xi32, #tpu.memory_space<hbm>>
      %dma_wait3A_65 = arith.constant 0 : i32
      %dma_wait3A_66 = tpu.memref_slice %arg6[%dma_wait3A_65] : memref<10112xi32, #tpu.memory_space<vmem>> -> memref<9984xi32, #tpu.memory_space<vmem>>
      %dma_wait3A_67 = arith.constant 0 : i32
      %dma_wait3A_68 = tpu.memref_slice %arg2[%run_scoped3A, %dma_wait3A_67] : memref<2x320000xi32, #tpu.memory_space<hbm>> -> memref<1x320000xi32, #tpu.memory_space<hbm>>
      %dma_wait3A_69 = tpu.memref_squeeze %dma_wait3A_68 : memref<1x320000xi32, #tpu.memory_space<hbm>> -> memref<320000xi32, #tpu.memory_space<hbm>>
      %dma_wait3A_70 = tpu.memref_slice %dma_wait3A_69[%mul3A_12] : memref<320000xi32, #tpu.memory_space<hbm>> -> memref<9984xi32, #tpu.memory_space<hbm>>
      tpu.wait_dma2 semaphore(%run_scoped3A_48 : memref<!tpu.dma_semaphore, #tpu.memory_space<semaphore_mem>>) src(%dma_wait3A_70 : memref<9984xi32, #tpu.memory_space<hbm>>) dst(%dma_wait3A_66 : memref<9984xi32, #tpu.memory_space<vmem>>)
      tpu.yield
    }) : () -> ()
    %lt3A_13 = arith.constant 2 : i32
    %lt3A_14 = arith.cmpi slt, %arg1, %lt3A_13 : i32
    %convert_element_type3A_15 = arith.extui %lt3A_14 : i1 to i32
    %cond3A_16 = arith.constant 0 : i32
    %cond3A_17 = arith.cmpi ne, %convert_element_type3A_15, %cond3A_16 : i32
    scf.if %cond3A_17 {
      %add3A_48 = arith.constant 9984 : i32
      %add3A_49 = arith.addi %mul3A_12, %add3A_48 : i32
      %run_scoped3A_50 = arith.constant 1 : i32
      "tpu.region"() ({
        %run_scoped3A_51 = tpu.sem_alloc : memref<!tpu.dma_semaphore, #tpu.memory_space<semaphore_mem>>
        %dma_start3A = arith.constant 9984 : i32
        %dma_start3A_52 = tpu.memref_slice %arg6[%dma_start3A] : memref<10112xi32, #tpu.memory_space<vmem>> -> memref<128xi32, #tpu.memory_space<vmem>>
        %dma_start3A_53 = arith.constant 0 : i32
        %dma_start3A_54 = tpu.memref_slice %arg2[%run_scoped3A_50, %dma_start3A_53] : memref<2x320000xi32, #tpu.memory_space<hbm>> -> memref<1x320000xi32, #tpu.memory_space<hbm>>
        %dma_start3A_55 = tpu.memref_squeeze %dma_start3A_54 : memref<1x320000xi32, #tpu.memory_space<hbm>> -> memref<320000xi32, #tpu.memory_space<hbm>>
        %dma_start3A_56 = tpu.memref_slice %dma_start3A_55[%add3A_49] : memref<320000xi32, #tpu.memory_space<hbm>> -> memref<128xi32, #tpu.memory_space<hbm>>
        %dma_start3A_57 = arith.constant 9984 : i32
        %dma_start3A_58 = tpu.memref_slice %arg6[%dma_start3A_57] : memref<10112xi32, #tpu.memory_space<vmem>> -> memref<128xi32, #tpu.memory_space<vmem>>
        %dma_start3A_59 = arith.constant 0 : i32
        %dma_start3A_60 = tpu.memref_slice %arg2[%run_scoped3A_50, %dma_start3A_59] : memref<2x320000xi32, #tpu.memory_space<hbm>> -> memref<1x320000xi32, #tpu.memory_space<hbm>>
        %dma_start3A_61 = tpu.memref_squeeze %dma_start3A_60 : memref<1x320000xi32, #tpu.memory_space<hbm>> -> memref<320000xi32, #tpu.memory_space<hbm>>
        %dma_start3A_62 = tpu.memref_slice %dma_start3A_61[%add3A_49] : memref<320000xi32, #tpu.memory_space<hbm>> -> memref<128xi32, #tpu.memory_space<hbm>>
        tpu.enqueue_dma source(%dma_start3A_62 : memref<128xi32, #tpu.memory_space<hbm>>) target(%dma_start3A_58 : memref<128xi32, #tpu.memory_space<vmem>>) target_semaphore(%run_scoped3A_51 : memref<!tpu.dma_semaphore, #tpu.memory_space<semaphore_mem>>)
        %dma_wait3A = arith.constant 9984 : i32
        %dma_wait3A_63 = tpu.memref_slice %arg6[%dma_wait3A] : memref<10112xi32, #tpu.memory_space<vmem>> -> memref<128xi32, #tpu.memory_space<vmem>>
        %dma_wait3A_64 = arith.constant 0 : i32
        %dma_wait3A_65 = tpu.memref_slice %arg2[%run_scoped3A_50, %dma_wait3A_64] : memref<2x320000xi32, #tpu.memory_space<hbm>> -> memref<1x320000xi32, #tpu.memory_space<hbm>>
        %dma_wait3A_66 = tpu.memref_squeeze %dma_wait3A_65 : memref<1x320000xi32, #tpu.memory_space<hbm>> -> memref<320000xi32, #tpu.memory_space<hbm>>
        %dma_wait3A_67 = tpu.memref_slice %dma_wait3A_66[%add3A_49] : memref<320000xi32, #tpu.memory_space<hbm>> -> memref<128xi32, #tpu.memory_space<hbm>>
        %dma_wait3A_68 = arith.constant 9984 : i32
        %dma_wait3A_69 = tpu.memref_slice %arg6[%dma_wait3A_68] : memref<10112xi32, #tpu.memory_space<vmem>> -> memref<128xi32, #tpu.memory_space<vmem>>
        %dma_wait3A_70 = arith.constant 0 : i32
        %dma_wait3A_71 = tpu.memref_slice %arg2[%run_scoped3A_50, %dma_wait3A_70] : memref<2x320000xi32, #tpu.memory_space<hbm>> -> memref<1x320000xi32, #tpu.memory_space<hbm>>
        %dma_wait3A_72 = tpu.memref_squeeze %dma_wait3A_71 : memref<1x320000xi32, #tpu.memory_space<hbm>> -> memref<320000xi32, #tpu.memory_space<hbm>>
        %dma_wait3A_73 = tpu.memref_slice %dma_wait3A_72[%add3A_49] : memref<320000xi32, #tpu.memory_space<hbm>> -> memref<128xi32, #tpu.memory_space<hbm>>
        tpu.wait_dma2 semaphore(%run_scoped3A_51 : memref<!tpu.dma_semaphore, #tpu.memory_space<semaphore_mem>>) src(%dma_wait3A_73 : memref<128xi32, #tpu.memory_space<hbm>>) dst(%dma_wait3A_69 : memref<128xi32, #tpu.memory_space<vmem>>)
        tpu.yield
      }) : () -> ()
    } else {
    }
    %barrier3A = arith.constant 0 : index
    tpu.barrier barrier_id(%barrier3A)
    %scan3A = arith.constant 0 : i32
    %scan3A_18 = arith.constant 78 : i32
    %scan3A_19 = arith.addi %scan3A, %scan3A_18 : i32
    %scan3A_20 = arith.constant 1 : i32
    scf.for %scan3A_48 = %scan3A to %scan3A_19 step %scan3A_20  : i32 {
      %mul3A_49 = arith.constant 1 : i32
      %mul3A_50 = arith.muli %scan3A_48, %mul3A_49 : i32
      %add3A_51 = arith.constant 0 : i32
      %add3A_52 = arith.addi %add3A_51, %mul3A_50 : i32
      %mul3A_53 = arith.constant 128 : i32
      %mul3A_54 = arith.muli %add3A_52, %mul3A_53 : i32
      %dma_start3A = tpu.memref_slice %arg6[%mul3A_54] : memref<10112xi32, #tpu.memory_space<vmem>> -> memref<128xi32, #tpu.memory_space<vmem>>
      %dma_start3A_55 = arith.constant 0 : i32
      %dma_start3A_56 = arith.constant 0 : i32
      %dma_start3A_57 = tpu.memref_slice %arg9[%dma_start3A_55, %dma_start3A_56] : memref<10000x16xf32, #tpu.memory_space<vmem_shared>> -> memref<10000x16xf32, #tpu.memory_space<vmem_shared>>
      tpu.enqueue_indirect_dma source(%arg7 : memref<128x16xf32, #tpu.memory_space<vmem>>) target(%dma_start3A_57 : memref<10000x16xf32, #tpu.memory_space<vmem_shared>>) offsets(%dma_start3A : memref<128xi32, #tpu.memory_space<vmem>>) semaphore(%arg8 : memref<!tpu.dma_semaphore, #tpu.memory_space<semaphore_mem>>) {add = true}
    }
    %scan3A_21 = arith.constant 78 : i32
    %lt3A_22 = arith.constant 2 : i32
    %lt3A_23 = arith.cmpi slt, %arg1, %lt3A_22 : i32
    %convert_element_type3A_24 = arith.extui %lt3A_23 : i1 to i32
    %cond3A_25 = arith.constant 0 : i32
    %cond3A_26 = arith.cmpi ne, %convert_element_type3A_24, %cond3A_25 : i32
    scf.if %cond3A_26 {
      %dma_start3A = arith.constant 9984 : i32
      %dma_start3A_48 = tpu.memref_slice %arg6[%dma_start3A] : memref<10112xi32, #tpu.memory_space<vmem>> -> memref<128xi32, #tpu.memory_space<vmem>>
      %dma_start3A_49 = arith.constant 0 : i32
      %dma_start3A_50 = arith.constant 0 : i32
      %dma_start3A_51 = tpu.memref_slice %arg9[%dma_start3A_49, %dma_start3A_50] : memref<10000x16xf32, #tpu.memory_space<vmem_shared>> -> memref<10000x16xf32, #tpu.memory_space<vmem_shared>>
      tpu.enqueue_indirect_dma source(%arg7 : memref<128x16xf32, #tpu.memory_space<vmem>>) target(%dma_start3A_51 : memref<10000x16xf32, #tpu.memory_space<vmem_shared>>) offsets(%dma_start3A_48 : memref<128xi32, #tpu.memory_space<vmem>>) semaphore(%arg8 : memref<!tpu.dma_semaphore, #tpu.memory_space<semaphore_mem>>) {add = true}
    } else {
    }
    %scan3A_27 = arith.constant 0 : i32
    %scan3A_28 = arith.constant 78 : i32
    %scan3A_29 = arith.addi %scan3A_27, %scan3A_28 : i32
    %scan3A_30 = arith.constant 1 : i32
    scf.for %scan3A_48 = %scan3A_27 to %scan3A_29 step %scan3A_30  : i32 {
      %mul3A_49 = arith.constant 1 : i32
      %mul3A_50 = arith.muli %scan3A_48, %mul3A_49 : i32
      %add3A_51 = arith.constant 0 : i32
      %add3A_52 = arith.addi %add3A_51, %mul3A_50 : i32
      %mul3A_53 = arith.constant 128 : i32
      %mul3A_54 = arith.muli %add3A_52, %mul3A_53 : i32
      %dma_wait3A = tpu.memref_slice %arg6[%mul3A_54] : memref<10112xi32, #tpu.memory_space<vmem>> -> memref<128xi32, #tpu.memory_space<vmem>>
      %dma_wait3A_55 = arith.constant 0 : i32
      %dma_wait3A_56 = arith.constant 0 : i32
      %dma_wait3A_57 = tpu.memref_slice %arg9[%dma_wait3A_55, %dma_wait3A_56] : memref<10000x16xf32, #tpu.memory_space<vmem_shared>> -> memref<10000x16xf32, #tpu.memory_space<vmem_shared>>
      tpu.wait_indirect_dma semaphore(%arg8 : memref<!tpu.dma_semaphore, #tpu.memory_space<semaphore_mem>>) src(%arg7 : memref<128x16xf32, #tpu.memory_space<vmem>>) dst(%dma_wait3A_57 : memref<10000x16xf32, #tpu.memory_space<vmem_shared>>)
    }
    %scan3A_31 = arith.constant 78 : i32
    %lt3A_32 = arith.constant 2 : i32
    %lt3A_33 = arith.cmpi slt, %arg1, %lt3A_32 : i32
    %convert_element_type3A_34 = arith.extui %lt3A_33 : i1 to i32
    %cond3A_35 = arith.constant 0 : i32
    %cond3A_36 = arith.cmpi ne, %convert_element_type3A_34, %cond3A_35 : i32
    scf.if %cond3A_36 {
      %dma_wait3A = arith.constant 9984 : i32
      %dma_wait3A_48 = tpu.memref_slice %arg6[%dma_wait3A] : memref<10112xi32, #tpu.memory_space<vmem>> -> memref<128xi32, #tpu.memory_space<vmem>>
      %dma_wait3A_49 = arith.constant 0 : i32
      %dma_wait3A_50 = arith.constant 0 : i32
      %dma_wait3A_51 = tpu.memref_slice %arg9[%dma_wait3A_49, %dma_wait3A_50] : memref<10000x16xf32, #tpu.memory_space<vmem_shared>> -> memref<10000x16xf32, #tpu.memory_space<vmem_shared>>
      tpu.wait_indirect_dma semaphore(%arg8 : memref<!tpu.dma_semaphore, #tpu.memory_space<semaphore_mem>>) src(%arg7 : memref<128x16xf32, #tpu.memory_space<vmem>>) dst(%dma_wait3A_51 : memref<10000x16xf32, #tpu.memory_space<vmem_shared>>)
    } else {
    }
    %barrier3A_37 = arith.constant 0 : index
    tpu.barrier barrier_id(%barrier3A_37)
    %lt3A_38 = arith.constant 15 : i32
    %lt3A_39 = arith.cmpi slt, %arg1, %lt3A_38 : i32
    %convert_element_type3A_40 = arith.extui %lt3A_39 : i1 to i32
    %cond3A_41 = arith.constant 0 : i32
    %cond3A_42 = arith.cmpi ne, %convert_element_type3A_40, %cond3A_41 : i32
    scf.if %cond3A_42 {
      %mul3A_48 = arith.constant 632 : i32
      %mul3A_49 = arith.muli %arg1, %mul3A_48 : i32
      "tpu.region"() ({
        %run_scoped3A_50 = tpu.sem_alloc : memref<!tpu.dma_semaphore, #tpu.memory_space<semaphore_mem>>
        %dma_start3A = arith.constant 0 : i32
        %dma_start3A_51 = arith.constant 0 : i32
        %dma_start3A_52 = tpu.memref_slice %arg5[%arg0, %dma_start3A, %dma_start3A_51] : memref<2x10000x16xf32, #tpu.memory_space<hbm>> -> memref<1x10000x16xf32, #tpu.memory_space<hbm>>
        %dma_start3A_53 = tpu.memref_squeeze %dma_start3A_52 : memref<1x10000x16xf32, #tpu.memory_space<hbm>> -> memref<10000x16xf32, #tpu.memory_space<hbm>>
        %dma_start3A_54 = arith.constant 0 : i32
        %dma_start3A_55 = tpu.memref_slice %dma_start3A_53[%mul3A_49, %dma_start3A_54] : memref<10000x16xf32, #tpu.memory_space<hbm>> -> memref<632x16xf32, #tpu.memory_space<hbm>>
        %dma_start3A_56 = arith.constant 0 : i32
        %dma_start3A_57 = tpu.memref_slice %arg9[%mul3A_49, %dma_start3A_56] : memref<10000x16xf32, #tpu.memory_space<vmem_shared>> -> memref<632x16xf32, #tpu.memory_space<vmem_shared>>
        tpu.enqueue_dma source(%dma_start3A_57 : memref<632x16xf32, #tpu.memory_space<vmem_shared>>) target(%dma_start3A_55 : memref<632x16xf32, #tpu.memory_space<hbm>>) target_semaphore(%run_scoped3A_50 : memref<!tpu.dma_semaphore, #tpu.memory_space<semaphore_mem>>)
        %dma_wait3A = arith.constant 0 : i32
        %dma_wait3A_58 = arith.constant 0 : i32
        %dma_wait3A_59 = tpu.memref_slice %arg5[%arg0, %dma_wait3A, %dma_wait3A_58] : memref<2x10000x16xf32, #tpu.memory_space<hbm>> -> memref<1x10000x16xf32, #tpu.memory_space<hbm>>
        %dma_wait3A_60 = tpu.memref_squeeze %dma_wait3A_59 : memref<1x10000x16xf32, #tpu.memory_space<hbm>> -> memref<10000x16xf32, #tpu.memory_space<hbm>>
        %dma_wait3A_61 = arith.constant 0 : i32
        %dma_wait3A_62 = tpu.memref_slice %dma_wait3A_60[%mul3A_49, %dma_wait3A_61] : memref<10000x16xf32, #tpu.memory_space<hbm>> -> memref<632x16xf32, #tpu.memory_space<hbm>>
        %dma_wait3A_63 = arith.constant 0 : i32
        %dma_wait3A_64 = tpu.memref_slice %arg9[%mul3A_49, %dma_wait3A_63] : memref<10000x16xf32, #tpu.memory_space<vmem_shared>> -> memref<632x16xf32, #tpu.memory_space<vmem_shared>>
        tpu.wait_dma2 semaphore(%run_scoped3A_50 : memref<!tpu.dma_semaphore, #tpu.memory_space<semaphore_mem>>) src(%dma_wait3A_64 : memref<632x16xf32, #tpu.memory_space<vmem_shared>>) dst(%dma_wait3A_62 : memref<632x16xf32, #tpu.memory_space<hbm>>)
        tpu.yield
      }) : () -> ()
    } else {
    }
    %eq3A_43 = arith.constant 15 : i32
    %eq3A_44 = arith.cmpi eq, %arg1, %eq3A_43 : i32
    %convert_element_type3A_45 = arith.extui %eq3A_44 : i1 to i32
    %cond3A_46 = arith.constant 0 : i32
    %cond3A_47 = arith.cmpi ne, %convert_element_type3A_45, %cond3A_46 : i32
    scf.if %cond3A_47 {
      "tpu.region"() ({
        %run_scoped3A_48 = tpu.sem_alloc : memref<!tpu.dma_semaphore, #tpu.memory_space<semaphore_mem>>
        %dma_start3A = arith.constant 0 : i32
        %dma_start3A_49 = arith.constant 0 : i32
        %dma_start3A_50 = tpu.memref_slice %arg5[%arg0, %dma_start3A, %dma_start3A_49] : memref<2x10000x16xf32, #tpu.memory_space<hbm>> -> memref<1x10000x16xf32, #tpu.memory_space<hbm>>
        %dma_start3A_51 = tpu.memref_squeeze %dma_start3A_50 : memref<1x10000x16xf32, #tpu.memory_space<hbm>> -> memref<10000x16xf32, #tpu.memory_space<hbm>>
        %dma_start3A_52 = arith.constant 9480 : i32
        %dma_start3A_53 = arith.constant 0 : i32
        %dma_start3A_54 = tpu.memref_slice %dma_start3A_51[%dma_start3A_52, %dma_start3A_53] : memref<10000x16xf32, #tpu.memory_space<hbm>> -> memref<520x16xf32, #tpu.memory_space<hbm>>
        %dma_start3A_55 = arith.constant 9480 : i32
        %dma_start3A_56 = arith.constant 0 : i32
        %dma_start3A_57 = tpu.memref_slice %arg9[%dma_start3A_55, %dma_start3A_56] : memref<10000x16xf32, #tpu.memory_space<vmem_shared>> -> memref<520x16xf32, #tpu.memory_space<vmem_shared>>
        tpu.enqueue_dma source(%dma_start3A_57 : memref<520x16xf32, #tpu.memory_space<vmem_shared>>) target(%dma_start3A_54 : memref<520x16xf32, #tpu.memory_space<hbm>>) target_semaphore(%run_scoped3A_48 : memref<!tpu.dma_semaphore, #tpu.memory_space<semaphore_mem>>)
        %dma_wait3A = arith.constant 0 : i32
        %dma_wait3A_58 = arith.constant 0 : i32
        %dma_wait3A_59 = tpu.memref_slice %arg5[%arg0, %dma_wait3A, %dma_wait3A_58] : memref<2x10000x16xf32, #tpu.memory_space<hbm>> -> memref<1x10000x16xf32, #tpu.memory_space<hbm>>
        %dma_wait3A_60 = tpu.memref_squeeze %dma_wait3A_59 : memref<1x10000x16xf32, #tpu.memory_space<hbm>> -> memref<10000x16xf32, #tpu.memory_space<hbm>>
        %dma_wait3A_61 = arith.constant 9480 : i32
        %dma_wait3A_62 = arith.constant 0 : i32
        %dma_wait3A_63 = tpu.memref_slice %dma_wait3A_60[%dma_wait3A_61, %dma_wait3A_62] : memref<10000x16xf32, #tpu.memory_space<hbm>> -> memref<520x16xf32, #tpu.memory_space<hbm>>
        %dma_wait3A_64 = arith.constant 9480 : i32
        %dma_wait3A_65 = arith.constant 0 : i32
        %dma_wait3A_66 = tpu.memref_slice %arg9[%dma_wait3A_64, %dma_wait3A_65] : memref<10000x16xf32, #tpu.memory_space<vmem_shared>> -> memref<520x16xf32, #tpu.memory_space<vmem_shared>>
        tpu.wait_dma2 semaphore(%run_scoped3A_48 : memref<!tpu.dma_semaphore, #tpu.memory_space<semaphore_mem>>) src(%dma_wait3A_66 : memref<520x16xf32, #tpu.memory_space<vmem_shared>>) dst(%dma_wait3A_63 : memref<520x16xf32, #tpu.memory_space<hbm>>)
        tpu.yield
      }) : () -> ()
    } else {
    }
    return
  }
}

module attributes {stable_mosaic.version = 14 : i64} {
  func.func @_mm1_body(%arg0: i32, %arg1: i32, %arg2: memref<1000x128xf32, #tpu.memory_space<vmem>>, %arg3: memref<128x128xf32, #tpu.memory_space<vmem>>, %arg4: memref<1000x128xf32, #tpu.memory_space<vmem>>) attributes {dimension_semantics = [#tpu.dimension_semantics<arbitrary>, #tpu.dimension_semantics<arbitrary>], iteration_bounds = array<i64: 10, 12>, scalar_prefetch = 0 : i64, scratch_operands = 0 : i64, tpu.core_type = #tpu.core_type<tc>, window_params = [{transform_indices = @transform_0, window_bounds = array<i64: 1000, 128>}, {transform_indices = @transform_1, window_bounds = array<i64: 128, 128>}, {transform_indices = @transform_2, window_bounds = array<i64: 1000, 128>}]} {
    %get3A = arith.constant 0 : index
    %get3A_0 = arith.constant 0 : index
    %get3A_1 = vector.load %arg2[%get3A, %get3A_0] : memref<1000x128xf32, #tpu.memory_space<vmem>>, vector<1000x128xf32>
    %get3A_2 = arith.constant 0 : index
    %get3A_3 = arith.constant 0 : index
    %get3A_4 = vector.load %arg3[%get3A_2, %get3A_3] : memref<128x128xf32, #tpu.memory_space<vmem>>, vector<128x128xf32>
    %eq3A = arith.constant 11 : i32
    %eq3A_5 = arith.cmpi eq, %arg1, %eq3A : i32
    %iota3A = tpu.iota {dimensions = array<i32: 1>} : vector<1000x128xi32>
    %ge3A = arith.constant 25 : i32
    %ge3A_6 = vector.broadcast %ge3A : i32 to vector<1000x128xi32>
    %ge3A_7 = arith.cmpi sge, %iota3A, %ge3A_6 : vector<1000x128xi32>
    %and3A = vector.broadcast %eq3A_5 : i1 to vector<1000x128xi1>
    %and3A_8 = arith.andi %and3A, %ge3A_7 : vector<1000x128xi1>
    %jit3A = arith.constant 0.000000e+00 : f32
    %broadcast_in_dim3A = vector.broadcast %jit3A : f32 to vector<1000x128xf32>
    %select_n3A = arith.select %and3A_8, %broadcast_in_dim3A, %get3A_1 : vector<1000x128xi1>, vector<1000x128xf32>
    %iota3A_9 = tpu.iota {dimensions = array<i32: 0>} : vector<128x128xi32>
    %ge3A_10 = arith.constant 25 : i32
    %ge3A_11 = vector.broadcast %ge3A_10 : i32 to vector<128x128xi32>
    %ge3A_12 = arith.cmpi sge, %iota3A_9, %ge3A_11 : vector<128x128xi32>
    %and3A_13 = vector.broadcast %eq3A_5 : i1 to vector<128x128xi1>
    %and3A_14 = arith.andi %and3A_13, %ge3A_12 : vector<128x128xi1>
    %jit3A_15 = arith.constant 0.000000e+00 : f32
    %broadcast_in_dim3A_16 = vector.broadcast %jit3A_15 : f32 to vector<128x128xf32>
    %select_n3A_17 = arith.select %and3A_14, %broadcast_in_dim3A_16, %get3A_4 : vector<128x128xi1>, vector<128x128xf32>
    %eq3A_18 = arith.constant 0 : i32
    %eq3A_19 = arith.cmpi eq, %arg1, %eq3A_18 : i32
    %convert_element_type3A = arith.extui %eq3A_19 : i1 to i32
    %cond3A = arith.constant 0 : i32
    %cond3A_20 = arith.cmpi ne, %convert_element_type3A, %cond3A : i32
    scf.if %cond3A_20 {
      %broadcast_in_dim3A_27 = arith.constant 0.000000e+00 : f32
      %broadcast_in_dim3A_28 = vector.broadcast %broadcast_in_dim3A_27 : f32 to vector<1000x128xf32>
      %swap3A_29 = arith.constant 0 : index
      %swap3A_30 = arith.constant 0 : index
      %swap3A_31 = vector.load %arg4[%swap3A_29, %swap3A_30] : memref<1000x128xf32, #tpu.memory_space<vmem>>, vector<1000x128xf32>
      tpu.vector_store %arg4[%swap3A_29, %swap3A_30], %broadcast_in_dim3A_28 {strides = array<i32>} : memref<1000x128xf32, #tpu.memory_space<vmem>>, vector<1000x128xf32>,
    } else {
    }
    %get3A_21 = arith.constant 0 : index
    %get3A_22 = arith.constant 0 : index
    %get3A_23 = vector.load %arg4[%get3A_21, %get3A_22] : memref<1000x128xf32, #tpu.memory_space<vmem>>, vector<1000x128xf32>
    %dot_general3A = arith.constant dense<0.000000e+00> : vector<1000x128xf32>
    %dot_general3A_24 = tpu.matmul %select_n3A, %select_n3A_17, %dot_general3A {dimension_numbers = #tpu.dot_dimension_numbers<[1], [0], [0], [1], [0, 0, 1, 1], [], []>, precision = #tpu.contract_precision<fp32>, transpose_lhs_hint = false} : vector<1000x128xf32>, vector<128x128xf32>, vector<1000x128xf32> -> vector<1000x128xf32>
    %add3A = arith.addf %get3A_23, %dot_general3A_24 : vector<1000x128xf32>
    %swap3A = arith.constant 0 : index
    %swap3A_25 = arith.constant 0 : index
    %swap3A_26 = vector.load %arg4[%swap3A, %swap3A_25] : memref<1000x128xf32, #tpu.memory_space<vmem>>, vector<1000x128xf32>
    tpu.vector_store %arg4[%swap3A, %swap3A_25], %add3A {strides = array<i32>} : memref<1000x128xf32, #tpu.memory_space<vmem>>, vector<1000x128xf32>,
    return
  }
  func.func @transform_0(%arg0: i32, %arg1: i32) -> (i32, i32) {
    %c0_i32 = arith.constant 0 : i32
    return %arg0, %arg1 : i32, i32
  }
  func.func @transform_1(%arg0: i32, %arg1: i32) -> (i32, i32) {
    %c0_i32 = arith.constant 0 : i32
    %c0_i32_0 = arith.constant 0 : i32
    return %arg1, %c0_i32 : i32, i32
  }
  func.func @transform_2(%arg0: i32, %arg1: i32) -> (i32, i32) {
    %c0_i32 = arith.constant 0 : i32
    %c0_i32_0 = arith.constant 0 : i32
    return %arg0, %c0_i32 : i32, i32
  }
}

module attributes {stable_mosaic.version = 14 : i64} {
  func.func @_scale1_body(%arg0: i32, %arg1: memref<2x1000x16xf32, #tpu.memory_space<vmem>>, %arg2: memref<1000x128xf32, #tpu.memory_space<vmem>>, %arg3: memref<1000x16xf32, #tpu.memory_space<vmem>>, %arg4: memref<1000x128xf32, #tpu.memory_space<vmem>>) attributes {dimension_semantics = [#tpu.dimension_semantics<arbitrary>], iteration_bounds = array<i64: 10>, scalar_prefetch = 0 : i64, scratch_operands = 0 : i64, tpu.core_type = #tpu.core_type<tc>, window_params = [{transform_indices = @transform_0, window_bounds = array<i64: 2, 1000, 16>}, {transform_indices = @transform_1, window_bounds = array<i64: 1000, 128>}, {transform_indices = @transform_2, window_bounds = array<i64: 1000, 16>}, {transform_indices = @transform_3, window_bounds = array<i64: 1000, 128>}]} {
    %get3A = arith.constant 0 : index
    %get3A_0 = arith.constant 0 : index
    %get3A_1 = arith.constant 0 : index
    %get3A_2 = vector.load %arg1[%get3A, %get3A_0, %get3A_1] : memref<2x1000x16xf32, #tpu.memory_space<vmem>>, vector<1x1000x16xf32>
    %get3A_3 = vector.shape_cast %get3A_2 : vector<1x1000x16xf32> to vector<1000x16xf32>
    %get3A_4 = arith.constant 1 : index
    %get3A_5 = arith.constant 0 : index
    %get3A_6 = arith.constant 0 : index
    %get3A_7 = vector.load %arg1[%get3A_4, %get3A_5, %get3A_6] : memref<2x1000x16xf32, #tpu.memory_space<vmem>>, vector<1x1000x16xf32>
    %get3A_8 = vector.shape_cast %get3A_7 : vector<1x1000x16xf32> to vector<1000x16xf32>
    %add3A = arith.addf %get3A_3, %get3A_8 : vector<1000x16xf32>
    %add3A_9 = arith.constant 1.000000e+00 : f32
    %add3A_10 = vector.broadcast %add3A_9 : f32 to vector<1000x16xf32>
    %add3A_11 = arith.addf %add3A, %add3A_10 : vector<1000x16xf32>
    %rsqrt3A = math.rsqrt %add3A_11 : vector<1000x16xf32>
    %swap3A = arith.constant 0 : index
    %swap3A_12 = arith.constant 0 : index
    %swap3A_13 = vector.load %arg3[%swap3A, %swap3A_12] : memref<1000x16xf32, #tpu.memory_space<vmem>>, vector<1000x16xf32>
    tpu.vector_store %arg3[%swap3A, %swap3A_12], %rsqrt3A {strides = array<i32>} : memref<1000x16xf32, #tpu.memory_space<vmem>>, vector<1000x16xf32>,
    %get3A_14 = arith.constant 0 : index
    %get3A_15 = arith.constant 0 : index
    %get3A_16 = vector.load %arg2[%get3A_14, %get3A_15] : memref<1000x128xf32, #tpu.memory_space<vmem>>, vector<1000x128xf32>
    %slice3A = vector.extract_strided_slice %rsqrt3A {offsets = [0, 0], sizes = [1000, 1], strides = [1, 1]} : vector<1000x16xf32> to vector<1000x1xf32>
    %mul3A = vector.broadcast %slice3A : vector<1000x1xf32> to vector<1000x128xf32>
    %mul3A_17 = arith.mulf %get3A_16, %mul3A : vector<1000x128xf32>
    %swap3A_18 = arith.constant 0 : index
    %swap3A_19 = arith.constant 0 : index
    %swap3A_20 = vector.load %arg4[%swap3A_18, %swap3A_19] : memref<1000x128xf32, #tpu.memory_space<vmem>>, vector<1000x128xf32>
    tpu.vector_store %arg4[%swap3A_18, %swap3A_19], %mul3A_17 {strides = array<i32>} : memref<1000x128xf32, #tpu.memory_space<vmem>>, vector<1000x128xf32>,
    return
  }
  func.func @transform_0(%arg0: i32) -> (i32, i32, i32) {
    %c0_i32 = arith.constant 0 : i32
    %c0_i32_0 = arith.constant 0 : i32
    %c0_i32_1 = arith.constant 0 : i32
    return %c0_i32, %arg0, %c0_i32_0 : i32, i32, i32
  }
  func.func @transform_1(%arg0: i32) -> (i32, i32) {
    %c0_i32 = arith.constant 0 : i32
    %c0_i32_0 = arith.constant 0 : i32
    return %arg0, %c0_i32 : i32, i32
  }
  func.func @transform_2(%arg0: i32) -> (i32, i32) {
    %c0_i32 = arith.constant 0 : i32
    %c0_i32_0 = arith.constant 0 : i32
    return %arg0, %c0_i32 : i32, i32
  }
  func.func @transform_3(%arg0: i32) -> (i32, i32) {
    %c0_i32 = arith.constant 0 : i32
    %c0_i32_0 = arith.constant 0 : i32
    return %arg0, %c0_i32 : i32, i32
  }
}

module attributes {stable_mosaic.version = 14 : i64} {
  func.func @_layer_body(%arg0: i32, %arg1: memref<2x1000x128xf32, #tpu.memory_space<vmem>>, %arg2: memref<1000x128xf32, #tpu.memory_space<vmem>>, %arg3: memref<1000x16xf32, #tpu.memory_space<vmem>>, %arg4: memref<1x128xf32, #tpu.memory_space<vmem>>, %arg5: memref<128x128xf32, #tpu.memory_space<vmem>>, %arg6: memref<1000x128xf32, #tpu.memory_space<vmem>>) attributes {dimension_semantics = [#tpu.dimension_semantics<arbitrary>], iteration_bounds = array<i64: 10>, scalar_prefetch = 0 : i64, scratch_operands = 0 : i64, tpu.core_type = #tpu.core_type<tc>, window_params = [{transform_indices = @transform_0, window_bounds = array<i64: 2, 1000, 128>}, {transform_indices = @transform_1, window_bounds = array<i64: 1000, 128>}, {transform_indices = @transform_2, window_bounds = array<i64: 1000, 16>}, {pipeline_mode = #tpu.pipeline_mode<synchronous>, transform_indices = @transform_3, window_bounds = array<i64: 1, 128>}, {pipeline_mode = #tpu.pipeline_mode<synchronous>, transform_indices = @transform_4, window_bounds = array<i64: 128, 128>}, {transform_indices = @transform_5, window_bounds = array<i64: 1000, 128>}]} {
    %get3A = arith.constant 0 : index
    %get3A_0 = arith.constant 0 : index
    %get3A_1 = vector.load %arg3[%get3A, %get3A_0] : memref<1000x16xf32, #tpu.memory_space<vmem>>, vector<1000x1xf32>
    %get3A_2 = arith.constant 0 : index
    %get3A_3 = arith.constant 0 : index
    %get3A_4 = arith.constant 0 : index
    %get3A_5 = vector.load %arg1[%get3A_2, %get3A_3, %get3A_4] : memref<2x1000x128xf32, #tpu.memory_space<vmem>>, vector<1x1000x128xf32>
    %get3A_6 = vector.shape_cast %get3A_5 : vector<1x1000x128xf32> to vector<1000x128xf32>
    %get3A_7 = arith.constant 1 : index
    %get3A_8 = arith.constant 0 : index
    %get3A_9 = arith.constant 0 : index
    %get3A_10 = vector.load %arg1[%get3A_7, %get3A_8, %get3A_9] : memref<2x1000x128xf32, #tpu.memory_space<vmem>>, vector<1x1000x128xf32>
    %get3A_11 = vector.shape_cast %get3A_10 : vector<1x1000x128xf32> to vector<1000x128xf32>
    %add3A = arith.addf %get3A_6, %get3A_11 : vector<1000x128xf32>
    %get3A_12 = arith.constant 0 : index
    %get3A_13 = arith.constant 0 : index
    %get3A_14 = vector.load %arg2[%get3A_12, %get3A_13] : memref<1000x128xf32, #tpu.memory_space<vmem>>, vector<1000x128xf32>
    %add3A_15 = arith.addf %add3A, %get3A_14 : vector<1000x128xf32>
    %mul3A = vector.broadcast %get3A_1 : vector<1000x1xf32> to vector<1000x128xf32>
    %mul3A_16 = arith.mulf %add3A_15, %mul3A : vector<1000x128xf32>
    %get3A_17 = arith.constant 0 : index
    %get3A_18 = arith.constant 0 : index
    %get3A_19 = vector.load %arg4[%get3A_17, %get3A_18] : memref<1x128xf32, #tpu.memory_space<vmem>>, vector<1x128xf32>
    %add3A_20 = vector.broadcast %get3A_19 : vector<1x128xf32> to vector<1000x128xf32>
    %add3A_21 = arith.addf %mul3A_16, %add3A_20 : vector<1000x128xf32>
    %max3A = arith.constant 0.000000e+00 : f32
    %max3A_22 = vector.broadcast %max3A : f32 to vector<1000x128xf32>
    %max3A_23 = arith.maximumf %add3A_21, %max3A_22 : vector<1000x128xf32>
    %get3A_24 = arith.constant 0 : index
    %get3A_25 = arith.constant 0 : index
    %get3A_26 = vector.load %arg5[%get3A_24, %get3A_25] : memref<128x128xf32, #tpu.memory_space<vmem>>, vector<128x128xf32>
    %dot_general3A = arith.constant dense<0.000000e+00> : vector<1000x128xf32>
    %dot_general3A_27 = tpu.matmul %max3A_23, %get3A_26, %dot_general3A {dimension_numbers = #tpu.dot_dimension_numbers<[1], [0], [0], [1], [0, 0, 1, 1], [], []>, precision = #tpu.contract_precision<fp32>, transpose_lhs_hint = false} : vector<1000x128xf32>, vector<128x128xf32>, vector<1000x128xf32> -> vector<1000x128xf32>
    %mul3A_28 = vector.broadcast %get3A_1 : vector<1000x1xf32> to vector<1000x128xf32>
    %mul3A_29 = arith.mulf %dot_general3A_27, %mul3A_28 : vector<1000x128xf32>
    %swap3A = arith.constant 0 : index
    %swap3A_30 = arith.constant 0 : index
    %swap3A_31 = vector.load %arg6[%swap3A, %swap3A_30] : memref<1000x128xf32, #tpu.memory_space<vmem>>, vector<1000x128xf32>
    tpu.vector_store %arg6[%swap3A, %swap3A_30], %mul3A_29 {strides = array<i32>} : memref<1000x128xf32, #tpu.memory_space<vmem>>, vector<1000x128xf32>,
    return
  }
  func.func @transform_0(%arg0: i32) -> (i32, i32, i32) {
    %c0_i32 = arith.constant 0 : i32
    %c0_i32_0 = arith.constant 0 : i32
    %c0_i32_1 = arith.constant 0 : i32
    return %c0_i32, %arg0, %c0_i32_0 : i32, i32, i32
  }
  func.func @transform_1(%arg0: i32) -> (i32, i32) {
    %c0_i32 = arith.constant 0 : i32
    %c0_i32_0 = arith.constant 0 : i32
    return %arg0, %c0_i32 : i32, i32
  }
  func.func @transform_2(%arg0: i32) -> (i32, i32) {
    %c0_i32 = arith.constant 0 : i32
    %c0_i32_0 = arith.constant 0 : i32
    return %arg0, %c0_i32 : i32, i32
  }
  func.func @transform_3(%arg0: i32) -> (i32, i32) {
    %c0_i32 = arith.constant 0 : i32
    %c0_i32_0 = arith.constant 0 : i32
    %c0_i32_1 = arith.constant 0 : i32
    return %c0_i32, %c0_i32_0 : i32, i32
  }
  func.func @transform_4(%arg0: i32) -> (i32, i32) {
    %c0_i32 = arith.constant 0 : i32
    %c0_i32_0 = arith.constant 0 : i32
    %c0_i32_1 = arith.constant 0 : i32
    return %c0_i32, %c0_i32_0 : i32, i32
  }
  func.func @transform_5(%arg0: i32) -> (i32, i32) {
    %c0_i32 = arith.constant 0 : i32
    %c0_i32_0 = arith.constant 0 : i32
    return %arg0, %c0_i32 : i32, i32
  }
}

module attributes {stable_mosaic.version = 14 : i64} {
  func.func @_prescale3_body(%arg0: i32, %arg1: memref<2x1000x128xf32, #tpu.memory_space<vmem>>, %arg2: memref<1000x128xf32, #tpu.memory_space<vmem>>, %arg3: memref<1000x16xf32, #tpu.memory_space<vmem>>, %arg4: memref<1x128xf32, #tpu.memory_space<vmem>>, %arg5: memref<1000x128xf32, #tpu.memory_space<vmem>>) attributes {dimension_semantics = [#tpu.dimension_semantics<arbitrary>], iteration_bounds = array<i64: 10>, scalar_prefetch = 0 : i64, scratch_operands = 0 : i64, tpu.core_type = #tpu.core_type<tc>, window_params = [{transform_indices = @transform_0, window_bounds = array<i64: 2, 1000, 128>}, {transform_indices = @transform_1, window_bounds = array<i64: 1000, 128>}, {transform_indices = @transform_2, window_bounds = array<i64: 1000, 16>}, {pipeline_mode = #tpu.pipeline_mode<synchronous>, transform_indices = @transform_3, window_bounds = array<i64: 1, 128>}, {transform_indices = @transform_4, window_bounds = array<i64: 1000, 128>}]} {
    %get3A = arith.constant 0 : index
    %get3A_0 = arith.constant 0 : index
    %get3A_1 = vector.load %arg3[%get3A, %get3A_0] : memref<1000x16xf32, #tpu.memory_space<vmem>>, vector<1000x1xf32>
    %get3A_2 = arith.constant 0 : index
    %get3A_3 = arith.constant 0 : index
    %get3A_4 = arith.constant 0 : index
    %get3A_5 = vector.load %arg1[%get3A_2, %get3A_3, %get3A_4] : memref<2x1000x128xf32, #tpu.memory_space<vmem>>, vector<1x1000x128xf32>
    %get3A_6 = vector.shape_cast %get3A_5 : vector<1x1000x128xf32> to vector<1000x128xf32>
    %get3A_7 = arith.constant 1 : index
    %get3A_8 = arith.constant 0 : index
    %get3A_9 = arith.constant 0 : index
    %get3A_10 = vector.load %arg1[%get3A_7, %get3A_8, %get3A_9] : memref<2x1000x128xf32, #tpu.memory_space<vmem>>, vector<1x1000x128xf32>
    %get3A_11 = vector.shape_cast %get3A_10 : vector<1x1000x128xf32> to vector<1000x128xf32>
    %add3A = arith.addf %get3A_6, %get3A_11 : vector<1000x128xf32>
    %get3A_12 = arith.constant 0 : index
    %get3A_13 = arith.constant 0 : index
    %get3A_14 = vector.load %arg2[%get3A_12, %get3A_13] : memref<1000x128xf32, #tpu.memory_space<vmem>>, vector<1000x128xf32>
    %add3A_15 = arith.addf %add3A, %get3A_14 : vector<1000x128xf32>
    %mul3A = vector.broadcast %get3A_1 : vector<1000x1xf32> to vector<1000x128xf32>
    %mul3A_16 = arith.mulf %add3A_15, %mul3A : vector<1000x128xf32>
    %get3A_17 = arith.constant 0 : index
    %get3A_18 = arith.constant 0 : index
    %get3A_19 = vector.load %arg4[%get3A_17, %get3A_18] : memref<1x128xf32, #tpu.memory_space<vmem>>, vector<1x128xf32>
    %add3A_20 = vector.broadcast %get3A_19 : vector<1x128xf32> to vector<1000x128xf32>
    %add3A_21 = arith.addf %mul3A_16, %add3A_20 : vector<1000x128xf32>
    %max3A = arith.constant 0.000000e+00 : f32
    %max3A_22 = vector.broadcast %max3A : f32 to vector<1000x128xf32>
    %max3A_23 = arith.maximumf %add3A_21, %max3A_22 : vector<1000x128xf32>
    %mul3A_24 = vector.broadcast %get3A_1 : vector<1000x1xf32> to vector<1000x128xf32>
    %mul3A_25 = arith.mulf %max3A_23, %mul3A_24 : vector<1000x128xf32>
    %swap3A = arith.constant 0 : index
    %swap3A_26 = arith.constant 0 : index
    %swap3A_27 = vector.load %arg5[%swap3A, %swap3A_26] : memref<1000x128xf32, #tpu.memory_space<vmem>>, vector<1000x128xf32>
    tpu.vector_store %arg5[%swap3A, %swap3A_26], %mul3A_25 {strides = array<i32>} : memref<1000x128xf32, #tpu.memory_space<vmem>>, vector<1000x128xf32>,
    return
  }
  func.func @transform_0(%arg0: i32) -> (i32, i32, i32) {
    %c0_i32 = arith.constant 0 : i32
    %c0_i32_0 = arith.constant 0 : i32
    %c0_i32_1 = arith.constant 0 : i32
    return %c0_i32, %arg0, %c0_i32_0 : i32, i32, i32
  }
  func.func @transform_1(%arg0: i32) -> (i32, i32) {
    %c0_i32 = arith.constant 0 : i32
    %c0_i32_0 = arith.constant 0 : i32
    return %arg0, %c0_i32 : i32, i32
  }
  func.func @transform_2(%arg0: i32) -> (i32, i32) {
    %c0_i32 = arith.constant 0 : i32
    %c0_i32_0 = arith.constant 0 : i32
    return %arg0, %c0_i32 : i32, i32
  }
  func.func @transform_3(%arg0: i32) -> (i32, i32) {
    %c0_i32 = arith.constant 0 : i32
    %c0_i32_0 = arith.constant 0 : i32
    %c0_i32_1 = arith.constant 0 : i32
    return %c0_i32, %c0_i32_0 : i32, i32
  }
  func.func @transform_4(%arg0: i32) -> (i32, i32) {
    %c0_i32 = arith.constant 0 : i32
    %c0_i32_0 = arith.constant 0 : i32
    return %arg0, %c0_i32 : i32, i32
  }
}

module attributes {stable_mosaic.version = 14 : i64} {
  func.func @_final_body(%arg0: i32, %arg1: memref<2x1000x128xf32, #tpu.memory_space<vmem>>, %arg2: memref<1000x128xf32, #tpu.memory_space<vmem>>, %arg3: memref<1000x16xf32, #tpu.memory_space<vmem>>, %arg4: memref<128x16xf32, #tpu.memory_space<vmem>>, %arg5: memref<1x16xf32, #tpu.memory_space<vmem>>, %arg6: memref<1000x7xf32, #tpu.memory_space<vmem>>) attributes {dimension_semantics = [#tpu.dimension_semantics<arbitrary>], iteration_bounds = array<i64: 10>, scalar_prefetch = 0 : i64, scratch_operands = 0 : i64, tpu.core_type = #tpu.core_type<tc>, window_params = [{transform_indices = @transform_0, window_bounds = array<i64: 2, 1000, 128>}, {transform_indices = @transform_1, window_bounds = array<i64: 1000, 128>}, {transform_indices = @transform_2, window_bounds = array<i64: 1000, 16>}, {pipeline_mode = #tpu.pipeline_mode<synchronous>, transform_indices = @transform_3, window_bounds = array<i64: 128, 16>}, {pipeline_mode = #tpu.pipeline_mode<synchronous>, transform_indices = @transform_4, window_bounds = array<i64: 1, 16>}, {transform_indices = @transform_5, window_bounds = array<i64: 1000, 7>}]} {
    %get3A = arith.constant 0 : index
    %get3A_0 = arith.constant 0 : index
    %get3A_1 = arith.constant 0 : index
    %get3A_2 = vector.load %arg1[%get3A, %get3A_0, %get3A_1] : memref<2x1000x128xf32, #tpu.memory_space<vmem>>, vector<1x1000x128xf32>
    %get3A_3 = vector.shape_cast %get3A_2 : vector<1x1000x128xf32> to vector<1000x128xf32>
    %get3A_4 = arith.constant 1 : index
    %get3A_5 = arith.constant 0 : index
    %get3A_6 = arith.constant 0 : index
    %get3A_7 = vector.load %arg1[%get3A_4, %get3A_5, %get3A_6] : memref<2x1000x128xf32, #tpu.memory_space<vmem>>, vector<1x1000x128xf32>
    %get3A_8 = vector.shape_cast %get3A_7 : vector<1x1000x128xf32> to vector<1000x128xf32>
    %add3A = arith.addf %get3A_3, %get3A_8 : vector<1000x128xf32>
    %get3A_9 = arith.constant 0 : index
    %get3A_10 = arith.constant 0 : index
    %get3A_11 = vector.load %arg2[%get3A_9, %get3A_10] : memref<1000x128xf32, #tpu.memory_space<vmem>>, vector<1000x128xf32>
    %add3A_12 = arith.addf %add3A, %get3A_11 : vector<1000x128xf32>
    %get3A_13 = arith.constant 0 : index
    %get3A_14 = arith.constant 0 : index
    %get3A_15 = vector.load %arg3[%get3A_13, %get3A_14] : memref<1000x16xf32, #tpu.memory_space<vmem>>, vector<1000x1xf32>
    %mul3A = vector.broadcast %get3A_15 : vector<1000x1xf32> to vector<1000x128xf32>
    %mul3A_16 = arith.mulf %add3A_12, %mul3A : vector<1000x128xf32>
    %get3A_17 = arith.constant 0 : index
    %get3A_18 = arith.constant 0 : index
    %get3A_19 = vector.load %arg4[%get3A_17, %get3A_18] : memref<128x16xf32, #tpu.memory_space<vmem>>, vector<128x16xf32>
    %dot_general3A = arith.constant dense<0.000000e+00> : vector<1000x16xf32>
    %dot_general3A_20 = tpu.matmul %mul3A_16, %get3A_19, %dot_general3A {dimension_numbers = #tpu.dot_dimension_numbers<[1], [0], [0], [1], [0, 0, 1, 1], [], []>, precision = #tpu.contract_precision<fp32>, transpose_lhs_hint = false} : vector<1000x128xf32>, vector<128x16xf32>, vector<1000x16xf32> -> vector<1000x16xf32>
    %get3A_21 = arith.constant 0 : index
    %get3A_22 = arith.constant 0 : index
    %get3A_23 = vector.load %arg5[%get3A_21, %get3A_22] : memref<1x16xf32, #tpu.memory_space<vmem>>, vector<1x16xf32>
    %add3A_24 = vector.broadcast %get3A_23 : vector<1x16xf32> to vector<1000x16xf32>
    %add3A_25 = arith.addf %dot_general3A_20, %add3A_24 : vector<1000x16xf32>
    %slice3A = vector.extract_strided_slice %add3A_25 {offsets = [0, 0], sizes = [1000, 7], strides = [1, 1]} : vector<1000x16xf32> to vector<1000x7xf32>
    %swap3A = arith.constant 0 : index
    %swap3A_26 = arith.constant 0 : index
    %swap3A_27 = vector.load %arg6[%swap3A, %swap3A_26] : memref<1000x7xf32, #tpu.memory_space<vmem>>, vector<1000x7xf32>
    tpu.vector_store %arg6[%swap3A, %swap3A_26], %slice3A {strides = array<i32>} : memref<1000x7xf32, #tpu.memory_space<vmem>>, vector<1000x7xf32>,
    return
  }
  func.func @transform_0(%arg0: i32) -> (i32, i32, i32) {
    %c0_i32 = arith.constant 0 : i32
    %c0_i32_0 = arith.constant 0 : i32
    %c0_i32_1 = arith.constant 0 : i32
    return %c0_i32, %arg0, %c0_i32_0 : i32, i32, i32
  }
  func.func @transform_1(%arg0: i32) -> (i32, i32) {
    %c0_i32 = arith.constant 0 : i32
    %c0_i32_0 = arith.constant 0 : i32
    return %arg0, %c0_i32 : i32, i32
  }
  func.func @transform_2(%arg0: i32) -> (i32, i32) {
    %c0_i32 = arith.constant 0 : i32
    %c0_i32_0 = arith.constant 0 : i32
    return %arg0, %c0_i32 : i32, i32
  }
  func.func @transform_3(%arg0: i32) -> (i32, i32) {
    %c0_i32 = arith.constant 0 : i32
    %c0_i32_0 = arith.constant 0 : i32
    %c0_i32_1 = arith.constant 0 : i32
    return %c0_i32, %c0_i32_0 : i32, i32
  }
  func.func @transform_4(%arg0: i32) -> (i32, i32) {
    %c0_i32 = arith.constant 0 : i32
    %c0_i32_0 = arith.constant 0 : i32
    %c0_i32_1 = arith.constant 0 : i32
    return %c0_i32, %c0_i32_0 : i32, i32
  }
  func.func @transform_5(%arg0: i32) -> (i32, i32) {
    %c0_i32 = arith.constant 0 : i32
    %c0_i32_0 = arith.constant 0 : i32
    return %arg0, %c0_i32 : i32, i32
  }
}

</mosaic_0001>

<sc_bundles>
// kernel: kernel.11.cloned.1.call-start
scs
__scs_entry_jumppad:
0x0: {  	(pc) =	sbr.rel $0x88, $3  }
0x1: {  	(tag) =	ssettag $0x0;
	lr =	simm.s32 $0x1  }
0x2: {  	[smem:$0x3F99] =	sst lr;
	_ =	strace $0xD0000000  }
0x3: {  	_ = 	snop  }
0x4: {  	_ = 	snop  }
0x5: {  	_ = 	snop  }
0x6: {  	_ = 	snop  }
0x7: {  	_ = 	snop  }
__scs_overlays_trampoline_lowered:
0x8: {  	[smem:$0x3FA8] =	sst s0  }
0x9: {  	[smem:$0x3FA9] =	sst s1  }
0xa: {  	[smem:$0x3FAA] =	sst s2  }
0xb: {  	[smem:$0x3FAB] =	sst s3  }
0xc: {  	[smem:$0x3FAC] =	sst s4  }
0xd: {  	[smem:$0x3FAD] =	sst s5  }
0xe: {  	[smem:$0x3FAE] =	sst s6  }
0xf: {  	[smem:$0x3FAF] =	sst s7  }
0x10: {  	[smem:$0x3FB0] =	sst s8  }
0x11: {  	[smem:$0x3FB1] =	sst s9;
	s0 =	simm.s32 @!p0 $0x0  }
0x12: {  	s1 =	sld [smem:$0x3F97];
	s0 =	simm.s32 @p0 $0x1  }
0x13: {  	[smem:$0x3FB2] =	sst s0;
	s0 =	simm.s32 @!p1 $0x0  }
0x14: {  	s2 =	sld [smem:$0x3F96];
	s0 =	simm.s32 @p1 $0x1  }
0x15: {  	[smem:$0x3FB3] =	sst s0;
	s0 =	simm.s32 @!p2 $0x0  }
0x16: {  	s3 =	sld [smem:$0x3FDB];
	s0 =	simm.s32 @p2 $0x1  }
0x17: {  	s4 =	simm.s32 $0x1BF5;
	[smem:$0x3FB5] =	sst s0  }
0x18: {  	s0 =	sld [smem:$0x3F98];
	_ =	swait.ge [sflag:s4], $0x0  }
0x19: {  	s7 =	sld [smem:$0x3F99]  }
0x1a: {  	s8 =	sadd.s32 $0xFFFFE003, lr  }
0x1b: {  	s9 =	sadd.s32 $0xFFFFFEF7, lr;
	s5 =	simm.s32 $0xFFFFFFFF;
	p2 =	slt.u32 s8, $0xFFFFF086  }
0x1c: {  	p1 =	slt.u32 s9, $0xF7A;
	s5 =	simm.s32 @!p2 $0x0  }
0x1d: {  	s5 =	simm.s32 @p1 $0x1;
	p0 =	seq.s32 s7, s2  }
0x1e: {  	s7 =	smul.u32 @!p0 $0xF7A, s2;
	p2 =	seq.s32 @!p0 s5, $0x0  }
0x1f: {  	s9 =	smul.u32 $0xF7A, s1;
	s8 =	simm.s32 @!p0 $0x1BF5;
	p2 =	por !p2, p0  }
0x20: {  	[sflag:s8] =	ssyncset.s32 @!p0 $0xFFFFF086;
	s6 =	sadd.s32 @!p0 s3, s7;
	s7 =	simm.s32 @!p0 $0x108  }
0x21: {  	s3 =	sadd.s32 s3, s9;
	s6 =	sadd.s32 @!p0 $0x88, s6;
	s7 =	simm.s32 @p2 $0x1082  }
0x22: {  	[simem:s7], [sflag:s8] =	dma.local @!p0 [hbm:s6], $0xF7A  }
0x23: {  	s9 =	sor.u32 $0xD0000000, s2;
	s6 =	simm.s32 $0x108;
	_ =	swait.ge @!p0 [sflag:s8], $0x0  }
0x24: {  	s3 =	sadd.s32 $0x88, s3;
	s6 =	simm.s32 @!p1 $0x1082;
	[sflag:s4] =	ssyncset.s32 $0xFFFFF086  }
0x25: {  	[simem:s6], [sflag:s4] =	dma.local [hbm:s3], $0xF7A  }
0x26: {  	[smem:$0x3F99] =	sst s1;
	(tag) =	ssettag s2;
	_ =	strace s9  }
0x27: {  	s1 =	sld [smem:$0x3FA9]  }
0x28: {  	s2 =	sld [smem:$0x3FAA]  }
0x29: {  	s4 =	sld [smem:$0x3FAC]  }
0x2a: {  	p0 =	seq.s32 s5, $0x0;
	s5 =	sld [smem:$0x3FAD]  }
0x2b: {  	s6 =	sld [smem:$0x3FAE]  }
0x2c: {  	s7 =	sld [smem:$0x3FAF]  }
0x2d: {  	s3 =	simm.s32 $0x108;
	s8 =	sld [smem:$0x3FB0]  }
0x2e: {  	s3 =	simm.s32 @!p0 $0x1082;
	s9 =	sld [smem:$0x3FB1]  }
0x2f: {  	lr =	sadd.s32 s0, s3;
	s0 =	sld [smem:$0x3FA8]  }
0x30: {  	s3 =	sld [smem:$0x3FAB]  }
0x31: {  	[smem:$0x3FB4] =	sst s10  }
0x32: {  	s10 =	sld [smem:$0x3FB2];
	_ =	sdelay $0x3  }
0x33: {  	p0 =	seq.s32 s10, $0x1;
	s10 =	sld [smem:$0x3FB4];
	_ =	sdelay $0x3  }
0x34: {  	[smem:$0x3FB4] =	sst s10  }
0x35: {  	s10 =	sld [smem:$0x3FB3];
	_ =	sdelay $0x3  }
0x36: {  	p1 =	seq.s32 s10, $0x1;
	s10 =	sld [smem:$0x3FB4];
	_ =	sdelay $0x3  }
0x37: {  	[smem:$0x3FB4] =	sst s10  }
0x38: {  	s10 =	sld [smem:$0x3FB5]  }
0x39: {  	_ = 	snop;
	(pc) =	sbr.ind lr, $3  }
0x3a: {  	_ = 	snop  }
0x3b: {  	_ = 	snop  }
0x3c: {  	p2 =	seq.s32 s10, $0x1;
	s10 =	sld [smem:$0x3FB4]  }
0x3d: {  	_ =	shalt  }
0x3e: {  	_ =	shalt  }
0x3f: {  	_ =	shalt  }
0x40: {  	_ =	shalt  }
0x41: {  	_ =	shalt  }
0x42: {  	_ =	shalt  }
0x43: {  	_ =	shalt  }
0x44: {  	_ =	shalt  }
0x45: {  	_ =	shalt  }
0x46: {  	_ =	shalt  }
0x47: {  	_ =	shalt  }
0x48: {  	_ =	shalt  }
0x49: {  	_ =	shalt  }
0x4a: {  	_ =	shalt  }
0x4b: {  	_ =	shalt  }
0x4c: {  	_ =	shalt  }
0x4d: {  	_ =	shalt  }
0x4e: {  	_ =	shalt  }
0x4f: {  	_ =	shalt  }
0x50: {  	_ =	shalt  }
0x51: {  	_ =	shalt  }
0x52: {  	_ =	shalt  }
0x53: {  	_ =	shalt  }
0x54: {  	_ =	shalt  }
0x55: {  	_ =	shalt  }
0x56: {  	_ =	shalt  }
0x57: {  	_ =	shalt  }
0x58: {  	_ =	shalt  }
0x59: {  	_ =	shalt  }
0x5a: {  	_ =	shalt  }
0x5b: {  	_ =	shalt  }
0x5c: {  	_ =	shalt  }
0x5d: {  	_ =	shalt  }
0x5e: {  	_ =	shalt  }
0x5f: {  	_ =	shalt  }
0x60: {  	_ =	shalt  }
0x61: {  	_ =	shalt  }
0x62: {  	_ =	shalt  }
0x63: {  	_ =	shalt  }
0x64: {  	_ =	shalt  }
0x65: {  	_ =	shalt  }
0x66: {  	_ =	shalt  }
0x67: {  	_ =	shalt  }
0x68: {  	_ =	shalt  }
0x69: {  	_ =	shalt  }
0x6a: {  	_ =	shalt  }
0x6b: {  	_ =	shalt  }
0x6c: {  	_ =	shalt  }
0x6d: {  	_ =	shalt  }
0x6e: {  	_ =	shalt  }
0x6f: {  	_ =	shalt  }
0x70: {  	_ =	shalt  }
0x71: {  	_ =	shalt  }
0x72: {  	_ =	shalt  }
0x73: {  	_ =	shalt  }
0x74: {  	_ =	shalt  }
0x75: {  	_ =	shalt  }
0x76: {  	_ =	shalt  }
0x77: {  	_ =	shalt  }
0x78: {  	_ =	shalt  }
0x79: {  	_ =	shalt  }
0x7a: {  	_ =	shalt  }
0x7b: {  	_ =	shalt  }
0x7c: {  	_ =	shalt  }
0x7d: {  	_ =	shalt  }
0x7e: {  	_ =	shalt  }
0x7f: {  	_ =	shalt  }
0x80: {  	_ =	shalt  }
0x81: {  	_ =	shalt  }
0x82: {  	_ =	shalt  }
0x83: {  	_ =	shalt  }
0x84: {  	_ =	shalt  }
0x85: {  	_ =	shalt  }
0x86: {  	_ =	shalt  }
0x87: {  	_ =	shalt  }
.Lfunc_end0:
.L_simem_size_0:
called_computation_lowered:
.L_overlay_start_0:
0x88: {  	s2 =	sld [smem:$0x3FD9]  }
0x89: {  	s3 =	sld [smem:$0x3FFE];
	_ =	sdelay $0x1  }
0x8a: {  	s1 =	srdreg.scid  }
0x8b: {  	s0 =	sand.u32 $0x1, s1  }
0x8c: {  	s17 =	sshll.u32 s0, $0xA;
	s2 =	sadd.s32 s3, s2  }
0x8d: {  	s2 =	sadd.s32 s2, s17  }
0x8e: {  	[smem:$0x3FC0] =	sst s2  }
0x8f: {  	_ = 	snop  }
0x90: {  	s2 =	sld [smem:$0x3FC8]  }
0x91: {  	s18 =	sld [smem:$0x3FD0];
	(tm) =	ssettm $0x1  }
0x92: {  	s4 =	sld [smem:$0x3FFB];
	_ =	sdelay $0x3  }
0x93: {  	_ =	strace s4  }
0x94: {  	s4 =	sld [smem:$0x3FFC];
	_ =	sdelay $0x3  }
0x95: {  	_ =	strace s4  }
0x96: {  	s4 =	sld [smem:$0x3FFD];
	_ =	sdelay $0x3  }
0x97: {  	_ =	strace s4  }
0x98: {  	_ =	strace $0x8FFFFFFF  }
0x99: {  	s19 =	sld [smem:$0x3FDB];
	_ =	sdelay $0x1  }
0x9a: {  	s5 =	simm.s32 $_scs_section_size  }
0x9b: {  	s6 =	simm.s32 $_size__tile_overlayer_lowered;
	s7 =	simm.s32 $_tile_overlayer_lowered  }
0x9c: {  	s22 =	simm.s32 $0x1BFF;
	s21 =	sshll.u32 s7, $0x1;
	s4 =	sadd.s32 s5, s19  }
0x9d: {  	s8 =	simm.s32 $0x0;
	s20 =	sshll.u32 s6, $0x1;
	s6 =	sadd.s32 s21, s4  }
0x9e: {  	[timem:s8], [sflag:s22] =	dma.local [hbm:s6], s20  }
0x9f: {  	_ =	swait.ge [sflag:s22], s20  }
0xa0: {  	s5 =	ssub.s32 $0x0, s20;
	[sflag:s22] =	ssyncset.done $0x0  }
0xa1: {  	[sflag:s22] =	ssyncadd.s32 s5;
	_ =	sdelay $0x1  }
0xa2: {  	s23 =	simm.s32 $0x1B8B  }
0xa3: {  	_ =	swait.ge [sflag:s23], $0x1  }
0xa4: {  	[sflag:s23] =	ssyncset.done $0x0  }
0xa5: {  	s25 =	simm.s32 $0x1B8E;
	s24 =	sld [smem:$0x3FFE];
	[sflag:s23] =	ssyncadd.s32 $0xFFFFFFFF  }
0xa6: {  	s26 =	simm.s32 $execute0_lowered;
	[smem:$0x3FD2] =	sst s25  }
0xa7: {  	s6 =	sshll.u32 s26, $0x1;
	_ =	strace $0x80000046;
	[dreg:$0x1] =	wrdreg $0xFFFFFFFF  }
0xa8: {  	s28 =	simm.s32 $_size_execute0_lowered;
	s4 =	sadd.s32 s4, s6;
	[dreg:$0x0] =	wrdreg $0x0  }
0xa9: {  	s6 =	sshll.u32 s28, $0x1;
	[dreg:$0x2] =	wrdreg s4  }
0xaa: {  	[dreg:$0x3] =	wrdreg s6  }
0xab: {  	[dreg:$0x4] =	wrdreg $0xC0  }
0xac: {  	_ =	task [dreg:s8], $0x5FFFF  }
0xad: {  	[dreg:$0x1] =	wrdreg $0xFFFFFFFF  }
0xae: {  	[dreg:$0x0] =	wrdreg $0x60  }
0xaf: {  	[dreg:$0x2] =	wrdreg s2  }
0xb0: {  	[dreg:$0x3] =	wrdreg s24  }
0xb1: {  	[dreg:$0x4] =	wrdreg s18  }
0xb2: {  	[dreg:$0x5] =	wrdreg $0x67800  }
0xb3: {  	[dreg:$0x6] =	wrdreg $0x9  }
0xb4: {  	_ =	task.clear_ibuf [dreg:s8], $0x7FFFF;
	_ =	strace $0x90000046  }
0xb5: {  	s29 =	simm.s32 $0x9;
	_ =	strace $0x80000048  }
0xb6: {  	_ =	swait.ge [sflag:s29], $0x1  }
0xb7: {  	[sflag:s29] =	ssyncadd.s32 $0xFFFFFFFF  }
0xb8: {  	_ =	strace $0x90000048  }
0xb9: {  	_ =	sfence  }
0xba: {  	s30 =	sld [smem:$0x0];
	_ =	sdelay $0x2  }
0xbb: {  	s31 =	sshll.u32 s1, $0xD;
	s1 =	sshrl.u32 s1, $0x2  }
0xbc: {  	s3 =	sand.u32 $0x4000, s31;
	s1 =	sadd.s32 s1, s30  }
0xbd: {  	s0 =	sor.u32 s3, s0;
	s1 =	sshll.u32 s1, $0x11  }
0xbe: {  	s0 =	sor.u32 s1, s0  }
0xbf: {  	s0 =	sadd.s32 $0x8F2B, s0  }
0xc0: {  	[sflag:s0] =	ssyncadd.remote.s32 $0x1  }
0xc1: {  	_ =	sfence.sel $0xFFFF  }
0xc2: {  	[dreg:$0x0] =	wrdreg $0xFFFFFFFF;
	(pc) =	sbr.abs _section_cstart, $3  }
0xc3: {  	[dreg:$0x1] =	wrdreg $0xFFFFFFFF  }
0xc4: {  	_ =	task.clear_ibuf [dreg:s8], $0x2FFFF;
	_ =	strace $0x9FFFFFFF  }
0xc5: {  	(tm) =	ssettm $0x7FFFFFFF  }
tec
execute0_lowered:
.L_overlay_start_1:
0x0: {  	(tag) =	ssettag $0x1  }
0x1: {  	s6 =	rddreg [dreg:$0x0]  }
0x2: {  	s7 =	rddreg [dreg:$0x1]  }
0x3: {  	s1 =	rddreg [dreg:$0x2]  }
0x4: {  	s2 =	rddreg [dreg:$0x3]  }
0x5: {  	s3 =	srdreg.scid;
	s0 =	rddreg [dreg:$0x4]  }
0x6: {  	s4 =	simm.s32 $0x0;
	s13 =	simm.s32 $0x80;
	s14 =	simm.s32 $0x100  }
0x7: {  	s22 =	simm.s32 $0x1FC2;
	s8 =	sand.u32 $0x1, s3;
	[smem:$0x7FF] =	sst s4  }
0x8: {  	s23 =	simm.s32 $0x0;
	s3 =	stileid.u32;
	s9 =	smul.u32 $0x27100, s8  }
0x9: {  	s5 =	sadd.s32 $0x2A00, s7;
	s21 =	sadd.s32 $0x128400, s2;
	s10 =	smul.u32 $0x4E2, s8  }
0xa: {  	s15 =	sadd.s32 $0x10, s6;
	_ =	strace $0x80000047;
	s11 =	smul.u32 $0x4E, s3  }
0xb: {  	s29 =	smul.u32 $0x4F000, s3;
	s8 =	ssub.s32 $0x2, s8;
	s30 =	smin.u32 s3, $0x2  }
0xc: {  	s17 =	smul.u32 $0x2780, s3;
	p0 =	seq.s32 s3, $0xF;
	s18 =	sshll.u32 s3, $0x6  }
0xd: {  	p1 =	sgt.u32 s3, $0x1;
	s12 =	sshrl.u32 s8, $0x1;
	s18 =	sor.u32 $0x1C02, s18  }
0xe: {  	s7 =	sadd.s32 s9, s7;
	s10 =	sadd.s32 s11, s10;
	s9 =	sshrl.u32 s29, $0x2  }
0xf: {  	s8 =	ssub.s32 s8, s12;
	s11 =	simm.s32 $0x2;
	s10 =	sadd.s32 s30, s10  }
0x10: {  	s19 =	sadd.s32 s9, s2;
	s20 =	sadd.s32 $0x3200, s7;
	s6 =	smax.u32 s8, $0x1  }
.Ltmp0:
0x11: {  	s7 =	sshrl.u32 @p0 s21, $0x3;
	s8 =	sshll.u32 @!p0 s3, $0x6;
	(pc) =	sbr.rel .LBB2_1-.Ltmp0, $4  }
0x12: {  	s21 =	sshrl.u32 s21, $0x3;
	s31 =	sshll.u32 s10, $0x5;
	s8 =	sor.u32 @!p0 $0x1C02, s8  }
0x13: {  	s9 =	sshrl.u32 @!p0 s19, $0x3;
	s10 =	simm.s32 $0x2780;
	s17 =	sadd.s32 s17, s20  }
0x14: {  	s19 =	sshrl.u32 s19, $0x3;
	s20 =	sadd.s32 $0x25080, s20;
	s16 =	sadd.s32 $0x9C0, s31  }
0x15: {  	s12 =	sadd.s32 s31, s15;
	s15 =	sadd.s32 @!p1 s15, s16;
	s16 =	simm.s32 $0x1  }
.LBB2_9:
0x16: {  	[hbm:s20], [sflag:s22] =	dma.local [spmem:s21], $0x2080  }
0x17: {  	_ =	swait.ge [sflag:s11], $0x2080  }
0x18: {  	[sflag:s11] =	ssyncset.done $0x0  }
0x19: {  	[sflag:s11] =	ssyncadd.s32 $0xFFFFDF80  }
.LBB2_10:
0x1a: {  	s23 =	sadd.s32 $0x1, s23  }
0x1b: {  	p2 =	sne.s32 s23, s6  }
.Ltmp1:
0x1c: {  	_ = 	snop;
	(pc) =	sbr.rel @!p2 .LBB2_11-.Ltmp1, $1  }
0x1d: {  	_ =	sdelay $0x3  }
.LBB2_1:
0x1e: {  	s24 =	simm.s32 @p0 $0x1FC2  }
0x1f: {  	[spmem:s7], [sflag:s24] =	dma.local @p0 [hbm:s1], $0x2080  }
0x20: {  	s24 =	simm.s32 @p0 $0x2  }
0x21: {  	_ =	swait.ge @p0 [sflag:s24], $0x2080  }
0x22: {  	[sflag:s24] =	ssyncset.done @p0 $0x0  }
0x23: {  	[sflag:s24] =	ssyncadd.s32 @p0 $0xFFFFDF80;
	s24 =	simm.s32 @!p0 $0x2  }
0x24: {  	[spmem:s9], [sflag:s8] =	dma.local @!p0 [hbm:s1], $0x2780  }
0x25: {  	_ =	swait.ge @!p0 [sflag:s24], $0x2780  }
0x26: {  	[sflag:s24] =	ssyncset.done @!p0 $0x0  }
0x27: {  	[sflag:s24] =	ssyncadd.s32 @!p0 $0xFFFFD880  }
0x28: {  	[tilespmem:s10], [sflag:$0x2] =	stream.linear.gather [hbm4b:s5+s4], $0x4000, $0x38;
	[tilespmem:$0x8E90] =	vst v63  }
0x29: {  	_ =	swait.ge [sflag:s11], $0x4000  }
0x2a: {  	[sflag:s11] =	ssyncset.done $0x0  }
0x2b: {  	[sflag:s11] =	ssyncadd.s32 $0xFFFFC000  }
0x2c: {  	[tilespmem:s4], [sflag:$0x2] =	stream.strided.gather [hbm4b:s12+s13], $0x2700, s14, s13, $0x38;
	[tilespmem:$0x8E90] =	vst v63  }
0x2d: {  	_ =	swait.ge [sflag:s11], $0x2700  }
0x2e: {  	[sflag:s11] =	ssyncset.done $0x0  }
0x2f: {  	s25 =	simm.s32 @!p1 $0x2700;
	s24 =	simm.s32 @!p1 $0x0;
	[sflag:s11] =	ssyncadd.s32 $0xFFFFD900  }
0x30: {  	[tilespmem:s25], [sflag:$0x2] =	stream.linear.gather @!p1 [hbm4b:s15+s24], $0x80, $0x38;
	[tilespmem:$0x8E90] =	vst v63  }
0x31: {  	s24 =	simm.s32 @!p1 $0x2  }
0x32: {  	_ =	swait.ge @!p1 [sflag:s24], $0x80  }
0x33: {  	[sflag:s24] =	ssyncset.done @!p1 $0x0  }
0x34: {  	[sflag:s24] =	ssyncadd.s32 @!p1 $0xFFFFFF80  }
0x35: {  	s25 =	simm.s32 $0x0;
	s24 =	simm.s32 $0x200;
	[bflag:$0x0] =	sbarrier.arrive $0xFFFF  }
.LBB2_2:
0x36: {  	[spmem:s2] =	stream.indirect.scatter.add.f32 [tilespmem:s10], [sflag:$0x1], $0x10, s25, s13, $0xb8;
	[tilespmem:$0x8E90] =	vst v63  }
0x37: {  	s25 =	smov.u32 s24;
	p2 =	sne.s32 s24, $0x9A00  }
.Ltmp2:
0x38: {  	s24 =	sadd.s32 $0x200, s24;
	(pc) =	sbr.rel @p2 .LBB2_2-.Ltmp2, $2  }
0x39: {  	_ =	sdelay $0x2  }
0x3a: {  	s25 =	sshra.s32 s25, $0x2  }
0x3b: {  	[spmem:s2] =	stream.indirect.scatter.add.f32 [tilespmem:s10], [sflag:$0x1], $0x10, s25, s13, $0xb8;
	[tilespmem:$0x8E90] =	vst v63  }
0x3c: {  	s24 =	simm.s32 @!p1 $0x80;
	s25 =	simm.s32 @!p1 $0x2700;
	s26 =	simm.s32 @!p1 $0x2780  }
0x3d: {  	[spmem:s2] =	stream.indirect.scatter.add.f32 @!p1 [tilespmem:s26], [sflag:$0x1], $0x10, s25, s24, $0xb8;
	[tilespmem:$0x8E90] =	vst v63  }
0x3e: {  	_ =	swait.ge [sflag:s16], $0x800  }
0x3f: {  	s24 =	simm.s32 $0x4D;
	[sflag:s16] =	ssyncset.done $0x0  }
.LBB2_4:
0x40: {  	p2 =	sne.s32 s24, $0x1;
	s24 =	sadd.s32 $0xFFFFFFFF, s24;
	[sflag:s16] =	ssyncadd.s32 $0xFFFFF800  }
.Ltmp3:
0x41: {  	(pc) =	sbr.rel @p2 .LBB2_4-.Ltmp3, $3  }
0x42: {  	_ =	sdelay $0x1  }
0x43: {  	_ =	swait.ge [sflag:s16], $0x800  }
0x44: {  	[sflag:s16] =	ssyncset.done $0x0  }
.Ltmp4:
0x45: {  	(pc) =	sbr.rel @p1 .LBB2_7-.Ltmp4, $2  }
0x46: {  	_ =	sdelay $0x2  }
0x47: {  	[sflag:s16] =	ssyncadd.s32 $0xFFFFF800  }
.Ltmp5:
0x48: {  	_ =	swait.ge [sflag:s16], $0x800;
	(pc) =	sbr.rel .LBB2_8-.Ltmp5, $3  }
0x49: {  	[sflag:s16] =	ssyncset.done $0x0  }
0x4a: {  	[sflag:s16] =	ssyncadd.s32 $0xFFFFF800  }
0x4b: {  	[bflag:$0x0] =	sbarrier.arrive $0xFFFF;
	_ =	sdelay $0x1  }
.LBB2_7:
.Ltmp6:
0x4c: {  	(pc) =	sbr.rel @p0 .LBB2_9-.Ltmp6, $2  }
0x4d: {  	_ =	sdelay $0x1  }
0x4e: {  	[bflag:$0x0] =	sbarrier.arrive $0xFFFF;
	_ =	sdelay $0x1  }
.LBB2_8:
.Ltmp7:
0x4f: {  	(pc) =	sbr.rel .LBB2_10-.Ltmp7, $4  }
0x50: {  	[hbm:s17], [sflag:s18] =	dma.local [spmem:s19], $0x2780  }
0x51: {  	_ =	swait.ge [sflag:s11], $0x2780  }
0x52: {  	[sflag:s11] =	ssyncset.done $0x0  }
0x53: {  	[sflag:s11] =	ssyncadd.s32 $0xFFFFD880  }
.LBB2_11:
0x54: {  	_ =	sfence.sel $0x180000  }
0x55: {  	[bflag:$0x0] =	sbarrier.arrive $0xFFFF  }
0x56: {  	p0 =	sne.s32 s3, $0x0;
	_ =	strace $0x90000047  }
0x57: {  	s0 =	sadd.s32 @!p0 $0x100000, s0;
	[bflag:$0x2] =	sbarrier.arrive $0xFFFF  }
0x58: {  	[sflag:s0] =	ssyncadd.tile.s32 @!p0 $0x1;
	_ =	shalt  }
.Lfunc_end2:
_tile_overlayer_lowered:
.L_overlay_start_2:
0x59: {  	(tag) =	ssettag $0x2  }
0x5a: {  	s0 =	rddreg [dreg:$0x0];
	s2 =	stileid.u32  }
0x5b: {  	s1 =	rddreg [dreg:$0x1];
	p0 =	sne.s32 s2, $0x0  }
0x5c: {  	s3 =	rddreg [dreg:$0x2];
	[bflag:$0x3] =	sbarrier.arrive $0xFFFF;
	s2 =	simm.s32 @!p0 $0x1C02  }
0x5d: {  	[timem:s3], [sflag:s2] =	dma.local @!p0 [hbm:s0], s1  }
0x5e: {  	s0 =	simm.s32 @!p0 $0x2  }
0x5f: {  	_ =	swait.ge @!p0 [sflag:s0], s1  }
0x60: {  	s1 =	ssub.s32 @!p0 $0x0, s1;
	[sflag:s0] =	ssyncset.done @!p0 $0x0  }
0x61: {  	[sflag:s0] =	ssyncadd.s32 @!p0 s1  }
0x62: {  	[bflag:$0x3] =	sbarrier.arrive $0xFFFF  }
0x63: {  	_ =	shalt  }

// kernel: kernel.14.cloned.1.call-start
scs
__scs_entry_jumppad:
0x0: {  	(pc) =	sbr.rel $0x88, $3  }
0x1: {  	(tag) =	ssettag $0x0;
	lr =	simm.s32 $0x1  }
0x2: {  	[smem:$0x3F99] =	sst lr;
	_ =	strace $0xD0000000  }
0x3: {  	_ = 	snop  }
0x4: {  	_ = 	snop  }
0x5: {  	_ = 	snop  }
0x6: {  	_ = 	snop  }
0x7: {  	_ = 	snop  }
__scs_overlays_trampoline_lowered:
0x8: {  	[smem:$0x3FA8] =	sst s0  }
0x9: {  	[smem:$0x3FA9] =	sst s1  }
0xa: {  	[smem:$0x3FAA] =	sst s2  }
0xb: {  	[smem:$0x3FAB] =	sst s3  }
0xc: {  	[smem:$0x3FAC] =	sst s4  }
0xd: {  	[smem:$0x3FAD] =	sst s5  }
0xe: {  	[smem:$0x3FAE] =	sst s6  }
0xf: {  	[smem:$0x3FAF] =	sst s7  }
0x10: {  	[smem:$0x3FB0] =	sst s8  }
0x11: {  	[smem:$0x3FB1] =	sst s9;
	s0 =	simm.s32 @!p0 $0x0  }
0x12: {  	s1 =	sld [smem:$0x3F97];
	s0 =	simm.s32 @p0 $0x1  }
0x13: {  	[smem:$0x3FB2] =	sst s0;
	s0 =	simm.s32 @!p1 $0x0  }
0x14: {  	s2 =	sld [smem:$0x3F96];
	s0 =	simm.s32 @p1 $0x1  }
0x15: {  	[smem:$0x3FB3] =	sst s0;
	s0 =	simm.s32 @!p2 $0x0  }
0x16: {  	s3 =	sld [smem:$0x3FDB];
	s0 =	simm.s32 @p2 $0x1  }
0x17: {  	s4 =	simm.s32 $0x1BF5;
	[smem:$0x3FB5] =	sst s0  }
0x18: {  	s0 =	sld [smem:$0x3F98];
	_ =	swait.ge [sflag:s4], $0x0  }
0x19: {  	s7 =	sld [smem:$0x3F99]  }
0x1a: {  	s8 =	sadd.s32 $0xFFFFE003, lr  }
0x1b: {  	s9 =	sadd.s32 $0xFFFFFEF7, lr;
	s5 =	simm.s32 $0xFFFFFFFF;
	p2 =	slt.u32 s8, $0xFFFFF086  }
0x1c: {  	p1 =	slt.u32 s9, $0xF7A;
	s5 =	simm.s32 @!p2 $0x0  }
0x1d: {  	s5 =	simm.s32 @p1 $0x1;
	p0 =	seq.s32 s7, s2  }
0x1e: {  	s7 =	smul.u32 @!p0 $0xF7A, s2;
	p2 =	seq.s32 @!p0 s5, $0x0  }
0x1f: {  	s9 =	smul.u32 $0xF7A, s1;
	s8 =	simm.s32 @!p0 $0x1BF5;
	p2 =	por !p2, p0  }
0x20: {  	[sflag:s8] =	ssyncset.s32 @!p0 $0xFFFFF086;
	s6 =	sadd.s32 @!p0 s3, s7;
	s7 =	simm.s32 @!p0 $0x108  }
0x21: {  	s3 =	sadd.s32 s3, s9;
	s6 =	sadd.s32 @!p0 $0x88, s6;
	s7 =	simm.s32 @p2 $0x1082  }
0x22: {  	[simem:s7], [sflag:s8] =	dma.local @!p0 [hbm:s6], $0xF7A  }
0x23: {  	s9 =	sor.u32 $0xD0000000, s2;
	s6 =	simm.s32 $0x108;
	_ =	swait.ge @!p0 [sflag:s8], $0x0  }
0x24: {  	s3 =	sadd.s32 $0x88, s3;
	s6 =	simm.s32 @!p1 $0x1082;
	[sflag:s4] =	ssyncset.s32 $0xFFFFF086  }
0x25: {  	[simem:s6], [sflag:s4] =	dma.local [hbm:s3], $0xF7A  }
0x26: {  	[smem:$0x3F99] =	sst s1;
	(tag) =	ssettag s2;
	_ =	strace s9  }
0x27: {  	s1 =	sld [smem:$0x3FA9]  }
0x28: {  	s2 =	sld [smem:$0x3FAA]  }
0x29: {  	s4 =	sld [smem:$0x3FAC]  }
0x2a: {  	p0 =	seq.s32 s5, $0x0;
	s5 =	sld [smem:$0x3FAD]  }
0x2b: {  	s6 =	sld [smem:$0x3FAE]  }
0x2c: {  	s7 =	sld [smem:$0x3FAF]  }
0x2d: {  	s3 =	simm.s32 $0x108;
	s8 =	sld [smem:$0x3FB0]  }
0x2e: {  	s3 =	simm.s32 @!p0 $0x1082;
	s9 =	sld [smem:$0x3FB1]  }
0x2f: {  	lr =	sadd.s32 s0, s3;
	s0 =	sld [smem:$0x3FA8]  }
0x30: {  	s3 =	sld [smem:$0x3FAB]  }
0x31: {  	[smem:$0x3FB4] =	sst s10  }
0x32: {  	s10 =	sld [smem:$0x3FB2];
	_ =	sdelay $0x3  }
0x33: {  	p0 =	seq.s32 s10, $0x1;
	s10 =	sld [smem:$0x3FB4];
	_ =	sdelay $0x3  }
0x34: {  	[smem:$0x3FB4] =	sst s10  }
0x35: {  	s10 =	sld [smem:$0x3FB3];
	_ =	sdelay $0x3  }
0x36: {  	p1 =	seq.s32 s10, $0x1;
	s10 =	sld [smem:$0x3FB4];
	_ =	sdelay $0x3  }
0x37: {  	[smem:$0x3FB4] =	sst s10  }
0x38: {  	s10 =	sld [smem:$0x3FB5]  }
0x39: {  	_ = 	snop;
	(pc) =	sbr.ind lr, $3  }
0x3a: {  	_ = 	snop  }
0x3b: {  	_ = 	snop  }
0x3c: {  	p2 =	seq.s32 s10, $0x1;
	s10 =	sld [smem:$0x3FB4]  }
0x3d: {  	_ =	shalt  }
0x3e: {  	_ =	shalt  }
0x3f: {  	_ =	shalt  }
0x40: {  	_ =	shalt  }
0x41: {  	_ =	shalt  }
0x42: {  	_ =	shalt  }
0x43: {  	_ =	shalt  }
0x44: {  	_ =	shalt  }
0x45: {  	_ =	shalt  }
0x46: {  	_ =	shalt  }
0x47: {  	_ =	shalt  }
0x48: {  	_ =	shalt  }
0x49: {  	_ =	shalt  }
0x4a: {  	_ =	shalt  }
0x4b: {  	_ =	shalt  }
0x4c: {  	_ =	shalt  }
0x4d: {  	_ =	shalt  }
0x4e: {  	_ =	shalt  }
0x4f: {  	_ =	shalt  }
0x50: {  	_ =	shalt  }
0x51: {  	_ =	shalt  }
0x52: {  	_ =	shalt  }
0x53: {  	_ =	shalt  }
0x54: {  	_ =	shalt  }
0x55: {  	_ =	shalt  }
0x56: {  	_ =	shalt  }
0x57: {  	_ =	shalt  }
0x58: {  	_ =	shalt  }
0x59: {  	_ =	shalt  }
0x5a: {  	_ =	shalt  }
0x5b: {  	_ =	shalt  }
0x5c: {  	_ =	shalt  }
0x5d: {  	_ =	shalt  }
0x5e: {  	_ =	shalt  }
0x5f: {  	_ =	shalt  }
0x60: {  	_ =	shalt  }
0x61: {  	_ =	shalt  }
0x62: {  	_ =	shalt  }
0x63: {  	_ =	shalt  }
0x64: {  	_ =	shalt  }
0x65: {  	_ =	shalt  }
0x66: {  	_ =	shalt  }
0x67: {  	_ =	shalt  }
0x68: {  	_ =	shalt  }
0x69: {  	_ =	shalt  }
0x6a: {  	_ =	shalt  }
0x6b: {  	_ =	shalt  }
0x6c: {  	_ =	shalt  }
0x6d: {  	_ =	shalt  }
0x6e: {  	_ =	shalt  }
0x6f: {  	_ =	shalt  }
0x70: {  	_ =	shalt  }
0x71: {  	_ =	shalt  }
0x72: {  	_ =	shalt  }
0x73: {  	_ =	shalt  }
0x74: {  	_ =	shalt  }
0x75: {  	_ =	shalt  }
0x76: {  	_ =	shalt  }
0x77: {  	_ =	shalt  }
0x78: {  	_ =	shalt  }
0x79: {  	_ =	shalt  }
0x7a: {  	_ =	shalt  }
0x7b: {  	_ =	shalt  }
0x7c: {  	_ =	shalt  }
0x7d: {  	_ =	shalt  }
0x7e: {  	_ =	shalt  }
0x7f: {  	_ =	shalt  }
0x80: {  	_ =	shalt  }
0x81: {  	_ =	shalt  }
0x82: {  	_ =	shalt  }
0x83: {  	_ =	shalt  }
0x84: {  	_ =	shalt  }
0x85: {  	_ =	shalt  }
0x86: {  	_ =	shalt  }
0x87: {  	_ =	shalt  }
.Lfunc_end0:
.L_simem_size_0:
called_computation.1_lowered:
.L_overlay_start_0:
0x88: {  	s2 =	sld [smem:$0x3FD9]  }
0x89: {  	s3 =	sld [smem:$0x3FFE];
	_ =	sdelay $0x1  }
0x8a: {  	s1 =	srdreg.scid  }
0x8b: {  	s0 =	sand.u32 $0x1, s1  }
0x8c: {  	s17 =	sshll.u32 s0, $0xA;
	s2 =	sadd.s32 s3, s2  }
0x8d: {  	s2 =	sadd.s32 s2, s17  }
0x8e: {  	[smem:$0x3FC0] =	sst s2  }
0x8f: {  	_ = 	snop  }
0x90: {  	s2 =	sld [smem:$0x3FC8]  }
0x91: {  	s18 =	sld [smem:$0x3FD0];
	(tm) =	ssettm $0x1  }
0x92: {  	s4 =	sld [smem:$0x3FFB];
	_ =	sdelay $0x3  }
0x93: {  	_ =	strace s4  }
0x94: {  	s4 =	sld [smem:$0x3FFC];
	_ =	sdelay $0x3  }
0x95: {  	_ =	strace s4  }
0x96: {  	s4 =	sld [smem:$0x3FFD];
	_ =	sdelay $0x3  }
0x97: {  	_ =	strace s4  }
0x98: {  	_ =	strace $0x8FFFFFFF  }
0x99: {  	s19 =	sld [smem:$0x3FDB];
	_ =	sdelay $0x1  }
0x9a: {  	s5 =	simm.s32 $_scs_section_size  }
0x9b: {  	s6 =	simm.s32 $_size__tile_overlayer_lowered;
	s7 =	simm.s32 $_tile_overlayer_lowered  }
0x9c: {  	s22 =	simm.s32 $0x1BFF;
	s21 =	sshll.u32 s7, $0x1;
	s4 =	sadd.s32 s5, s19  }
0x9d: {  	s8 =	simm.s32 $0x0;
	s20 =	sshll.u32 s6, $0x1;
	s6 =	sadd.s32 s21, s4  }
0x9e: {  	[timem:s8], [sflag:s22] =	dma.local [hbm:s6], s20  }
0x9f: {  	_ =	swait.ge [sflag:s22], s20  }
0xa0: {  	s5 =	ssub.s32 $0x0, s20;
	[sflag:s22] =	ssyncset.done $0x0  }
0xa1: {  	[sflag:s22] =	ssyncadd.s32 s5;
	_ =	sdelay $0x1  }
0xa2: {  	s23 =	simm.s32 $0x1B8B  }
0xa3: {  	_ =	swait.ge [sflag:s23], $0x1  }
0xa4: {  	[sflag:s23] =	ssyncset.done $0x0  }
0xa5: {  	s25 =	simm.s32 $0x1B8E;
	s24 =	sld [smem:$0x3FFE];
	[sflag:s23] =	ssyncadd.s32 $0xFFFFFFFF  }
0xa6: {  	s26 =	simm.s32 $execute0_lowered;
	[smem:$0x3FD2] =	sst s25  }
0xa7: {  	s6 =	sshll.u32 s26, $0x1;
	_ =	strace $0x80000049;
	[dreg:$0x1] =	wrdreg $0xFFFFFFFF  }
0xa8: {  	s28 =	simm.s32 $_size_execute0_lowered;
	s4 =	sadd.s32 s4, s6;
	[dreg:$0x0] =	wrdreg $0x0  }
0xa9: {  	s6 =	sshll.u32 s28, $0x1;
	[dreg:$0x2] =	wrdreg s4  }
0xaa: {  	[dreg:$0x3] =	wrdreg s6  }
0xab: {  	[dreg:$0x4] =	wrdreg $0xC0  }
0xac: {  	_ =	task [dreg:s8], $0x5FFFF  }
0xad: {  	[dreg:$0x1] =	wrdreg $0xFFFFFFFF  }
0xae: {  	[dreg:$0x0] =	wrdreg $0x60  }
0xaf: {  	[dreg:$0x2] =	wrdreg s24  }
0xb0: {  	[dreg:$0x3] =	wrdreg s2  }
0xb1: {  	[dreg:$0x4] =	wrdreg s18  }
0xb2: {  	[dreg:$0x5] =	wrdreg $0xA8000  }
0xb3: {  	[dreg:$0x6] =	wrdreg $0x9  }
0xb4: {  	_ =	task.clear_ibuf [dreg:s8], $0x7FFFF;
	_ =	strace $0x90000049  }
0xb5: {  	s29 =	simm.s32 $0x9;
	_ =	strace $0x8000004B  }
0xb6: {  	_ =	swait.ge [sflag:s29], $0x1  }
0xb7: {  	[sflag:s29] =	ssyncadd.s32 $0xFFFFFFFF  }
0xb8: {  	_ =	strace $0x9000004B  }
0xb9: {  	_ =	sfence  }
0xba: {  	s30 =	sld [smem:$0x0];
	_ =	sdelay $0x2  }
0xbb: {  	s31 =	sshll.u32 s1, $0xD;
	s1 =	sshrl.u32 s1, $0x2  }
0xbc: {  	s3 =	sand.u32 $0x4000, s31;
	s1 =	sadd.s32 s1, s30  }
0xbd: {  	s0 =	sor.u32 s3, s0;
	s1 =	sshll.u32 s1, $0x11  }
0xbe: {  	s0 =	sor.u32 s1, s0  }
0xbf: {  	s0 =	sadd.s32 $0x8F2B, s0  }
0xc0: {  	[sflag:s0] =	ssyncadd.remote.s32 $0x1  }
0xc1: {  	_ =	sfence.sel $0xFFFF  }
0xc2: {  	[dreg:$0x0] =	wrdreg $0xFFFFFFFF;
	(pc) =	sbr.abs _section_cstart, $3  }
0xc3: {  	[dreg:$0x1] =	wrdreg $0xFFFFFFFF  }
0xc4: {  	_ =	task.clear_ibuf [dreg:s8], $0x2FFFF;
	_ =	strace $0x9FFFFFFF  }
0xc5: {  	(tm) =	ssettm $0x7FFFFFFF  }
tec
execute0_lowered:
.L_overlay_start_1:
0x0: {  	(tag) =	ssettag $0x1  }
0x1: {  	s0 =	rddreg [dreg:$0x0]  }
0x2: {  	s3 =	rddreg [dreg:$0x1]  }
0x3: {  	s1 =	rddreg [dreg:$0x2]  }
0x4: {  	s2 =	rddreg [dreg:$0x3];
	s5 =	srdreg.scid  }
0x5: {  	s4 =	simm.s32 $0x0;
	s25 =	stileid.u32;
	s19 =	simm.s32 $0x80  }
0x6: {  	s20 =	simm.s32 $0x100;
	s21 =	simm.s32 $0x3;
	s28 =	simm.s32 $0x1  }
0x7: {  	s29 =	simm.s32 $0x2;
	s30 =	simm.s32 $0x2700;
	s9 =	smul.u32 $0x4E, s25  }
0x8: {  	s6 =	sand.u32 $0x1, s5;
	[smem:$0x7FF] =	sst s4;
	s22 =	smul.u32 $0x4F000, s25  }
0x9: {  	s5 =	sadd.s32 $0x2A00, s0;
	s23 =	smin.u32 s25, $0x2;
	s31 =	smul.u32 $0x2780, s25  }
0xa: {  	s16 =	sadd.s32 $0x128400, s2;
	p0 =	seq.s32 s25, $0xF;
	s7 =	smul.u32 $0x27100, s6  }
0xb: {  	p1 =	sgt.u32 s25, $0x1;
	s8 =	smul.u32 $0x4E2, s6;
	_ =	strace $0x8000004A  }
0xc: {  	s6 =	ssub.s32 $0x2, s6;
	[dreg:$0x5] =	wrdreg s16;
	s16 =	sshrl.u32 @p0 s16, $0x3  }
0xd: {  	s10 =	sshrl.u32 s6, $0x1;
	s0 =	sadd.s32 s7, s0;
	s8 =	sadd.s32 s9, s8  }
0xe: {  	s7 =	sshrl.u32 s22, $0x2;
	s14 =	ssub.s32 s6, s10;
	s10 =	sadd.s32 $0x10, s3  }
0xf: {  	s8 =	sadd.s32 s23, s8;
	s6 =	sadd.s32 s7, s2;
	s26 =	sadd.s32 $0x29C00, s0  }
0x10: {  	s15 =	smax.u32 s14, $0x1;
	s23 =	simm.s32 $0x1400;
	s14 =	simm.s32 $0x0  }
.Ltmp0:
0x11: {  	s24 =	sshll.u32 s8, $0x5;
	s18 =	sshrl.u32 @!p0 s6, $0x3;
	(pc) =	sbr.rel .LBB2_1-.Ltmp0, $4  }
0x12: {  	[dreg:$0x6] =	wrdreg s26;
	s8 =	sadd.s32 s3, s24;
	s9 =	sadd.s32 $0x500, s24  }
0x13: {  	s12 =	sadd.s32 $0x9C0, s24;
	s22 =	sadd.s32 s24, s10;
	s24 =	simm.s32 $0x2800  }
0x14: {  	s11 =	sadd.s32 s3, s9;
	s13 =	sadd.s32 s3, s12;
	s3 =	sshll.u32 @!p0 s25, $0x6  }
0x15: {  	s25 =	sadd.s32 s31, s26;
	s26 =	simm.s32 $0x6800;
	s17 =	sor.u32 @!p0 $0x1C03, s3  }
.LBB2_9:
0x16: {  	s0 =	rddreg [dreg:$0x6]  }
0x17: {  	s3 =	rddreg [dreg:$0x5]  }
0x18: {  	s7 =	simm.s32 $0x1FC3;
	s0 =	sadd.s32 $0x25080, s0;
	s3 =	sshrl.u32 s3, $0x3  }
0x19: {  	[hbm:s0], [sflag:s7] =	dma.local [spmem:s3], $0x2080  }
0x1a: {  	_ =	swait.ge [sflag:s21], $0x2080  }
0x1b: {  	[sflag:s21] =	ssyncset.done $0x0  }
0x1c: {  	[sflag:s21] =	ssyncadd.s32 $0xFFFFDF80  }
.LBB2_10:
0x1d: {  	s14 =	sadd.s32 $0x1, s14  }
0x1e: {  	p2 =	sne.s32 s14, s15  }
.Ltmp1:
0x1f: {  	_ = 	snop;
	(pc) =	sbr.rel @!p2 .LBB2_11-.Ltmp1, $1  }
0x20: {  	_ =	sdelay $0x3  }
.LBB2_1:
0x21: {  	s3 =	simm.s32 @p0 $0x1FC3  }
0x22: {  	[spmem:s16], [sflag:s3] =	dma.local @p0 [hbm:s1], $0x2080  }
0x23: {  	s3 =	simm.s32 @p0 $0x3  }
0x24: {  	_ =	swait.ge @p0 [sflag:s3], $0x2080  }
0x25: {  	[sflag:s3] =	ssyncset.done @p0 $0x0  }
0x26: {  	[sflag:s3] =	ssyncadd.s32 @p0 $0xFFFFDF80;
	s3 =	simm.s32 @!p0 $0x3  }
0x27: {  	[spmem:s18], [sflag:s17] =	dma.local @!p0 [hbm:s1], $0x2780  }
0x28: {  	_ =	swait.ge @!p0 [sflag:s3], $0x2780  }
0x29: {  	[sflag:s3] =	ssyncset.done @!p0 $0x0  }
0x2a: {  	[sflag:s3] =	ssyncadd.s32 @!p0 $0xFFFFD880  }
0x2b: {  	[tilespmem:s4], [sflag:$0x3] =	stream.strided.gather [hbm4b:s8+s19], $0x1400, s20, s19, $0x38;
	[tilespmem:$0x1E080] =	vst v63  }
0x2c: {  	_ =	swait.ge [sflag:s21], $0x1400  }
0x2d: {  	[sflag:s21] =	ssyncset.done $0x0  }
0x2e: {  	[sflag:s21] =	ssyncadd.s32 $0xFFFFEC00  }
0x2f: {  	[tilespmem:s23], [sflag:$0x3] =	stream.strided.gather [hbm4b:s22+s19], $0x1400, s20, s19, $0x38;
	[tilespmem:$0x1E080] =	vst v63  }
0x30: {  	_ =	swait.ge [sflag:s21], $0x1400  }
0x31: {  	[sflag:s21] =	ssyncset.done $0x0  }
0x32: {  	[sflag:s21] =	ssyncadd.s32 $0xFFFFEC00  }
0x33: {  	[bflag:$0x0] =	sbarrier.arrive $0xFFFF  }
0x34: {  	[tilespmem:s24], [sflag:$0x1] =	stream.indirect.gather [hbm4b:s5+s19], $0x80, s4, s19, $0xb8;
	[tilespmem:$0x1E080] =	vst v63  }
0x35: {  	_ = 	snop  }
0x36: {  	[tilespmem:s26], [sflag:$0x2] =	stream.indirect.gather [hbm4b:s5+s19], $0x80, s19, s19, $0xb8;
	[tilespmem:$0x1E080] =	vst v63  }
0x37: {  	_ =	swait.ge [sflag:s28], $0x4000  }
0x38: {  	[sflag:s28] =	ssyncset.done $0x0  }
0x39: {  	s7 =	simm.s32 $0x1400;
	[sflag:s28] =	ssyncadd.s32 $0xFFFFC000  }
0x3a: {  	[spmem:s2] =	stream.indirect.scatter.add.f32 [tilespmem:s24], [sflag:$0x3], $0x80, s7, s19, $0xb8;
	[tilespmem:$0x1E080] =	vst v63  }
0x3b: {  	_ =	swait.ge [sflag:s21], $0x4000  }
0x3c: {  	[sflag:s21] =	ssyncset.done $0x0  }
0x3d: {  	s0 =	simm.s32 $0x100;
	[sflag:s21] =	ssyncadd.s32 $0xFFFFC000  }
0x3e: {  	[tilespmem:s24], [sflag:$0x1] =	stream.indirect.gather [hbm4b:s5+s19], $0x80, s0, s19, $0xb8;
	[tilespmem:$0x1E080] =	vst v63  }
0x3f: {  	_ =	swait.ge [sflag:s29], $0x4000  }
0x40: {  	[sflag:s29] =	ssyncset.done $0x0  }
0x41: {  	s7 =	simm.s32 $0x1480;
	[sflag:s29] =	ssyncadd.s32 $0xFFFFC000  }
0x42: {  	[spmem:s2] =	stream.indirect.scatter.add.f32 [tilespmem:s26], [sflag:$0x3], $0x80, s7, s19, $0xb8;
	[tilespmem:$0x1E080] =	vst v63  }
0x43: {  	_ =	swait.ge [sflag:s21], $0x4000  }
0x44: {  	[sflag:s21] =	ssyncset.done $0x0  }
0x45: {  	s31 =	simm.s32 $0x180;
	s3 =	simm.s32 $0x400;
	[sflag:s21] =	ssyncadd.s32 $0xFFFFC000  }
.LBB2_2:
0x46: {  	[tilespmem:s26], [sflag:$0x2] =	stream.indirect.gather [hbm4b:s5+s19], $0x80, s31, s19, $0xb8;
	[tilespmem:$0x1E080] =	vst v63  }
0x47: {  	s31 =	smov.u32 s3  }
0x48: {  	p2 =	sne.s32 s3, $0x4800;
	s3 =	sadd.s32 $0x400, s3;
	_ =	swait.ge [sflag:s28], $0x4000  }
0x49: {  	s31 =	sshra.s32 s31, $0x2;
	[sflag:s28] =	ssyncset.done $0x0  }
0x4a: {  	s0 =	sadd.s32 $0x1400, s31;
	[sflag:s28] =	ssyncadd.s32 $0xFFFFC000  }
0x4b: {  	[spmem:s2] =	stream.indirect.scatter.add.f32 [tilespmem:s24], [sflag:$0x3], $0x80, s0, s19, $0xb8;
	[tilespmem:$0x1E080] =	vst v63  }
0x4c: {  	_ =	swait.ge [sflag:s21], $0x4000  }
0x4d: {  	[sflag:s21] =	ssyncset.done $0x0  }
0x4e: {  	s0 =	sadd.s32 $0x100, s31;
	[sflag:s21] =	ssyncadd.s32 $0xFFFFC000  }
0x4f: {  	[tilespmem:s24], [sflag:$0x1] =	stream.indirect.gather [hbm4b:s5+s19], $0x80, s0, s19, $0xb8;
	[tilespmem:$0x1E080] =	vst v63  }
0x50: {  	_ =	swait.ge [sflag:s29], $0x4000  }
0x51: {  	[sflag:s29] =	ssyncset.done $0x0  }
.Ltmp2:
0x52: {  	s0 =	sadd.s32 $0x1480, s31;
	[sflag:s29] =	ssyncadd.s32 $0xFFFFC000;
	(pc) =	sbr.rel @p2 .LBB2_2-.Ltmp2, $4  }
0x53: {  	[spmem:s2] =	stream.indirect.scatter.add.f32 [tilespmem:s26], [sflag:$0x3], $0x80, s0, s19, $0xb8;
	[tilespmem:$0x1E080] =	vst v63  }
0x54: {  	_ =	swait.ge [sflag:s21], $0x4000  }
0x55: {  	[sflag:s21] =	ssyncset.done $0x0  }
0x56: {  	s31 =	sadd.s32 $0x180, s31;
	[sflag:s21] =	ssyncadd.s32 $0xFFFFC000  }
0x57: {  	[tilespmem:s26], [sflag:$0x2] =	stream.indirect.gather [hbm4b:s5+s19], $0x80, s31, s19, $0xb8;
	[tilespmem:$0x1E080] =	vst v63  }
0x58: {  	_ =	swait.ge [sflag:s28], $0x4000  }
0x59: {  	[sflag:s28] =	ssyncset.done $0x0  }
0x5a: {  	[sflag:s28] =	ssyncadd.s32 $0xFFFFC000  }
0x5b: {  	[spmem:s2] =	stream.indirect.scatter.add.f32 [tilespmem:s24], [sflag:$0x3], $0x80, s30, s19, $0xb8;
	[tilespmem:$0x1E080] =	vst v63  }
0x5c: {  	_ =	swait.ge [sflag:s21], $0x4000  }
0x5d: {  	[sflag:s21] =	ssyncset.done $0x0  }
0x5e: {  	[sflag:s21] =	ssyncadd.s32 $0xFFFFC000  }
0x5f: {  	_ =	swait.ge [sflag:s29], $0x4000  }
0x60: {  	[sflag:s29] =	ssyncset.done $0x0  }
0x61: {  	s0 =	simm.s32 $0x2780;
	[sflag:s29] =	ssyncadd.s32 $0xFFFFC000  }
0x62: {  	[spmem:s2] =	stream.indirect.scatter.add.f32 [tilespmem:s26], [sflag:$0x3], $0x80, s0, s19, $0xb8;
	[tilespmem:$0x1E080] =	vst v63  }
0x63: {  	_ =	swait.ge [sflag:s21], $0x4000  }
0x64: {  	[sflag:s21] =	ssyncset.done $0x0  }
0x65: {  	[sflag:s21] =	ssyncadd.s32 $0xFFFFC000  }
0x66: {  	[tilespmem:s4], [sflag:$0x3] =	stream.strided.gather [hbm4b:s11+s19], $0x1300, s20, s19, $0x38;
	[tilespmem:$0x1E080] =	vst v63  }
0x67: {  	_ =	swait.ge [sflag:s21], $0x1300  }
0x68: {  	[sflag:s21] =	ssyncset.done $0x0  }
0x69: {  	s7 =	sadd.s32 s9, s10;
	[sflag:s21] =	ssyncadd.s32 $0xFFFFED00  }
0x6a: {  	[tilespmem:s23], [sflag:$0x3] =	stream.strided.gather [hbm4b:s7+s19], $0x1300, s20, s19, $0x38;
	[tilespmem:$0x1E080] =	vst v63  }
0x6b: {  	_ =	swait.ge [sflag:s21], $0x1300  }
0x6c: {  	[sflag:s21] =	ssyncset.done $0x0  }
0x6d: {  	s3 =	simm.s32 @!p1 $0x1300;
	s0 =	simm.s32 @!p1 $0x0;
	[sflag:s21] =	ssyncadd.s32 $0xFFFFED00  }
0x6e: {  	[tilespmem:s3], [sflag:$0x3] =	stream.linear.gather @!p1 [hbm4b:s13+s0], $0x80, $0x38;
	[tilespmem:$0x1E080] =	vst v63  }
0x6f: {  	s3 =	simm.s32 @!p1 $0x3  }
0x70: {  	_ =	swait.ge @!p1 [sflag:s3], $0x80  }
0x71: {  	[sflag:s3] =	ssyncset.done @!p1 $0x0  }
0x72: {  	s31 =	sadd.s32 @!p1 s12, s10;
	s7 =	simm.s32 @!p1 $0x2700;
	[sflag:s3] =	ssyncadd.s32 @!p1 $0xFFFFFF80  }
0x73: {  	[tilespmem:s7], [sflag:$0x3] =	stream.linear.gather @!p1 [hbm4b:s31+s0], $0x80, $0x38;
	[tilespmem:$0x1E080] =	vst v63  }
0x74: {  	_ =	swait.ge @!p1 [sflag:s3], $0x80  }
0x75: {  	[sflag:s3] =	ssyncset.done @!p1 $0x0  }
0x76: {  	[sflag:s3] =	ssyncadd.s32 @!p1 $0xFFFFFF80;
	s3 =	simm.s32 $0x0  }
0x77: {  	[tilespmem:s24], [sflag:$0x1] =	stream.indirect.gather [hbm4b:s5+s19], $0x80, s3, s19, $0xb8;
	[tilespmem:$0x1E080] =	vst v63  }
0x78: {  	_ = 	snop  }
0x79: {  	[tilespmem:s26], [sflag:$0x2] =	stream.indirect.gather [hbm4b:s5+s19], $0x80, s19, s19, $0xb8;
	[tilespmem:$0x1E080] =	vst v63  }
0x7a: {  	_ =	swait.ge [sflag:s28], $0x4000  }
0x7b: {  	[sflag:s28] =	ssyncset.done $0x0  }
0x7c: {  	s7 =	simm.s32 $0x1400;
	[sflag:s28] =	ssyncadd.s32 $0xFFFFC000  }
0x7d: {  	[spmem:s2] =	stream.indirect.scatter.add.f32 [tilespmem:s24], [sflag:$0x3], $0x80, s7, s19, $0xb8;
	[tilespmem:$0x1E080] =	vst v63  }
0x7e: {  	_ =	swait.ge [sflag:s21], $0x4000  }
0x7f: {  	[sflag:s21] =	ssyncset.done $0x0  }
0x80: {  	s3 =	simm.s32 $0x100;
	[sflag:s21] =	ssyncadd.s32 $0xFFFFC000  }
0x81: {  	[tilespmem:s24], [sflag:$0x1] =	stream.indirect.gather [hbm4b:s5+s19], $0x80, s3, s19, $0xb8;
	[tilespmem:$0x1E080] =	vst v63  }
0x82: {  	_ =	swait.ge [sflag:s29], $0x4000  }
0x83: {  	[sflag:s29] =	ssyncset.done $0x0  }
0x84: {  	s7 =	simm.s32 $0x1480;
	[sflag:s29] =	ssyncadd.s32 $0xFFFFC000  }
0x85: {  	[spmem:s2] =	stream.indirect.scatter.add.f32 [tilespmem:s26], [sflag:$0x3], $0x80, s7, s19, $0xb8;
	[tilespmem:$0x1E080] =	vst v63  }
0x86: {  	_ =	swait.ge [sflag:s21], $0x4000  }
0x87: {  	[sflag:s21] =	ssyncset.done $0x0  }
0x88: {  	s31 =	simm.s32 $0x180;
	s3 =	simm.s32 $0x400;
	[sflag:s21] =	ssyncadd.s32 $0xFFFFC000  }
.LBB2_4:
0x89: {  	[tilespmem:s26], [sflag:$0x2] =	stream.indirect.gather [hbm4b:s5+s19], $0x80, s31, s19, $0xb8;
	[tilespmem:$0x1E080] =	vst v63  }
0x8a: {  	s0 =	smov.u32 s3  }
0x8b: {  	p2 =	sne.s32 s3, $0x4400;
	s3 =	sadd.s32 $0x400, s3;
	_ =	swait.ge [sflag:s28], $0x4000  }
0x8c: {  	s0 =	sshra.s32 s0, $0x2;
	[sflag:s28] =	ssyncset.done $0x0  }
0x8d: {  	s7 =	sadd.s32 $0x1400, s0;
	[sflag:s28] =	ssyncadd.s32 $0xFFFFC000  }
0x8e: {  	[spmem:s2] =	stream.indirect.scatter.add.f32 [tilespmem:s24], [sflag:$0x3], $0x80, s7, s19, $0xb8;
	[tilespmem:$0x1E080] =	vst v63  }
0x8f: {  	_ =	swait.ge [sflag:s21], $0x4000  }
0x90: {  	[sflag:s21] =	ssyncset.done $0x0  }
0x91: {  	s7 =	sadd.s32 $0x100, s0;
	[sflag:s21] =	ssyncadd.s32 $0xFFFFC000  }
0x92: {  	[tilespmem:s24], [sflag:$0x1] =	stream.indirect.gather [hbm4b:s5+s19], $0x80, s7, s19, $0xb8;
	[tilespmem:$0x1E080] =	vst v63  }
0x93: {  	_ =	swait.ge [sflag:s29], $0x4000  }
0x94: {  	[sflag:s29] =	ssyncset.done $0x0  }
.Ltmp3:
0x95: {  	s7 =	sadd.s32 $0x1480, s0;
	[sflag:s29] =	ssyncadd.s32 $0xFFFFC000;
	(pc) =	sbr.rel @p2 .LBB2_4-.Ltmp3, $4  }
0x96: {  	[spmem:s2] =	stream.indirect.scatter.add.f32 [tilespmem:s26], [sflag:$0x3], $0x80, s7, s19, $0xb8;
	[tilespmem:$0x1E080] =	vst v63  }
0x97: {  	_ =	swait.ge [sflag:s21], $0x4000  }
0x98: {  	[sflag:s21] =	ssyncset.done $0x0  }
0x99: {  	s31 =	sadd.s32 $0x180, s0;
	[sflag:s21] =	ssyncadd.s32 $0xFFFFC000  }
0x9a: {  	[tilespmem:s26], [sflag:$0x2] =	stream.indirect.gather [hbm4b:s5+s19], $0x80, s31, s19, $0xb8;
	[tilespmem:$0x1E080] =	vst v63  }
0x9b: {  	_ =	swait.ge [sflag:s28], $0x4000  }
0x9c: {  	[sflag:s28] =	ssyncset.done $0x0  }
0x9d: {  	s0 =	simm.s32 $0x2600;
	[sflag:s28] =	ssyncadd.s32 $0xFFFFC000  }
0x9e: {  	[spmem:s2] =	stream.indirect.scatter.add.f32 [tilespmem:s24], [sflag:$0x3], $0x80, s0, s19, $0xb8;
	[tilespmem:$0x1E080] =	vst v63  }
0x9f: {  	_ =	swait.ge [sflag:s21], $0x4000  }
0xa0: {  	[sflag:s21] =	ssyncset.done $0x0  }
0xa1: {  	[sflag:s21] =	ssyncadd.s32 $0xFFFFC000  }
0xa2: {  	_ =	swait.ge [sflag:s29], $0x4000  }
0xa3: {  	[sflag:s29] =	ssyncset.done $0x0  }
.Ltmp4:
0xa4: {  	s31 =	simm.s32 $0x2680;
	[sflag:s29] =	ssyncadd.s32 $0xFFFFC000;
	(pc) =	sbr.rel @p1 .LBB2_7-.Ltmp4, $4  }
0xa5: {  	[spmem:s2] =	stream.indirect.scatter.add.f32 [tilespmem:s26], [sflag:$0x3], $0x80, s31, s19, $0xb8;
	[tilespmem:$0x1E080] =	vst v63  }
0xa6: {  	_ =	swait.ge [sflag:s21], $0x4000  }
0xa7: {  	[sflag:s21] =	ssyncset.done $0x0  }
0xa8: {  	[sflag:s21] =	ssyncadd.s32 $0xFFFFC000  }
0xa9: {  	s0 =	simm.s32 $0x1300  }
0xaa: {  	[tilespmem:s24], [sflag:$0x1] =	stream.indirect.gather [hbm4b:s5+s19], $0x80, s0, s19, $0xb8;
	[tilespmem:$0x1E080] =	vst v63  }
0xab: {  	_ =	swait.ge [sflag:s28], $0x4000  }
0xac: {  	[sflag:s28] =	ssyncset.done $0x0  }
0xad: {  	[sflag:s28] =	ssyncadd.s32 $0xFFFFC000  }
0xae: {  	[spmem:s2] =	stream.indirect.scatter.add.f32 [tilespmem:s24], [sflag:$0x3], $0x80, s30, s19, $0xb8;
	[tilespmem:$0x1E080] =	vst v63  }
.Ltmp5:
0xaf: {  	_ =	swait.ge [sflag:s21], $0x4000;
	(pc) =	sbr.rel .LBB2_8-.Ltmp5, $3  }
0xb0: {  	[sflag:s21] =	ssyncset.done $0x0  }
0xb1: {  	[sflag:s21] =	ssyncadd.s32 $0xFFFFC000  }
0xb2: {  	[bflag:$0x0] =	sbarrier.arrive $0xFFFF;
	_ =	sdelay $0x1  }
.LBB2_7:
.Ltmp6:
0xb3: {  	(pc) =	sbr.rel @p0 .LBB2_9-.Ltmp6, $2  }
0xb4: {  	_ =	sdelay $0x1  }
0xb5: {  	[bflag:$0x0] =	sbarrier.arrive $0xFFFF;
	_ =	sdelay $0x1  }
.LBB2_8:
0xb6: {  	s0 =	stileid.u32  }
0xb7: {  	s0 =	sshll.u32 s0, $0x6  }
.Ltmp7:
0xb8: {  	s3 =	sshrl.u32 s6, $0x3;
	s0 =	sor.u32 $0x1C03, s0;
	(pc) =	sbr.rel .LBB2_10-.Ltmp7, $4  }
0xb9: {  	[hbm:s25], [sflag:s0] =	dma.local [spmem:s3], $0x2780  }
0xba: {  	_ =	swait.ge [sflag:s21], $0x2780  }
0xbb: {  	[sflag:s21] =	ssyncset.done $0x0  }
0xbc: {  	[sflag:s21] =	ssyncadd.s32 $0xFFFFD880  }
.LBB2_11:
0xbd: {  	_ =	sfence.sel $0x180000  }
0xbe: {  	[bflag:$0x0] =	sbarrier.arrive $0xFFFF  }
0xbf: {  	_ =	strace $0x9000004A  }
0xc0: {  	s0 =	stileid.u32;
	[bflag:$0x2] =	sbarrier.arrive $0xFFFF  }
0xc1: {  	p0 =	sne.s32 s0, $0x0;
	s0 =	rddreg [dreg:$0x4]  }
0xc2: {  	s0 =	sadd.s32 @!p0 $0x100000, s0  }
0xc3: {  	[sflag:s0] =	ssyncadd.tile.s32 @!p0 $0x1;
	_ =	shalt  }
.Lfunc_end2:
_tile_overlayer_lowered:
.L_overlay_start_2:
0xc4: {  	(tag) =	ssettag $0x2  }
0xc5: {  	s0 =	rddreg [dreg:$0x0];
	s2 =	stileid.u32  }
0xc6: {  	s1 =	rddreg [dreg:$0x1];
	p0 =	sne.s32 s2, $0x0  }
0xc7: {  	s3 =	rddreg [dreg:$0x2];
	[bflag:$0x3] =	sbarrier.arrive $0xFFFF;
	s2 =	simm.s32 @!p0 $0x1C03  }
0xc8: {  	[timem:s3], [sflag:s2] =	dma.local @!p0 [hbm:s0], s1  }
0xc9: {  	s0 =	simm.s32 @!p0 $0x3  }
0xca: {  	_ =	swait.ge @!p0 [sflag:s0], s1  }
0xcb: {  	s1 =	ssub.s32 @!p0 $0x0, s1;
	[sflag:s0] =	ssyncset.done @!p0 $0x0  }
0xcc: {  	[sflag:s0] =	ssyncadd.s32 @!p0 s1  }
0xcd: {  	[bflag:$0x3] =	sbarrier.arrive $0xFFFF  }
0xce: {  	_ =	shalt  }

// kernel: kernel.17.cloned.1.call-start
scs
__scs_entry_jumppad:
0x0: {  	(pc) =	sbr.rel $0x88, $3  }
0x1: {  	(tag) =	ssettag $0x0;
	lr =	simm.s32 $0x1  }
0x2: {  	[smem:$0x3F99] =	sst lr;
	_ =	strace $0xD0000000  }
0x3: {  	_ = 	snop  }
0x4: {  	_ = 	snop  }
0x5: {  	_ = 	snop  }
0x6: {  	_ = 	snop  }
0x7: {  	_ = 	snop  }
__scs_overlays_trampoline_lowered:
0x8: {  	[smem:$0x3FA8] =	sst s0  }
0x9: {  	[smem:$0x3FA9] =	sst s1  }
0xa: {  	[smem:$0x3FAA] =	sst s2  }
0xb: {  	[smem:$0x3FAB] =	sst s3  }
0xc: {  	[smem:$0x3FAC] =	sst s4  }
0xd: {  	[smem:$0x3FAD] =	sst s5  }
0xe: {  	[smem:$0x3FAE] =	sst s6  }
0xf: {  	[smem:$0x3FAF] =	sst s7  }
0x10: {  	[smem:$0x3FB0] =	sst s8  }
0x11: {  	[smem:$0x3FB1] =	sst s9;
	s0 =	simm.s32 @!p0 $0x0  }
0x12: {  	s1 =	sld [smem:$0x3F97];
	s0 =	simm.s32 @p0 $0x1  }
0x13: {  	[smem:$0x3FB2] =	sst s0;
	s0 =	simm.s32 @!p1 $0x0  }
0x14: {  	s2 =	sld [smem:$0x3F96];
	s0 =	simm.s32 @p1 $0x1  }
0x15: {  	[smem:$0x3FB3] =	sst s0;
	s0 =	simm.s32 @!p2 $0x0  }
0x16: {  	s3 =	sld [smem:$0x3FDB];
	s0 =	simm.s32 @p2 $0x1  }
0x17: {  	s4 =	simm.s32 $0x1BF5;
	[smem:$0x3FB5] =	sst s0  }
0x18: {  	s0 =	sld [smem:$0x3F98];
	_ =	swait.ge [sflag:s4], $0x0  }
0x19: {  	s7 =	sld [smem:$0x3F99]  }
0x1a: {  	s8 =	sadd.s32 $0xFFFFE003, lr  }
0x1b: {  	s9 =	sadd.s32 $0xFFFFFEF7, lr;
	s5 =	simm.s32 $0xFFFFFFFF;
	p2 =	slt.u32 s8, $0xFFFFF086  }
0x1c: {  	p1 =	slt.u32 s9, $0xF7A;
	s5 =	simm.s32 @!p2 $0x0  }
0x1d: {  	s5 =	simm.s32 @p1 $0x1;
	p0 =	seq.s32 s7, s2  }
0x1e: {  	s7 =	smul.u32 @!p0 $0xF7A, s2;
	p2 =	seq.s32 @!p0 s5, $0x0  }
0x1f: {  	s9 =	smul.u32 $0xF7A, s1;
	s8 =	simm.s32 @!p0 $0x1BF5;
	p2 =	por !p2, p0  }
0x20: {  	[sflag:s8] =	ssyncset.s32 @!p0 $0xFFFFF086;
	s6 =	sadd.s32 @!p0 s3, s7;
	s7 =	simm.s32 @!p0 $0x108  }
0x21: {  	s3 =	sadd.s32 s3, s9;
	s6 =	sadd.s32 @!p0 $0x88, s6;
	s7 =	simm.s32 @p2 $0x1082  }
0x22: {  	[simem:s7], [sflag:s8] =	dma.local @!p0 [hbm:s6], $0xF7A  }
0x23: {  	s9 =	sor.u32 $0xD0000000, s2;
	s6 =	simm.s32 $0x108;
	_ =	swait.ge @!p0 [sflag:s8], $0x0  }
0x24: {  	s3 =	sadd.s32 $0x88, s3;
	s6 =	simm.s32 @!p1 $0x1082;
	[sflag:s4] =	ssyncset.s32 $0xFFFFF086  }
0x25: {  	[simem:s6], [sflag:s4] =	dma.local [hbm:s3], $0xF7A  }
0x26: {  	[smem:$0x3F99] =	sst s1;
	(tag) =	ssettag s2;
	_ =	strace s9  }
0x27: {  	s1 =	sld [smem:$0x3FA9]  }
0x28: {  	s2 =	sld [smem:$0x3FAA]  }
0x29: {  	s4 =	sld [smem:$0x3FAC]  }
0x2a: {  	p0 =	seq.s32 s5, $0x0;
	s5 =	sld [smem:$0x3FAD]  }
0x2b: {  	s6 =	sld [smem:$0x3FAE]  }
0x2c: {  	s7 =	sld [smem:$0x3FAF]  }
0x2d: {  	s3 =	simm.s32 $0x108;
	s8 =	sld [smem:$0x3FB0]  }
0x2e: {  	s3 =	simm.s32 @!p0 $0x1082;
	s9 =	sld [smem:$0x3FB1]  }
0x2f: {  	lr =	sadd.s32 s0, s3;
	s0 =	sld [smem:$0x3FA8]  }
0x30: {  	s3 =	sld [smem:$0x3FAB]  }
0x31: {  	[smem:$0x3FB4] =	sst s10  }
0x32: {  	s10 =	sld [smem:$0x3FB2];
	_ =	sdelay $0x3  }
0x33: {  	p0 =	seq.s32 s10, $0x1;
	s10 =	sld [smem:$0x3FB4];
	_ =	sdelay $0x3  }
0x34: {  	[smem:$0x3FB4] =	sst s10  }
0x35: {  	s10 =	sld [smem:$0x3FB3];
	_ =	sdelay $0x3  }
0x36: {  	p1 =	seq.s32 s10, $0x1;
	s10 =	sld [smem:$0x3FB4];
	_ =	sdelay $0x3  }
0x37: {  	[smem:$0x3FB4] =	sst s10  }
0x38: {  	s10 =	sld [smem:$0x3FB5]  }
0x39: {  	_ = 	snop;
	(pc) =	sbr.ind lr, $3  }
0x3a: {  	_ = 	snop  }
0x3b: {  	_ = 	snop  }
0x3c: {  	p2 =	seq.s32 s10, $0x1;
	s10 =	sld [smem:$0x3FB4]  }
0x3d: {  	_ =	shalt  }
0x3e: {  	_ =	shalt  }
0x3f: {  	_ =	shalt  }
0x40: {  	_ =	shalt  }
0x41: {  	_ =	shalt  }
0x42: {  	_ =	shalt  }
0x43: {  	_ =	shalt  }
0x44: {  	_ =	shalt  }
0x45: {  	_ =	shalt  }
0x46: {  	_ =	shalt  }
0x47: {  	_ =	shalt  }
0x48: {  	_ =	shalt  }
0x49: {  	_ =	shalt  }
0x4a: {  	_ =	shalt  }
0x4b: {  	_ =	shalt  }
0x4c: {  	_ =	shalt  }
0x4d: {  	_ =	shalt  }
0x4e: {  	_ =	shalt  }
0x4f: {  	_ =	shalt  }
0x50: {  	_ =	shalt  }
0x51: {  	_ =	shalt  }
0x52: {  	_ =	shalt  }
0x53: {  	_ =	shalt  }
0x54: {  	_ =	shalt  }
0x55: {  	_ =	shalt  }
0x56: {  	_ =	shalt  }
0x57: {  	_ =	shalt  }
0x58: {  	_ =	shalt  }
0x59: {  	_ =	shalt  }
0x5a: {  	_ =	shalt  }
0x5b: {  	_ =	shalt  }
0x5c: {  	_ =	shalt  }
0x5d: {  	_ =	shalt  }
0x5e: {  	_ =	shalt  }
0x5f: {  	_ =	shalt  }
0x60: {  	_ =	shalt  }
0x61: {  	_ =	shalt  }
0x62: {  	_ =	shalt  }
0x63: {  	_ =	shalt  }
0x64: {  	_ =	shalt  }
0x65: {  	_ =	shalt  }
0x66: {  	_ =	shalt  }
0x67: {  	_ =	shalt  }
0x68: {  	_ =	shalt  }
0x69: {  	_ =	shalt  }
0x6a: {  	_ =	shalt  }
0x6b: {  	_ =	shalt  }
0x6c: {  	_ =	shalt  }
0x6d: {  	_ =	shalt  }
0x6e: {  	_ =	shalt  }
0x6f: {  	_ =	shalt  }
0x70: {  	_ =	shalt  }
0x71: {  	_ =	shalt  }
0x72: {  	_ =	shalt  }
0x73: {  	_ =	shalt  }
0x74: {  	_ =	shalt  }
0x75: {  	_ =	shalt  }
0x76: {  	_ =	shalt  }
0x77: {  	_ =	shalt  }
0x78: {  	_ =	shalt  }
0x79: {  	_ =	shalt  }
0x7a: {  	_ =	shalt  }
0x7b: {  	_ =	shalt  }
0x7c: {  	_ =	shalt  }
0x7d: {  	_ =	shalt  }
0x7e: {  	_ =	shalt  }
0x7f: {  	_ =	shalt  }
0x80: {  	_ =	shalt  }
0x81: {  	_ =	shalt  }
0x82: {  	_ =	shalt  }
0x83: {  	_ =	shalt  }
0x84: {  	_ =	shalt  }
0x85: {  	_ =	shalt  }
0x86: {  	_ =	shalt  }
0x87: {  	_ =	shalt  }
.Lfunc_end0:
.L_simem_size_0:
called_computation.2_lowered:
.L_overlay_start_0:
0x88: {  	s2 =	sld [smem:$0x3FD9]  }
0x89: {  	s3 =	sld [smem:$0x3FFE];
	_ =	sdelay $0x1  }
0x8a: {  	s1 =	srdreg.scid  }
0x8b: {  	s0 =	sand.u32 $0x1, s1  }
0x8c: {  	s17 =	sshll.u32 s0, $0xA;
	s2 =	sadd.s32 s3, s2  }
0x8d: {  	s2 =	sadd.s32 s2, s17  }
0x8e: {  	[smem:$0x3FC0] =	sst s2  }
0x8f: {  	_ = 	snop  }
0x90: {  	s2 =	sld [smem:$0x3FC8]  }
0x91: {  	s18 =	sld [smem:$0x3FD0];
	(tm) =	ssettm $0x1  }
0x92: {  	s4 =	sld [smem:$0x3FFB];
	_ =	sdelay $0x3  }
0x93: {  	_ =	strace s4  }
0x94: {  	s4 =	sld [smem:$0x3FFC];
	_ =	sdelay $0x3  }
0x95: {  	_ =	strace s4  }
0x96: {  	s4 =	sld [smem:$0x3FFD];
	_ =	sdelay $0x3  }
0x97: {  	_ =	strace s4  }
0x98: {  	_ =	strace $0x8FFFFFFF  }
0x99: {  	s19 =	sld [smem:$0x3FDB];
	_ =	sdelay $0x1  }
0x9a: {  	s5 =	simm.s32 $_scs_section_size  }
0x9b: {  	s6 =	simm.s32 $_size__tile_overlayer_lowered;
	s7 =	simm.s32 $_tile_overlayer_lowered  }
0x9c: {  	s22 =	simm.s32 $0x1BFF;
	s21 =	sshll.u32 s7, $0x1;
	s4 =	sadd.s32 s5, s19  }
0x9d: {  	s8 =	simm.s32 $0x0;
	s20 =	sshll.u32 s6, $0x1;
	s6 =	sadd.s32 s21, s4  }
0x9e: {  	[timem:s8], [sflag:s22] =	dma.local [hbm:s6], s20  }
0x9f: {  	_ =	swait.ge [sflag:s22], s20  }
0xa0: {  	s5 =	ssub.s32 $0x0, s20;
	[sflag:s22] =	ssyncset.done $0x0  }
0xa1: {  	[sflag:s22] =	ssyncadd.s32 s5;
	_ =	sdelay $0x1  }
0xa2: {  	s23 =	simm.s32 $0x1B8B  }
0xa3: {  	_ =	swait.ge [sflag:s23], $0x1  }
0xa4: {  	[sflag:s23] =	ssyncset.done $0x0  }
0xa5: {  	s25 =	simm.s32 $0x1B8E;
	s24 =	sld [smem:$0x3FFE];
	[sflag:s23] =	ssyncadd.s32 $0xFFFFFFFF  }
0xa6: {  	s26 =	simm.s32 $execute0_lowered;
	[smem:$0x3FD2] =	sst s25  }
0xa7: {  	s6 =	sshll.u32 s26, $0x1;
	_ =	strace $0x8000004C;
	[dreg:$0x1] =	wrdreg $0xFFFFFFFF  }
0xa8: {  	s28 =	simm.s32 $_size_execute0_lowered;
	s4 =	sadd.s32 s4, s6;
	[dreg:$0x0] =	wrdreg $0x0  }
0xa9: {  	s6 =	sshll.u32 s28, $0x1;
	[dreg:$0x2] =	wrdreg s4  }
0xaa: {  	[dreg:$0x3] =	wrdreg s6  }
0xab: {  	[dreg:$0x4] =	wrdreg $0xC0  }
0xac: {  	_ =	task [dreg:s8], $0x5FFFF  }
0xad: {  	[dreg:$0x1] =	wrdreg $0xFFFFFFFF  }
0xae: {  	[dreg:$0x0] =	wrdreg $0x60  }
0xaf: {  	[dreg:$0x2] =	wrdreg s24  }
0xb0: {  	[dreg:$0x3] =	wrdreg s2  }
0xb1: {  	[dreg:$0x4] =	wrdreg s18  }
0xb2: {  	[dreg:$0x5] =	wrdreg $0xA8000  }
0xb3: {  	[dreg:$0x6] =	wrdreg $0x9  }
0xb4: {  	_ =	task.clear_ibuf [dreg:s8], $0x7FFFF;
	_ =	strace $0x9000004C  }
0xb5: {  	s29 =	simm.s32 $0x9;
	_ =	strace $0x8000004E  }
0xb6: {  	_ =	swait.ge [sflag:s29], $0x1  }
0xb7: {  	[sflag:s29] =	ssyncadd.s32 $0xFFFFFFFF  }
0xb8: {  	_ =	strace $0x9000004E  }
0xb9: {  	_ =	sfence  }
0xba: {  	s30 =	sld [smem:$0x0];
	_ =	sdelay $0x2  }
0xbb: {  	s31 =	sshll.u32 s1, $0xD;
	s1 =	sshrl.u32 s1, $0x2  }
0xbc: {  	s3 =	sand.u32 $0x4000, s31;
	s1 =	sadd.s32 s1, s30  }
0xbd: {  	s0 =	sor.u32 s3, s0;
	s1 =	sshll.u32 s1, $0x11  }
0xbe: {  	s0 =	sor.u32 s1, s0  }
0xbf: {  	s0 =	sadd.s32 $0x8F2B, s0  }
0xc0: {  	[sflag:s0] =	ssyncadd.remote.s32 $0x1  }
0xc1: {  	_ =	sfence.sel $0xFFFF  }
0xc2: {  	[dreg:$0x0] =	wrdreg $0xFFFFFFFF;
	(pc) =	sbr.abs _section_cstart, $3  }
0xc3: {  	[dreg:$0x1] =	wrdreg $0xFFFFFFFF  }
0xc4: {  	_ =	task.clear_ibuf [dreg:s8], $0x2FFFF;
	_ =	strace $0x9FFFFFFF  }
0xc5: {  	(tm) =	ssettm $0x7FFFFFFF  }
tec
execute0_lowered:
.L_overlay_start_1:
0x0: {  	(tag) =	ssettag $0x1  }
0x1: {  	s0 =	rddreg [dreg:$0x0]  }
0x2: {  	s3 =	rddreg [dreg:$0x1]  }
0x3: {  	s1 =	rddreg [dreg:$0x2]  }
0x4: {  	s2 =	rddreg [dreg:$0x3];
	s5 =	srdreg.scid  }
0x5: {  	s4 =	simm.s32 $0x0;
	s25 =	stileid.u32;
	s19 =	simm.s32 $0x80  }
0x6: {  	s20 =	simm.s32 $0x100;
	s21 =	simm.s32 $0x3;
	s28 =	simm.s32 $0x1  }
0x7: {  	s29 =	simm.s32 $0x2;
	s30 =	simm.s32 $0x2700;
	s9 =	smul.u32 $0x4E, s25  }
0x8: {  	s6 =	sand.u32 $0x1, s5;
	[smem:$0x7FF] =	sst s4;
	s22 =	smul.u32 $0x4F000, s25  }
0x9: {  	s5 =	sadd.s32 $0x2A00, s0;
	s23 =	smin.u32 s25, $0x2;
	s31 =	smul.u32 $0x2780, s25  }
0xa: {  	s16 =	sadd.s32 $0x128400, s2;
	p0 =	seq.s32 s25, $0xF;
	s7 =	smul.u32 $0x27100, s6  }
0xb: {  	p1 =	sgt.u32 s25, $0x1;
	s8 =	smul.u32 $0x4E2, s6;
	_ =	strace $0x8000004D  }
0xc: {  	s6 =	ssub.s32 $0x2, s6;
	[dreg:$0x5] =	wrdreg s16;
	s16 =	sshrl.u32 @p0 s16, $0x3  }
0xd: {  	s10 =	sshrl.u32 s6, $0x1;
	s0 =	sadd.s32 s7, s0;
	s8 =	sadd.s32 s9, s8  }
0xe: {  	s7 =	sshrl.u32 s22, $0x2;
	s14 =	ssub.s32 s6, s10;
	s10 =	sadd.s32 $0x10, s3  }
0xf: {  	s8 =	sadd.s32 s23, s8;
	s6 =	sadd.s32 s7, s2;
	s26 =	sadd.s32 $0x29C00, s0  }
0x10: {  	s15 =	smax.u32 s14, $0x1;
	s23 =	simm.s32 $0x1400;
	s14 =	simm.s32 $0x0  }
.Ltmp0:
0x11: {  	s24 =	sshll.u32 s8, $0x5;
	s18 =	sshrl.u32 @!p0 s6, $0x3;
	(pc) =	sbr.rel .LBB2_1-.Ltmp0, $4  }
0x12: {  	[dreg:$0x6] =	wrdreg s26;
	s8 =	sadd.s32 s3, s24;
	s9 =	sadd.s32 $0x500, s24  }
0x13: {  	s12 =	sadd.s32 $0x9C0, s24;
	s22 =	sadd.s32 s24, s10;
	s24 =	simm.s32 $0x2800  }
0x14: {  	s11 =	sadd.s32 s3, s9;
	s13 =	sadd.s32 s3, s12;
	s3 =	sshll.u32 @!p0 s25, $0x6  }
0x15: {  	s25 =	sadd.s32 s31, s26;
	s26 =	simm.s32 $0x6800;
	s17 =	sor.u32 @!p0 $0x1C03, s3  }
.LBB2_9:
0x16: {  	s0 =	rddreg [dreg:$0x6]  }
0x17: {  	s3 =	rddreg [dreg:$0x5]  }
0x18: {  	s7 =	simm.s32 $0x1FC3;
	s0 =	sadd.s32 $0x25080, s0;
	s3 =	sshrl.u32 s3, $0x3  }
0x19: {  	[hbm:s0], [sflag:s7] =	dma.local [spmem:s3], $0x2080  }
0x1a: {  	_ =	swait.ge [sflag:s21], $0x2080  }
0x1b: {  	[sflag:s21] =	ssyncset.done $0x0  }
0x1c: {  	[sflag:s21] =	ssyncadd.s32 $0xFFFFDF80  }
.LBB2_10:
0x1d: {  	s14 =	sadd.s32 $0x1, s14  }
0x1e: {  	p2 =	sne.s32 s14, s15  }
.Ltmp1:
0x1f: {  	_ = 	snop;
	(pc) =	sbr.rel @!p2 .LBB2_11-.Ltmp1, $1  }
0x20: {  	_ =	sdelay $0x3  }
.LBB2_1:
0x21: {  	s3 =	simm.s32 @p0 $0x1FC3  }
0x22: {  	[spmem:s16], [sflag:s3] =	dma.local @p0 [hbm:s1], $0x2080  }
0x23: {  	s3 =	simm.s32 @p0 $0x3  }
0x24: {  	_ =	swait.ge @p0 [sflag:s3], $0x2080  }
0x25: {  	[sflag:s3] =	ssyncset.done @p0 $0x0  }
0x26: {  	[sflag:s3] =	ssyncadd.s32 @p0 $0xFFFFDF80;
	s3 =	simm.s32 @!p0 $0x3  }
0x27: {  	[spmem:s18], [sflag:s17] =	dma.local @!p0 [hbm:s1], $0x2780  }
0x28: {  	_ =	swait.ge @!p0 [sflag:s3], $0x2780  }
0x29: {  	[sflag:s3] =	ssyncset.done @!p0 $0x0  }
0x2a: {  	[sflag:s3] =	ssyncadd.s32 @!p0 $0xFFFFD880  }
0x2b: {  	[tilespmem:s4], [sflag:$0x3] =	stream.strided.gather [hbm4b:s8+s19], $0x1400, s20, s19, $0x38;
	[tilespmem:$0x1E080] =	vst v63  }
0x2c: {  	_ =	swait.ge [sflag:s21], $0x1400  }
0x2d: {  	[sflag:s21] =	ssyncset.done $0x0  }
0x2e: {  	[sflag:s21] =	ssyncadd.s32 $0xFFFFEC00  }
0x2f: {  	[tilespmem:s23], [sflag:$0x3] =	stream.strided.gather [hbm4b:s22+s19], $0x1400, s20, s19, $0x38;
	[tilespmem:$0x1E080] =	vst v63  }
0x30: {  	_ =	swait.ge [sflag:s21], $0x1400  }
0x31: {  	[sflag:s21] =	ssyncset.done $0x0  }
0x32: {  	[sflag:s21] =	ssyncadd.s32 $0xFFFFEC00  }
0x33: {  	[bflag:$0x0] =	sbarrier.arrive $0xFFFF  }
0x34: {  	[tilespmem:s24], [sflag:$0x1] =	stream.indirect.gather [hbm4b:s5+s19], $0x80, s4, s19, $0xb8;
	[tilespmem:$0x1E080] =	vst v63  }
0x35: {  	_ = 	snop  }
0x36: {  	[tilespmem:s26], [sflag:$0x2] =	stream.indirect.gather [hbm4b:s5+s19], $0x80, s19, s19, $0xb8;
	[tilespmem:$0x1E080] =	vst v63  }
0x37: {  	_ =	swait.ge [sflag:s28], $0x4000  }
0x38: {  	[sflag:s28] =	ssyncset.done $0x0  }
0x39: {  	s7 =	simm.s32 $0x1400;
	[sflag:s28] =	ssyncadd.s32 $0xFFFFC000  }
0x3a: {  	[spmem:s2] =	stream.indirect.scatter.add.f32 [tilespmem:s24], [sflag:$0x3], $0x80, s7, s19, $0xb8;
	[tilespmem:$0x1E080] =	vst v63  }
0x3b: {  	_ =	swait.ge [sflag:s21], $0x4000  }
0x3c: {  	[sflag:s21] =	ssyncset.done $0x0  }
0x3d: {  	s0 =	simm.s32 $0x100;
	[sflag:s21] =	ssyncadd.s32 $0xFFFFC000  }
0x3e: {  	[tilespmem:s24], [sflag:$0x1] =	stream.indirect.gather [hbm4b:s5+s19], $0x80, s0, s19, $0xb8;
	[tilespmem:$0x1E080] =	vst v63  }
0x3f: {  	_ =	swait.ge [sflag:s29], $0x4000  }
0x40: {  	[sflag:s29] =	ssyncset.done $0x0  }
0x41: {  	s7 =	simm.s32 $0x1480;
	[sflag:s29] =	ssyncadd.s32 $0xFFFFC000  }
0x42: {  	[spmem:s2] =	stream.indirect.scatter.add.f32 [tilespmem:s26], [sflag:$0x3], $0x80, s7, s19, $0xb8;
	[tilespmem:$0x1E080] =	vst v63  }
0x43: {  	_ =	swait.ge [sflag:s21], $0x4000  }
0x44: {  	[sflag:s21] =	ssyncset.done $0x0  }
0x45: {  	s31 =	simm.s32 $0x180;
	s3 =	simm.s32 $0x400;
	[sflag:s21] =	ssyncadd.s32 $0xFFFFC000  }
.LBB2_2:
0x46: {  	[tilespmem:s26], [sflag:$0x2] =	stream.indirect.gather [hbm4b:s5+s19], $0x80, s31, s19, $0xb8;
	[tilespmem:$0x1E080] =	vst v63  }
0x47: {  	s31 =	smov.u32 s3  }
0x48: {  	p2 =	sne.s32 s3, $0x4800;
	s3 =	sadd.s32 $0x400, s3;
	_ =	swait.ge [sflag:s28], $0x4000  }
0x49: {  	s31 =	sshra.s32 s31, $0x2;
	[sflag:s28] =	ssyncset.done $0x0  }
0x4a: {  	s0 =	sadd.s32 $0x1400, s31;
	[sflag:s28] =	ssyncadd.s32 $0xFFFFC000  }
0x4b: {  	[spmem:s2] =	stream.indirect.scatter.add.f32 [tilespmem:s24], [sflag:$0x3], $0x80, s0, s19, $0xb8;
	[tilespmem:$0x1E080] =	vst v63  }
0x4c: {  	_ =	swait.ge [sflag:s21], $0x4000  }
0x4d: {  	[sflag:s21] =	ssyncset.done $0x0  }
0x4e: {  	s0 =	sadd.s32 $0x100, s31;
	[sflag:s21] =	ssyncadd.s32 $0xFFFFC000  }
0x4f: {  	[tilespmem:s24], [sflag:$0x1] =	stream.indirect.gather [hbm4b:s5+s19], $0x80, s0, s19, $0xb8;
	[tilespmem:$0x1E080] =	vst v63  }
0x50: {  	_ =	swait.ge [sflag:s29], $0x4000  }
0x51: {  	[sflag:s29] =	ssyncset.done $0x0  }
.Ltmp2:
0x52: {  	s0 =	sadd.s32 $0x1480, s31;
	[sflag:s29] =	ssyncadd.s32 $0xFFFFC000;
	(pc) =	sbr.rel @p2 .LBB2_2-.Ltmp2, $4  }
0x53: {  	[spmem:s2] =	stream.indirect.scatter.add.f32 [tilespmem:s26], [sflag:$0x3], $0x80, s0, s19, $0xb8;
	[tilespmem:$0x1E080] =	vst v63  }
0x54: {  	_ =	swait.ge [sflag:s21], $0x4000  }
0x55: {  	[sflag:s21] =	ssyncset.done $0x0  }
0x56: {  	s31 =	sadd.s32 $0x180, s31;
	[sflag:s21] =	ssyncadd.s32 $0xFFFFC000  }
0x57: {  	[tilespmem:s26], [sflag:$0x2] =	stream.indirect.gather [hbm4b:s5+s19], $0x80, s31, s19, $0xb8;
	[tilespmem:$0x1E080] =	vst v63  }
0x58: {  	_ =	swait.ge [sflag:s28], $0x4000  }
0x59: {  	[sflag:s28] =	ssyncset.done $0x0  }
0x5a: {  	[sflag:s28] =	ssyncadd.s32 $0xFFFFC000  }
0x5b: {  	[spmem:s2] =	stream.indirect.scatter.add.f32 [tilespmem:s24], [sflag:$0x3], $0x80, s30, s19, $0xb8;
	[tilespmem:$0x1E080] =	vst v63  }
0x5c: {  	_ =	swait.ge [sflag:s21], $0x4000  }
0x5d: {  	[sflag:s21] =	ssyncset.done $0x0  }
0x5e: {  	[sflag:s21] =	ssyncadd.s32 $0xFFFFC000  }
0x5f: {  	_ =	swait.ge [sflag:s29], $0x4000  }
0x60: {  	[sflag:s29] =	ssyncset.done $0x0  }
0x61: {  	s0 =	simm.s32 $0x2780;
	[sflag:s29] =	ssyncadd.s32 $0xFFFFC000  }
0x62: {  	[spmem:s2] =	stream.indirect.scatter.add.f32 [tilespmem:s26], [sflag:$0x3], $0x80, s0, s19, $0xb8;
	[tilespmem:$0x1E080] =	vst v63  }
0x63: {  	_ =	swait.ge [sflag:s21], $0x4000  }
0x64: {  	[sflag:s21] =	ssyncset.done $0x0  }
0x65: {  	[sflag:s21] =	ssyncadd.s32 $0xFFFFC000  }
0x66: {  	[tilespmem:s4], [sflag:$0x3] =	stream.strided.gather [hbm4b:s11+s19], $0x1300, s20, s19, $0x38;
	[tilespmem:$0x1E080] =	vst v63  }
0x67: {  	_ =	swait.ge [sflag:s21], $0x1300  }
0x68: {  	[sflag:s21] =	ssyncset.done $0x0  }
0x69: {  	s7 =	sadd.s32 s9, s10;
	[sflag:s21] =	ssyncadd.s32 $0xFFFFED00  }
0x6a: {  	[tilespmem:s23], [sflag:$0x3] =	stream.strided.gather [hbm4b:s7+s19], $0x1300, s20, s19, $0x38;
	[tilespmem:$0x1E080] =	vst v63  }
0x6b: {  	_ =	swait.ge [sflag:s21], $0x1300  }
0x6c: {  	[sflag:s21] =	ssyncset.done $0x0  }
0x6d: {  	s3 =	simm.s32 @!p1 $0x1300;
	s0 =	simm.s32 @!p1 $0x0;
	[sflag:s21] =	ssyncadd.s32 $0xFFFFED00  }
0x6e: {  	[tilespmem:s3], [sflag:$0x3] =	stream.linear.gather @!p1 [hbm4b:s13+s0], $0x80, $0x38;
	[tilespmem:$0x1E080] =	vst v63  }
0x6f: {  	s3 =	simm.s32 @!p1 $0x3  }
0x70: {  	_ =	swait.ge @!p1 [sflag:s3], $0x80  }
0x71: {  	[sflag:s3] =	ssyncset.done @!p1 $0x0  }
0x72: {  	s31 =	sadd.s32 @!p1 s12, s10;
	s7 =	simm.s32 @!p1 $0x2700;
	[sflag:s3] =	ssyncadd.s32 @!p1 $0xFFFFFF80  }
0x73: {  	[tilespmem:s7], [sflag:$0x3] =	stream.linear.gather @!p1 [hbm4b:s31+s0], $0x80, $0x38;
	[tilespmem:$0x1E080] =	vst v63  }
0x74: {  	_ =	swait.ge @!p1 [sflag:s3], $0x80  }
0x75: {  	[sflag:s3] =	ssyncset.done @!p1 $0x0  }
0x76: {  	[sflag:s3] =	ssyncadd.s32 @!p1 $0xFFFFFF80;
	s3 =	simm.s32 $0x0  }
0x77: {  	[tilespmem:s24], [sflag:$0x1] =	stream.indirect.gather [hbm4b:s5+s19], $0x80, s3, s19, $0xb8;
	[tilespmem:$0x1E080] =	vst v63  }
0x78: {  	_ = 	snop  }
0x79: {  	[tilespmem:s26], [sflag:$0x2] =	stream.indirect.gather [hbm4b:s5+s19], $0x80, s19, s19, $0xb8;
	[tilespmem:$0x1E080] =	vst v63  }
0x7a: {  	_ =	swait.ge [sflag:s28], $0x4000  }
0x7b: {  	[sflag:s28] =	ssyncset.done $0x0  }
0x7c: {  	s7 =	simm.s32 $0x1400;
	[sflag:s28] =	ssyncadd.s32 $0xFFFFC000  }
0x7d: {  	[spmem:s2] =	stream.indirect.scatter.add.f32 [tilespmem:s24], [sflag:$0x3], $0x80, s7, s19, $0xb8;
	[tilespmem:$0x1E080] =	vst v63  }
0x7e: {  	_ =	swait.ge [sflag:s21], $0x4000  }
0x7f: {  	[sflag:s21] =	ssyncset.done $0x0  }
0x80: {  	s3 =	simm.s32 $0x100;
	[sflag:s21] =	ssyncadd.s32 $0xFFFFC000  }
0x81: {  	[tilespmem:s24], [sflag:$0x1] =	stream.indirect.gather [hbm4b:s5+s19], $0x80, s3, s19, $0xb8;
	[tilespmem:$0x1E080] =	vst v63  }
0x82: {  	_ =	swait.ge [sflag:s29], $0x4000  }
0x83: {  	[sflag:s29] =	ssyncset.done $0x0  }
0x84: {  	s7 =	simm.s32 $0x1480;
	[sflag:s29] =	ssyncadd.s32 $0xFFFFC000  }
0x85: {  	[spmem:s2] =	stream.indirect.scatter.add.f32 [tilespmem:s26], [sflag:$0x3], $0x80, s7, s19, $0xb8;
	[tilespmem:$0x1E080] =	vst v63  }
0x86: {  	_ =	swait.ge [sflag:s21], $0x4000  }
0x87: {  	[sflag:s21] =	ssyncset.done $0x0  }
0x88: {  	s31 =	simm.s32 $0x180;
	s3 =	simm.s32 $0x400;
	[sflag:s21] =	ssyncadd.s32 $0xFFFFC000  }
.LBB2_4:
0x89: {  	[tilespmem:s26], [sflag:$0x2] =	stream.indirect.gather [hbm4b:s5+s19], $0x80, s31, s19, $0xb8;
	[tilespmem:$0x1E080] =	vst v63  }
0x8a: {  	s0 =	smov.u32 s3  }
0x8b: {  	p2 =	sne.s32 s3, $0x4400;
	s3 =	sadd.s32 $0x400, s3;
	_ =	swait.ge [sflag:s28], $0x4000  }
0x8c: {  	s0 =	sshra.s32 s0, $0x2;
	[sflag:s28] =	ssyncset.done $0x0  }
0x8d: {  	s7 =	sadd.s32 $0x1400, s0;
	[sflag:s28] =	ssyncadd.s32 $0xFFFFC000  }
0x8e: {  	[spmem:s2] =	stream.indirect.scatter.add.f32 [tilespmem:s24], [sflag:$0x3], $0x80, s7, s19, $0xb8;
	[tilespmem:$0x1E080] =	vst v63  }
0x8f: {  	_ =	swait.ge [sflag:s21], $0x4000  }
0x90: {  	[sflag:s21] =	ssyncset.done $0x0  }
0x91: {  	s7 =	sadd.s32 $0x100, s0;
	[sflag:s21] =	ssyncadd.s32 $0xFFFFC000  }
0x92: {  	[tilespmem:s24], [sflag:$0x1] =	stream.indirect.gather [hbm4b:s5+s19], $0x80, s7, s19, $0xb8;
	[tilespmem:$0x1E080] =	vst v63  }
0x93: {  	_ =	swait.ge [sflag:s29], $0x4000  }
0x94: {  	[sflag:s29] =	ssyncset.done $0x0  }
.Ltmp3:
0x95: {  	s7 =	sadd.s32 $0x1480, s0;
	[sflag:s29] =	ssyncadd.s32 $0xFFFFC000;
	(pc) =	sbr.rel @p2 .LBB2_4-.Ltmp3, $4  }
0x96: {  	[spmem:s2] =	stream.indirect.scatter.add.f32 [tilespmem:s26], [sflag:$0x3], $0x80, s7, s19, $0xb8;
	[tilespmem:$0x1E080] =	vst v63  }
0x97: {  	_ =	swait.ge [sflag:s21], $0x4000  }
0x98: {  	[sflag:s21] =	ssyncset.done $0x0  }
0x99: {  	s31 =	sadd.s32 $0x180, s0;
	[sflag:s21] =	ssyncadd.s32 $0xFFFFC000  }
0x9a: {  	[tilespmem:s26], [sflag:$0x2] =	stream.indirect.gather [hbm4b:s5+s19], $0x80, s31, s19, $0xb8;
	[tilespmem:$0x1E080] =	vst v63  }
0x9b: {  	_ =	swait.ge [sflag:s28], $0x4000  }
0x9c: {  	[sflag:s28] =	ssyncset.done $0x0  }
0x9d: {  	s0 =	simm.s32 $0x2600;
	[sflag:s28] =	ssyncadd.s32 $0xFFFFC000  }
0x9e: {  	[spmem:s2] =	stream.indirect.scatter.add.f32 [tilespmem:s24], [sflag:$0x3], $0x80, s0, s19, $0xb8;
	[tilespmem:$0x1E080] =	vst v63  }
0x9f: {  	_ =	swait.ge [sflag:s21], $0x4000  }
0xa0: {  	[sflag:s21] =	ssyncset.done $0x0  }
0xa1: {  	[sflag:s21] =	ssyncadd.s32 $0xFFFFC000  }
0xa2: {  	_ =	swait.ge [sflag:s29], $0x4000  }
0xa3: {  	[sflag:s29] =	ssyncset.done $0x0  }
.Ltmp4:
0xa4: {  	s31 =	simm.s32 $0x2680;
	[sflag:s29] =	ssyncadd.s32 $0xFFFFC000;
	(pc) =	sbr.rel @p1 .LBB2_7-.Ltmp4, $4  }
0xa5: {  	[spmem:s2] =	stream.indirect.scatter.add.f32 [tilespmem:s26], [sflag:$0x3], $0x80, s31, s19, $0xb8;
	[tilespmem:$0x1E080] =	vst v63  }
0xa6: {  	_ =	swait.ge [sflag:s21], $0x4000  }
0xa7: {  	[sflag:s21] =	ssyncset.done $0x0  }
0xa8: {  	[sflag:s21] =	ssyncadd.s32 $0xFFFFC000  }
0xa9: {  	s0 =	simm.s32 $0x1300  }
0xaa: {  	[tilespmem:s24], [sflag:$0x1] =	stream.indirect.gather [hbm4b:s5+s19], $0x80, s0, s19, $0xb8;
	[tilespmem:$0x1E080] =	vst v63  }
0xab: {  	_ =	swait.ge [sflag:s28], $0x4000  }
0xac: {  	[sflag:s28] =	ssyncset.done $0x0  }
0xad: {  	[sflag:s28] =	ssyncadd.s32 $0xFFFFC000  }
0xae: {  	[spmem:s2] =	stream.indirect.scatter.add.f32 [tilespmem:s24], [sflag:$0x3], $0x80, s30, s19, $0xb8;
	[tilespmem:$0x1E080] =	vst v63  }
.Ltmp5:
0xaf: {  	_ =	swait.ge [sflag:s21], $0x4000;
	(pc) =	sbr.rel .LBB2_8-.Ltmp5, $3  }
0xb0: {  	[sflag:s21] =	ssyncset.done $0x0  }
0xb1: {  	[sflag:s21] =	ssyncadd.s32 $0xFFFFC000  }
0xb2: {  	[bflag:$0x0] =	sbarrier.arrive $0xFFFF;
	_ =	sdelay $0x1  }
.LBB2_7:
.Ltmp6:
0xb3: {  	(pc) =	sbr.rel @p0 .LBB2_9-.Ltmp6, $2  }
0xb4: {  	_ =	sdelay $0x1  }
0xb5: {  	[bflag:$0x0] =	sbarrier.arrive $0xFFFF;
	_ =	sdelay $0x1  }
.LBB2_8:
0xb6: {  	s0 =	stileid.u32  }
0xb7: {  	s0 =	sshll.u32 s0, $0x6  }
.Ltmp7:
0xb8: {  	s3 =	sshrl.u32 s6, $0x3;
	s0 =	sor.u32 $0x1C03, s0;
	(pc) =	sbr.rel .LBB2_10-.Ltmp7, $4  }
0xb9: {  	[hbm:s25], [sflag:s0] =	dma.local [spmem:s3], $0x2780  }
0xba: {  	_ =	swait.ge [sflag:s21], $0x2780  }
0xbb: {  	[sflag:s21] =	ssyncset.done $0x0  }
0xbc: {  	[sflag:s21] =	ssyncadd.s32 $0xFFFFD880  }
.LBB2_11:
0xbd: {  	_ =	sfence.sel $0x180000  }
0xbe: {  	[bflag:$0x0] =	sbarrier.arrive $0xFFFF  }
0xbf: {  	_ =	strace $0x9000004D  }
0xc0: {  	s0 =	stileid.u32;
	[bflag:$0x2] =	sbarrier.arrive $0xFFFF  }
0xc1: {  	p0 =	sne.s32 s0, $0x0;
	s0 =	rddreg [dreg:$0x4]  }
0xc2: {  	s0 =	sadd.s32 @!p0 $0x100000, s0  }
0xc3: {  	[sflag:s0] =	ssyncadd.tile.s32 @!p0 $0x1;
	_ =	shalt  }
.Lfunc_end2:
_tile_overlayer_lowered:
.L_overlay_start_2:
0xc4: {  	(tag) =	ssettag $0x2  }
0xc5: {  	s0 =	rddreg [dreg:$0x0];
	s2 =	stileid.u32  }
0xc6: {  	s1 =	rddreg [dreg:$0x1];
	p0 =	sne.s32 s2, $0x0  }
0xc7: {  	s3 =	rddreg [dreg:$0x2];
	[bflag:$0x3] =	sbarrier.arrive $0xFFFF;
	s2 =	simm.s32 @!p0 $0x1C03  }
0xc8: {  	[timem:s3], [sflag:s2] =	dma.local @!p0 [hbm:s0], s1  }
0xc9: {  	s0 =	simm.s32 @!p0 $0x3  }
0xca: {  	_ =	swait.ge @!p0 [sflag:s0], s1  }
0xcb: {  	s1 =	ssub.s32 @!p0 $0x0, s1;
	[sflag:s0] =	ssyncset.done @!p0 $0x0  }
0xcc: {  	[sflag:s0] =	ssyncadd.s32 @!p0 s1  }
0xcd: {  	[bflag:$0x3] =	sbarrier.arrive $0xFFFF  }
0xce: {  	_ =	shalt  }

// kernel: kernel.20.cloned.1.call-start
scs
__scs_entry_jumppad:
0x0: {  	(pc) =	sbr.rel $0x88, $3  }
0x1: {  	(tag) =	ssettag $0x0;
	lr =	simm.s32 $0x1  }
0x2: {  	[smem:$0x3F99] =	sst lr;
	_ =	strace $0xD0000000  }
0x3: {  	_ = 	snop  }
0x4: {  	_ = 	snop  }
0x5: {  	_ = 	snop  }
0x6: {  	_ = 	snop  }
0x7: {  	_ = 	snop  }
__scs_overlays_trampoline_lowered:
0x8: {  	[smem:$0x3FA8] =	sst s0  }
0x9: {  	[smem:$0x3FA9] =	sst s1  }
0xa: {  	[smem:$0x3FAA] =	sst s2  }
0xb: {  	[smem:$0x3FAB] =	sst s3  }
0xc: {  	[smem:$0x3FAC] =	sst s4  }
0xd: {  	[smem:$0x3FAD] =	sst s5  }
0xe: {  	[smem:$0x3FAE] =	sst s6  }
0xf: {  	[smem:$0x3FAF] =	sst s7  }
0x10: {  	[smem:$0x3FB0] =	sst s8  }
0x11: {  	[smem:$0x3FB1] =	sst s9;
	s0 =	simm.s32 @!p0 $0x0  }
0x12: {  	s1 =	sld [smem:$0x3F97];
	s0 =	simm.s32 @p0 $0x1  }
0x13: {  	[smem:$0x3FB2] =	sst s0;
	s0 =	simm.s32 @!p1 $0x0  }
0x14: {  	s2 =	sld [smem:$0x3F96];
	s0 =	simm.s32 @p1 $0x1  }
0x15: {  	[smem:$0x3FB3] =	sst s0;
	s0 =	simm.s32 @!p2 $0x0  }
0x16: {  	s3 =	sld [smem:$0x3FDB];
	s0 =	simm.s32 @p2 $0x1  }
0x17: {  	s4 =	simm.s32 $0x1BF5;
	[smem:$0x3FB5] =	sst s0  }
0x18: {  	s0 =	sld [smem:$0x3F98];
	_ =	swait.ge [sflag:s4], $0x0  }
0x19: {  	s7 =	sld [smem:$0x3F99]  }
0x1a: {  	s8 =	sadd.s32 $0xFFFFE003, lr  }
0x1b: {  	s9 =	sadd.s32 $0xFFFFFEF7, lr;
	s5 =	simm.s32 $0xFFFFFFFF;
	p2 =	slt.u32 s8, $0xFFFFF086  }
0x1c: {  	p1 =	slt.u32 s9, $0xF7A;
	s5 =	simm.s32 @!p2 $0x0  }
0x1d: {  	s5 =	simm.s32 @p1 $0x1;
	p0 =	seq.s32 s7, s2  }
0x1e: {  	s7 =	smul.u32 @!p0 $0xF7A, s2;
	p2 =	seq.s32 @!p0 s5, $0x0  }
0x1f: {  	s9 =	smul.u32 $0xF7A, s1;
	s8 =	simm.s32 @!p0 $0x1BF5;
	p2 =	por !p2, p0  }
0x20: {  	[sflag:s8] =	ssyncset.s32 @!p0 $0xFFFFF086;
	s6 =	sadd.s32 @!p0 s3, s7;
	s7 =	simm.s32 @!p0 $0x108  }
0x21: {  	s3 =	sadd.s32 s3, s9;
	s6 =	sadd.s32 @!p0 $0x88, s6;
	s7 =	simm.s32 @p2 $0x1082  }
0x22: {  	[simem:s7], [sflag:s8] =	dma.local @!p0 [hbm:s6], $0xF7A  }
0x23: {  	s9 =	sor.u32 $0xD0000000, s2;
	s6 =	simm.s32 $0x108;
	_ =	swait.ge @!p0 [sflag:s8], $0x0  }
0x24: {  	s3 =	sadd.s32 $0x88, s3;
	s6 =	simm.s32 @!p1 $0x1082;
	[sflag:s4] =	ssyncset.s32 $0xFFFFF086  }
0x25: {  	[simem:s6], [sflag:s4] =	dma.local [hbm:s3], $0xF7A  }
0x26: {  	[smem:$0x3F99] =	sst s1;
	(tag) =	ssettag s2;
	_ =	strace s9  }
0x27: {  	s1 =	sld [smem:$0x3FA9]  }
0x28: {  	s2 =	sld [smem:$0x3FAA]  }
0x29: {  	s4 =	sld [smem:$0x3FAC]  }
0x2a: {  	p0 =	seq.s32 s5, $0x0;
	s5 =	sld [smem:$0x3FAD]  }
0x2b: {  	s6 =	sld [smem:$0x3FAE]  }
0x2c: {  	s7 =	sld [smem:$0x3FAF]  }
0x2d: {  	s3 =	simm.s32 $0x108;
	s8 =	sld [smem:$0x3FB0]  }
0x2e: {  	s3 =	simm.s32 @!p0 $0x1082;
	s9 =	sld [smem:$0x3FB1]  }
0x2f: {  	lr =	sadd.s32 s0, s3;
	s0 =	sld [smem:$0x3FA8]  }
0x30: {  	s3 =	sld [smem:$0x3FAB]  }
0x31: {  	[smem:$0x3FB4] =	sst s10  }
0x32: {  	s10 =	sld [smem:$0x3FB2];
	_ =	sdelay $0x3  }
0x33: {  	p0 =	seq.s32 s10, $0x1;
	s10 =	sld [smem:$0x3FB4];
	_ =	sdelay $0x3  }
0x34: {  	[smem:$0x3FB4] =	sst s10  }
0x35: {  	s10 =	sld [smem:$0x3FB3];
	_ =	sdelay $0x3  }
0x36: {  	p1 =	seq.s32 s10, $0x1;
	s10 =	sld [smem:$0x3FB4];
	_ =	sdelay $0x3  }
0x37: {  	[smem:$0x3FB4] =	sst s10  }
0x38: {  	s10 =	sld [smem:$0x3FB5]  }
0x39: {  	_ = 	snop;
	(pc) =	sbr.ind lr, $3  }
0x3a: {  	_ = 	snop  }
0x3b: {  	_ = 	snop  }
0x3c: {  	p2 =	seq.s32 s10, $0x1;
	s10 =	sld [smem:$0x3FB4]  }
0x3d: {  	_ =	shalt  }
0x3e: {  	_ =	shalt  }
0x3f: {  	_ =	shalt  }
0x40: {  	_ =	shalt  }
0x41: {  	_ =	shalt  }
0x42: {  	_ =	shalt  }
0x43: {  	_ =	shalt  }
0x44: {  	_ =	shalt  }
0x45: {  	_ =	shalt  }
0x46: {  	_ =	shalt  }
0x47: {  	_ =	shalt  }
0x48: {  	_ =	shalt  }
0x49: {  	_ =	shalt  }
0x4a: {  	_ =	shalt  }
0x4b: {  	_ =	shalt  }
0x4c: {  	_ =	shalt  }
0x4d: {  	_ =	shalt  }
0x4e: {  	_ =	shalt  }
0x4f: {  	_ =	shalt  }
0x50: {  	_ =	shalt  }
0x51: {  	_ =	shalt  }
0x52: {  	_ =	shalt  }
0x53: {  	_ =	shalt  }
0x54: {  	_ =	shalt  }
0x55: {  	_ =	shalt  }
0x56: {  	_ =	shalt  }
0x57: {  	_ =	shalt  }
0x58: {  	_ =	shalt  }
0x59: {  	_ =	shalt  }
0x5a: {  	_ =	shalt  }
0x5b: {  	_ =	shalt  }
0x5c: {  	_ =	shalt  }
0x5d: {  	_ =	shalt  }
0x5e: {  	_ =	shalt  }
0x5f: {  	_ =	shalt  }
0x60: {  	_ =	shalt  }
0x61: {  	_ =	shalt  }
0x62: {  	_ =	shalt  }
0x63: {  	_ =	shalt  }
0x64: {  	_ =	shalt  }
0x65: {  	_ =	shalt  }
0x66: {  	_ =	shalt  }
0x67: {  	_ =	shalt  }
0x68: {  	_ =	shalt  }
0x69: {  	_ =	shalt  }
0x6a: {  	_ =	shalt  }
0x6b: {  	_ =	shalt  }
0x6c: {  	_ =	shalt  }
0x6d: {  	_ =	shalt  }
0x6e: {  	_ =	shalt  }
0x6f: {  	_ =	shalt  }
0x70: {  	_ =	shalt  }
0x71: {  	_ =	shalt  }
0x72: {  	_ =	shalt  }
0x73: {  	_ =	shalt  }
0x74: {  	_ =	shalt  }
0x75: {  	_ =	shalt  }
0x76: {  	_ =	shalt  }
0x77: {  	_ =	shalt  }
0x78: {  	_ =	shalt  }
0x79: {  	_ =	shalt  }
0x7a: {  	_ =	shalt  }
0x7b: {  	_ =	shalt  }
0x7c: {  	_ =	shalt  }
0x7d: {  	_ =	shalt  }
0x7e: {  	_ =	shalt  }
0x7f: {  	_ =	shalt  }
0x80: {  	_ =	shalt  }
0x81: {  	_ =	shalt  }
0x82: {  	_ =	shalt  }
0x83: {  	_ =	shalt  }
0x84: {  	_ =	shalt  }
0x85: {  	_ =	shalt  }
0x86: {  	_ =	shalt  }
0x87: {  	_ =	shalt  }
.Lfunc_end0:
.L_simem_size_0:
called_computation.3_lowered:
.L_overlay_start_0:
0x88: {  	s2 =	sld [smem:$0x3FD9]  }
0x89: {  	s3 =	sld [smem:$0x3FFE];
	_ =	sdelay $0x1  }
0x8a: {  	s1 =	srdreg.scid  }
0x8b: {  	s0 =	sand.u32 $0x1, s1  }
0x8c: {  	s17 =	sshll.u32 s0, $0xA;
	s2 =	sadd.s32 s3, s2  }
0x8d: {  	s2 =	sadd.s32 s2, s17  }
0x8e: {  	[smem:$0x3FC0] =	sst s2  }
0x8f: {  	_ = 	snop  }
0x90: {  	s2 =	sld [smem:$0x3FC8]  }
0x91: {  	s18 =	sld [smem:$0x3FD0];
	(tm) =	ssettm $0x1  }
0x92: {  	s4 =	sld [smem:$0x3FFB];
	_ =	sdelay $0x3  }
0x93: {  	_ =	strace s4  }
0x94: {  	s4 =	sld [smem:$0x3FFC];
	_ =	sdelay $0x3  }
0x95: {  	_ =	strace s4  }
0x96: {  	s4 =	sld [smem:$0x3FFD];
	_ =	sdelay $0x3  }
0x97: {  	_ =	strace s4  }
0x98: {  	_ =	strace $0x8FFFFFFF  }
0x99: {  	s19 =	sld [smem:$0x3FDB];
	_ =	sdelay $0x1  }
0x9a: {  	s5 =	simm.s32 $_scs_section_size  }
0x9b: {  	s6 =	simm.s32 $_size__tile_overlayer_lowered;
	s7 =	simm.s32 $_tile_overlayer_lowered  }
0x9c: {  	s22 =	simm.s32 $0x1BFF;
	s21 =	sshll.u32 s7, $0x1;
	s4 =	sadd.s32 s5, s19  }
0x9d: {  	s8 =	simm.s32 $0x0;
	s20 =	sshll.u32 s6, $0x1;
	s6 =	sadd.s32 s21, s4  }
0x9e: {  	[timem:s8], [sflag:s22] =	dma.local [hbm:s6], s20  }
0x9f: {  	_ =	swait.ge [sflag:s22], s20  }
0xa0: {  	s5 =	ssub.s32 $0x0, s20;
	[sflag:s22] =	ssyncset.done $0x0  }
0xa1: {  	[sflag:s22] =	ssyncadd.s32 s5;
	_ =	sdelay $0x1  }
0xa2: {  	s23 =	simm.s32 $0x1B8B  }
0xa3: {  	_ =	swait.ge [sflag:s23], $0x1  }
0xa4: {  	[sflag:s23] =	ssyncset.done $0x0  }
0xa5: {  	s25 =	simm.s32 $0x1B8E;
	s24 =	sld [smem:$0x3FFE];
	[sflag:s23] =	ssyncadd.s32 $0xFFFFFFFF  }
0xa6: {  	s26 =	simm.s32 $execute0_lowered;
	[smem:$0x3FD2] =	sst s25  }
0xa7: {  	s6 =	sshll.u32 s26, $0x1;
	_ =	strace $0x8000004F;
	[dreg:$0x1] =	wrdreg $0xFFFFFFFF  }
0xa8: {  	s28 =	simm.s32 $_size_execute0_lowered;
	s4 =	sadd.s32 s4, s6;
	[dreg:$0x0] =	wrdreg $0x0  }
0xa9: {  	s6 =	sshll.u32 s28, $0x1;
	[dreg:$0x2] =	wrdreg s4  }
0xaa: {  	[dreg:$0x3] =	wrdreg s6  }
0xab: {  	[dreg:$0x4] =	wrdreg $0xC0  }
0xac: {  	_ =	task [dreg:s8], $0x5FFFF  }
0xad: {  	[dreg:$0x1] =	wrdreg $0xFFFFFFFF  }
0xae: {  	[dreg:$0x0] =	wrdreg $0x60  }
0xaf: {  	[dreg:$0x2] =	wrdreg s24  }
0xb0: {  	[dreg:$0x3] =	wrdreg s2  }
0xb1: {  	[dreg:$0x4] =	wrdreg s18  }
0xb2: {  	[dreg:$0x5] =	wrdreg $0xA8000  }
0xb3: {  	[dreg:$0x6] =	wrdreg $0x9  }
0xb4: {  	_ =	task.clear_ibuf [dreg:s8], $0x7FFFF;
	_ =	strace $0x9000004F  }
0xb5: {  	s29 =	simm.s32 $0x9;
	_ =	strace $0x80000051  }
0xb6: {  	_ =	swait.ge [sflag:s29], $0x1  }
0xb7: {  	[sflag:s29] =	ssyncadd.s32 $0xFFFFFFFF  }
0xb8: {  	_ =	strace $0x90000051  }
0xb9: {  	_ =	sfence  }
0xba: {  	s30 =	sld [smem:$0x0];
	_ =	sdelay $0x2  }
0xbb: {  	s31 =	sshll.u32 s1, $0xD;
	s1 =	sshrl.u32 s1, $0x2  }
0xbc: {  	s3 =	sand.u32 $0x4000, s31;
	s1 =	sadd.s32 s1, s30  }
0xbd: {  	s0 =	sor.u32 s3, s0;
	s1 =	sshll.u32 s1, $0x11  }
0xbe: {  	s0 =	sor.u32 s1, s0  }
0xbf: {  	s0 =	sadd.s32 $0x8F2B, s0  }
0xc0: {  	[sflag:s0] =	ssyncadd.remote.s32 $0x1  }
0xc1: {  	_ =	sfence.sel $0xFFFF  }
0xc2: {  	[dreg:$0x0] =	wrdreg $0xFFFFFFFF;
	(pc) =	sbr.abs _section_cstart, $3  }
0xc3: {  	[dreg:$0x1] =	wrdreg $0xFFFFFFFF  }
0xc4: {  	_ =	task.clear_ibuf [dreg:s8], $0x2FFFF;
	_ =	strace $0x9FFFFFFF  }
0xc5: {  	(tm) =	ssettm $0x7FFFFFFF  }
tec
execute0_lowered:
.L_overlay_start_1:
0x0: {  	(tag) =	ssettag $0x1  }
0x1: {  	s0 =	rddreg [dreg:$0x0]  }
0x2: {  	s3 =	rddreg [dreg:$0x1]  }
0x3: {  	s1 =	rddreg [dreg:$0x2]  }
0x4: {  	s2 =	rddreg [dreg:$0x3];
	s5 =	srdreg.scid  }
0x5: {  	s4 =	simm.s32 $0x0;
	s25 =	stileid.u32;
	s19 =	simm.s32 $0x80  }
0x6: {  	s20 =	simm.s32 $0x100;
	s21 =	simm.s32 $0x3;
	s28 =	simm.s32 $0x1  }
0x7: {  	s29 =	simm.s32 $0x2;
	s30 =	simm.s32 $0x2700;
	s9 =	smul.u32 $0x4E, s25  }
0x8: {  	s6 =	sand.u32 $0x1, s5;
	[smem:$0x7FF] =	sst s4;
	s22 =	smul.u32 $0x4F000, s25  }
0x9: {  	s5 =	sadd.s32 $0x2A00, s0;
	s23 =	smin.u32 s25, $0x2;
	s31 =	smul.u32 $0x2780, s25  }
0xa: {  	s16 =	sadd.s32 $0x128400, s2;
	p0 =	seq.s32 s25, $0xF;
	s7 =	smul.u32 $0x27100, s6  }
0xb: {  	p1 =	sgt.u32 s25, $0x1;
	s8 =	smul.u32 $0x4E2, s6;
	_ =	strace $0x80000050  }
0xc: {  	s6 =	ssub.s32 $0x2, s6;
	[dreg:$0x5] =	wrdreg s16;
	s16 =	sshrl.u32 @p0 s16, $0x3  }
0xd: {  	s10 =	sshrl.u32 s6, $0x1;
	s0 =	sadd.s32 s7, s0;
	s8 =	sadd.s32 s9, s8  }
0xe: {  	s7 =	sshrl.u32 s22, $0x2;
	s14 =	ssub.s32 s6, s10;
	s10 =	sadd.s32 $0x10, s3  }
0xf: {  	s8 =	sadd.s32 s23, s8;
	s6 =	sadd.s32 s7, s2;
	s26 =	sadd.s32 $0x29C00, s0  }
0x10: {  	s15 =	smax.u32 s14, $0x1;
	s23 =	simm.s32 $0x1400;
	s14 =	simm.s32 $0x0  }
.Ltmp0:
0x11: {  	s24 =	sshll.u32 s8, $0x5;
	s18 =	sshrl.u32 @!p0 s6, $0x3;
	(pc) =	sbr.rel .LBB2_1-.Ltmp0, $4  }
0x12: {  	[dreg:$0x6] =	wrdreg s26;
	s8 =	sadd.s32 s3, s24;
	s9 =	sadd.s32 $0x500, s24  }
0x13: {  	s12 =	sadd.s32 $0x9C0, s24;
	s22 =	sadd.s32 s24, s10;
	s24 =	simm.s32 $0x2800  }
0x14: {  	s11 =	sadd.s32 s3, s9;
	s13 =	sadd.s32 s3, s12;
	s3 =	sshll.u32 @!p0 s25, $0x6  }
0x15: {  	s25 =	sadd.s32 s31, s26;
	s26 =	simm.s32 $0x6800;
	s17 =	sor.u32 @!p0 $0x1C03, s3  }
.LBB2_9:
0x16: {  	s0 =	rddreg [dreg:$0x6]  }
0x17: {  	s3 =	rddreg [dreg:$0x5]  }
0x18: {  	s7 =	simm.s32 $0x1FC3;
	s0 =	sadd.s32 $0x25080, s0;
	s3 =	sshrl.u32 s3, $0x3  }
0x19: {  	[hbm:s0], [sflag:s7] =	dma.local [spmem:s3], $0x2080  }
0x1a: {  	_ =	swait.ge [sflag:s21], $0x2080  }
0x1b: {  	[sflag:s21] =	ssyncset.done $0x0  }
0x1c: {  	[sflag:s21] =	ssyncadd.s32 $0xFFFFDF80  }
.LBB2_10:
0x1d: {  	s14 =	sadd.s32 $0x1, s14  }
0x1e: {  	p2 =	sne.s32 s14, s15  }
.Ltmp1:
0x1f: {  	_ = 	snop;
	(pc) =	sbr.rel @!p2 .LBB2_11-.Ltmp1, $1  }
0x20: {  	_ =	sdelay $0x3  }
.LBB2_1:
0x21: {  	s3 =	simm.s32 @p0 $0x1FC3  }
0x22: {  	[spmem:s16], [sflag:s3] =	dma.local @p0 [hbm:s1], $0x2080  }
0x23: {  	s3 =	simm.s32 @p0 $0x3  }
0x24: {  	_ =	swait.ge @p0 [sflag:s3], $0x2080  }
0x25: {  	[sflag:s3] =	ssyncset.done @p0 $0x0  }
0x26: {  	[sflag:s3] =	ssyncadd.s32 @p0 $0xFFFFDF80;
	s3 =	simm.s32 @!p0 $0x3  }
0x27: {  	[spmem:s18], [sflag:s17] =	dma.local @!p0 [hbm:s1], $0x2780  }
0x28: {  	_ =	swait.ge @!p0 [sflag:s3], $0x2780  }
0x29: {  	[sflag:s3] =	ssyncset.done @!p0 $0x0  }
0x2a: {  	[sflag:s3] =	ssyncadd.s32 @!p0 $0xFFFFD880  }
0x2b: {  	[tilespmem:s4], [sflag:$0x3] =	stream.strided.gather [hbm4b:s8+s19], $0x1400, s20, s19, $0x38;
	[tilespmem:$0x1E080] =	vst v63  }
0x2c: {  	_ =	swait.ge [sflag:s21], $0x1400  }
0x2d: {  	[sflag:s21] =	ssyncset.done $0x0  }
0x2e: {  	[sflag:s21] =	ssyncadd.s32 $0xFFFFEC00  }
0x2f: {  	[tilespmem:s23], [sflag:$0x3] =	stream.strided.gather [hbm4b:s22+s19], $0x1400, s20, s19, $0x38;
	[tilespmem:$0x1E080] =	vst v63  }
0x30: {  	_ =	swait.ge [sflag:s21], $0x1400  }
0x31: {  	[sflag:s21] =	ssyncset.done $0x0  }
0x32: {  	[sflag:s21] =	ssyncadd.s32 $0xFFFFEC00  }
0x33: {  	[bflag:$0x0] =	sbarrier.arrive $0xFFFF  }
0x34: {  	[tilespmem:s24], [sflag:$0x1] =	stream.indirect.gather [hbm4b:s5+s19], $0x80, s4, s19, $0xb8;
	[tilespmem:$0x1E080] =	vst v63  }
0x35: {  	_ = 	snop  }
0x36: {  	[tilespmem:s26], [sflag:$0x2] =	stream.indirect.gather [hbm4b:s5+s19], $0x80, s19, s19, $0xb8;
	[tilespmem:$0x1E080] =	vst v63  }
0x37: {  	_ =	swait.ge [sflag:s28], $0x4000  }
0x38: {  	[sflag:s28] =	ssyncset.done $0x0  }
0x39: {  	s7 =	simm.s32 $0x1400;
	[sflag:s28] =	ssyncadd.s32 $0xFFFFC000  }
0x3a: {  	[spmem:s2] =	stream.indirect.scatter.add.f32 [tilespmem:s24], [sflag:$0x3], $0x80, s7, s19, $0xb8;
	[tilespmem:$0x1E080] =	vst v63  }
0x3b: {  	_ =	swait.ge [sflag:s21], $0x4000  }
0x3c: {  	[sflag:s21] =	ssyncset.done $0x0  }
0x3d: {  	s0 =	simm.s32 $0x100;
	[sflag:s21] =	ssyncadd.s32 $0xFFFFC000  }
0x3e: {  	[tilespmem:s24], [sflag:$0x1] =	stream.indirect.gather [hbm4b:s5+s19], $0x80, s0, s19, $0xb8;
	[tilespmem:$0x1E080] =	vst v63  }
0x3f: {  	_ =	swait.ge [sflag:s29], $0x4000  }
0x40: {  	[sflag:s29] =	ssyncset.done $0x0  }
0x41: {  	s7 =	simm.s32 $0x1480;
	[sflag:s29] =	ssyncadd.s32 $0xFFFFC000  }
0x42: {  	[spmem:s2] =	stream.indirect.scatter.add.f32 [tilespmem:s26], [sflag:$0x3], $0x80, s7, s19, $0xb8;
	[tilespmem:$0x1E080] =	vst v63  }
0x43: {  	_ =	swait.ge [sflag:s21], $0x4000  }
0x44: {  	[sflag:s21] =	ssyncset.done $0x0  }
0x45: {  	s31 =	simm.s32 $0x180;
	s3 =	simm.s32 $0x400;
	[sflag:s21] =	ssyncadd.s32 $0xFFFFC000  }
.LBB2_2:
0x46: {  	[tilespmem:s26], [sflag:$0x2] =	stream.indirect.gather [hbm4b:s5+s19], $0x80, s31, s19, $0xb8;
	[tilespmem:$0x1E080] =	vst v63  }
0x47: {  	s31 =	smov.u32 s3  }
0x48: {  	p2 =	sne.s32 s3, $0x4800;
	s3 =	sadd.s32 $0x400, s3;
	_ =	swait.ge [sflag:s28], $0x4000  }
0x49: {  	s31 =	sshra.s32 s31, $0x2;
	[sflag:s28] =	ssyncset.done $0x0  }
0x4a: {  	s0 =	sadd.s32 $0x1400, s31;
	[sflag:s28] =	ssyncadd.s32 $0xFFFFC000  }
0x4b: {  	[spmem:s2] =	stream.indirect.scatter.add.f32 [tilespmem:s24], [sflag:$0x3], $0x80, s0, s19, $0xb8;
	[tilespmem:$0x1E080] =	vst v63  }
0x4c: {  	_ =	swait.ge [sflag:s21], $0x4000  }
0x4d: {  	[sflag:s21] =	ssyncset.done $0x0  }
0x4e: {  	s0 =	sadd.s32 $0x100, s31;
	[sflag:s21] =	ssyncadd.s32 $0xFFFFC000  }
0x4f: {  	[tilespmem:s24], [sflag:$0x1] =	stream.indirect.gather [hbm4b:s5+s19], $0x80, s0, s19, $0xb8;
	[tilespmem:$0x1E080] =	vst v63  }
0x50: {  	_ =	swait.ge [sflag:s29], $0x4000  }
0x51: {  	[sflag:s29] =	ssyncset.done $0x0  }
.Ltmp2:
0x52: {  	s0 =	sadd.s32 $0x1480, s31;
	[sflag:s29] =	ssyncadd.s32 $0xFFFFC000;
	(pc) =	sbr.rel @p2 .LBB2_2-.Ltmp2, $4  }
0x53: {  	[spmem:s2] =	stream.indirect.scatter.add.f32 [tilespmem:s26], [sflag:$0x3], $0x80, s0, s19, $0xb8;
	[tilespmem:$0x1E080] =	vst v63  }
0x54: {  	_ =	swait.ge [sflag:s21], $0x4000  }
0x55: {  	[sflag:s21] =	ssyncset.done $0x0  }
0x56: {  	s31 =	sadd.s32 $0x180, s31;
	[sflag:s21] =	ssyncadd.s32 $0xFFFFC000  }
0x57: {  	[tilespmem:s26], [sflag:$0x2] =	stream.indirect.gather [hbm4b:s5+s19], $0x80, s31, s19, $0xb8;
	[tilespmem:$0x1E080] =	vst v63  }
0x58: {  	_ =	swait.ge [sflag:s28], $0x4000  }
0x59: {  	[sflag:s28] =	ssyncset.done $0x0  }
0x5a: {  	[sflag:s28] =	ssyncadd.s32 $0xFFFFC000  }
0x5b: {  	[spmem:s2] =	stream.indirect.scatter.add.f32 [tilespmem:s24], [sflag:$0x3], $0x80, s30, s19, $0xb8;
	[tilespmem:$0x1E080] =	vst v63  }
0x5c: {  	_ =	swait.ge [sflag:s21], $0x4000  }
0x5d: {  	[sflag:s21] =	ssyncset.done $0x0  }
0x5e: {  	[sflag:s21] =	ssyncadd.s32 $0xFFFFC000  }
0x5f: {  	_ =	swait.ge [sflag:s29], $0x4000  }
0x60: {  	[sflag:s29] =	ssyncset.done $0x0  }
0x61: {  	s0 =	simm.s32 $0x2780;
	[sflag:s29] =	ssyncadd.s32 $0xFFFFC000  }
0x62: {  	[spmem:s2] =	stream.indirect.scatter.add.f32 [tilespmem:s26], [sflag:$0x3], $0x80, s0, s19, $0xb8;
	[tilespmem:$0x1E080] =	vst v63  }
0x63: {  	_ =	swait.ge [sflag:s21], $0x4000  }
0x64: {  	[sflag:s21] =	ssyncset.done $0x0  }
0x65: {  	[sflag:s21] =	ssyncadd.s32 $0xFFFFC000  }
0x66: {  	[tilespmem:s4], [sflag:$0x3] =	stream.strided.gather [hbm4b:s11+s19], $0x1300, s20, s19, $0x38;
	[tilespmem:$0x1E080] =	vst v63  }
0x67: {  	_ =	swait.ge [sflag:s21], $0x1300  }
0x68: {  	[sflag:s21] =	ssyncset.done $0x0  }
0x69: {  	s7 =	sadd.s32 s9, s10;
	[sflag:s21] =	ssyncadd.s32 $0xFFFFED00  }
0x6a: {  	[tilespmem:s23], [sflag:$0x3] =	stream.strided.gather [hbm4b:s7+s19], $0x1300, s20, s19, $0x38;
	[tilespmem:$0x1E080] =	vst v63  }
0x6b: {  	_ =	swait.ge [sflag:s21], $0x1300  }
0x6c: {  	[sflag:s21] =	ssyncset.done $0x0  }
0x6d: {  	s3 =	simm.s32 @!p1 $0x1300;
	s0 =	simm.s32 @!p1 $0x0;
	[sflag:s21] =	ssyncadd.s32 $0xFFFFED00  }
0x6e: {  	[tilespmem:s3], [sflag:$0x3] =	stream.linear.gather @!p1 [hbm4b:s13+s0], $0x80, $0x38;
	[tilespmem:$0x1E080] =	vst v63  }
0x6f: {  	s3 =	simm.s32 @!p1 $0x3  }
0x70: {  	_ =	swait.ge @!p1 [sflag:s3], $0x80  }
0x71: {  	[sflag:s3] =	ssyncset.done @!p1 $0x0  }
0x72: {  	s31 =	sadd.s32 @!p1 s12, s10;
	s7 =	simm.s32 @!p1 $0x2700;
	[sflag:s3] =	ssyncadd.s32 @!p1 $0xFFFFFF80  }
0x73: {  	[tilespmem:s7], [sflag:$0x3] =	stream.linear.gather @!p1 [hbm4b:s31+s0], $0x80, $0x38;
	[tilespmem:$0x1E080] =	vst v63  }
0x74: {  	_ =	swait.ge @!p1 [sflag:s3], $0x80  }
0x75: {  	[sflag:s3] =	ssyncset.done @!p1 $0x0  }
0x76: {  	[sflag:s3] =	ssyncadd.s32 @!p1 $0xFFFFFF80;
	s3 =	simm.s32 $0x0  }
0x77: {  	[tilespmem:s24], [sflag:$0x1] =	stream.indirect.gather [hbm4b:s5+s19], $0x80, s3, s19, $0xb8;
	[tilespmem:$0x1E080] =	vst v63  }
0x78: {  	_ = 	snop  }
0x79: {  	[tilespmem:s26], [sflag:$0x2] =	stream.indirect.gather [hbm4b:s5+s19], $0x80, s19, s19, $0xb8;
	[tilespmem:$0x1E080] =	vst v63  }
0x7a: {  	_ =	swait.ge [sflag:s28], $0x4000  }
0x7b: {  	[sflag:s28] =	ssyncset.done $0x0  }
0x7c: {  	s7 =	simm.s32 $0x1400;
	[sflag:s28] =	ssyncadd.s32 $0xFFFFC000  }
0x7d: {  	[spmem:s2] =	stream.indirect.scatter.add.f32 [tilespmem:s24], [sflag:$0x3], $0x80, s7, s19, $0xb8;
	[tilespmem:$0x1E080] =	vst v63  }
0x7e: {  	_ =	swait.ge [sflag:s21], $0x4000  }
0x7f: {  	[sflag:s21] =	ssyncset.done $0x0  }
0x80: {  	s3 =	simm.s32 $0x100;
	[sflag:s21] =	ssyncadd.s32 $0xFFFFC000  }
0x81: {  	[tilespmem:s24], [sflag:$0x1] =	stream.indirect.gather [hbm4b:s5+s19], $0x80, s3, s19, $0xb8;
	[tilespmem:$0x1E080] =	vst v63  }
0x82: {  	_ =	swait.ge [sflag:s29], $0x4000  }
0x83: {  	[sflag:s29] =	ssyncset.done $0x0  }
0x84: {  	s7 =	simm.s32 $0x1480;
	[sflag:s29] =	ssyncadd.s32 $0xFFFFC000  }
0x85: {  	[spmem:s2] =	stream.indirect.scatter.add.f32 [tilespmem:s26], [sflag:$0x3], $0x80, s7, s19, $0xb8;
	[tilespmem:$0x1E080] =	vst v63  }
0x86: {  	_ =	swait.ge [sflag:s21], $0x4000  }
0x87: {  	[sflag:s21] =	ssyncset.done $0x0  }
0x88: {  	s31 =	simm.s32 $0x180;
	s3 =	simm.s32 $0x400;
	[sflag:s21] =	ssyncadd.s32 $0xFFFFC000  }
.LBB2_4:
0x89: {  	[tilespmem:s26], [sflag:$0x2] =	stream.indirect.gather [hbm4b:s5+s19], $0x80, s31, s19, $0xb8;
	[tilespmem:$0x1E080] =	vst v63  }
0x8a: {  	s0 =	smov.u32 s3  }
0x8b: {  	p2 =	sne.s32 s3, $0x4400;
	s3 =	sadd.s32 $0x400, s3;
	_ =	swait.ge [sflag:s28], $0x4000  }
0x8c: {  	s0 =	sshra.s32 s0, $0x2;
	[sflag:s28] =	ssyncset.done $0x0  }
0x8d: {  	s7 =	sadd.s32 $0x1400, s0;
	[sflag:s28] =	ssyncadd.s32 $0xFFFFC000  }
0x8e: {  	[spmem:s2] =	stream.indirect.scatter.add.f32 [tilespmem:s24], [sflag:$0x3], $0x80, s7, s19, $0xb8;
	[tilespmem:$0x1E080] =	vst v63  }
0x8f: {  	_ =	swait.ge [sflag:s21], $0x4000  }
0x90: {  	[sflag:s21] =	ssyncset.done $0x0  }
0x91: {  	s7 =	sadd.s32 $0x100, s0;
	[sflag:s21] =	ssyncadd.s32 $0xFFFFC000  }
0x92: {  	[tilespmem:s24], [sflag:$0x1] =	stream.indirect.gather [hbm4b:s5+s19], $0x80, s7, s19, $0xb8;
	[tilespmem:$0x1E080] =	vst v63  }
0x93: {  	_ =	swait.ge [sflag:s29], $0x4000  }
0x94: {  	[sflag:s29] =	ssyncset.done $0x0  }
.Ltmp3:
0x95: {  	s7 =	sadd.s32 $0x1480, s0;
	[sflag:s29] =	ssyncadd.s32 $0xFFFFC000;
	(pc) =	sbr.rel @p2 .LBB2_4-.Ltmp3, $4  }
0x96: {  	[spmem:s2] =	stream.indirect.scatter.add.f32 [tilespmem:s26], [sflag:$0x3], $0x80, s7, s19, $0xb8;
	[tilespmem:$0x1E080] =	vst v63  }
0x97: {  	_ =	swait.ge [sflag:s21], $0x4000  }
0x98: {  	[sflag:s21] =	ssyncset.done $0x0  }
0x99: {  	s31 =	sadd.s32 $0x180, s0;
	[sflag:s21] =	ssyncadd.s32 $0xFFFFC000  }
0x9a: {  	[tilespmem:s26], [sflag:$0x2] =	stream.indirect.gather [hbm4b:s5+s19], $0x80, s31, s19, $0xb8;
	[tilespmem:$0x1E080] =	vst v63  }
0x9b: {  	_ =	swait.ge [sflag:s28], $0x4000  }
0x9c: {  	[sflag:s28] =	ssyncset.done $0x0  }
0x9d: {  	s0 =	simm.s32 $0x2600;
	[sflag:s28] =	ssyncadd.s32 $0xFFFFC000  }
0x9e: {  	[spmem:s2] =	stream.indirect.scatter.add.f32 [tilespmem:s24], [sflag:$0x3], $0x80, s0, s19, $0xb8;
	[tilespmem:$0x1E080] =	vst v63  }
0x9f: {  	_ =	swait.ge [sflag:s21], $0x4000  }
0xa0: {  	[sflag:s21] =	ssyncset.done $0x0  }
0xa1: {  	[sflag:s21] =	ssyncadd.s32 $0xFFFFC000  }
0xa2: {  	_ =	swait.ge [sflag:s29], $0x4000  }
0xa3: {  	[sflag:s29] =	ssyncset.done $0x0  }
.Ltmp4:
0xa4: {  	s31 =	simm.s32 $0x2680;
	[sflag:s29] =	ssyncadd.s32 $0xFFFFC000;
	(pc) =	sbr.rel @p1 .LBB2_7-.Ltmp4, $4  }
0xa5: {  	[spmem:s2] =	stream.indirect.scatter.add.f32 [tilespmem:s26], [sflag:$0x3], $0x80, s31, s19, $0xb8;
	[tilespmem:$0x1E080] =	vst v63  }
0xa6: {  	_ =	swait.ge [sflag:s21], $0x4000  }
0xa7: {  	[sflag:s21] =	ssyncset.done $0x0  }
0xa8: {  	[sflag:s21] =	ssyncadd.s32 $0xFFFFC000  }
0xa9: {  	s0 =	simm.s32 $0x1300  }
0xaa: {  	[tilespmem:s24], [sflag:$0x1] =	stream.indirect.gather [hbm4b:s5+s19], $0x80, s0, s19, $0xb8;
	[tilespmem:$0x1E080] =	vst v63  }
0xab: {  	_ =	swait.ge [sflag:s28], $0x4000  }
0xac: {  	[sflag:s28] =	ssyncset.done $0x0  }
0xad: {  	[sflag:s28] =	ssyncadd.s32 $0xFFFFC000  }
0xae: {  	[spmem:s2] =	stream.indirect.scatter.add.f32 [tilespmem:s24], [sflag:$0x3], $0x80, s30, s19, $0xb8;
	[tilespmem:$0x1E080] =	vst v63  }
.Ltmp5:
0xaf: {  	_ =	swait.ge [sflag:s21], $0x4000;
	(pc) =	sbr.rel .LBB2_8-.Ltmp5, $3  }
0xb0: {  	[sflag:s21] =	ssyncset.done $0x0  }
0xb1: {  	[sflag:s21] =	ssyncadd.s32 $0xFFFFC000  }
0xb2: {  	[bflag:$0x0] =	sbarrier.arrive $0xFFFF;
	_ =	sdelay $0x1  }
.LBB2_7:
.Ltmp6:
0xb3: {  	(pc) =	sbr.rel @p0 .LBB2_9-.Ltmp6, $2  }
0xb4: {  	_ =	sdelay $0x1  }
0xb5: {  	[bflag:$0x0] =	sbarrier.arrive $0xFFFF;
	_ =	sdelay $0x1  }
.LBB2_8:
0xb6: {  	s0 =	stileid.u32  }
0xb7: {  	s0 =	sshll.u32 s0, $0x6  }
.Ltmp7:
0xb8: {  	s3 =	sshrl.u32 s6, $0x3;
	s0 =	sor.u32 $0x1C03, s0;
	(pc) =	sbr.rel .LBB2_10-.Ltmp7, $4  }
0xb9: {  	[hbm:s25], [sflag:s0] =	dma.local [spmem:s3], $0x2780  }
0xba: {  	_ =	swait.ge [sflag:s21], $0x2780  }
0xbb: {  	[sflag:s21] =	ssyncset.done $0x0  }
0xbc: {  	[sflag:s21] =	ssyncadd.s32 $0xFFFFD880  }
.LBB2_11:
0xbd: {  	_ =	sfence.sel $0x180000  }
0xbe: {  	[bflag:$0x0] =	sbarrier.arrive $0xFFFF  }
0xbf: {  	_ =	strace $0x90000050  }
0xc0: {  	s0 =	stileid.u32;
	[bflag:$0x2] =	sbarrier.arrive $0xFFFF  }
0xc1: {  	p0 =	sne.s32 s0, $0x0;
	s0 =	rddreg [dreg:$0x4]  }
0xc2: {  	s0 =	sadd.s32 @!p0 $0x100000, s0  }
0xc3: {  	[sflag:s0] =	ssyncadd.tile.s32 @!p0 $0x1;
	_ =	shalt  }
.Lfunc_end2:
_tile_overlayer_lowered:
.L_overlay_start_2:
0xc4: {  	(tag) =	ssettag $0x2  }
0xc5: {  	s0 =	rddreg [dreg:$0x0];
	s2 =	stileid.u32  }
0xc6: {  	s1 =	rddreg [dreg:$0x1];
	p0 =	sne.s32 s2, $0x0  }
0xc7: {  	s3 =	rddreg [dreg:$0x2];
	[bflag:$0x3] =	sbarrier.arrive $0xFFFF;
	s2 =	simm.s32 @!p0 $0x1C03  }
0xc8: {  	[timem:s3], [sflag:s2] =	dma.local @!p0 [hbm:s0], s1  }
0xc9: {  	s0 =	simm.s32 @!p0 $0x3  }
0xca: {  	_ =	swait.ge @!p0 [sflag:s0], s1  }
0xcb: {  	s1 =	ssub.s32 @!p0 $0x0, s1;
	[sflag:s0] =	ssyncset.done @!p0 $0x0  }
0xcc: {  	[sflag:s0] =	ssyncadd.s32 @!p0 s1  }
0xcd: {  	[bflag:$0x3] =	sbarrier.arrive $0xFFFF  }
0xce: {  	_ =	shalt  }

</sc_bundles>
